<compile_context>
chip_gen: v7x
topology: tpu7x:2x2x1
jax: 0.10.2.dev20260603
libtpu: 0.0.44.dev20260713+nightly
codegen_flags: <defaults>
</compile_context>

<pallas_src>
import functools

import jax
import jax.numpy as jnp
from jax import lax
from jax.experimental import pallas as pl
from jax.experimental.pallas import tpu as pltpu
from jax.experimental.pallas import tpu_sc as plsc

N_Q = 64
N_T = 10000
D = 128
NL = 3
DB = 16
NV = 512

NC, NS = 2, 16
NW = NC * NS
NROWS = 10112
STRIPE = NROWS // NS
NROWSD = 10240
STRIPED = NROWSD // NS
EC = 128
CH = 80
EPT = CH * EC
NPAD = NW * EPT
ECA = 64
CPT = EPT // ECA

BR = 1264
GR = NROWS // BR


def _sc_mesh():
    return plsc.VectorSubcoreMesh(
        core_axis_name="c", subcore_axis_name="s",
        num_cores=NC, num_subcores=NS)


def _sc_degree(dst_pad, zeros1):
    @functools.partial(
        pl.kernel,
        out_type=jax.ShapeDtypeStruct((NC * NROWSD,), jnp.float32),
        mesh=_sc_mesh(),
        scratch_types=[
            pltpu.VMEM((CH, EC), jnp.int32),
            pltpu.VMEM((EC,), jnp.float32),
            pltpu.VMEM_SHARED((NROWSD,), jnp.float32),
            pltpu.SemaphoreType.DMA,
        ],
    )
    def deg_kernel(dst_ref, zeros_ref, out_ref, idx_v, ones_v, hist_sh, sem):
        cid = lax.axis_index("c")
        sid = lax.axis_index("s")
        wid = cid * NS + sid
        for g in range(EC // 16):
            ones_v[pl.ds(g * 16, 16)] = jnp.ones((16,), jnp.float32)
        pltpu.sync_copy(dst_ref.at[pl.ds(wid * CH, CH)], idx_v)
        pltpu.sync_copy(zeros_ref, hist_sh.at[pl.ds(sid * STRIPED, STRIPED)])
        plsc.subcore_barrier()

        def fire(t, carry):
            pltpu.async_copy(ones_v, hist_sh.at[idx_v.at[t]], sem, add=True)
            return carry

        lax.fori_loop(0, CH, fire, 0)

        def drain(t, carry):
            pltpu.make_async_copy(ones_v, hist_sh.at[idx_v.at[t]], sem).wait()
            return carry

        lax.fori_loop(0, CH, drain, 0)
        plsc.subcore_barrier()
        pltpu.sync_copy(hist_sh.at[pl.ds(sid * STRIPED, STRIPED)],
                        out_ref.at[pl.ds(cid * NROWSD + sid * STRIPED, STRIPED)])

    return deg_kernel(dst_pad, zeros1)


def _sc_aggregate(packed, y, zeros2):
    @functools.partial(
        pl.kernel,
        out_type=jax.ShapeDtypeStruct((NC, NROWS, D), jnp.float32),
        mesh=_sc_mesh(),
        scratch_types=[
            pltpu.VMEM((CH, EC), jnp.int32),
            pltpu.VMEM((EC,), jnp.int32),
            pltpu.VMEM((EC,), jnp.int32),
            pltpu.VMEM((EC,), jnp.int32),
            pltpu.VMEM((EC,), jnp.int32),
            pltpu.VMEM((EC, D), jnp.float32),
            pltpu.VMEM((EC, D), jnp.float32),
            pltpu.VMEM_SHARED((NROWS, D), jnp.float32),
            pltpu.SemaphoreType.DMA,
            pltpu.SemaphoreType.DMA,
        ],
    )
    def agg_kernel(pk_ref, y_ref, zeros_ref, out_ref,
                   epk, srcv0, dstv0, srcv1, dstv1, rows0, rows1, z_sh,
                   sem0, sem1):
        cid = lax.axis_index("c")
        sid = lax.axis_index("s")
        wid = cid * NS + sid
        pltpu.sync_copy(pk_ref.at[pl.ds(wid * CH, CH)], epk)
        pltpu.sync_copy(zeros_ref, z_sh.at[pl.ds(sid * STRIPE, STRIPE)])

        def unpack(t, srcv, dstv):
            for g in range(EC // 16):
                w = epk[t, pl.ds(g * 16, 16)]
                srcv[pl.ds(g * 16, 16)] = lax.bitwise_and(w, 0xFFFF)
                dstv[pl.ds(g * 16, 16)] = lax.shift_right_logical(w, 16)

        plsc.subcore_barrier()

        unpack(0, srcv0, dstv0)
        pltpu.async_copy(y_ref.at[srcv0], rows0, sem0)
        unpack(1, srcv1, dstv1)
        pltpu.async_copy(y_ref.at[srcv1], rows1, sem1)

        def body(t2, carry):
            e = 2 * t2

            pltpu.make_async_copy(y_ref.at[srcv0], rows0, sem0).wait()
            pltpu.sync_copy(rows0, z_sh.at[dstv0], add=True)

            @pl.when(t2 < CH // 2 - 1)
            def _():
                unpack(e + 2, srcv0, dstv0)
                pltpu.async_copy(y_ref.at[srcv0], rows0, sem0)

            pltpu.make_async_copy(y_ref.at[srcv1], rows1, sem1).wait()
            pltpu.sync_copy(rows1, z_sh.at[dstv1], add=True)

            @pl.when(t2 < CH // 2 - 1)
            def _():
                unpack(e + 3, srcv1, dstv1)
                pltpu.async_copy(y_ref.at[srcv1], rows1, sem1)

            return carry

        lax.fori_loop(0, CH // 2, body, 0)
        plsc.subcore_barrier()
        pltpu.sync_copy(z_sh.at[pl.ds(sid * STRIPE, STRIPE)],
                        out_ref.at[cid, pl.ds(sid * STRIPE, STRIPE)])

    return agg_kernel(packed, y, zeros2)


def _act(t, last):
    if not last:
        t = jnp.where(t > 0, t, jnp.exp(t) - 1.0)
    return t


def _l2n(t):
    n = jnp.sqrt(jnp.sum(t * t, axis=1, keepdims=True))
    return t / jnp.maximum(n, 1e-12)


def _tc_matmul_layer(Xt, dinv, Xq, eq, W, b, last):
    def kern(x_ref, dv_ref, w_ref, xq_ref, eq_ref, b_ref, y_ref, xq_out_ref):
        y_ref[...] = dv_ref[...] * jnp.dot(
            x_ref[...], w_ref[...], preferred_element_type=jnp.float32)

        @pl.when(pl.program_id(0) == 0)
        def _():
            src = eq_ref[pl.ds(0, 1), :]
            dst = eq_ref[pl.ds(1, 1), :]
            io = lax.broadcasted_iota(jnp.int32, (N_Q, eq_ref.shape[1]), 0)
            ost = (io == src).astype(jnp.float32)
            odt = (io == dst).astype(jnp.float32)
            at_mat = lax.dot_general(odt, ost, (((1,), (1,)), ((), ())),
                                     preferred_element_type=jnp.float32, precision=lax.Precision.HIGHEST)
            degq = jnp.sum(at_mat, axis=1, keepdims=True) + 1.0
            dvq = lax.rsqrt(degq)
            eye = (lax.broadcasted_iota(jnp.int32, (N_Q, N_Q), 0)
                   == lax.broadcasted_iota(jnp.int32, (N_Q, N_Q), 1)
                   ).astype(jnp.float32)
            xqw = jnp.dot(xq_ref[...], w_ref[...],
                          preferred_element_type=jnp.float32)
            q = dvq * jnp.dot(at_mat + eye, dvq * xqw,
                              preferred_element_type=jnp.float32, precision=lax.Precision.HIGHEST) + b_ref[...]
            xq_out_ref[...] = _act(_l2n(q), last)

    return pl.pallas_call(
        kern,
        grid=(GR,),
        in_specs=[
            pl.BlockSpec((BR, D), lambda i: (i, 0)),
            pl.BlockSpec((BR, 1), lambda i: (i, 0)),
            pl.BlockSpec((D, D), lambda i: (0, 0)),
            pl.BlockSpec((N_Q, D), lambda i: (0, 0)),
            pl.BlockSpec((2, 256), lambda i: (0, 0)),
            pl.BlockSpec((1, D), lambda i: (0, 0)),
        ],
        out_specs=[
            pl.BlockSpec((BR, D), lambda i: (i, 0)),
            pl.BlockSpec((N_Q, D), lambda i: (0, 0)),
        ],
        out_shape=[jax.ShapeDtypeStruct((NROWS, D), jnp.float32),
                   jax.ShapeDtypeStruct((N_Q, D), jnp.float32)],
    )(Xt, dinv, W, Xq, eq, b)


def _tc_combine(Z, Y, dinv, b, last):
    def kern(z_ref, y_ref, dv_ref, b_ref, o_ref):
        z = z_ref[...]
        t = dv_ref[...] * (z[0] + z[1] + y_ref[...]) + b_ref[...]
        o_ref[...] = _act(_l2n(t), last)

    return pl.pallas_call(
        kern,
        grid=(GR,),
        in_specs=[
            pl.BlockSpec((NC, BR, D), lambda i: (0, i, 0)),
            pl.BlockSpec((BR, D), lambda i: (i, 0)),
            pl.BlockSpec((BR, 1), lambda i: (i, 0)),
            pl.BlockSpec((1, D), lambda i: (0, 0)),
        ],
        out_specs=pl.BlockSpec((BR, D), lambda i: (i, 0)),
        out_shape=jax.ShapeDtypeStruct((NROWS, D), jnp.float32),
    )(Z, Y, dinv, b)


def _tc_head(xu, Xg, Wb, bb, W1, b1, W2, b2, W3, b3):
    def kern(xu_ref, xg_ref, wb_ref, bb_ref, w1_ref, b1_ref, w2_ref, b2_ref,
             w3_ref, b3_ref, o_ref):
        feats = []
        for i in range(NL):
            xi = xu_ref[pl.ds(i, 1), :]
            rows = [jnp.dot(xi, wb_ref[i, o],
                            preferred_element_type=jnp.float32, precision=lax.Precision.HIGHEST)
                    for o in range(DB)]
            m = jnp.concatenate(rows, axis=0)
            f = lax.dot_general(xg_ref[i], m, (((1,), (1,)), ((), ())),
                                preferred_element_type=jnp.float32, precision=lax.Precision.HIGHEST)
            feats.append(f + bb_ref[pl.ds(i, 1), :])
        feat = jnp.concatenate(feats, axis=1)
        h = jnp.maximum(jnp.dot(feat, w1_ref[...],
                                preferred_element_type=jnp.float32, precision=lax.Precision.HIGHEST)
                        + b1_ref[...], 0.0)
        h = jnp.maximum(jnp.dot(h, w2_ref[...],
                                preferred_element_type=jnp.float32, precision=lax.Precision.HIGHEST)
                        + b2_ref[...], 0.0)
        o_ref[...] = jnp.dot(h, w3_ref[...],
                             preferred_element_type=jnp.float32, precision=lax.Precision.HIGHEST) + b3_ref[...]

    return pl.pallas_call(
        kern,
        out_shape=jax.ShapeDtypeStruct((NV, 1), jnp.float32),
    )(xu, Xg, Wb, bb, W1, b1, W2, b2, W3, b3)


def kernel(X_q, edge_index_q, X_t, edge_index_t, u, v_li, u_consensus,
           v_consensus, W_gcn, b_gcn, Wb, bb, W1, b1, W2, b2, W3, b3):
    f32 = jnp.float32
    eq = edge_index_q.astype(jnp.int32)
    src = edge_index_t[0].astype(jnp.int32)
    dst = edge_index_t[1].astype(jnp.int32)
    pad = (N_T + jnp.arange(NPAD - src.shape[0], dtype=jnp.int32)
           % (NROWS - N_T)).astype(jnp.int32)
    srcp = jnp.concatenate([src, pad])
    dstp = jnp.concatenate([dst, pad]).reshape(NW * CH, EC)
    packed = (srcp | (dstp.reshape(-1) << 16)).reshape(NW * CH, EC)
    zeros1 = jnp.zeros((STRIPED,), f32)
    zeros2 = jnp.zeros((STRIPE, D), f32)
    Xt = jnp.concatenate(
        [X_t.astype(f32), jnp.zeros((NROWS - N_T, D), f32)], axis=0)
    Xq = X_q.astype(f32)

    hist = _sc_degree(dstp, zeros1)
    deg = (hist[:NROWS] + hist[NROWSD:NROWSD + NROWS]
           + (jnp.arange(NROWS) < N_T).astype(f32))
    dinv = jnp.where(deg > 0, lax.rsqrt(deg), 0.0).reshape(NROWS, 1)

    xus, xgs = [], []
    for i in range(NL):
        last = i == NL - 1
        bi = b_gcn[i].reshape(1, D)
        Y, Xq = _tc_matmul_layer(Xt, dinv, Xq, eq, W_gcn[i], bi, last)
        Z = _sc_aggregate(packed, Y, zeros2)
        Xt = _tc_combine(Z, Y, dinv, bi, last)
        Xt = Xt.at[v_consensus].set(Xq[u_consensus])
        xus.append(Xq[u])
        xgs.append(Xt[v_li])

    xu = jnp.stack(xus)
    Xg = jnp.stack(xgs)
    out = _tc_head(xu, Xg, Wb, bb, W1, b1.reshape(1, -1), W2,
                   b2.reshape(1, -1), W3, b3.reshape(1, -1))
    return (out.reshape(-1), Xq, Xt[:N_T])

# --- scband reference (transcript-rebuilt; emitter-appended) ---
"""Pipeline reference for scband-dgmc-67912022884658 (READ-ONLY COPY).

The authoritative reference and input builder live on the scoring server;
editing this copy changes nothing except your own understanding.
"""

import jax, jax.numpy as jnp
import numpy as np

N_Q = 64
N_T = 10000
D = 128
DB = 16
NL = 3


def _l2norm(x):
    n = jnp.sqrt(jnp.sum(x * x, axis=1, keepdims=True))
    return x / jnp.maximum(n, 1e-12)


def _gcn(X, src, dst, W, b, n):
    sl = jnp.arange(n, dtype=src.dtype)
    s = jnp.concatenate([src, sl])
    d = jnp.concatenate([dst, sl])
    deg = jnp.zeros((n,), jnp.float32).at[d].add(1.0)
    dinv = jnp.where(deg > 0, deg ** -0.5, 0.0)
    XW = X @ W
    msg = XW[s] * (dinv[s] * dinv[d])[:, None]
    out = jnp.zeros((n, W.shape[1]), jnp.float32).at[d].add(msg)
    return out + b


def setup_inputs(seed: int = 0) -> dict:
    key = jax.random.key(seed)
    ks = jax.random.split(key, 20)
    inp = {}
    inp['X_q'] = jax.random.normal(ks[0], (N_Q, D), jnp.float32)
    inp['edge_index_q'] = jax.random.randint(ks[1], (2, 256), 0, N_Q)
    inp['X_t'] = jax.random.normal(ks[2], (N_T, D), jnp.float32)
    inp['edge_index_t'] = jax.random.randint(ks[3], (2, 320000), 0, N_T)
    inp['u'] = 3
    inp['v_li'] = jax.random.randint(ks[4], (512,), 0, N_T)
    inp['u_consensus'] = jax.random.randint(ks[5], (32,), 0, N_Q)
    inp['v_consensus'] = jax.random.randint(ks[6], (32,), 0, N_T)
    # learned parameters
    s = 1.0 / np.sqrt(D)
    inp['W_gcn'] = jax.random.uniform(ks[7], (NL, D, D), jnp.float32, -s, s)
    inp['b_gcn'] = jnp.zeros((NL, D), jnp.float32)
    inp['Wb'] = jax.random.uniform(ks[8], (NL, DB, D, D), jnp.float32, -s, s)
    inp['bb'] = jax.random.uniform(ks[9], (NL, DB), jnp.float32, -s, s)
    dm = DB * NL
    s1 = 1.0 / np.sqrt(dm)
    inp['W1'] = jax.random.uniform(ks[10], (dm, dm // 2), jnp.float32, -s1, s1)
    inp['b1'] = jnp.zeros((dm // 2,), jnp.float32)
    s2 = 1.0 / np.sqrt(dm // 2)
    inp['W2'] = jax.random.uniform(ks[11], (dm // 2, dm // 4), jnp.float32, -s2, s2)
    inp['b2'] = jnp.zeros((dm // 4,), jnp.float32)
    s3 = 1.0 / np.sqrt(dm // 4)
    inp['W3'] = jax.random.uniform(ks[12], (dm // 4, 1), jnp.float32, -s3, s3)
    inp['b3'] = jnp.zeros((1,), jnp.float32)
    return inp


def reference(X_q, edge_index_q, X_t, edge_index_t, u, v_li, u_consensus, v_consensus, W_gcn, b_gcn, Wb, bb, W1, b1, W2, b2, W3, b3):
    outs = []
    for i in range(NL):
        X_q = _gcn(X_q, edge_index_q[0], edge_index_q[1], W_gcn[i], b_gcn[i], N_Q)
        X_t = _gcn(X_t, edge_index_t[0], edge_index_t[1], W_gcn[i], b_gcn[i], N_T)
        if i == NL - 1:
            X_q = _l2norm(X_q)
            X_t = _l2norm(X_t)
        else:
            X_q = jax.nn.elu(_l2norm(X_q))
            X_t = jax.nn.elu(_l2norm(X_t))
        # efficient consensus: scatter-overwrite matched target rows with query rows
        X_t = X_t.at[v_consensus].set(X_q[u_consensus])
        # DynamicBilinear: (d_out,) x (d,d) bilinear forms -> (n_v, d_out)
        bi = jnp.einsum('i,oij,vj->ov', X_q[u], Wb[i], X_t[v_li]) + bb[i][:, None]
        outs.append(bi.T)
    feat = jnp.concatenate(outs, axis=1)
    h = jax.nn.relu(feat @ W1 + b1)
    h = jax.nn.relu(h @ W2 + b2)
    out = (h @ W3 + b3).reshape(-1)
    return (out, X_q, X_t)

if __name__ == "__main__":
    import jax
    _d = setup_inputs()
    print(jax.jit(kernel)(*tuple(_d.values())))

</pallas_src>

<mosaic_0001>
#map = affine_map<(d0, d1) -> (0, 0)>
#map1 = affine_map<(d0, d1) -> (0)>
module attributes {stable_mosaic.version = 14 : i64} {
  func.func @deg_kernel(%arg0: i32, %arg1: i32, %arg2: memref<2560x128xi32, #tpu.memory_space<hbm>>, %arg3: memref<640xf32, #tpu.memory_space<hbm>>, %arg4: memref<20480xf32, #tpu.memory_space<hbm>>, %arg5: memref<80x128xi32, #tpu.memory_space<vmem>>, %arg6: memref<128xf32, #tpu.memory_space<vmem>>, %arg7: memref<10240xf32, #tpu.memory_space<vmem_shared>>, %arg8: memref<!tpu.dma_semaphore, #tpu.memory_space<semaphore_mem>>) attributes {dimension_semantics = [#tpu.dimension_semantics<core_parallel>, #tpu.dimension_semantics<subcore_parallel>], iteration_bounds = array<i64: 2, 16>, scalar_prefetch = 0 : i64, scratch_operands = 4 : i64, tpu.core_type = #tpu.core_type<sc_vector_subcore>, window_params = [{transform_indices = #map}, {transform_indices = #map1}, {transform_indices = #map1}]} {
    %mul3A = arith.constant 16 : i32
    %mul3A_0 = arith.muli %arg0, %mul3A : i32
    %add3A = arith.addi %mul3A_0, %arg1 : i32
    %broadcast_in_dim3A = arith.constant 1.000000e+00 : f32
    %broadcast_in_dim3A_1 = vector.broadcast %broadcast_in_dim3A : f32 to vector<16xf32>
    %swap3A = arith.constant 0 : index
    %swap3A_2 = tpu.vector_load %arg6[%swap3A] {strides = array<i32>} : memref<128xf32, #tpu.memory_space<vmem>>, vector<16xf32>,
    %swap3A_3 = vector.shape_cast %swap3A_2 : vector<16xf32> to vector<16xf32>
    %swap3A_4 = vector.shape_cast %broadcast_in_dim3A_1 : vector<16xf32> to vector<16xf32>
    tpu.vector_store %arg6[%swap3A], %swap3A_4 {strides = array<i32>} : memref<128xf32, #tpu.memory_space<vmem>>, vector<16xf32>,
    %broadcast_in_dim3A_5 = arith.constant 1.000000e+00 : f32
    %broadcast_in_dim3A_6 = vector.broadcast %broadcast_in_dim3A_5 : f32 to vector<16xf32>
    %swap3A_7 = arith.constant 16 : index
    %swap3A_8 = tpu.vector_load %arg6[%swap3A_7] {strides = array<i32>} : memref<128xf32, #tpu.memory_space<vmem>>, vector<16xf32>,
    %swap3A_9 = vector.shape_cast %swap3A_8 : vector<16xf32> to vector<16xf32>
    %swap3A_10 = vector.shape_cast %broadcast_in_dim3A_6 : vector<16xf32> to vector<16xf32>
    tpu.vector_store %arg6[%swap3A_7], %swap3A_10 {strides = array<i32>} : memref<128xf32, #tpu.memory_space<vmem>>, vector<16xf32>,
    %broadcast_in_dim3A_11 = arith.constant 1.000000e+00 : f32
    %broadcast_in_dim3A_12 = vector.broadcast %broadcast_in_dim3A_11 : f32 to vector<16xf32>
    %swap3A_13 = arith.constant 32 : index
    %swap3A_14 = tpu.vector_load %arg6[%swap3A_13] {strides = array<i32>} : memref<128xf32, #tpu.memory_space<vmem>>, vector<16xf32>,
    %swap3A_15 = vector.shape_cast %swap3A_14 : vector<16xf32> to vector<16xf32>
    %swap3A_16 = vector.shape_cast %broadcast_in_dim3A_12 : vector<16xf32> to vector<16xf32>
    tpu.vector_store %arg6[%swap3A_13], %swap3A_16 {strides = array<i32>} : memref<128xf32, #tpu.memory_space<vmem>>, vector<16xf32>,
    %broadcast_in_dim3A_17 = arith.constant 1.000000e+00 : f32
    %broadcast_in_dim3A_18 = vector.broadcast %broadcast_in_dim3A_17 : f32 to vector<16xf32>
    %swap3A_19 = arith.constant 48 : index
    %swap3A_20 = tpu.vector_load %arg6[%swap3A_19] {strides = array<i32>} : memref<128xf32, #tpu.memory_space<vmem>>, vector<16xf32>,
    %swap3A_21 = vector.shape_cast %swap3A_20 : vector<16xf32> to vector<16xf32>
    %swap3A_22 = vector.shape_cast %broadcast_in_dim3A_18 : vector<16xf32> to vector<16xf32>
    tpu.vector_store %arg6[%swap3A_19], %swap3A_22 {strides = array<i32>} : memref<128xf32, #tpu.memory_space<vmem>>, vector<16xf32>,
    %broadcast_in_dim3A_23 = arith.constant 1.000000e+00 : f32
    %broadcast_in_dim3A_24 = vector.broadcast %broadcast_in_dim3A_23 : f32 to vector<16xf32>
    %swap3A_25 = arith.constant 64 : index
    %swap3A_26 = tpu.vector_load %arg6[%swap3A_25] {strides = array<i32>} : memref<128xf32, #tpu.memory_space<vmem>>, vector<16xf32>,
    %swap3A_27 = vector.shape_cast %swap3A_26 : vector<16xf32> to vector<16xf32>
    %swap3A_28 = vector.shape_cast %broadcast_in_dim3A_24 : vector<16xf32> to vector<16xf32>
    tpu.vector_store %arg6[%swap3A_25], %swap3A_28 {strides = array<i32>} : memref<128xf32, #tpu.memory_space<vmem>>, vector<16xf32>,
    %broadcast_in_dim3A_29 = arith.constant 1.000000e+00 : f32
    %broadcast_in_dim3A_30 = vector.broadcast %broadcast_in_dim3A_29 : f32 to vector<16xf32>
    %swap3A_31 = arith.constant 80 : index
    %swap3A_32 = tpu.vector_load %arg6[%swap3A_31] {strides = array<i32>} : memref<128xf32, #tpu.memory_space<vmem>>, vector<16xf32>,
    %swap3A_33 = vector.shape_cast %swap3A_32 : vector<16xf32> to vector<16xf32>
    %swap3A_34 = vector.shape_cast %broadcast_in_dim3A_30 : vector<16xf32> to vector<16xf32>
    tpu.vector_store %arg6[%swap3A_31], %swap3A_34 {strides = array<i32>} : memref<128xf32, #tpu.memory_space<vmem>>, vector<16xf32>,
    %broadcast_in_dim3A_35 = arith.constant 1.000000e+00 : f32
    %broadcast_in_dim3A_36 = vector.broadcast %broadcast_in_dim3A_35 : f32 to vector<16xf32>
    %swap3A_37 = arith.constant 96 : index
    %swap3A_38 = tpu.vector_load %arg6[%swap3A_37] {strides = array<i32>} : memref<128xf32, #tpu.memory_space<vmem>>, vector<16xf32>,
    %swap3A_39 = vector.shape_cast %swap3A_38 : vector<16xf32> to vector<16xf32>
    %swap3A_40 = vector.shape_cast %broadcast_in_dim3A_36 : vector<16xf32> to vector<16xf32>
    tpu.vector_store %arg6[%swap3A_37], %swap3A_40 {strides = array<i32>} : memref<128xf32, #tpu.memory_space<vmem>>, vector<16xf32>,
    %broadcast_in_dim3A_41 = arith.constant 1.000000e+00 : f32
    %broadcast_in_dim3A_42 = vector.broadcast %broadcast_in_dim3A_41 : f32 to vector<16xf32>
    %swap3A_43 = arith.constant 112 : index
    %swap3A_44 = tpu.vector_load %arg6[%swap3A_43] {strides = array<i32>} : memref<128xf32, #tpu.memory_space<vmem>>, vector<16xf32>,
    %swap3A_45 = vector.shape_cast %swap3A_44 : vector<16xf32> to vector<16xf32>
    %swap3A_46 = vector.shape_cast %broadcast_in_dim3A_42 : vector<16xf32> to vector<16xf32>
    tpu.vector_store %arg6[%swap3A_43], %swap3A_46 {strides = array<i32>} : memref<128xf32, #tpu.memory_space<vmem>>, vector<16xf32>,
    %mul3A_47 = arith.constant 80 : i32
    %mul3A_48 = arith.muli %add3A, %mul3A_47 : i32
    "tpu.region"() ({
      %run_scoped3A = tpu.sem_alloc : memref<!tpu.dma_semaphore, #tpu.memory_space<semaphore_mem>>
      %dma_start3A = arith.constant 0 : i32
      %dma_start3A_70 = tpu.memref_slice %arg2[%mul3A_48, %dma_start3A] : memref<2560x128xi32, #tpu.memory_space<hbm>> -> memref<80x128xi32, #tpu.memory_space<hbm>>
      %dma_start3A_71 = arith.constant 0 : i32
      %dma_start3A_72 = tpu.memref_slice %arg2[%mul3A_48, %dma_start3A_71] : memref<2560x128xi32, #tpu.memory_space<hbm>> -> memref<80x128xi32, #tpu.memory_space<hbm>>
      tpu.enqueue_dma source(%dma_start3A_72 : memref<80x128xi32, #tpu.memory_space<hbm>>) target(%arg5 : memref<80x128xi32, #tpu.memory_space<vmem>>) target_semaphore(%run_scoped3A : memref<!tpu.dma_semaphore, #tpu.memory_space<semaphore_mem>>)
      %dma_wait3A = arith.constant 0 : i32
      %dma_wait3A_73 = tpu.memref_slice %arg2[%mul3A_48, %dma_wait3A] : memref<2560x128xi32, #tpu.memory_space<hbm>> -> memref<80x128xi32, #tpu.memory_space<hbm>>
      %dma_wait3A_74 = arith.constant 0 : i32
      %dma_wait3A_75 = tpu.memref_slice %arg2[%mul3A_48, %dma_wait3A_74] : memref<2560x128xi32, #tpu.memory_space<hbm>> -> memref<80x128xi32, #tpu.memory_space<hbm>>
      tpu.wait_dma2 semaphore(%run_scoped3A : memref<!tpu.dma_semaphore, #tpu.memory_space<semaphore_mem>>) src(%dma_wait3A_75 : memref<80x128xi32, #tpu.memory_space<hbm>>) dst(%arg5 : memref<80x128xi32, #tpu.memory_space<vmem>>)
      tpu.yield
    }) : () -> ()
    %mul3A_49 = arith.constant 640 : i32
    %mul3A_50 = arith.muli %arg1, %mul3A_49 : i32
    "tpu.region"() ({
      %run_scoped3A = tpu.sem_alloc : memref<!tpu.dma_semaphore, #tpu.memory_space<semaphore_mem>>
      %dma_start3A = tpu.memref_slice %arg7[%mul3A_50] : memref<10240xf32, #tpu.memory_space<vmem_shared>> -> memref<640xf32, #tpu.memory_space<vmem_shared>>
      tpu.enqueue_dma source(%arg3 : memref<640xf32, #tpu.memory_space<hbm>>) target(%dma_start3A : memref<640xf32, #tpu.memory_space<vmem_shared>>) target_semaphore(%run_scoped3A : memref<!tpu.dma_semaphore, #tpu.memory_space<semaphore_mem>>)
      %dma_wait3A = tpu.memref_slice %arg7[%mul3A_50] : memref<10240xf32, #tpu.memory_space<vmem_shared>> -> memref<640xf32, #tpu.memory_space<vmem_shared>>
      tpu.wait_dma2 semaphore(%run_scoped3A : memref<!tpu.dma_semaphore, #tpu.memory_space<semaphore_mem>>) src(%arg3 : memref<640xf32, #tpu.memory_space<hbm>>) dst(%dma_wait3A : memref<640xf32, #tpu.memory_space<vmem_shared>>)
      tpu.yield
    }) : () -> ()
    %barrier3A = arith.constant 0 : index
    tpu.barrier barrier_id(%barrier3A)
    %scan3A = arith.constant 0 : i32
    %scan3A_51 = arith.constant 0 : i32
    %scan3A_52 = arith.constant 80 : i32
    %scan3A_53 = arith.addi %scan3A_51, %scan3A_52 : i32
    %scan3A_54 = arith.constant 1 : i32
    scf.for %scan3A_70 = %scan3A_51 to %scan3A_53 step %scan3A_54  : i32 {
      %dma_start3A = arith.constant 0 : i32
      %dma_start3A_71 = tpu.memref_slice %arg5[%scan3A_70, %dma_start3A] : memref<80x128xi32, #tpu.memory_space<vmem>> -> memref<1x128xi32, #tpu.memory_space<vmem>>
      %dma_start3A_72 = tpu.memref_squeeze %dma_start3A_71 : memref<1x128xi32, #tpu.memory_space<vmem>> -> memref<128xi32, #tpu.memory_space<vmem>>
      %dma_start3A_73 = arith.constant 0 : i32
      %dma_start3A_74 = tpu.memref_slice %arg7[%dma_start3A_73] : memref<10240xf32, #tpu.memory_space<vmem_shared>> -> memref<10240xf32, #tpu.memory_space<vmem_shared>>
      tpu.enqueue_indirect_dma source(%arg6 : memref<128xf32, #tpu.memory_space<vmem>>) target(%dma_start3A_74 : memref<10240xf32, #tpu.memory_space<vmem_shared>>) offsets(%dma_start3A_72 : memref<128xi32, #tpu.memory_space<vmem>>) semaphore(%arg8 : memref<!tpu.dma_semaphore, #tpu.memory_space<semaphore_mem>>) {add = true}
    }
    %scan3A_55 = arith.constant 80 : i32
    %scan3A_56 = arith.constant 0 : i32
    %scan3A_57 = arith.constant 0 : i32
    %scan3A_58 = arith.constant 80 : i32
    %scan3A_59 = arith.addi %scan3A_57, %scan3A_58 : i32
    %scan3A_60 = arith.constant 1 : i32
    scf.for %scan3A_70 = %scan3A_57 to %scan3A_59 step %scan3A_60  : i32 {
      %dma_wait3A = arith.constant 0 : i32
      %dma_wait3A_71 = tpu.memref_slice %arg5[%scan3A_70, %dma_wait3A] : memref<80x128xi32, #tpu.memory_space<vmem>> -> memref<1x128xi32, #tpu.memory_space<vmem>>
      %dma_wait3A_72 = tpu.memref_squeeze %dma_wait3A_71 : memref<1x128xi32, #tpu.memory_space<vmem>> -> memref<128xi32, #tpu.memory_space<vmem>>
      %dma_wait3A_73 = arith.constant 0 : i32
      %dma_wait3A_74 = tpu.memref_slice %arg7[%dma_wait3A_73] : memref<10240xf32, #tpu.memory_space<vmem_shared>> -> memref<10240xf32, #tpu.memory_space<vmem_shared>>
      tpu.wait_indirect_dma semaphore(%arg8 : memref<!tpu.dma_semaphore, #tpu.memory_space<semaphore_mem>>) src(%arg6 : memref<128xf32, #tpu.memory_space<vmem>>) dst(%dma_wait3A_74 : memref<10240xf32, #tpu.memory_space<vmem_shared>>)
    }
    %scan3A_61 = arith.constant 80 : i32
    %barrier3A_62 = arith.constant 0 : index
    tpu.barrier barrier_id(%barrier3A_62)
    %mul3A_63 = arith.constant 640 : i32
    %mul3A_64 = arith.muli %arg1, %mul3A_63 : i32
    %mul3A_65 = arith.constant 10240 : i32
    %mul3A_66 = arith.muli %arg0, %mul3A_65 : i32
    %mul3A_67 = arith.constant 640 : i32
    %mul3A_68 = arith.muli %arg1, %mul3A_67 : i32
    %add3A_69 = arith.addi %mul3A_66, %mul3A_68 : i32
    "tpu.region"() ({
      %run_scoped3A = tpu.sem_alloc : memref<!tpu.dma_semaphore, #tpu.memory_space<semaphore_mem>>
      %dma_start3A = tpu.memref_slice %arg4[%add3A_69] : memref<20480xf32, #tpu.memory_space<hbm>> -> memref<640xf32, #tpu.memory_space<hbm>>
      %dma_start3A_70 = tpu.memref_slice %arg7[%mul3A_64] : memref<10240xf32, #tpu.memory_space<vmem_shared>> -> memref<640xf32, #tpu.memory_space<vmem_shared>>
      tpu.enqueue_dma source(%dma_start3A_70 : memref<640xf32, #tpu.memory_space<vmem_shared>>) target(%dma_start3A : memref<640xf32, #tpu.memory_space<hbm>>) target_semaphore(%run_scoped3A : memref<!tpu.dma_semaphore, #tpu.memory_space<semaphore_mem>>)
      %dma_wait3A = tpu.memref_slice %arg4[%add3A_69] : memref<20480xf32, #tpu.memory_space<hbm>> -> memref<640xf32, #tpu.memory_space<hbm>>
      %dma_wait3A_71 = tpu.memref_slice %arg7[%mul3A_64] : memref<10240xf32, #tpu.memory_space<vmem_shared>> -> memref<640xf32, #tpu.memory_space<vmem_shared>>
      tpu.wait_dma2 semaphore(%run_scoped3A : memref<!tpu.dma_semaphore, #tpu.memory_space<semaphore_mem>>) src(%dma_wait3A_71 : memref<640xf32, #tpu.memory_space<vmem_shared>>) dst(%dma_wait3A : memref<640xf32, #tpu.memory_space<hbm>>)
      tpu.yield
    }) : () -> ()
    return
  }
}

#map = affine_map<(d0, d1) -> (0, 0)>
#map1 = affine_map<(d0, d1) -> (0, 0, 0)>
module attributes {stable_mosaic.version = 14 : i64} {
  func.func @agg_kernel(%arg0: i32, %arg1: i32, %arg2: memref<2560x128xi32, #tpu.memory_space<hbm>>, %arg3: memref<10112x128xf32, #tpu.memory_space<hbm>>, %arg4: memref<632x128xf32, #tpu.memory_space<hbm>>, %arg5: memref<2x10112x128xf32, #tpu.memory_space<hbm>>, %arg6: memref<80x128xi32, #tpu.memory_space<vmem>>, %arg7: memref<128xi32, #tpu.memory_space<vmem>>, %arg8: memref<128xi32, #tpu.memory_space<vmem>>, %arg9: memref<128xi32, #tpu.memory_space<vmem>>, %arg10: memref<128xi32, #tpu.memory_space<vmem>>, %arg11: memref<128x128xf32, #tpu.memory_space<vmem>>, %arg12: memref<128x128xf32, #tpu.memory_space<vmem>>, %arg13: memref<10112x128xf32, #tpu.memory_space<vmem_shared>>, %arg14: memref<!tpu.dma_semaphore, #tpu.memory_space<semaphore_mem>>, %arg15: memref<!tpu.dma_semaphore, #tpu.memory_space<semaphore_mem>>) attributes {dimension_semantics = [#tpu.dimension_semantics<core_parallel>, #tpu.dimension_semantics<subcore_parallel>], iteration_bounds = array<i64: 2, 16>, scalar_prefetch = 0 : i64, scratch_operands = 10 : i64, tpu.core_type = #tpu.core_type<sc_vector_subcore>, window_params = [{transform_indices = #map}, {transform_indices = #map}, {transform_indices = #map}, {transform_indices = #map1}]} {
    %mul3A = arith.constant 16 : i32
    %mul3A_0 = arith.muli %arg0, %mul3A : i32
    %add3A = arith.addi %mul3A_0, %arg1 : i32
    %mul3A_1 = arith.constant 80 : i32
    %mul3A_2 = arith.muli %add3A, %mul3A_1 : i32
    "tpu.region"() ({
      %run_scoped3A = tpu.sem_alloc : memref<!tpu.dma_semaphore, #tpu.memory_space<semaphore_mem>>
      %dma_start3A_320 = arith.constant 0 : i32
      %dma_start3A_321 = tpu.memref_slice %arg2[%mul3A_2, %dma_start3A_320] : memref<2560x128xi32, #tpu.memory_space<hbm>> -> memref<80x128xi32, #tpu.memory_space<hbm>>
      %dma_start3A_322 = arith.constant 0 : i32
      %dma_start3A_323 = tpu.memref_slice %arg2[%mul3A_2, %dma_start3A_322] : memref<2560x128xi32, #tpu.memory_space<hbm>> -> memref<80x128xi32, #tpu.memory_space<hbm>>
      tpu.enqueue_dma source(%dma_start3A_323 : memref<80x128xi32, #tpu.memory_space<hbm>>) target(%arg6 : memref<80x128xi32, #tpu.memory_space<vmem>>) target_semaphore(%run_scoped3A : memref<!tpu.dma_semaphore, #tpu.memory_space<semaphore_mem>>)
      %dma_wait3A = arith.constant 0 : i32
      %dma_wait3A_324 = tpu.memref_slice %arg2[%mul3A_2, %dma_wait3A] : memref<2560x128xi32, #tpu.memory_space<hbm>> -> memref<80x128xi32, #tpu.memory_space<hbm>>
      %dma_wait3A_325 = arith.constant 0 : i32
      %dma_wait3A_326 = tpu.memref_slice %arg2[%mul3A_2, %dma_wait3A_325] : memref<2560x128xi32, #tpu.memory_space<hbm>> -> memref<80x128xi32, #tpu.memory_space<hbm>>
      tpu.wait_dma2 semaphore(%run_scoped3A : memref<!tpu.dma_semaphore, #tpu.memory_space<semaphore_mem>>) src(%dma_wait3A_326 : memref<80x128xi32, #tpu.memory_space<hbm>>) dst(%arg6 : memref<80x128xi32, #tpu.memory_space<vmem>>)
      tpu.yield
    }) : () -> ()
    %mul3A_3 = arith.constant 632 : i32
    %mul3A_4 = arith.muli %arg1, %mul3A_3 : i32
    "tpu.region"() ({
      %run_scoped3A = tpu.sem_alloc : memref<!tpu.dma_semaphore, #tpu.memory_space<semaphore_mem>>
      %dma_start3A_320 = arith.constant 0 : i32
      %dma_start3A_321 = tpu.memref_slice %arg13[%mul3A_4, %dma_start3A_320] : memref<10112x128xf32, #tpu.memory_space<vmem_shared>> -> memref<632x128xf32, #tpu.memory_space<vmem_shared>>
      tpu.enqueue_dma source(%arg4 : memref<632x128xf32, #tpu.memory_space<hbm>>) target(%dma_start3A_321 : memref<632x128xf32, #tpu.memory_space<vmem_shared>>) target_semaphore(%run_scoped3A : memref<!tpu.dma_semaphore, #tpu.memory_space<semaphore_mem>>)
      %dma_wait3A = arith.constant 0 : i32
      %dma_wait3A_322 = tpu.memref_slice %arg13[%mul3A_4, %dma_wait3A] : memref<10112x128xf32, #tpu.memory_space<vmem_shared>> -> memref<632x128xf32, #tpu.memory_space<vmem_shared>>
      tpu.wait_dma2 semaphore(%run_scoped3A : memref<!tpu.dma_semaphore, #tpu.memory_space<semaphore_mem>>) src(%arg4 : memref<632x128xf32, #tpu.memory_space<hbm>>) dst(%dma_wait3A_322 : memref<632x128xf32, #tpu.memory_space<vmem_shared>>)
      tpu.yield
    }) : () -> ()
    %barrier3A = arith.constant 0 : index
    tpu.barrier barrier_id(%barrier3A)
    %get3A = arith.constant 0 : i32
    %get3A_5 = arith.index_cast %get3A : i32 to index
    %get3A_6 = arith.constant 0 : index
    %get3A_7 = tpu.vector_load %arg6[%get3A_5, %get3A_6] {strides = array<i32>} : memref<80x128xi32, #tpu.memory_space<vmem>>, vector<1x16xi32>,
    %get3A_8 = vector.shape_cast %get3A_7 : vector<1x16xi32> to vector<16xi32>
    %and3A = arith.constant 65535 : i32
    %and3A_9 = vector.broadcast %and3A : i32 to vector<16xi32>
    %and3A_10 = arith.andi %get3A_8, %and3A_9 : vector<16xi32>
    %swap3A = arith.constant 0 : index
    %swap3A_11 = tpu.vector_load %arg7[%swap3A] {strides = array<i32>} : memref<128xi32, #tpu.memory_space<vmem>>, vector<16xi32>,
    %swap3A_12 = vector.shape_cast %swap3A_11 : vector<16xi32> to vector<16xi32>
    %swap3A_13 = vector.shape_cast %and3A_10 : vector<16xi32> to vector<16xi32>
    tpu.vector_store %arg7[%swap3A], %swap3A_13 {strides = array<i32>} : memref<128xi32, #tpu.memory_space<vmem>>, vector<16xi32>,
    %shift_right_logical3A = arith.constant 16 : i32
    %shift_right_logical3A_14 = vector.broadcast %shift_right_logical3A : i32 to vector<16xi32>
    %shift_right_logical3A_15 = arith.shrui %get3A_8, %shift_right_logical3A_14 : vector<16xi32>
    %swap3A_16 = arith.constant 0 : index
    %swap3A_17 = tpu.vector_load %arg8[%swap3A_16] {strides = array<i32>} : memref<128xi32, #tpu.memory_space<vmem>>, vector<16xi32>,
    %swap3A_18 = vector.shape_cast %swap3A_17 : vector<16xi32> to vector<16xi32>
    %swap3A_19 = vector.shape_cast %shift_right_logical3A_15 : vector<16xi32> to vector<16xi32>
    tpu.vector_store %arg8[%swap3A_16], %swap3A_19 {strides = array<i32>} : memref<128xi32, #tpu.memory_space<vmem>>, vector<16xi32>,
    %get3A_20 = arith.constant 0 : i32
    %get3A_21 = arith.index_cast %get3A_20 : i32 to index
    %get3A_22 = arith.constant 16 : index
    %get3A_23 = tpu.vector_load %arg6[%get3A_21, %get3A_22] {strides = array<i32>} : memref<80x128xi32, #tpu.memory_space<vmem>>, vector<1x16xi32>,
    %get3A_24 = vector.shape_cast %get3A_23 : vector<1x16xi32> to vector<16xi32>
    %and3A_25 = arith.constant 65535 : i32
    %and3A_26 = vector.broadcast %and3A_25 : i32 to vector<16xi32>
    %and3A_27 = arith.andi %get3A_24, %and3A_26 : vector<16xi32>
    %swap3A_28 = arith.constant 16 : index
    %swap3A_29 = tpu.vector_load %arg7[%swap3A_28] {strides = array<i32>} : memref<128xi32, #tpu.memory_space<vmem>>, vector<16xi32>,
    %swap3A_30 = vector.shape_cast %swap3A_29 : vector<16xi32> to vector<16xi32>
    %swap3A_31 = vector.shape_cast %and3A_27 : vector<16xi32> to vector<16xi32>
    tpu.vector_store %arg7[%swap3A_28], %swap3A_31 {strides = array<i32>} : memref<128xi32, #tpu.memory_space<vmem>>, vector<16xi32>,
    %shift_right_logical3A_32 = arith.constant 16 : i32
    %shift_right_logical3A_33 = vector.broadcast %shift_right_logical3A_32 : i32 to vector<16xi32>
    %shift_right_logical3A_34 = arith.shrui %get3A_24, %shift_right_logical3A_33 : vector<16xi32>
    %swap3A_35 = arith.constant 16 : index
    %swap3A_36 = tpu.vector_load %arg8[%swap3A_35] {strides = array<i32>} : memref<128xi32, #tpu.memory_space<vmem>>, vector<16xi32>,
    %swap3A_37 = vector.shape_cast %swap3A_36 : vector<16xi32> to vector<16xi32>
    %swap3A_38 = vector.shape_cast %shift_right_logical3A_34 : vector<16xi32> to vector<16xi32>
    tpu.vector_store %arg8[%swap3A_35], %swap3A_38 {strides = array<i32>} : memref<128xi32, #tpu.memory_space<vmem>>, vector<16xi32>,
    %get3A_39 = arith.constant 0 : i32
    %get3A_40 = arith.index_cast %get3A_39 : i32 to index
    %get3A_41 = arith.constant 32 : index
    %get3A_42 = tpu.vector_load %arg6[%get3A_40, %get3A_41] {strides = array<i32>} : memref<80x128xi32, #tpu.memory_space<vmem>>, vector<1x16xi32>,
    %get3A_43 = vector.shape_cast %get3A_42 : vector<1x16xi32> to vector<16xi32>
    %and3A_44 = arith.constant 65535 : i32
    %and3A_45 = vector.broadcast %and3A_44 : i32 to vector<16xi32>
    %and3A_46 = arith.andi %get3A_43, %and3A_45 : vector<16xi32>
    %swap3A_47 = arith.constant 32 : index
    %swap3A_48 = tpu.vector_load %arg7[%swap3A_47] {strides = array<i32>} : memref<128xi32, #tpu.memory_space<vmem>>, vector<16xi32>,
    %swap3A_49 = vector.shape_cast %swap3A_48 : vector<16xi32> to vector<16xi32>
    %swap3A_50 = vector.shape_cast %and3A_46 : vector<16xi32> to vector<16xi32>
    tpu.vector_store %arg7[%swap3A_47], %swap3A_50 {strides = array<i32>} : memref<128xi32, #tpu.memory_space<vmem>>, vector<16xi32>,
    %shift_right_logical3A_51 = arith.constant 16 : i32
    %shift_right_logical3A_52 = vector.broadcast %shift_right_logical3A_51 : i32 to vector<16xi32>
    %shift_right_logical3A_53 = arith.shrui %get3A_43, %shift_right_logical3A_52 : vector<16xi32>
    %swap3A_54 = arith.constant 32 : index
    %swap3A_55 = tpu.vector_load %arg8[%swap3A_54] {strides = array<i32>} : memref<128xi32, #tpu.memory_space<vmem>>, vector<16xi32>,
    %swap3A_56 = vector.shape_cast %swap3A_55 : vector<16xi32> to vector<16xi32>
    %swap3A_57 = vector.shape_cast %shift_right_logical3A_53 : vector<16xi32> to vector<16xi32>
    tpu.vector_store %arg8[%swap3A_54], %swap3A_57 {strides = array<i32>} : memref<128xi32, #tpu.memory_space<vmem>>, vector<16xi32>,
    %get3A_58 = arith.constant 0 : i32
    %get3A_59 = arith.index_cast %get3A_58 : i32 to index
    %get3A_60 = arith.constant 48 : index
    %get3A_61 = tpu.vector_load %arg6[%get3A_59, %get3A_60] {strides = array<i32>} : memref<80x128xi32, #tpu.memory_space<vmem>>, vector<1x16xi32>,
    %get3A_62 = vector.shape_cast %get3A_61 : vector<1x16xi32> to vector<16xi32>
    %and3A_63 = arith.constant 65535 : i32
    %and3A_64 = vector.broadcast %and3A_63 : i32 to vector<16xi32>
    %and3A_65 = arith.andi %get3A_62, %and3A_64 : vector<16xi32>
    %swap3A_66 = arith.constant 48 : index
    %swap3A_67 = tpu.vector_load %arg7[%swap3A_66] {strides = array<i32>} : memref<128xi32, #tpu.memory_space<vmem>>, vector<16xi32>,
    %swap3A_68 = vector.shape_cast %swap3A_67 : vector<16xi32> to vector<16xi32>
    %swap3A_69 = vector.shape_cast %and3A_65 : vector<16xi32> to vector<16xi32>
    tpu.vector_store %arg7[%swap3A_66], %swap3A_69 {strides = array<i32>} : memref<128xi32, #tpu.memory_space<vmem>>, vector<16xi32>,
    %shift_right_logical3A_70 = arith.constant 16 : i32
    %shift_right_logical3A_71 = vector.broadcast %shift_right_logical3A_70 : i32 to vector<16xi32>
    %shift_right_logical3A_72 = arith.shrui %get3A_62, %shift_right_logical3A_71 : vector<16xi32>
    %swap3A_73 = arith.constant 48 : index
    %swap3A_74 = tpu.vector_load %arg8[%swap3A_73] {strides = array<i32>} : memref<128xi32, #tpu.memory_space<vmem>>, vector<16xi32>,
    %swap3A_75 = vector.shape_cast %swap3A_74 : vector<16xi32> to vector<16xi32>
    %swap3A_76 = vector.shape_cast %shift_right_logical3A_72 : vector<16xi32> to vector<16xi32>
    tpu.vector_store %arg8[%swap3A_73], %swap3A_76 {strides = array<i32>} : memref<128xi32, #tpu.memory_space<vmem>>, vector<16xi32>,
    %get3A_77 = arith.constant 0 : i32
    %get3A_78 = arith.index_cast %get3A_77 : i32 to index
    %get3A_79 = arith.constant 64 : index
    %get3A_80 = tpu.vector_load %arg6[%get3A_78, %get3A_79] {strides = array<i32>} : memref<80x128xi32, #tpu.memory_space<vmem>>, vector<1x16xi32>,
    %get3A_81 = vector.shape_cast %get3A_80 : vector<1x16xi32> to vector<16xi32>
    %and3A_82 = arith.constant 65535 : i32
    %and3A_83 = vector.broadcast %and3A_82 : i32 to vector<16xi32>
    %and3A_84 = arith.andi %get3A_81, %and3A_83 : vector<16xi32>
    %swap3A_85 = arith.constant 64 : index
    %swap3A_86 = tpu.vector_load %arg7[%swap3A_85] {strides = array<i32>} : memref<128xi32, #tpu.memory_space<vmem>>, vector<16xi32>,
    %swap3A_87 = vector.shape_cast %swap3A_86 : vector<16xi32> to vector<16xi32>
    %swap3A_88 = vector.shape_cast %and3A_84 : vector<16xi32> to vector<16xi32>
    tpu.vector_store %arg7[%swap3A_85], %swap3A_88 {strides = array<i32>} : memref<128xi32, #tpu.memory_space<vmem>>, vector<16xi32>,
    %shift_right_logical3A_89 = arith.constant 16 : i32
    %shift_right_logical3A_90 = vector.broadcast %shift_right_logical3A_89 : i32 to vector<16xi32>
    %shift_right_logical3A_91 = arith.shrui %get3A_81, %shift_right_logical3A_90 : vector<16xi32>
    %swap3A_92 = arith.constant 64 : index
    %swap3A_93 = tpu.vector_load %arg8[%swap3A_92] {strides = array<i32>} : memref<128xi32, #tpu.memory_space<vmem>>, vector<16xi32>,
    %swap3A_94 = vector.shape_cast %swap3A_93 : vector<16xi32> to vector<16xi32>
    %swap3A_95 = vector.shape_cast %shift_right_logical3A_91 : vector<16xi32> to vector<16xi32>
    tpu.vector_store %arg8[%swap3A_92], %swap3A_95 {strides = array<i32>} : memref<128xi32, #tpu.memory_space<vmem>>, vector<16xi32>,
    %get3A_96 = arith.constant 0 : i32
    %get3A_97 = arith.index_cast %get3A_96 : i32 to index
    %get3A_98 = arith.constant 80 : index
    %get3A_99 = tpu.vector_load %arg6[%get3A_97, %get3A_98] {strides = array<i32>} : memref<80x128xi32, #tpu.memory_space<vmem>>, vector<1x16xi32>,
    %get3A_100 = vector.shape_cast %get3A_99 : vector<1x16xi32> to vector<16xi32>
    %and3A_101 = arith.constant 65535 : i32
    %and3A_102 = vector.broadcast %and3A_101 : i32 to vector<16xi32>
    %and3A_103 = arith.andi %get3A_100, %and3A_102 : vector<16xi32>
    %swap3A_104 = arith.constant 80 : index
    %swap3A_105 = tpu.vector_load %arg7[%swap3A_104] {strides = array<i32>} : memref<128xi32, #tpu.memory_space<vmem>>, vector<16xi32>,
    %swap3A_106 = vector.shape_cast %swap3A_105 : vector<16xi32> to vector<16xi32>
    %swap3A_107 = vector.shape_cast %and3A_103 : vector<16xi32> to vector<16xi32>
    tpu.vector_store %arg7[%swap3A_104], %swap3A_107 {strides = array<i32>} : memref<128xi32, #tpu.memory_space<vmem>>, vector<16xi32>,
    %shift_right_logical3A_108 = arith.constant 16 : i32
    %shift_right_logical3A_109 = vector.broadcast %shift_right_logical3A_108 : i32 to vector<16xi32>
    %shift_right_logical3A_110 = arith.shrui %get3A_100, %shift_right_logical3A_109 : vector<16xi32>
    %swap3A_111 = arith.constant 80 : index
    %swap3A_112 = tpu.vector_load %arg8[%swap3A_111] {strides = array<i32>} : memref<128xi32, #tpu.memory_space<vmem>>, vector<16xi32>,
    %swap3A_113 = vector.shape_cast %swap3A_112 : vector<16xi32> to vector<16xi32>
    %swap3A_114 = vector.shape_cast %shift_right_logical3A_110 : vector<16xi32> to vector<16xi32>
    tpu.vector_store %arg8[%swap3A_111], %swap3A_114 {strides = array<i32>} : memref<128xi32, #tpu.memory_space<vmem>>, vector<16xi32>,
    %get3A_115 = arith.constant 0 : i32
    %get3A_116 = arith.index_cast %get3A_115 : i32 to index
    %get3A_117 = arith.constant 96 : index
    %get3A_118 = tpu.vector_load %arg6[%get3A_116, %get3A_117] {strides = array<i32>} : memref<80x128xi32, #tpu.memory_space<vmem>>, vector<1x16xi32>,
    %get3A_119 = vector.shape_cast %get3A_118 : vector<1x16xi32> to vector<16xi32>
    %and3A_120 = arith.constant 65535 : i32
    %and3A_121 = vector.broadcast %and3A_120 : i32 to vector<16xi32>
    %and3A_122 = arith.andi %get3A_119, %and3A_121 : vector<16xi32>
    %swap3A_123 = arith.constant 96 : index
    %swap3A_124 = tpu.vector_load %arg7[%swap3A_123] {strides = array<i32>} : memref<128xi32, #tpu.memory_space<vmem>>, vector<16xi32>,
    %swap3A_125 = vector.shape_cast %swap3A_124 : vector<16xi32> to vector<16xi32>
    %swap3A_126 = vector.shape_cast %and3A_122 : vector<16xi32> to vector<16xi32>
    tpu.vector_store %arg7[%swap3A_123], %swap3A_126 {strides = array<i32>} : memref<128xi32, #tpu.memory_space<vmem>>, vector<16xi32>,
    %shift_right_logical3A_127 = arith.constant 16 : i32
    %shift_right_logical3A_128 = vector.broadcast %shift_right_logical3A_127 : i32 to vector<16xi32>
    %shift_right_logical3A_129 = arith.shrui %get3A_119, %shift_right_logical3A_128 : vector<16xi32>
    %swap3A_130 = arith.constant 96 : index
    %swap3A_131 = tpu.vector_load %arg8[%swap3A_130] {strides = array<i32>} : memref<128xi32, #tpu.memory_space<vmem>>, vector<16xi32>,
    %swap3A_132 = vector.shape_cast %swap3A_131 : vector<16xi32> to vector<16xi32>
    %swap3A_133 = vector.shape_cast %shift_right_logical3A_129 : vector<16xi32> to vector<16xi32>
    tpu.vector_store %arg8[%swap3A_130], %swap3A_133 {strides = array<i32>} : memref<128xi32, #tpu.memory_space<vmem>>, vector<16xi32>,
    %get3A_134 = arith.constant 0 : i32
    %get3A_135 = arith.index_cast %get3A_134 : i32 to index
    %get3A_136 = arith.constant 112 : index
    %get3A_137 = tpu.vector_load %arg6[%get3A_135, %get3A_136] {strides = array<i32>} : memref<80x128xi32, #tpu.memory_space<vmem>>, vector<1x16xi32>,
    %get3A_138 = vector.shape_cast %get3A_137 : vector<1x16xi32> to vector<16xi32>
    %and3A_139 = arith.constant 65535 : i32
    %and3A_140 = vector.broadcast %and3A_139 : i32 to vector<16xi32>
    %and3A_141 = arith.andi %get3A_138, %and3A_140 : vector<16xi32>
    %swap3A_142 = arith.constant 112 : index
    %swap3A_143 = tpu.vector_load %arg7[%swap3A_142] {strides = array<i32>} : memref<128xi32, #tpu.memory_space<vmem>>, vector<16xi32>,
    %swap3A_144 = vector.shape_cast %swap3A_143 : vector<16xi32> to vector<16xi32>
    %swap3A_145 = vector.shape_cast %and3A_141 : vector<16xi32> to vector<16xi32>
    tpu.vector_store %arg7[%swap3A_142], %swap3A_145 {strides = array<i32>} : memref<128xi32, #tpu.memory_space<vmem>>, vector<16xi32>,
    %shift_right_logical3A_146 = arith.constant 16 : i32
    %shift_right_logical3A_147 = vector.broadcast %shift_right_logical3A_146 : i32 to vector<16xi32>
    %shift_right_logical3A_148 = arith.shrui %get3A_138, %shift_right_logical3A_147 : vector<16xi32>
    %swap3A_149 = arith.constant 112 : index
    %swap3A_150 = tpu.vector_load %arg8[%swap3A_149] {strides = array<i32>} : memref<128xi32, #tpu.memory_space<vmem>>, vector<16xi32>,
    %swap3A_151 = vector.shape_cast %swap3A_150 : vector<16xi32> to vector<16xi32>
    %swap3A_152 = vector.shape_cast %shift_right_logical3A_148 : vector<16xi32> to vector<16xi32>
    tpu.vector_store %arg8[%swap3A_149], %swap3A_152 {strides = array<i32>} : memref<128xi32, #tpu.memory_space<vmem>>, vector<16xi32>,
    %dma_start3A = arith.constant 0 : i32
    %dma_start3A_153 = arith.constant 0 : i32
    %dma_start3A_154 = tpu.memref_slice %arg3[%dma_start3A, %dma_start3A_153] : memref<10112x128xf32, #tpu.memory_space<hbm>> -> memref<10112x128xf32, #tpu.memory_space<hbm>>
    tpu.enqueue_indirect_dma source(%dma_start3A_154 : memref<10112x128xf32, #tpu.memory_space<hbm>>) target(%arg11 : memref<128x128xf32, #tpu.memory_space<vmem>>) offsets(%arg7 : memref<128xi32, #tpu.memory_space<vmem>>) semaphore(%arg14 : memref<!tpu.dma_semaphore, #tpu.memory_space<semaphore_mem>>)
    %get3A_155 = arith.constant 1 : i32
    %get3A_156 = arith.index_cast %get3A_155 : i32 to index
    %get3A_157 = arith.constant 0 : index
    %get3A_158 = tpu.vector_load %arg6[%get3A_156, %get3A_157] {strides = array<i32>} : memref<80x128xi32, #tpu.memory_space<vmem>>, vector<1x16xi32>,
    %get3A_159 = vector.shape_cast %get3A_158 : vector<1x16xi32> to vector<16xi32>
    %and3A_160 = arith.constant 65535 : i32
    %and3A_161 = vector.broadcast %and3A_160 : i32 to vector<16xi32>
    %and3A_162 = arith.andi %get3A_159, %and3A_161 : vector<16xi32>
    %swap3A_163 = arith.constant 0 : index
    %swap3A_164 = tpu.vector_load %arg9[%swap3A_163] {strides = array<i32>} : memref<128xi32, #tpu.memory_space<vmem>>, vector<16xi32>,
    %swap3A_165 = vector.shape_cast %swap3A_164 : vector<16xi32> to vector<16xi32>
    %swap3A_166 = vector.shape_cast %and3A_162 : vector<16xi32> to vector<16xi32>
    tpu.vector_store %arg9[%swap3A_163], %swap3A_166 {strides = array<i32>} : memref<128xi32, #tpu.memory_space<vmem>>, vector<16xi32>,
    %shift_right_logical3A_167 = arith.constant 16 : i32
    %shift_right_logical3A_168 = vector.broadcast %shift_right_logical3A_167 : i32 to vector<16xi32>
    %shift_right_logical3A_169 = arith.shrui %get3A_159, %shift_right_logical3A_168 : vector<16xi32>
    %swap3A_170 = arith.constant 0 : index
    %swap3A_171 = tpu.vector_load %arg10[%swap3A_170] {strides = array<i32>} : memref<128xi32, #tpu.memory_space<vmem>>, vector<16xi32>,
    %swap3A_172 = vector.shape_cast %swap3A_171 : vector<16xi32> to vector<16xi32>
    %swap3A_173 = vector.shape_cast %shift_right_logical3A_169 : vector<16xi32> to vector<16xi32>
    tpu.vector_store %arg10[%swap3A_170], %swap3A_173 {strides = array<i32>} : memref<128xi32, #tpu.memory_space<vmem>>, vector<16xi32>,
    %get3A_174 = arith.constant 1 : i32
    %get3A_175 = arith.index_cast %get3A_174 : i32 to index
    %get3A_176 = arith.constant 16 : index
    %get3A_177 = tpu.vector_load %arg6[%get3A_175, %get3A_176] {strides = array<i32>} : memref<80x128xi32, #tpu.memory_space<vmem>>, vector<1x16xi32>,
    %get3A_178 = vector.shape_cast %get3A_177 : vector<1x16xi32> to vector<16xi32>
    %and3A_179 = arith.constant 65535 : i32
    %and3A_180 = vector.broadcast %and3A_179 : i32 to vector<16xi32>
    %and3A_181 = arith.andi %get3A_178, %and3A_180 : vector<16xi32>
    %swap3A_182 = arith.constant 16 : index
    %swap3A_183 = tpu.vector_load %arg9[%swap3A_182] {strides = array<i32>} : memref<128xi32, #tpu.memory_space<vmem>>, vector<16xi32>,
    %swap3A_184 = vector.shape_cast %swap3A_183 : vector<16xi32> to vector<16xi32>
    %swap3A_185 = vector.shape_cast %and3A_181 : vector<16xi32> to vector<16xi32>
    tpu.vector_store %arg9[%swap3A_182], %swap3A_185 {strides = array<i32>} : memref<128xi32, #tpu.memory_space<vmem>>, vector<16xi32>,
    %shift_right_logical3A_186 = arith.constant 16 : i32
    %shift_right_logical3A_187 = vector.broadcast %shift_right_logical3A_186 : i32 to vector<16xi32>
    %shift_right_logical3A_188 = arith.shrui %get3A_178, %shift_right_logical3A_187 : vector<16xi32>
    %swap3A_189 = arith.constant 16 : index
    %swap3A_190 = tpu.vector_load %arg10[%swap3A_189] {strides = array<i32>} : memref<128xi32, #tpu.memory_space<vmem>>, vector<16xi32>,
    %swap3A_191 = vector.shape_cast %swap3A_190 : vector<16xi32> to vector<16xi32>
    %swap3A_192 = vector.shape_cast %shift_right_logical3A_188 : vector<16xi32> to vector<16xi32>
    tpu.vector_store %arg10[%swap3A_189], %swap3A_192 {strides = array<i32>} : memref<128xi32, #tpu.memory_space<vmem>>, vector<16xi32>,
    %get3A_193 = arith.constant 1 : i32
    %get3A_194 = arith.index_cast %get3A_193 : i32 to index
    %get3A_195 = arith.constant 32 : index
    %get3A_196 = tpu.vector_load %arg6[%get3A_194, %get3A_195] {strides = array<i32>} : memref<80x128xi32, #tpu.memory_space<vmem>>, vector<1x16xi32>,
    %get3A_197 = vector.shape_cast %get3A_196 : vector<1x16xi32> to vector<16xi32>
    %and3A_198 = arith.constant 65535 : i32
    %and3A_199 = vector.broadcast %and3A_198 : i32 to vector<16xi32>
    %and3A_200 = arith.andi %get3A_197, %and3A_199 : vector<16xi32>
    %swap3A_201 = arith.constant 32 : index
    %swap3A_202 = tpu.vector_load %arg9[%swap3A_201] {strides = array<i32>} : memref<128xi32, #tpu.memory_space<vmem>>, vector<16xi32>,
    %swap3A_203 = vector.shape_cast %swap3A_202 : vector<16xi32> to vector<16xi32>
    %swap3A_204 = vector.shape_cast %and3A_200 : vector<16xi32> to vector<16xi32>
    tpu.vector_store %arg9[%swap3A_201], %swap3A_204 {strides = array<i32>} : memref<128xi32, #tpu.memory_space<vmem>>, vector<16xi32>,
    %shift_right_logical3A_205 = arith.constant 16 : i32
    %shift_right_logical3A_206 = vector.broadcast %shift_right_logical3A_205 : i32 to vector<16xi32>
    %shift_right_logical3A_207 = arith.shrui %get3A_197, %shift_right_logical3A_206 : vector<16xi32>
    %swap3A_208 = arith.constant 32 : index
    %swap3A_209 = tpu.vector_load %arg10[%swap3A_208] {strides = array<i32>} : memref<128xi32, #tpu.memory_space<vmem>>, vector<16xi32>,
    %swap3A_210 = vector.shape_cast %swap3A_209 : vector<16xi32> to vector<16xi32>
    %swap3A_211 = vector.shape_cast %shift_right_logical3A_207 : vector<16xi32> to vector<16xi32>
    tpu.vector_store %arg10[%swap3A_208], %swap3A_211 {strides = array<i32>} : memref<128xi32, #tpu.memory_space<vmem>>, vector<16xi32>,
    %get3A_212 = arith.constant 1 : i32
    %get3A_213 = arith.index_cast %get3A_212 : i32 to index
    %get3A_214 = arith.constant 48 : index
    %get3A_215 = tpu.vector_load %arg6[%get3A_213, %get3A_214] {strides = array<i32>} : memref<80x128xi32, #tpu.memory_space<vmem>>, vector<1x16xi32>,
    %get3A_216 = vector.shape_cast %get3A_215 : vector<1x16xi32> to vector<16xi32>
    %and3A_217 = arith.constant 65535 : i32
    %and3A_218 = vector.broadcast %and3A_217 : i32 to vector<16xi32>
    %and3A_219 = arith.andi %get3A_216, %and3A_218 : vector<16xi32>
    %swap3A_220 = arith.constant 48 : index
    %swap3A_221 = tpu.vector_load %arg9[%swap3A_220] {strides = array<i32>} : memref<128xi32, #tpu.memory_space<vmem>>, vector<16xi32>,
    %swap3A_222 = vector.shape_cast %swap3A_221 : vector<16xi32> to vector<16xi32>
    %swap3A_223 = vector.shape_cast %and3A_219 : vector<16xi32> to vector<16xi32>
    tpu.vector_store %arg9[%swap3A_220], %swap3A_223 {strides = array<i32>} : memref<128xi32, #tpu.memory_space<vmem>>, vector<16xi32>,
    %shift_right_logical3A_224 = arith.constant 16 : i32
    %shift_right_logical3A_225 = vector.broadcast %shift_right_logical3A_224 : i32 to vector<16xi32>
    %shift_right_logical3A_226 = arith.shrui %get3A_216, %shift_right_logical3A_225 : vector<16xi32>
    %swap3A_227 = arith.constant 48 : index
    %swap3A_228 = tpu.vector_load %arg10[%swap3A_227] {strides = array<i32>} : memref<128xi32, #tpu.memory_space<vmem>>, vector<16xi32>,
    %swap3A_229 = vector.shape_cast %swap3A_228 : vector<16xi32> to vector<16xi32>
    %swap3A_230 = vector.shape_cast %shift_right_logical3A_226 : vector<16xi32> to vector<16xi32>
    tpu.vector_store %arg10[%swap3A_227], %swap3A_230 {strides = array<i32>} : memref<128xi32, #tpu.memory_space<vmem>>, vector<16xi32>,
    %get3A_231 = arith.constant 1 : i32
    %get3A_232 = arith.index_cast %get3A_231 : i32 to index
    %get3A_233 = arith.constant 64 : index
    %get3A_234 = tpu.vector_load %arg6[%get3A_232, %get3A_233] {strides = array<i32>} : memref<80x128xi32, #tpu.memory_space<vmem>>, vector<1x16xi32>,
    %get3A_235 = vector.shape_cast %get3A_234 : vector<1x16xi32> to vector<16xi32>
    %and3A_236 = arith.constant 65535 : i32
    %and3A_237 = vector.broadcast %and3A_236 : i32 to vector<16xi32>
    %and3A_238 = arith.andi %get3A_235, %and3A_237 : vector<16xi32>
    %swap3A_239 = arith.constant 64 : index
    %swap3A_240 = tpu.vector_load %arg9[%swap3A_239] {strides = array<i32>} : memref<128xi32, #tpu.memory_space<vmem>>, vector<16xi32>,
    %swap3A_241 = vector.shape_cast %swap3A_240 : vector<16xi32> to vector<16xi32>
    %swap3A_242 = vector.shape_cast %and3A_238 : vector<16xi32> to vector<16xi32>
    tpu.vector_store %arg9[%swap3A_239], %swap3A_242 {strides = array<i32>} : memref<128xi32, #tpu.memory_space<vmem>>, vector<16xi32>,
    %shift_right_logical3A_243 = arith.constant 16 : i32
    %shift_right_logical3A_244 = vector.broadcast %shift_right_logical3A_243 : i32 to vector<16xi32>
    %shift_right_logical3A_245 = arith.shrui %get3A_235, %shift_right_logical3A_244 : vector<16xi32>
    %swap3A_246 = arith.constant 64 : index
    %swap3A_247 = tpu.vector_load %arg10[%swap3A_246] {strides = array<i32>} : memref<128xi32, #tpu.memory_space<vmem>>, vector<16xi32>,
    %swap3A_248 = vector.shape_cast %swap3A_247 : vector<16xi32> to vector<16xi32>
    %swap3A_249 = vector.shape_cast %shift_right_logical3A_245 : vector<16xi32> to vector<16xi32>
    tpu.vector_store %arg10[%swap3A_246], %swap3A_249 {strides = array<i32>} : memref<128xi32, #tpu.memory_space<vmem>>, vector<16xi32>,
    %get3A_250 = arith.constant 1 : i32
    %get3A_251 = arith.index_cast %get3A_250 : i32 to index
    %get3A_252 = arith.constant 80 : index
    %get3A_253 = tpu.vector_load %arg6[%get3A_251, %get3A_252] {strides = array<i32>} : memref<80x128xi32, #tpu.memory_space<vmem>>, vector<1x16xi32>,
    %get3A_254 = vector.shape_cast %get3A_253 : vector<1x16xi32> to vector<16xi32>
    %and3A_255 = arith.constant 65535 : i32
    %and3A_256 = vector.broadcast %and3A_255 : i32 to vector<16xi32>
    %and3A_257 = arith.andi %get3A_254, %and3A_256 : vector<16xi32>
    %swap3A_258 = arith.constant 80 : index
    %swap3A_259 = tpu.vector_load %arg9[%swap3A_258] {strides = array<i32>} : memref<128xi32, #tpu.memory_space<vmem>>, vector<16xi32>,
    %swap3A_260 = vector.shape_cast %swap3A_259 : vector<16xi32> to vector<16xi32>
    %swap3A_261 = vector.shape_cast %and3A_257 : vector<16xi32> to vector<16xi32>
    tpu.vector_store %arg9[%swap3A_258], %swap3A_261 {strides = array<i32>} : memref<128xi32, #tpu.memory_space<vmem>>, vector<16xi32>,
    %shift_right_logical3A_262 = arith.constant 16 : i32
    %shift_right_logical3A_263 = vector.broadcast %shift_right_logical3A_262 : i32 to vector<16xi32>
    %shift_right_logical3A_264 = arith.shrui %get3A_254, %shift_right_logical3A_263 : vector<16xi32>
    %swap3A_265 = arith.constant 80 : index
    %swap3A_266 = tpu.vector_load %arg10[%swap3A_265] {strides = array<i32>} : memref<128xi32, #tpu.memory_space<vmem>>, vector<16xi32>,
    %swap3A_267 = vector.shape_cast %swap3A_266 : vector<16xi32> to vector<16xi32>
    %swap3A_268 = vector.shape_cast %shift_right_logical3A_264 : vector<16xi32> to vector<16xi32>
    tpu.vector_store %arg10[%swap3A_265], %swap3A_268 {strides = array<i32>} : memref<128xi32, #tpu.memory_space<vmem>>, vector<16xi32>,
    %get3A_269 = arith.constant 1 : i32
    %get3A_270 = arith.index_cast %get3A_269 : i32 to index
    %get3A_271 = arith.constant 96 : index
    %get3A_272 = tpu.vector_load %arg6[%get3A_270, %get3A_271] {strides = array<i32>} : memref<80x128xi32, #tpu.memory_space<vmem>>, vector<1x16xi32>,
    %get3A_273 = vector.shape_cast %get3A_272 : vector<1x16xi32> to vector<16xi32>
    %and3A_274 = arith.constant 65535 : i32
    %and3A_275 = vector.broadcast %and3A_274 : i32 to vector<16xi32>
    %and3A_276 = arith.andi %get3A_273, %and3A_275 : vector<16xi32>
    %swap3A_277 = arith.constant 96 : index
    %swap3A_278 = tpu.vector_load %arg9[%swap3A_277] {strides = array<i32>} : memref<128xi32, #tpu.memory_space<vmem>>, vector<16xi32>,
    %swap3A_279 = vector.shape_cast %swap3A_278 : vector<16xi32> to vector<16xi32>
    %swap3A_280 = vector.shape_cast %and3A_276 : vector<16xi32> to vector<16xi32>
    tpu.vector_store %arg9[%swap3A_277], %swap3A_280 {strides = array<i32>} : memref<128xi32, #tpu.memory_space<vmem>>, vector<16xi32>,
    %shift_right_logical3A_281 = arith.constant 16 : i32
    %shift_right_logical3A_282 = vector.broadcast %shift_right_logical3A_281 : i32 to vector<16xi32>
    %shift_right_logical3A_283 = arith.shrui %get3A_273, %shift_right_logical3A_282 : vector<16xi32>
    %swap3A_284 = arith.constant 96 : index
    %swap3A_285 = tpu.vector_load %arg10[%swap3A_284] {strides = array<i32>} : memref<128xi32, #tpu.memory_space<vmem>>, vector<16xi32>,
    %swap3A_286 = vector.shape_cast %swap3A_285 : vector<16xi32> to vector<16xi32>
    %swap3A_287 = vector.shape_cast %shift_right_logical3A_283 : vector<16xi32> to vector<16xi32>
    tpu.vector_store %arg10[%swap3A_284], %swap3A_287 {strides = array<i32>} : memref<128xi32, #tpu.memory_space<vmem>>, vector<16xi32>,
    %get3A_288 = arith.constant 1 : i32
    %get3A_289 = arith.index_cast %get3A_288 : i32 to index
    %get3A_290 = arith.constant 112 : index
    %get3A_291 = tpu.vector_load %arg6[%get3A_289, %get3A_290] {strides = array<i32>} : memref<80x128xi32, #tpu.memory_space<vmem>>, vector<1x16xi32>,
    %get3A_292 = vector.shape_cast %get3A_291 : vector<1x16xi32> to vector<16xi32>
    %and3A_293 = arith.constant 65535 : i32
    %and3A_294 = vector.broadcast %and3A_293 : i32 to vector<16xi32>
    %and3A_295 = arith.andi %get3A_292, %and3A_294 : vector<16xi32>
    %swap3A_296 = arith.constant 112 : index
    %swap3A_297 = tpu.vector_load %arg9[%swap3A_296] {strides = array<i32>} : memref<128xi32, #tpu.memory_space<vmem>>, vector<16xi32>,
    %swap3A_298 = vector.shape_cast %swap3A_297 : vector<16xi32> to vector<16xi32>
    %swap3A_299 = vector.shape_cast %and3A_295 : vector<16xi32> to vector<16xi32>
    tpu.vector_store %arg9[%swap3A_296], %swap3A_299 {strides = array<i32>} : memref<128xi32, #tpu.memory_space<vmem>>, vector<16xi32>,
    %shift_right_logical3A_300 = arith.constant 16 : i32
    %shift_right_logical3A_301 = vector.broadcast %shift_right_logical3A_300 : i32 to vector<16xi32>
    %shift_right_logical3A_302 = arith.shrui %get3A_292, %shift_right_logical3A_301 : vector<16xi32>
    %swap3A_303 = arith.constant 112 : index
    %swap3A_304 = tpu.vector_load %arg10[%swap3A_303] {strides = array<i32>} : memref<128xi32, #tpu.memory_space<vmem>>, vector<16xi32>,
    %swap3A_305 = vector.shape_cast %swap3A_304 : vector<16xi32> to vector<16xi32>
    %swap3A_306 = vector.shape_cast %shift_right_logical3A_302 : vector<16xi32> to vector<16xi32>
    tpu.vector_store %arg10[%swap3A_303], %swap3A_306 {strides = array<i32>} : memref<128xi32, #tpu.memory_space<vmem>>, vector<16xi32>,
    %dma_start3A_307 = arith.constant 0 : i32
    %dma_start3A_308 = arith.constant 0 : i32
    %dma_start3A_309 = tpu.memref_slice %arg3[%dma_start3A_307, %dma_start3A_308] : memref<10112x128xf32, #tpu.memory_space<hbm>> -> memref<10112x128xf32, #tpu.memory_space<hbm>>
    tpu.enqueue_indirect_dma source(%dma_start3A_309 : memref<10112x128xf32, #tpu.memory_space<hbm>>) target(%arg12 : memref<128x128xf32, #tpu.memory_space<vmem>>) offsets(%arg9 : memref<128xi32, #tpu.memory_space<vmem>>) semaphore(%arg15 : memref<!tpu.dma_semaphore, #tpu.memory_space<semaphore_mem>>)
    %scan3A = arith.constant 0 : i32
    %scan3A_310 = arith.constant 0 : i32
    %scan3A_311 = arith.constant 40 : i32
    %scan3A_312 = arith.addi %scan3A_310, %scan3A_311 : i32
    %scan3A_313 = arith.constant 1 : i32
    scf.for %scan3A_320 = %scan3A_310 to %scan3A_312 step %scan3A_313  : i32 {
      %mul3A_321 = arith.constant 2 : i32
      %mul3A_322 = arith.muli %mul3A_321, %scan3A_320 : i32
      %dma_wait3A = arith.constant 0 : i32
      %dma_wait3A_323 = arith.constant 0 : i32
      %dma_wait3A_324 = tpu.memref_slice %arg3[%dma_wait3A, %dma_wait3A_323] : memref<10112x128xf32, #tpu.memory_space<hbm>> -> memref<10112x128xf32, #tpu.memory_space<hbm>>
      tpu.wait_indirect_dma semaphore(%arg14 : memref<!tpu.dma_semaphore, #tpu.memory_space<semaphore_mem>>) src(%dma_wait3A_324 : memref<10112x128xf32, #tpu.memory_space<hbm>>) dst(%arg11 : memref<128x128xf32, #tpu.memory_space<vmem>>)
      "tpu.region"() ({
        %run_scoped3A = tpu.sem_alloc : memref<!tpu.dma_semaphore, #tpu.memory_space<semaphore_mem>>
        %dma_start3A_335 = arith.constant 0 : i32
        %dma_start3A_336 = arith.constant 0 : i32
        %dma_start3A_337 = tpu.memref_slice %arg13[%dma_start3A_335, %dma_start3A_336] : memref<10112x128xf32, #tpu.memory_space<vmem_shared>> -> memref<10112x128xf32, #tpu.memory_space<vmem_shared>>
        tpu.enqueue_indirect_dma source(%arg11 : memref<128x128xf32, #tpu.memory_space<vmem>>) target(%dma_start3A_337 : memref<10112x128xf32, #tpu.memory_space<vmem_shared>>) offsets(%arg8 : memref<128xi32, #tpu.memory_space<vmem>>) semaphore(%run_scoped3A : memref<!tpu.dma_semaphore, #tpu.memory_space<semaphore_mem>>) {add = true}
        %dma_wait3A_338 = arith.constant 0 : i32
        %dma_wait3A_339 = arith.constant 0 : i32
        %dma_wait3A_340 = tpu.memref_slice %arg13[%dma_wait3A_338, %dma_wait3A_339] : memref<10112x128xf32, #tpu.memory_space<vmem_shared>> -> memref<10112x128xf32, #tpu.memory_space<vmem_shared>>
        tpu.wait_indirect_dma semaphore(%run_scoped3A : memref<!tpu.dma_semaphore, #tpu.memory_space<semaphore_mem>>) src(%arg11 : memref<128x128xf32, #tpu.memory_space<vmem>>) dst(%dma_wait3A_340 : memref<10112x128xf32, #tpu.memory_space<vmem_shared>>)
        tpu.yield
      }) : () -> ()
      %lt3A = arith.constant 39 : i32
      %lt3A_325 = arith.cmpi slt, %scan3A_320, %lt3A : i32
      %convert_element_type3A = arith.extui %lt3A_325 : i1 to i32
      %cond3A = arith.constant 0 : i32
      %cond3A_326 = arith.cmpi ne, %convert_element_type3A, %cond3A : i32
      scf.if %cond3A_326 {
        %add3A_335 = arith.constant 2 : i32
        %add3A_336 = arith.addi %mul3A_322, %add3A_335 : i32
        %get3A_337 = arith.index_cast %add3A_336 : i32 to index
        %get3A_338 = arith.constant 0 : index
        %get3A_339 = tpu.vector_load %arg6[%get3A_337, %get3A_338] {strides = array<i32>} : memref<80x128xi32, #tpu.memory_space<vmem>>, vector<1x16xi32>,
        %get3A_340 = vector.shape_cast %get3A_339 : vector<1x16xi32> to vector<16xi32>
        %and3A_341 = arith.constant 65535 : i32
        %and3A_342 = vector.broadcast %and3A_341 : i32 to vector<16xi32>
        %and3A_343 = arith.andi %get3A_340, %and3A_342 : vector<16xi32>
        %swap3A_344 = arith.constant 0 : index
        %swap3A_345 = tpu.vector_load %arg7[%swap3A_344] {strides = array<i32>} : memref<128xi32, #tpu.memory_space<vmem>>, vector<16xi32>,
        %swap3A_346 = vector.shape_cast %swap3A_345 : vector<16xi32> to vector<16xi32>
        %swap3A_347 = vector.shape_cast %and3A_343 : vector<16xi32> to vector<16xi32>
        tpu.vector_store %arg7[%swap3A_344], %swap3A_347 {strides = array<i32>} : memref<128xi32, #tpu.memory_space<vmem>>, vector<16xi32>,
        %shift_right_logical3A_348 = arith.constant 16 : i32
        %shift_right_logical3A_349 = vector.broadcast %shift_right_logical3A_348 : i32 to vector<16xi32>
        %shift_right_logical3A_350 = arith.shrui %get3A_340, %shift_right_logical3A_349 : vector<16xi32>
        %swap3A_351 = arith.constant 0 : index
        %swap3A_352 = tpu.vector_load %arg8[%swap3A_351] {strides = array<i32>} : memref<128xi32, #tpu.memory_space<vmem>>, vector<16xi32>,
        %swap3A_353 = vector.shape_cast %swap3A_352 : vector<16xi32> to vector<16xi32>
        %swap3A_354 = vector.shape_cast %shift_right_logical3A_350 : vector<16xi32> to vector<16xi32>
        tpu.vector_store %arg8[%swap3A_351], %swap3A_354 {strides = array<i32>} : memref<128xi32, #tpu.memory_space<vmem>>, vector<16xi32>,
        %get3A_355 = arith.index_cast %add3A_336 : i32 to index
        %get3A_356 = arith.constant 16 : index
        %get3A_357 = tpu.vector_load %arg6[%get3A_355, %get3A_356] {strides = array<i32>} : memref<80x128xi32, #tpu.memory_space<vmem>>, vector<1x16xi32>,
        %get3A_358 = vector.shape_cast %get3A_357 : vector<1x16xi32> to vector<16xi32>
        %and3A_359 = arith.constant 65535 : i32
        %and3A_360 = vector.broadcast %and3A_359 : i32 to vector<16xi32>
        %and3A_361 = arith.andi %get3A_358, %and3A_360 : vector<16xi32>
        %swap3A_362 = arith.constant 16 : index
        %swap3A_363 = tpu.vector_load %arg7[%swap3A_362] {strides = array<i32>} : memref<128xi32, #tpu.memory_space<vmem>>, vector<16xi32>,
        %swap3A_364 = vector.shape_cast %swap3A_363 : vector<16xi32> to vector<16xi32>
        %swap3A_365 = vector.shape_cast %and3A_361 : vector<16xi32> to vector<16xi32>
        tpu.vector_store %arg7[%swap3A_362], %swap3A_365 {strides = array<i32>} : memref<128xi32, #tpu.memory_space<vmem>>, vector<16xi32>,
        %shift_right_logical3A_366 = arith.constant 16 : i32
        %shift_right_logical3A_367 = vector.broadcast %shift_right_logical3A_366 : i32 to vector<16xi32>
        %shift_right_logical3A_368 = arith.shrui %get3A_358, %shift_right_logical3A_367 : vector<16xi32>
        %swap3A_369 = arith.constant 16 : index
        %swap3A_370 = tpu.vector_load %arg8[%swap3A_369] {strides = array<i32>} : memref<128xi32, #tpu.memory_space<vmem>>, vector<16xi32>,
        %swap3A_371 = vector.shape_cast %swap3A_370 : vector<16xi32> to vector<16xi32>
        %swap3A_372 = vector.shape_cast %shift_right_logical3A_368 : vector<16xi32> to vector<16xi32>
        tpu.vector_store %arg8[%swap3A_369], %swap3A_372 {strides = array<i32>} : memref<128xi32, #tpu.memory_space<vmem>>, vector<16xi32>,
        %get3A_373 = arith.index_cast %add3A_336 : i32 to index
        %get3A_374 = arith.constant 32 : index
        %get3A_375 = tpu.vector_load %arg6[%get3A_373, %get3A_374] {strides = array<i32>} : memref<80x128xi32, #tpu.memory_space<vmem>>, vector<1x16xi32>,
        %get3A_376 = vector.shape_cast %get3A_375 : vector<1x16xi32> to vector<16xi32>
        %and3A_377 = arith.constant 65535 : i32
        %and3A_378 = vector.broadcast %and3A_377 : i32 to vector<16xi32>
        %and3A_379 = arith.andi %get3A_376, %and3A_378 : vector<16xi32>
        %swap3A_380 = arith.constant 32 : index
        %swap3A_381 = tpu.vector_load %arg7[%swap3A_380] {strides = array<i32>} : memref<128xi32, #tpu.memory_space<vmem>>, vector<16xi32>,
        %swap3A_382 = vector.shape_cast %swap3A_381 : vector<16xi32> to vector<16xi32>
        %swap3A_383 = vector.shape_cast %and3A_379 : vector<16xi32> to vector<16xi32>
        tpu.vector_store %arg7[%swap3A_380], %swap3A_383 {strides = array<i32>} : memref<128xi32, #tpu.memory_space<vmem>>, vector<16xi32>,
        %shift_right_logical3A_384 = arith.constant 16 : i32
        %shift_right_logical3A_385 = vector.broadcast %shift_right_logical3A_384 : i32 to vector<16xi32>
        %shift_right_logical3A_386 = arith.shrui %get3A_376, %shift_right_logical3A_385 : vector<16xi32>
        %swap3A_387 = arith.constant 32 : index
        %swap3A_388 = tpu.vector_load %arg8[%swap3A_387] {strides = array<i32>} : memref<128xi32, #tpu.memory_space<vmem>>, vector<16xi32>,
        %swap3A_389 = vector.shape_cast %swap3A_388 : vector<16xi32> to vector<16xi32>
        %swap3A_390 = vector.shape_cast %shift_right_logical3A_386 : vector<16xi32> to vector<16xi32>
        tpu.vector_store %arg8[%swap3A_387], %swap3A_390 {strides = array<i32>} : memref<128xi32, #tpu.memory_space<vmem>>, vector<16xi32>,
        %get3A_391 = arith.index_cast %add3A_336 : i32 to index
        %get3A_392 = arith.constant 48 : index
        %get3A_393 = tpu.vector_load %arg6[%get3A_391, %get3A_392] {strides = array<i32>} : memref<80x128xi32, #tpu.memory_space<vmem>>, vector<1x16xi32>,
        %get3A_394 = vector.shape_cast %get3A_393 : vector<1x16xi32> to vector<16xi32>
        %and3A_395 = arith.constant 65535 : i32
        %and3A_396 = vector.broadcast %and3A_395 : i32 to vector<16xi32>
        %and3A_397 = arith.andi %get3A_394, %and3A_396 : vector<16xi32>
        %swap3A_398 = arith.constant 48 : index
        %swap3A_399 = tpu.vector_load %arg7[%swap3A_398] {strides = array<i32>} : memref<128xi32, #tpu.memory_space<vmem>>, vector<16xi32>,
        %swap3A_400 = vector.shape_cast %swap3A_399 : vector<16xi32> to vector<16xi32>
        %swap3A_401 = vector.shape_cast %and3A_397 : vector<16xi32> to vector<16xi32>
        tpu.vector_store %arg7[%swap3A_398], %swap3A_401 {strides = array<i32>} : memref<128xi32, #tpu.memory_space<vmem>>, vector<16xi32>,
        %shift_right_logical3A_402 = arith.constant 16 : i32
        %shift_right_logical3A_403 = vector.broadcast %shift_right_logical3A_402 : i32 to vector<16xi32>
        %shift_right_logical3A_404 = arith.shrui %get3A_394, %shift_right_logical3A_403 : vector<16xi32>
        %swap3A_405 = arith.constant 48 : index
        %swap3A_406 = tpu.vector_load %arg8[%swap3A_405] {strides = array<i32>} : memref<128xi32, #tpu.memory_space<vmem>>, vector<16xi32>,
        %swap3A_407 = vector.shape_cast %swap3A_406 : vector<16xi32> to vector<16xi32>
        %swap3A_408 = vector.shape_cast %shift_right_logical3A_404 : vector<16xi32> to vector<16xi32>
        tpu.vector_store %arg8[%swap3A_405], %swap3A_408 {strides = array<i32>} : memref<128xi32, #tpu.memory_space<vmem>>, vector<16xi32>,
        %get3A_409 = arith.index_cast %add3A_336 : i32 to index
        %get3A_410 = arith.constant 64 : index
        %get3A_411 = tpu.vector_load %arg6[%get3A_409, %get3A_410] {strides = array<i32>} : memref<80x128xi32, #tpu.memory_space<vmem>>, vector<1x16xi32>,
        %get3A_412 = vector.shape_cast %get3A_411 : vector<1x16xi32> to vector<16xi32>
        %and3A_413 = arith.constant 65535 : i32
        %and3A_414 = vector.broadcast %and3A_413 : i32 to vector<16xi32>
        %and3A_415 = arith.andi %get3A_412, %and3A_414 : vector<16xi32>
        %swap3A_416 = arith.constant 64 : index
        %swap3A_417 = tpu.vector_load %arg7[%swap3A_416] {strides = array<i32>} : memref<128xi32, #tpu.memory_space<vmem>>, vector<16xi32>,
        %swap3A_418 = vector.shape_cast %swap3A_417 : vector<16xi32> to vector<16xi32>
        %swap3A_419 = vector.shape_cast %and3A_415 : vector<16xi32> to vector<16xi32>
        tpu.vector_store %arg7[%swap3A_416], %swap3A_419 {strides = array<i32>} : memref<128xi32, #tpu.memory_space<vmem>>, vector<16xi32>,
        %shift_right_logical3A_420 = arith.constant 16 : i32
        %shift_right_logical3A_421 = vector.broadcast %shift_right_logical3A_420 : i32 to vector<16xi32>
        %shift_right_logical3A_422 = arith.shrui %get3A_412, %shift_right_logical3A_421 : vector<16xi32>
        %swap3A_423 = arith.constant 64 : index
        %swap3A_424 = tpu.vector_load %arg8[%swap3A_423] {strides = array<i32>} : memref<128xi32, #tpu.memory_space<vmem>>, vector<16xi32>,
        %swap3A_425 = vector.shape_cast %swap3A_424 : vector<16xi32> to vector<16xi32>
        %swap3A_426 = vector.shape_cast %shift_right_logical3A_422 : vector<16xi32> to vector<16xi32>
        tpu.vector_store %arg8[%swap3A_423], %swap3A_426 {strides = array<i32>} : memref<128xi32, #tpu.memory_space<vmem>>, vector<16xi32>,
        %get3A_427 = arith.index_cast %add3A_336 : i32 to index
        %get3A_428 = arith.constant 80 : index
        %get3A_429 = tpu.vector_load %arg6[%get3A_427, %get3A_428] {strides = array<i32>} : memref<80x128xi32, #tpu.memory_space<vmem>>, vector<1x16xi32>,
        %get3A_430 = vector.shape_cast %get3A_429 : vector<1x16xi32> to vector<16xi32>
        %and3A_431 = arith.constant 65535 : i32
        %and3A_432 = vector.broadcast %and3A_431 : i32 to vector<16xi32>
        %and3A_433 = arith.andi %get3A_430, %and3A_432 : vector<16xi32>
        %swap3A_434 = arith.constant 80 : index
        %swap3A_435 = tpu.vector_load %arg7[%swap3A_434] {strides = array<i32>} : memref<128xi32, #tpu.memory_space<vmem>>, vector<16xi32>,
        %swap3A_436 = vector.shape_cast %swap3A_435 : vector<16xi32> to vector<16xi32>
        %swap3A_437 = vector.shape_cast %and3A_433 : vector<16xi32> to vector<16xi32>
        tpu.vector_store %arg7[%swap3A_434], %swap3A_437 {strides = array<i32>} : memref<128xi32, #tpu.memory_space<vmem>>, vector<16xi32>,
        %shift_right_logical3A_438 = arith.constant 16 : i32
        %shift_right_logical3A_439 = vector.broadcast %shift_right_logical3A_438 : i32 to vector<16xi32>
        %shift_right_logical3A_440 = arith.shrui %get3A_430, %shift_right_logical3A_439 : vector<16xi32>
        %swap3A_441 = arith.constant 80 : index
        %swap3A_442 = tpu.vector_load %arg8[%swap3A_441] {strides = array<i32>} : memref<128xi32, #tpu.memory_space<vmem>>, vector<16xi32>,
        %swap3A_443 = vector.shape_cast %swap3A_442 : vector<16xi32> to vector<16xi32>
        %swap3A_444 = vector.shape_cast %shift_right_logical3A_440 : vector<16xi32> to vector<16xi32>
        tpu.vector_store %arg8[%swap3A_441], %swap3A_444 {strides = array<i32>} : memref<128xi32, #tpu.memory_space<vmem>>, vector<16xi32>,
        %get3A_445 = arith.index_cast %add3A_336 : i32 to index
        %get3A_446 = arith.constant 96 : index
        %get3A_447 = tpu.vector_load %arg6[%get3A_445, %get3A_446] {strides = array<i32>} : memref<80x128xi32, #tpu.memory_space<vmem>>, vector<1x16xi32>,
        %get3A_448 = vector.shape_cast %get3A_447 : vector<1x16xi32> to vector<16xi32>
        %and3A_449 = arith.constant 65535 : i32
        %and3A_450 = vector.broadcast %and3A_449 : i32 to vector<16xi32>
        %and3A_451 = arith.andi %get3A_448, %and3A_450 : vector<16xi32>
        %swap3A_452 = arith.constant 96 : index
        %swap3A_453 = tpu.vector_load %arg7[%swap3A_452] {strides = array<i32>} : memref<128xi32, #tpu.memory_space<vmem>>, vector<16xi32>,
        %swap3A_454 = vector.shape_cast %swap3A_453 : vector<16xi32> to vector<16xi32>
        %swap3A_455 = vector.shape_cast %and3A_451 : vector<16xi32> to vector<16xi32>
        tpu.vector_store %arg7[%swap3A_452], %swap3A_455 {strides = array<i32>} : memref<128xi32, #tpu.memory_space<vmem>>, vector<16xi32>,
        %shift_right_logical3A_456 = arith.constant 16 : i32
        %shift_right_logical3A_457 = vector.broadcast %shift_right_logical3A_456 : i32 to vector<16xi32>
        %shift_right_logical3A_458 = arith.shrui %get3A_448, %shift_right_logical3A_457 : vector<16xi32>
        %swap3A_459 = arith.constant 96 : index
        %swap3A_460 = tpu.vector_load %arg8[%swap3A_459] {strides = array<i32>} : memref<128xi32, #tpu.memory_space<vmem>>, vector<16xi32>,
        %swap3A_461 = vector.shape_cast %swap3A_460 : vector<16xi32> to vector<16xi32>
        %swap3A_462 = vector.shape_cast %shift_right_logical3A_458 : vector<16xi32> to vector<16xi32>
        tpu.vector_store %arg8[%swap3A_459], %swap3A_462 {strides = array<i32>} : memref<128xi32, #tpu.memory_space<vmem>>, vector<16xi32>,
        %get3A_463 = arith.index_cast %add3A_336 : i32 to index
        %get3A_464 = arith.constant 112 : index
        %get3A_465 = tpu.vector_load %arg6[%get3A_463, %get3A_464] {strides = array<i32>} : memref<80x128xi32, #tpu.memory_space<vmem>>, vector<1x16xi32>,
        %get3A_466 = vector.shape_cast %get3A_465 : vector<1x16xi32> to vector<16xi32>
        %and3A_467 = arith.constant 65535 : i32
        %and3A_468 = vector.broadcast %and3A_467 : i32 to vector<16xi32>
        %and3A_469 = arith.andi %get3A_466, %and3A_468 : vector<16xi32>
        %swap3A_470 = arith.constant 112 : index
        %swap3A_471 = tpu.vector_load %arg7[%swap3A_470] {strides = array<i32>} : memref<128xi32, #tpu.memory_space<vmem>>, vector<16xi32>,
        %swap3A_472 = vector.shape_cast %swap3A_471 : vector<16xi32> to vector<16xi32>
        %swap3A_473 = vector.shape_cast %and3A_469 : vector<16xi32> to vector<16xi32>
        tpu.vector_store %arg7[%swap3A_470], %swap3A_473 {strides = array<i32>} : memref<128xi32, #tpu.memory_space<vmem>>, vector<16xi32>,
        %shift_right_logical3A_474 = arith.constant 16 : i32
        %shift_right_logical3A_475 = vector.broadcast %shift_right_logical3A_474 : i32 to vector<16xi32>
        %shift_right_logical3A_476 = arith.shrui %get3A_466, %shift_right_logical3A_475 : vector<16xi32>
        %swap3A_477 = arith.constant 112 : index
        %swap3A_478 = tpu.vector_load %arg8[%swap3A_477] {strides = array<i32>} : memref<128xi32, #tpu.memory_space<vmem>>, vector<16xi32>,
        %swap3A_479 = vector.shape_cast %swap3A_478 : vector<16xi32> to vector<16xi32>
        %swap3A_480 = vector.shape_cast %shift_right_logical3A_476 : vector<16xi32> to vector<16xi32>
        tpu.vector_store %arg8[%swap3A_477], %swap3A_480 {strides = array<i32>} : memref<128xi32, #tpu.memory_space<vmem>>, vector<16xi32>,
        %dma_start3A_481 = arith.constant 0 : i32
        %dma_start3A_482 = arith.constant 0 : i32
        %dma_start3A_483 = tpu.memref_slice %arg3[%dma_start3A_481, %dma_start3A_482] : memref<10112x128xf32, #tpu.memory_space<hbm>> -> memref<10112x128xf32, #tpu.memory_space<hbm>>
        tpu.enqueue_indirect_dma source(%dma_start3A_483 : memref<10112x128xf32, #tpu.memory_space<hbm>>) target(%arg11 : memref<128x128xf32, #tpu.memory_space<vmem>>) offsets(%arg7 : memref<128xi32, #tpu.memory_space<vmem>>) semaphore(%arg14 : memref<!tpu.dma_semaphore, #tpu.memory_space<semaphore_mem>>)
      } else {
      }
      %dma_wait3A_327 = arith.constant 0 : i32
      %dma_wait3A_328 = arith.constant 0 : i32
      %dma_wait3A_329 = tpu.memref_slice %arg3[%dma_wait3A_327, %dma_wait3A_328] : memref<10112x128xf32, #tpu.memory_space<hbm>> -> memref<10112x128xf32, #tpu.memory_space<hbm>>
      tpu.wait_indirect_dma semaphore(%arg15 : memref<!tpu.dma_semaphore, #tpu.memory_space<semaphore_mem>>) src(%dma_wait3A_329 : memref<10112x128xf32, #tpu.memory_space<hbm>>) dst(%arg12 : memref<128x128xf32, #tpu.memory_space<vmem>>)
      "tpu.region"() ({
        %run_scoped3A = tpu.sem_alloc : memref<!tpu.dma_semaphore, #tpu.memory_space<semaphore_mem>>
        %dma_start3A_335 = arith.constant 0 : i32
        %dma_start3A_336 = arith.constant 0 : i32
        %dma_start3A_337 = tpu.memref_slice %arg13[%dma_start3A_335, %dma_start3A_336] : memref<10112x128xf32, #tpu.memory_space<vmem_shared>> -> memref<10112x128xf32, #tpu.memory_space<vmem_shared>>
        tpu.enqueue_indirect_dma source(%arg12 : memref<128x128xf32, #tpu.memory_space<vmem>>) target(%dma_start3A_337 : memref<10112x128xf32, #tpu.memory_space<vmem_shared>>) offsets(%arg10 : memref<128xi32, #tpu.memory_space<vmem>>) semaphore(%run_scoped3A : memref<!tpu.dma_semaphore, #tpu.memory_space<semaphore_mem>>) {add = true}
        %dma_wait3A_338 = arith.constant 0 : i32
        %dma_wait3A_339 = arith.constant 0 : i32
        %dma_wait3A_340 = tpu.memref_slice %arg13[%dma_wait3A_338, %dma_wait3A_339] : memref<10112x128xf32, #tpu.memory_space<vmem_shared>> -> memref<10112x128xf32, #tpu.memory_space<vmem_shared>>
        tpu.wait_indirect_dma semaphore(%run_scoped3A : memref<!tpu.dma_semaphore, #tpu.memory_space<semaphore_mem>>) src(%arg12 : memref<128x128xf32, #tpu.memory_space<vmem>>) dst(%dma_wait3A_340 : memref<10112x128xf32, #tpu.memory_space<vmem_shared>>)
        tpu.yield
      }) : () -> ()
      %lt3A_330 = arith.constant 39 : i32
      %lt3A_331 = arith.cmpi slt, %scan3A_320, %lt3A_330 : i32
      %convert_element_type3A_332 = arith.extui %lt3A_331 : i1 to i32
      %cond3A_333 = arith.constant 0 : i32
      %cond3A_334 = arith.cmpi ne, %convert_element_type3A_332, %cond3A_333 : i32
      scf.if %cond3A_334 {
        %add3A_335 = arith.constant 3 : i32
        %add3A_336 = arith.addi %mul3A_322, %add3A_335 : i32
        %get3A_337 = arith.index_cast %add3A_336 : i32 to index
        %get3A_338 = arith.constant 0 : index
        %get3A_339 = tpu.vector_load %arg6[%get3A_337, %get3A_338] {strides = array<i32>} : memref<80x128xi32, #tpu.memory_space<vmem>>, vector<1x16xi32>,
        %get3A_340 = vector.shape_cast %get3A_339 : vector<1x16xi32> to vector<16xi32>
        %and3A_341 = arith.constant 65535 : i32
        %and3A_342 = vector.broadcast %and3A_341 : i32 to vector<16xi32>
        %and3A_343 = arith.andi %get3A_340, %and3A_342 : vector<16xi32>
        %swap3A_344 = arith.constant 0 : index
        %swap3A_345 = tpu.vector_load %arg9[%swap3A_344] {strides = array<i32>} : memref<128xi32, #tpu.memory_space<vmem>>, vector<16xi32>,
        %swap3A_346 = vector.shape_cast %swap3A_345 : vector<16xi32> to vector<16xi32>
        %swap3A_347 = vector.shape_cast %and3A_343 : vector<16xi32> to vector<16xi32>
        tpu.vector_store %arg9[%swap3A_344], %swap3A_347 {strides = array<i32>} : memref<128xi32, #tpu.memory_space<vmem>>, vector<16xi32>,
        %shift_right_logical3A_348 = arith.constant 16 : i32
        %shift_right_logical3A_349 = vector.broadcast %shift_right_logical3A_348 : i32 to vector<16xi32>
        %shift_right_logical3A_350 = arith.shrui %get3A_340, %shift_right_logical3A_349 : vector<16xi32>
        %swap3A_351 = arith.constant 0 : index
        %swap3A_352 = tpu.vector_load %arg10[%swap3A_351] {strides = array<i32>} : memref<128xi32, #tpu.memory_space<vmem>>, vector<16xi32>,
        %swap3A_353 = vector.shape_cast %swap3A_352 : vector<16xi32> to vector<16xi32>
        %swap3A_354 = vector.shape_cast %shift_right_logical3A_350 : vector<16xi32> to vector<16xi32>
        tpu.vector_store %arg10[%swap3A_351], %swap3A_354 {strides = array<i32>} : memref<128xi32, #tpu.memory_space<vmem>>, vector<16xi32>,
        %get3A_355 = arith.index_cast %add3A_336 : i32 to index
        %get3A_356 = arith.constant 16 : index
        %get3A_357 = tpu.vector_load %arg6[%get3A_355, %get3A_356] {strides = array<i32>} : memref<80x128xi32, #tpu.memory_space<vmem>>, vector<1x16xi32>,
        %get3A_358 = vector.shape_cast %get3A_357 : vector<1x16xi32> to vector<16xi32>
        %and3A_359 = arith.constant 65535 : i32
        %and3A_360 = vector.broadcast %and3A_359 : i32 to vector<16xi32>
        %and3A_361 = arith.andi %get3A_358, %and3A_360 : vector<16xi32>
        %swap3A_362 = arith.constant 16 : index
        %swap3A_363 = tpu.vector_load %arg9[%swap3A_362] {strides = array<i32>} : memref<128xi32, #tpu.memory_space<vmem>>, vector<16xi32>,
        %swap3A_364 = vector.shape_cast %swap3A_363 : vector<16xi32> to vector<16xi32>
        %swap3A_365 = vector.shape_cast %and3A_361 : vector<16xi32> to vector<16xi32>
        tpu.vector_store %arg9[%swap3A_362], %swap3A_365 {strides = array<i32>} : memref<128xi32, #tpu.memory_space<vmem>>, vector<16xi32>,
        %shift_right_logical3A_366 = arith.constant 16 : i32
        %shift_right_logical3A_367 = vector.broadcast %shift_right_logical3A_366 : i32 to vector<16xi32>
        %shift_right_logical3A_368 = arith.shrui %get3A_358, %shift_right_logical3A_367 : vector<16xi32>
        %swap3A_369 = arith.constant 16 : index
        %swap3A_370 = tpu.vector_load %arg10[%swap3A_369] {strides = array<i32>} : memref<128xi32, #tpu.memory_space<vmem>>, vector<16xi32>,
        %swap3A_371 = vector.shape_cast %swap3A_370 : vector<16xi32> to vector<16xi32>
        %swap3A_372 = vector.shape_cast %shift_right_logical3A_368 : vector<16xi32> to vector<16xi32>
        tpu.vector_store %arg10[%swap3A_369], %swap3A_372 {strides = array<i32>} : memref<128xi32, #tpu.memory_space<vmem>>, vector<16xi32>,
        %get3A_373 = arith.index_cast %add3A_336 : i32 to index
        %get3A_374 = arith.constant 32 : index
        %get3A_375 = tpu.vector_load %arg6[%get3A_373, %get3A_374] {strides = array<i32>} : memref<80x128xi32, #tpu.memory_space<vmem>>, vector<1x16xi32>,
        %get3A_376 = vector.shape_cast %get3A_375 : vector<1x16xi32> to vector<16xi32>
        %and3A_377 = arith.constant 65535 : i32
        %and3A_378 = vector.broadcast %and3A_377 : i32 to vector<16xi32>
        %and3A_379 = arith.andi %get3A_376, %and3A_378 : vector<16xi32>
        %swap3A_380 = arith.constant 32 : index
        %swap3A_381 = tpu.vector_load %arg9[%swap3A_380] {strides = array<i32>} : memref<128xi32, #tpu.memory_space<vmem>>, vector<16xi32>,
        %swap3A_382 = vector.shape_cast %swap3A_381 : vector<16xi32> to vector<16xi32>
        %swap3A_383 = vector.shape_cast %and3A_379 : vector<16xi32> to vector<16xi32>
        tpu.vector_store %arg9[%swap3A_380], %swap3A_383 {strides = array<i32>} : memref<128xi32, #tpu.memory_space<vmem>>, vector<16xi32>,
        %shift_right_logical3A_384 = arith.constant 16 : i32
        %shift_right_logical3A_385 = vector.broadcast %shift_right_logical3A_384 : i32 to vector<16xi32>
        %shift_right_logical3A_386 = arith.shrui %get3A_376, %shift_right_logical3A_385 : vector<16xi32>
        %swap3A_387 = arith.constant 32 : index
        %swap3A_388 = tpu.vector_load %arg10[%swap3A_387] {strides = array<i32>} : memref<128xi32, #tpu.memory_space<vmem>>, vector<16xi32>,
        %swap3A_389 = vector.shape_cast %swap3A_388 : vector<16xi32> to vector<16xi32>
        %swap3A_390 = vector.shape_cast %shift_right_logical3A_386 : vector<16xi32> to vector<16xi32>
        tpu.vector_store %arg10[%swap3A_387], %swap3A_390 {strides = array<i32>} : memref<128xi32, #tpu.memory_space<vmem>>, vector<16xi32>,
        %get3A_391 = arith.index_cast %add3A_336 : i32 to index
        %get3A_392 = arith.constant 48 : index
        %get3A_393 = tpu.vector_load %arg6[%get3A_391, %get3A_392] {strides = array<i32>} : memref<80x128xi32, #tpu.memory_space<vmem>>, vector<1x16xi32>,
        %get3A_394 = vector.shape_cast %get3A_393 : vector<1x16xi32> to vector<16xi32>
        %and3A_395 = arith.constant 65535 : i32
        %and3A_396 = vector.broadcast %and3A_395 : i32 to vector<16xi32>
        %and3A_397 = arith.andi %get3A_394, %and3A_396 : vector<16xi32>
        %swap3A_398 = arith.constant 48 : index
        %swap3A_399 = tpu.vector_load %arg9[%swap3A_398] {strides = array<i32>} : memref<128xi32, #tpu.memory_space<vmem>>, vector<16xi32>,
        %swap3A_400 = vector.shape_cast %swap3A_399 : vector<16xi32> to vector<16xi32>
        %swap3A_401 = vector.shape_cast %and3A_397 : vector<16xi32> to vector<16xi32>
        tpu.vector_store %arg9[%swap3A_398], %swap3A_401 {strides = array<i32>} : memref<128xi32, #tpu.memory_space<vmem>>, vector<16xi32>,
        %shift_right_logical3A_402 = arith.constant 16 : i32
        %shift_right_logical3A_403 = vector.broadcast %shift_right_logical3A_402 : i32 to vector<16xi32>
        %shift_right_logical3A_404 = arith.shrui %get3A_394, %shift_right_logical3A_403 : vector<16xi32>
        %swap3A_405 = arith.constant 48 : index
        %swap3A_406 = tpu.vector_load %arg10[%swap3A_405] {strides = array<i32>} : memref<128xi32, #tpu.memory_space<vmem>>, vector<16xi32>,
        %swap3A_407 = vector.shape_cast %swap3A_406 : vector<16xi32> to vector<16xi32>
        %swap3A_408 = vector.shape_cast %shift_right_logical3A_404 : vector<16xi32> to vector<16xi32>
        tpu.vector_store %arg10[%swap3A_405], %swap3A_408 {strides = array<i32>} : memref<128xi32, #tpu.memory_space<vmem>>, vector<16xi32>,
        %get3A_409 = arith.index_cast %add3A_336 : i32 to index
        %get3A_410 = arith.constant 64 : index
        %get3A_411 = tpu.vector_load %arg6[%get3A_409, %get3A_410] {strides = array<i32>} : memref<80x128xi32, #tpu.memory_space<vmem>>, vector<1x16xi32>,
        %get3A_412 = vector.shape_cast %get3A_411 : vector<1x16xi32> to vector<16xi32>
        %and3A_413 = arith.constant 65535 : i32
        %and3A_414 = vector.broadcast %and3A_413 : i32 to vector<16xi32>
        %and3A_415 = arith.andi %get3A_412, %and3A_414 : vector<16xi32>
        %swap3A_416 = arith.constant 64 : index
        %swap3A_417 = tpu.vector_load %arg9[%swap3A_416] {strides = array<i32>} : memref<128xi32, #tpu.memory_space<vmem>>, vector<16xi32>,
        %swap3A_418 = vector.shape_cast %swap3A_417 : vector<16xi32> to vector<16xi32>
        %swap3A_419 = vector.shape_cast %and3A_415 : vector<16xi32> to vector<16xi32>
        tpu.vector_store %arg9[%swap3A_416], %swap3A_419 {strides = array<i32>} : memref<128xi32, #tpu.memory_space<vmem>>, vector<16xi32>,
        %shift_right_logical3A_420 = arith.constant 16 : i32
        %shift_right_logical3A_421 = vector.broadcast %shift_right_logical3A_420 : i32 to vector<16xi32>
        %shift_right_logical3A_422 = arith.shrui %get3A_412, %shift_right_logical3A_421 : vector<16xi32>
        %swap3A_423 = arith.constant 64 : index
        %swap3A_424 = tpu.vector_load %arg10[%swap3A_423] {strides = array<i32>} : memref<128xi32, #tpu.memory_space<vmem>>, vector<16xi32>,
        %swap3A_425 = vector.shape_cast %swap3A_424 : vector<16xi32> to vector<16xi32>
        %swap3A_426 = vector.shape_cast %shift_right_logical3A_422 : vector<16xi32> to vector<16xi32>
        tpu.vector_store %arg10[%swap3A_423], %swap3A_426 {strides = array<i32>} : memref<128xi32, #tpu.memory_space<vmem>>, vector<16xi32>,
        %get3A_427 = arith.index_cast %add3A_336 : i32 to index
        %get3A_428 = arith.constant 80 : index
        %get3A_429 = tpu.vector_load %arg6[%get3A_427, %get3A_428] {strides = array<i32>} : memref<80x128xi32, #tpu.memory_space<vmem>>, vector<1x16xi32>,
        %get3A_430 = vector.shape_cast %get3A_429 : vector<1x16xi32> to vector<16xi32>
        %and3A_431 = arith.constant 65535 : i32
        %and3A_432 = vector.broadcast %and3A_431 : i32 to vector<16xi32>
        %and3A_433 = arith.andi %get3A_430, %and3A_432 : vector<16xi32>
        %swap3A_434 = arith.constant 80 : index
        %swap3A_435 = tpu.vector_load %arg9[%swap3A_434] {strides = array<i32>} : memref<128xi32, #tpu.memory_space<vmem>>, vector<16xi32>,
        %swap3A_436 = vector.shape_cast %swap3A_435 : vector<16xi32> to vector<16xi32>
        %swap3A_437 = vector.shape_cast %and3A_433 : vector<16xi32> to vector<16xi32>
        tpu.vector_store %arg9[%swap3A_434], %swap3A_437 {strides = array<i32>} : memref<128xi32, #tpu.memory_space<vmem>>, vector<16xi32>,
        %shift_right_logical3A_438 = arith.constant 16 : i32
        %shift_right_logical3A_439 = vector.broadcast %shift_right_logical3A_438 : i32 to vector<16xi32>
        %shift_right_logical3A_440 = arith.shrui %get3A_430, %shift_right_logical3A_439 : vector<16xi32>
        %swap3A_441 = arith.constant 80 : index
        %swap3A_442 = tpu.vector_load %arg10[%swap3A_441] {strides = array<i32>} : memref<128xi32, #tpu.memory_space<vmem>>, vector<16xi32>,
        %swap3A_443 = vector.shape_cast %swap3A_442 : vector<16xi32> to vector<16xi32>
        %swap3A_444 = vector.shape_cast %shift_right_logical3A_440 : vector<16xi32> to vector<16xi32>
        tpu.vector_store %arg10[%swap3A_441], %swap3A_444 {strides = array<i32>} : memref<128xi32, #tpu.memory_space<vmem>>, vector<16xi32>,
        %get3A_445 = arith.index_cast %add3A_336 : i32 to index
        %get3A_446 = arith.constant 96 : index
        %get3A_447 = tpu.vector_load %arg6[%get3A_445, %get3A_446] {strides = array<i32>} : memref<80x128xi32, #tpu.memory_space<vmem>>, vector<1x16xi32>,
        %get3A_448 = vector.shape_cast %get3A_447 : vector<1x16xi32> to vector<16xi32>
        %and3A_449 = arith.constant 65535 : i32
        %and3A_450 = vector.broadcast %and3A_449 : i32 to vector<16xi32>
        %and3A_451 = arith.andi %get3A_448, %and3A_450 : vector<16xi32>
        %swap3A_452 = arith.constant 96 : index
        %swap3A_453 = tpu.vector_load %arg9[%swap3A_452] {strides = array<i32>} : memref<128xi32, #tpu.memory_space<vmem>>, vector<16xi32>,
        %swap3A_454 = vector.shape_cast %swap3A_453 : vector<16xi32> to vector<16xi32>
        %swap3A_455 = vector.shape_cast %and3A_451 : vector<16xi32> to vector<16xi32>
        tpu.vector_store %arg9[%swap3A_452], %swap3A_455 {strides = array<i32>} : memref<128xi32, #tpu.memory_space<vmem>>, vector<16xi32>,
        %shift_right_logical3A_456 = arith.constant 16 : i32
        %shift_right_logical3A_457 = vector.broadcast %shift_right_logical3A_456 : i32 to vector<16xi32>
        %shift_right_logical3A_458 = arith.shrui %get3A_448, %shift_right_logical3A_457 : vector<16xi32>
        %swap3A_459 = arith.constant 96 : index
        %swap3A_460 = tpu.vector_load %arg10[%swap3A_459] {strides = array<i32>} : memref<128xi32, #tpu.memory_space<vmem>>, vector<16xi32>,
        %swap3A_461 = vector.shape_cast %swap3A_460 : vector<16xi32> to vector<16xi32>
        %swap3A_462 = vector.shape_cast %shift_right_logical3A_458 : vector<16xi32> to vector<16xi32>
        tpu.vector_store %arg10[%swap3A_459], %swap3A_462 {strides = array<i32>} : memref<128xi32, #tpu.memory_space<vmem>>, vector<16xi32>,
        %get3A_463 = arith.index_cast %add3A_336 : i32 to index
        %get3A_464 = arith.constant 112 : index
        %get3A_465 = tpu.vector_load %arg6[%get3A_463, %get3A_464] {strides = array<i32>} : memref<80x128xi32, #tpu.memory_space<vmem>>, vector<1x16xi32>,
        %get3A_466 = vector.shape_cast %get3A_465 : vector<1x16xi32> to vector<16xi32>
        %and3A_467 = arith.constant 65535 : i32
        %and3A_468 = vector.broadcast %and3A_467 : i32 to vector<16xi32>
        %and3A_469 = arith.andi %get3A_466, %and3A_468 : vector<16xi32>
        %swap3A_470 = arith.constant 112 : index
        %swap3A_471 = tpu.vector_load %arg9[%swap3A_470] {strides = array<i32>} : memref<128xi32, #tpu.memory_space<vmem>>, vector<16xi32>,
        %swap3A_472 = vector.shape_cast %swap3A_471 : vector<16xi32> to vector<16xi32>
        %swap3A_473 = vector.shape_cast %and3A_469 : vector<16xi32> to vector<16xi32>
        tpu.vector_store %arg9[%swap3A_470], %swap3A_473 {strides = array<i32>} : memref<128xi32, #tpu.memory_space<vmem>>, vector<16xi32>,
        %shift_right_logical3A_474 = arith.constant 16 : i32
        %shift_right_logical3A_475 = vector.broadcast %shift_right_logical3A_474 : i32 to vector<16xi32>
        %shift_right_logical3A_476 = arith.shrui %get3A_466, %shift_right_logical3A_475 : vector<16xi32>
        %swap3A_477 = arith.constant 112 : index
        %swap3A_478 = tpu.vector_load %arg10[%swap3A_477] {strides = array<i32>} : memref<128xi32, #tpu.memory_space<vmem>>, vector<16xi32>,
        %swap3A_479 = vector.shape_cast %swap3A_478 : vector<16xi32> to vector<16xi32>
        %swap3A_480 = vector.shape_cast %shift_right_logical3A_476 : vector<16xi32> to vector<16xi32>
        tpu.vector_store %arg10[%swap3A_477], %swap3A_480 {strides = array<i32>} : memref<128xi32, #tpu.memory_space<vmem>>, vector<16xi32>,
        %dma_start3A_481 = arith.constant 0 : i32
        %dma_start3A_482 = arith.constant 0 : i32
        %dma_start3A_483 = tpu.memref_slice %arg3[%dma_start3A_481, %dma_start3A_482] : memref<10112x128xf32, #tpu.memory_space<hbm>> -> memref<10112x128xf32, #tpu.memory_space<hbm>>
        tpu.enqueue_indirect_dma source(%dma_start3A_483 : memref<10112x128xf32, #tpu.memory_space<hbm>>) target(%arg12 : memref<128x128xf32, #tpu.memory_space<vmem>>) offsets(%arg9 : memref<128xi32, #tpu.memory_space<vmem>>) semaphore(%arg15 : memref<!tpu.dma_semaphore, #tpu.memory_space<semaphore_mem>>)
      } else {
      }
    }
    %scan3A_314 = arith.constant 40 : i32
    %barrier3A_315 = arith.constant 0 : index
    tpu.barrier barrier_id(%barrier3A_315)
    %mul3A_316 = arith.constant 632 : i32
    %mul3A_317 = arith.muli %arg1, %mul3A_316 : i32
    %mul3A_318 = arith.constant 632 : i32
    %mul3A_319 = arith.muli %arg1, %mul3A_318 : i32
    "tpu.region"() ({
      %run_scoped3A = tpu.sem_alloc : memref<!tpu.dma_semaphore, #tpu.memory_space<semaphore_mem>>
      %dma_start3A_320 = arith.constant 0 : i32
      %dma_start3A_321 = tpu.memref_slice %arg5[%arg0, %mul3A_319, %dma_start3A_320] : memref<2x10112x128xf32, #tpu.memory_space<hbm>> -> memref<1x632x128xf32, #tpu.memory_space<hbm>>
      %dma_start3A_322 = tpu.memref_squeeze %dma_start3A_321 : memref<1x632x128xf32, #tpu.memory_space<hbm>> -> memref<632x128xf32, #tpu.memory_space<hbm>>
      %dma_start3A_323 = arith.constant 0 : i32
      %dma_start3A_324 = tpu.memref_slice %arg13[%mul3A_317, %dma_start3A_323] : memref<10112x128xf32, #tpu.memory_space<vmem_shared>> -> memref<632x128xf32, #tpu.memory_space<vmem_shared>>
      tpu.enqueue_dma source(%dma_start3A_324 : memref<632x128xf32, #tpu.memory_space<vmem_shared>>) target(%dma_start3A_322 : memref<632x128xf32, #tpu.memory_space<hbm>>) target_semaphore(%run_scoped3A : memref<!tpu.dma_semaphore, #tpu.memory_space<semaphore_mem>>)
      %dma_wait3A = arith.constant 0 : i32
      %dma_wait3A_325 = tpu.memref_slice %arg5[%arg0, %mul3A_319, %dma_wait3A] : memref<2x10112x128xf32, #tpu.memory_space<hbm>> -> memref<1x632x128xf32, #tpu.memory_space<hbm>>
      %dma_wait3A_326 = tpu.memref_squeeze %dma_wait3A_325 : memref<1x632x128xf32, #tpu.memory_space<hbm>> -> memref<632x128xf32, #tpu.memory_space<hbm>>
      %dma_wait3A_327 = arith.constant 0 : i32
      %dma_wait3A_328 = tpu.memref_slice %arg13[%mul3A_317, %dma_wait3A_327] : memref<10112x128xf32, #tpu.memory_space<vmem_shared>> -> memref<632x128xf32, #tpu.memory_space<vmem_shared>>
      tpu.wait_dma2 semaphore(%run_scoped3A : memref<!tpu.dma_semaphore, #tpu.memory_space<semaphore_mem>>) src(%dma_wait3A_328 : memref<632x128xf32, #tpu.memory_space<vmem_shared>>) dst(%dma_wait3A_326 : memref<632x128xf32, #tpu.memory_space<hbm>>)
      tpu.yield
    }) : () -> ()
    return
  }
}

#map = affine_map<(d0, d1) -> (0, 0)>
#map1 = affine_map<(d0, d1) -> (0, 0, 0)>
module attributes {stable_mosaic.version = 14 : i64} {
  func.func @agg_kernel(%arg0: i32, %arg1: i32, %arg2: memref<2560x128xi32, #tpu.memory_space<hbm>>, %arg3: memref<10112x128xf32, #tpu.memory_space<hbm>>, %arg4: memref<632x128xf32, #tpu.memory_space<hbm>>, %arg5: memref<2x10112x128xf32, #tpu.memory_space<hbm>>, %arg6: memref<80x128xi32, #tpu.memory_space<vmem>>, %arg7: memref<128xi32, #tpu.memory_space<vmem>>, %arg8: memref<128xi32, #tpu.memory_space<vmem>>, %arg9: memref<128xi32, #tpu.memory_space<vmem>>, %arg10: memref<128xi32, #tpu.memory_space<vmem>>, %arg11: memref<128x128xf32, #tpu.memory_space<vmem>>, %arg12: memref<128x128xf32, #tpu.memory_space<vmem>>, %arg13: memref<10112x128xf32, #tpu.memory_space<vmem_shared>>, %arg14: memref<!tpu.dma_semaphore, #tpu.memory_space<semaphore_mem>>, %arg15: memref<!tpu.dma_semaphore, #tpu.memory_space<semaphore_mem>>) attributes {dimension_semantics = [#tpu.dimension_semantics<core_parallel>, #tpu.dimension_semantics<subcore_parallel>], iteration_bounds = array<i64: 2, 16>, scalar_prefetch = 0 : i64, scratch_operands = 10 : i64, tpu.core_type = #tpu.core_type<sc_vector_subcore>, window_params = [{transform_indices = #map}, {transform_indices = #map}, {transform_indices = #map}, {transform_indices = #map1}]} {
    %mul3A = arith.constant 16 : i32
    %mul3A_0 = arith.muli %arg0, %mul3A : i32
    %add3A = arith.addi %mul3A_0, %arg1 : i32
    %mul3A_1 = arith.constant 80 : i32
    %mul3A_2 = arith.muli %add3A, %mul3A_1 : i32
    "tpu.region"() ({
      %run_scoped3A = tpu.sem_alloc : memref<!tpu.dma_semaphore, #tpu.memory_space<semaphore_mem>>
      %dma_start3A_320 = arith.constant 0 : i32
      %dma_start3A_321 = tpu.memref_slice %arg2[%mul3A_2, %dma_start3A_320] : memref<2560x128xi32, #tpu.memory_space<hbm>> -> memref<80x128xi32, #tpu.memory_space<hbm>>
      %dma_start3A_322 = arith.constant 0 : i32
      %dma_start3A_323 = tpu.memref_slice %arg2[%mul3A_2, %dma_start3A_322] : memref<2560x128xi32, #tpu.memory_space<hbm>> -> memref<80x128xi32, #tpu.memory_space<hbm>>
      tpu.enqueue_dma source(%dma_start3A_323 : memref<80x128xi32, #tpu.memory_space<hbm>>) target(%arg6 : memref<80x128xi32, #tpu.memory_space<vmem>>) target_semaphore(%run_scoped3A : memref<!tpu.dma_semaphore, #tpu.memory_space<semaphore_mem>>)
      %dma_wait3A = arith.constant 0 : i32
      %dma_wait3A_324 = tpu.memref_slice %arg2[%mul3A_2, %dma_wait3A] : memref<2560x128xi32, #tpu.memory_space<hbm>> -> memref<80x128xi32, #tpu.memory_space<hbm>>
      %dma_wait3A_325 = arith.constant 0 : i32
      %dma_wait3A_326 = tpu.memref_slice %arg2[%mul3A_2, %dma_wait3A_325] : memref<2560x128xi32, #tpu.memory_space<hbm>> -> memref<80x128xi32, #tpu.memory_space<hbm>>
      tpu.wait_dma2 semaphore(%run_scoped3A : memref<!tpu.dma_semaphore, #tpu.memory_space<semaphore_mem>>) src(%dma_wait3A_326 : memref<80x128xi32, #tpu.memory_space<hbm>>) dst(%arg6 : memref<80x128xi32, #tpu.memory_space<vmem>>)
      tpu.yield
    }) : () -> ()
    %mul3A_3 = arith.constant 632 : i32
    %mul3A_4 = arith.muli %arg1, %mul3A_3 : i32
    "tpu.region"() ({
      %run_scoped3A = tpu.sem_alloc : memref<!tpu.dma_semaphore, #tpu.memory_space<semaphore_mem>>
      %dma_start3A_320 = arith.constant 0 : i32
      %dma_start3A_321 = tpu.memref_slice %arg13[%mul3A_4, %dma_start3A_320] : memref<10112x128xf32, #tpu.memory_space<vmem_shared>> -> memref<632x128xf32, #tpu.memory_space<vmem_shared>>
      tpu.enqueue_dma source(%arg4 : memref<632x128xf32, #tpu.memory_space<hbm>>) target(%dma_start3A_321 : memref<632x128xf32, #tpu.memory_space<vmem_shared>>) target_semaphore(%run_scoped3A : memref<!tpu.dma_semaphore, #tpu.memory_space<semaphore_mem>>)
      %dma_wait3A = arith.constant 0 : i32
      %dma_wait3A_322 = tpu.memref_slice %arg13[%mul3A_4, %dma_wait3A] : memref<10112x128xf32, #tpu.memory_space<vmem_shared>> -> memref<632x128xf32, #tpu.memory_space<vmem_shared>>
      tpu.wait_dma2 semaphore(%run_scoped3A : memref<!tpu.dma_semaphore, #tpu.memory_space<semaphore_mem>>) src(%arg4 : memref<632x128xf32, #tpu.memory_space<hbm>>) dst(%dma_wait3A_322 : memref<632x128xf32, #tpu.memory_space<vmem_shared>>)
      tpu.yield
    }) : () -> ()
    %barrier3A = arith.constant 0 : index
    tpu.barrier barrier_id(%barrier3A)
    %get3A = arith.constant 0 : i32
    %get3A_5 = arith.index_cast %get3A : i32 to index
    %get3A_6 = arith.constant 0 : index
    %get3A_7 = tpu.vector_load %arg6[%get3A_5, %get3A_6] {strides = array<i32>} : memref<80x128xi32, #tpu.memory_space<vmem>>, vector<1x16xi32>,
    %get3A_8 = vector.shape_cast %get3A_7 : vector<1x16xi32> to vector<16xi32>
    %and3A = arith.constant 65535 : i32
    %and3A_9 = vector.broadcast %and3A : i32 to vector<16xi32>
    %and3A_10 = arith.andi %get3A_8, %and3A_9 : vector<16xi32>
    %swap3A = arith.constant 0 : index
    %swap3A_11 = tpu.vector_load %arg7[%swap3A] {strides = array<i32>} : memref<128xi32, #tpu.memory_space<vmem>>, vector<16xi32>,
    %swap3A_12 = vector.shape_cast %swap3A_11 : vector<16xi32> to vector<16xi32>
    %swap3A_13 = vector.shape_cast %and3A_10 : vector<16xi32> to vector<16xi32>
    tpu.vector_store %arg7[%swap3A], %swap3A_13 {strides = array<i32>} : memref<128xi32, #tpu.memory_space<vmem>>, vector<16xi32>,
    %shift_right_logical3A = arith.constant 16 : i32
    %shift_right_logical3A_14 = vector.broadcast %shift_right_logical3A : i32 to vector<16xi32>
    %shift_right_logical3A_15 = arith.shrui %get3A_8, %shift_right_logical3A_14 : vector<16xi32>
    %swap3A_16 = arith.constant 0 : index
    %swap3A_17 = tpu.vector_load %arg8[%swap3A_16] {strides = array<i32>} : memref<128xi32, #tpu.memory_space<vmem>>, vector<16xi32>,
    %swap3A_18 = vector.shape_cast %swap3A_17 : vector<16xi32> to vector<16xi32>
    %swap3A_19 = vector.shape_cast %shift_right_logical3A_15 : vector<16xi32> to vector<16xi32>
    tpu.vector_store %arg8[%swap3A_16], %swap3A_19 {strides = array<i32>} : memref<128xi32, #tpu.memory_space<vmem>>, vector<16xi32>,
    %get3A_20 = arith.constant 0 : i32
    %get3A_21 = arith.index_cast %get3A_20 : i32 to index
    %get3A_22 = arith.constant 16 : index
    %get3A_23 = tpu.vector_load %arg6[%get3A_21, %get3A_22] {strides = array<i32>} : memref<80x128xi32, #tpu.memory_space<vmem>>, vector<1x16xi32>,
    %get3A_24 = vector.shape_cast %get3A_23 : vector<1x16xi32> to vector<16xi32>
    %and3A_25 = arith.constant 65535 : i32
    %and3A_26 = vector.broadcast %and3A_25 : i32 to vector<16xi32>
    %and3A_27 = arith.andi %get3A_24, %and3A_26 : vector<16xi32>
    %swap3A_28 = arith.constant 16 : index
    %swap3A_29 = tpu.vector_load %arg7[%swap3A_28] {strides = array<i32>} : memref<128xi32, #tpu.memory_space<vmem>>, vector<16xi32>,
    %swap3A_30 = vector.shape_cast %swap3A_29 : vector<16xi32> to vector<16xi32>
    %swap3A_31 = vector.shape_cast %and3A_27 : vector<16xi32> to vector<16xi32>
    tpu.vector_store %arg7[%swap3A_28], %swap3A_31 {strides = array<i32>} : memref<128xi32, #tpu.memory_space<vmem>>, vector<16xi32>,
    %shift_right_logical3A_32 = arith.constant 16 : i32
    %shift_right_logical3A_33 = vector.broadcast %shift_right_logical3A_32 : i32 to vector<16xi32>
    %shift_right_logical3A_34 = arith.shrui %get3A_24, %shift_right_logical3A_33 : vector<16xi32>
    %swap3A_35 = arith.constant 16 : index
    %swap3A_36 = tpu.vector_load %arg8[%swap3A_35] {strides = array<i32>} : memref<128xi32, #tpu.memory_space<vmem>>, vector<16xi32>,
    %swap3A_37 = vector.shape_cast %swap3A_36 : vector<16xi32> to vector<16xi32>
    %swap3A_38 = vector.shape_cast %shift_right_logical3A_34 : vector<16xi32> to vector<16xi32>
    tpu.vector_store %arg8[%swap3A_35], %swap3A_38 {strides = array<i32>} : memref<128xi32, #tpu.memory_space<vmem>>, vector<16xi32>,
    %get3A_39 = arith.constant 0 : i32
    %get3A_40 = arith.index_cast %get3A_39 : i32 to index
    %get3A_41 = arith.constant 32 : index
    %get3A_42 = tpu.vector_load %arg6[%get3A_40, %get3A_41] {strides = array<i32>} : memref<80x128xi32, #tpu.memory_space<vmem>>, vector<1x16xi32>,
    %get3A_43 = vector.shape_cast %get3A_42 : vector<1x16xi32> to vector<16xi32>
    %and3A_44 = arith.constant 65535 : i32
    %and3A_45 = vector.broadcast %and3A_44 : i32 to vector<16xi32>
    %and3A_46 = arith.andi %get3A_43, %and3A_45 : vector<16xi32>
    %swap3A_47 = arith.constant 32 : index
    %swap3A_48 = tpu.vector_load %arg7[%swap3A_47] {strides = array<i32>} : memref<128xi32, #tpu.memory_space<vmem>>, vector<16xi32>,
    %swap3A_49 = vector.shape_cast %swap3A_48 : vector<16xi32> to vector<16xi32>
    %swap3A_50 = vector.shape_cast %and3A_46 : vector<16xi32> to vector<16xi32>
    tpu.vector_store %arg7[%swap3A_47], %swap3A_50 {strides = array<i32>} : memref<128xi32, #tpu.memory_space<vmem>>, vector<16xi32>,
    %shift_right_logical3A_51 = arith.constant 16 : i32
    %shift_right_logical3A_52 = vector.broadcast %shift_right_logical3A_51 : i32 to vector<16xi32>
    %shift_right_logical3A_53 = arith.shrui %get3A_43, %shift_right_logical3A_52 : vector<16xi32>
    %swap3A_54 = arith.constant 32 : index
    %swap3A_55 = tpu.vector_load %arg8[%swap3A_54] {strides = array<i32>} : memref<128xi32, #tpu.memory_space<vmem>>, vector<16xi32>,
    %swap3A_56 = vector.shape_cast %swap3A_55 : vector<16xi32> to vector<16xi32>
    %swap3A_57 = vector.shape_cast %shift_right_logical3A_53 : vector<16xi32> to vector<16xi32>
    tpu.vector_store %arg8[%swap3A_54], %swap3A_57 {strides = array<i32>} : memref<128xi32, #tpu.memory_space<vmem>>, vector<16xi32>,
    %get3A_58 = arith.constant 0 : i32
    %get3A_59 = arith.index_cast %get3A_58 : i32 to index
    %get3A_60 = arith.constant 48 : index
    %get3A_61 = tpu.vector_load %arg6[%get3A_59, %get3A_60] {strides = array<i32>} : memref<80x128xi32, #tpu.memory_space<vmem>>, vector<1x16xi32>,
    %get3A_62 = vector.shape_cast %get3A_61 : vector<1x16xi32> to vector<16xi32>
    %and3A_63 = arith.constant 65535 : i32
    %and3A_64 = vector.broadcast %and3A_63 : i32 to vector<16xi32>
    %and3A_65 = arith.andi %get3A_62, %and3A_64 : vector<16xi32>
    %swap3A_66 = arith.constant 48 : index
    %swap3A_67 = tpu.vector_load %arg7[%swap3A_66] {strides = array<i32>} : memref<128xi32, #tpu.memory_space<vmem>>, vector<16xi32>,
    %swap3A_68 = vector.shape_cast %swap3A_67 : vector<16xi32> to vector<16xi32>
    %swap3A_69 = vector.shape_cast %and3A_65 : vector<16xi32> to vector<16xi32>
    tpu.vector_store %arg7[%swap3A_66], %swap3A_69 {strides = array<i32>} : memref<128xi32, #tpu.memory_space<vmem>>, vector<16xi32>,
    %shift_right_logical3A_70 = arith.constant 16 : i32
    %shift_right_logical3A_71 = vector.broadcast %shift_right_logical3A_70 : i32 to vector<16xi32>
    %shift_right_logical3A_72 = arith.shrui %get3A_62, %shift_right_logical3A_71 : vector<16xi32>
    %swap3A_73 = arith.constant 48 : index
    %swap3A_74 = tpu.vector_load %arg8[%swap3A_73] {strides = array<i32>} : memref<128xi32, #tpu.memory_space<vmem>>, vector<16xi32>,
    %swap3A_75 = vector.shape_cast %swap3A_74 : vector<16xi32> to vector<16xi32>
    %swap3A_76 = vector.shape_cast %shift_right_logical3A_72 : vector<16xi32> to vector<16xi32>
    tpu.vector_store %arg8[%swap3A_73], %swap3A_76 {strides = array<i32>} : memref<128xi32, #tpu.memory_space<vmem>>, vector<16xi32>,
    %get3A_77 = arith.constant 0 : i32
    %get3A_78 = arith.index_cast %get3A_77 : i32 to index
    %get3A_79 = arith.constant 64 : index
    %get3A_80 = tpu.vector_load %arg6[%get3A_78, %get3A_79] {strides = array<i32>} : memref<80x128xi32, #tpu.memory_space<vmem>>, vector<1x16xi32>,
    %get3A_81 = vector.shape_cast %get3A_80 : vector<1x16xi32> to vector<16xi32>
    %and3A_82 = arith.constant 65535 : i32
    %and3A_83 = vector.broadcast %and3A_82 : i32 to vector<16xi32>
    %and3A_84 = arith.andi %get3A_81, %and3A_83 : vector<16xi32>
    %swap3A_85 = arith.constant 64 : index
    %swap3A_86 = tpu.vector_load %arg7[%swap3A_85] {strides = array<i32>} : memref<128xi32, #tpu.memory_space<vmem>>, vector<16xi32>,
    %swap3A_87 = vector.shape_cast %swap3A_86 : vector<16xi32> to vector<16xi32>
    %swap3A_88 = vector.shape_cast %and3A_84 : vector<16xi32> to vector<16xi32>
    tpu.vector_store %arg7[%swap3A_85], %swap3A_88 {strides = array<i32>} : memref<128xi32, #tpu.memory_space<vmem>>, vector<16xi32>,
    %shift_right_logical3A_89 = arith.constant 16 : i32
    %shift_right_logical3A_90 = vector.broadcast %shift_right_logical3A_89 : i32 to vector<16xi32>
    %shift_right_logical3A_91 = arith.shrui %get3A_81, %shift_right_logical3A_90 : vector<16xi32>
    %swap3A_92 = arith.constant 64 : index
    %swap3A_93 = tpu.vector_load %arg8[%swap3A_92] {strides = array<i32>} : memref<128xi32, #tpu.memory_space<vmem>>, vector<16xi32>,
    %swap3A_94 = vector.shape_cast %swap3A_93 : vector<16xi32> to vector<16xi32>
    %swap3A_95 = vector.shape_cast %shift_right_logical3A_91 : vector<16xi32> to vector<16xi32>
    tpu.vector_store %arg8[%swap3A_92], %swap3A_95 {strides = array<i32>} : memref<128xi32, #tpu.memory_space<vmem>>, vector<16xi32>,
    %get3A_96 = arith.constant 0 : i32
    %get3A_97 = arith.index_cast %get3A_96 : i32 to index
    %get3A_98 = arith.constant 80 : index
    %get3A_99 = tpu.vector_load %arg6[%get3A_97, %get3A_98] {strides = array<i32>} : memref<80x128xi32, #tpu.memory_space<vmem>>, vector<1x16xi32>,
    %get3A_100 = vector.shape_cast %get3A_99 : vector<1x16xi32> to vector<16xi32>
    %and3A_101 = arith.constant 65535 : i32
    %and3A_102 = vector.broadcast %and3A_101 : i32 to vector<16xi32>
    %and3A_103 = arith.andi %get3A_100, %and3A_102 : vector<16xi32>
    %swap3A_104 = arith.constant 80 : index
    %swap3A_105 = tpu.vector_load %arg7[%swap3A_104] {strides = array<i32>} : memref<128xi32, #tpu.memory_space<vmem>>, vector<16xi32>,
    %swap3A_106 = vector.shape_cast %swap3A_105 : vector<16xi32> to vector<16xi32>
    %swap3A_107 = vector.shape_cast %and3A_103 : vector<16xi32> to vector<16xi32>
    tpu.vector_store %arg7[%swap3A_104], %swap3A_107 {strides = array<i32>} : memref<128xi32, #tpu.memory_space<vmem>>, vector<16xi32>,
    %shift_right_logical3A_108 = arith.constant 16 : i32
    %shift_right_logical3A_109 = vector.broadcast %shift_right_logical3A_108 : i32 to vector<16xi32>
    %shift_right_logical3A_110 = arith.shrui %get3A_100, %shift_right_logical3A_109 : vector<16xi32>
    %swap3A_111 = arith.constant 80 : index
    %swap3A_112 = tpu.vector_load %arg8[%swap3A_111] {strides = array<i32>} : memref<128xi32, #tpu.memory_space<vmem>>, vector<16xi32>,
    %swap3A_113 = vector.shape_cast %swap3A_112 : vector<16xi32> to vector<16xi32>
    %swap3A_114 = vector.shape_cast %shift_right_logical3A_110 : vector<16xi32> to vector<16xi32>
    tpu.vector_store %arg8[%swap3A_111], %swap3A_114 {strides = array<i32>} : memref<128xi32, #tpu.memory_space<vmem>>, vector<16xi32>,
    %get3A_115 = arith.constant 0 : i32
    %get3A_116 = arith.index_cast %get3A_115 : i32 to index
    %get3A_117 = arith.constant 96 : index
    %get3A_118 = tpu.vector_load %arg6[%get3A_116, %get3A_117] {strides = array<i32>} : memref<80x128xi32, #tpu.memory_space<vmem>>, vector<1x16xi32>,
    %get3A_119 = vector.shape_cast %get3A_118 : vector<1x16xi32> to vector<16xi32>
    %and3A_120 = arith.constant 65535 : i32
    %and3A_121 = vector.broadcast %and3A_120 : i32 to vector<16xi32>
    %and3A_122 = arith.andi %get3A_119, %and3A_121 : vector<16xi32>
    %swap3A_123 = arith.constant 96 : index
    %swap3A_124 = tpu.vector_load %arg7[%swap3A_123] {strides = array<i32>} : memref<128xi32, #tpu.memory_space<vmem>>, vector<16xi32>,
    %swap3A_125 = vector.shape_cast %swap3A_124 : vector<16xi32> to vector<16xi32>
    %swap3A_126 = vector.shape_cast %and3A_122 : vector<16xi32> to vector<16xi32>
    tpu.vector_store %arg7[%swap3A_123], %swap3A_126 {strides = array<i32>} : memref<128xi32, #tpu.memory_space<vmem>>, vector<16xi32>,
    %shift_right_logical3A_127 = arith.constant 16 : i32
    %shift_right_logical3A_128 = vector.broadcast %shift_right_logical3A_127 : i32 to vector<16xi32>
    %shift_right_logical3A_129 = arith.shrui %get3A_119, %shift_right_logical3A_128 : vector<16xi32>
    %swap3A_130 = arith.constant 96 : index
    %swap3A_131 = tpu.vector_load %arg8[%swap3A_130] {strides = array<i32>} : memref<128xi32, #tpu.memory_space<vmem>>, vector<16xi32>,
    %swap3A_132 = vector.shape_cast %swap3A_131 : vector<16xi32> to vector<16xi32>
    %swap3A_133 = vector.shape_cast %shift_right_logical3A_129 : vector<16xi32> to vector<16xi32>
    tpu.vector_store %arg8[%swap3A_130], %swap3A_133 {strides = array<i32>} : memref<128xi32, #tpu.memory_space<vmem>>, vector<16xi32>,
    %get3A_134 = arith.constant 0 : i32
    %get3A_135 = arith.index_cast %get3A_134 : i32 to index
    %get3A_136 = arith.constant 112 : index
    %get3A_137 = tpu.vector_load %arg6[%get3A_135, %get3A_136] {strides = array<i32>} : memref<80x128xi32, #tpu.memory_space<vmem>>, vector<1x16xi32>,
    %get3A_138 = vector.shape_cast %get3A_137 : vector<1x16xi32> to vector<16xi32>
    %and3A_139 = arith.constant 65535 : i32
    %and3A_140 = vector.broadcast %and3A_139 : i32 to vector<16xi32>
    %and3A_141 = arith.andi %get3A_138, %and3A_140 : vector<16xi32>
    %swap3A_142 = arith.constant 112 : index
    %swap3A_143 = tpu.vector_load %arg7[%swap3A_142] {strides = array<i32>} : memref<128xi32, #tpu.memory_space<vmem>>, vector<16xi32>,
    %swap3A_144 = vector.shape_cast %swap3A_143 : vector<16xi32> to vector<16xi32>
    %swap3A_145 = vector.shape_cast %and3A_141 : vector<16xi32> to vector<16xi32>
    tpu.vector_store %arg7[%swap3A_142], %swap3A_145 {strides = array<i32>} : memref<128xi32, #tpu.memory_space<vmem>>, vector<16xi32>,
    %shift_right_logical3A_146 = arith.constant 16 : i32
    %shift_right_logical3A_147 = vector.broadcast %shift_right_logical3A_146 : i32 to vector<16xi32>
    %shift_right_logical3A_148 = arith.shrui %get3A_138, %shift_right_logical3A_147 : vector<16xi32>
    %swap3A_149 = arith.constant 112 : index
    %swap3A_150 = tpu.vector_load %arg8[%swap3A_149] {strides = array<i32>} : memref<128xi32, #tpu.memory_space<vmem>>, vector<16xi32>,
    %swap3A_151 = vector.shape_cast %swap3A_150 : vector<16xi32> to vector<16xi32>
    %swap3A_152 = vector.shape_cast %shift_right_logical3A_148 : vector<16xi32> to vector<16xi32>
    tpu.vector_store %arg8[%swap3A_149], %swap3A_152 {strides = array<i32>} : memref<128xi32, #tpu.memory_space<vmem>>, vector<16xi32>,
    %dma_start3A = arith.constant 0 : i32
    %dma_start3A_153 = arith.constant 0 : i32
    %dma_start3A_154 = tpu.memref_slice %arg3[%dma_start3A, %dma_start3A_153] : memref<10112x128xf32, #tpu.memory_space<hbm>> -> memref<10112x128xf32, #tpu.memory_space<hbm>>
    tpu.enqueue_indirect_dma source(%dma_start3A_154 : memref<10112x128xf32, #tpu.memory_space<hbm>>) target(%arg11 : memref<128x128xf32, #tpu.memory_space<vmem>>) offsets(%arg7 : memref<128xi32, #tpu.memory_space<vmem>>) semaphore(%arg14 : memref<!tpu.dma_semaphore, #tpu.memory_space<semaphore_mem>>)
    %get3A_155 = arith.constant 1 : i32
    %get3A_156 = arith.index_cast %get3A_155 : i32 to index
    %get3A_157 = arith.constant 0 : index
    %get3A_158 = tpu.vector_load %arg6[%get3A_156, %get3A_157] {strides = array<i32>} : memref<80x128xi32, #tpu.memory_space<vmem>>, vector<1x16xi32>,
    %get3A_159 = vector.shape_cast %get3A_158 : vector<1x16xi32> to vector<16xi32>
    %and3A_160 = arith.constant 65535 : i32
    %and3A_161 = vector.broadcast %and3A_160 : i32 to vector<16xi32>
    %and3A_162 = arith.andi %get3A_159, %and3A_161 : vector<16xi32>
    %swap3A_163 = arith.constant 0 : index
    %swap3A_164 = tpu.vector_load %arg9[%swap3A_163] {strides = array<i32>} : memref<128xi32, #tpu.memory_space<vmem>>, vector<16xi32>,
    %swap3A_165 = vector.shape_cast %swap3A_164 : vector<16xi32> to vector<16xi32>
    %swap3A_166 = vector.shape_cast %and3A_162 : vector<16xi32> to vector<16xi32>
    tpu.vector_store %arg9[%swap3A_163], %swap3A_166 {strides = array<i32>} : memref<128xi32, #tpu.memory_space<vmem>>, vector<16xi32>,
    %shift_right_logical3A_167 = arith.constant 16 : i32
    %shift_right_logical3A_168 = vector.broadcast %shift_right_logical3A_167 : i32 to vector<16xi32>
    %shift_right_logical3A_169 = arith.shrui %get3A_159, %shift_right_logical3A_168 : vector<16xi32>
    %swap3A_170 = arith.constant 0 : index
    %swap3A_171 = tpu.vector_load %arg10[%swap3A_170] {strides = array<i32>} : memref<128xi32, #tpu.memory_space<vmem>>, vector<16xi32>,
    %swap3A_172 = vector.shape_cast %swap3A_171 : vector<16xi32> to vector<16xi32>
    %swap3A_173 = vector.shape_cast %shift_right_logical3A_169 : vector<16xi32> to vector<16xi32>
    tpu.vector_store %arg10[%swap3A_170], %swap3A_173 {strides = array<i32>} : memref<128xi32, #tpu.memory_space<vmem>>, vector<16xi32>,
    %get3A_174 = arith.constant 1 : i32
    %get3A_175 = arith.index_cast %get3A_174 : i32 to index
    %get3A_176 = arith.constant 16 : index
    %get3A_177 = tpu.vector_load %arg6[%get3A_175, %get3A_176] {strides = array<i32>} : memref<80x128xi32, #tpu.memory_space<vmem>>, vector<1x16xi32>,
    %get3A_178 = vector.shape_cast %get3A_177 : vector<1x16xi32> to vector<16xi32>
    %and3A_179 = arith.constant 65535 : i32
    %and3A_180 = vector.broadcast %and3A_179 : i32 to vector<16xi32>
    %and3A_181 = arith.andi %get3A_178, %and3A_180 : vector<16xi32>
    %swap3A_182 = arith.constant 16 : index
    %swap3A_183 = tpu.vector_load %arg9[%swap3A_182] {strides = array<i32>} : memref<128xi32, #tpu.memory_space<vmem>>, vector<16xi32>,
    %swap3A_184 = vector.shape_cast %swap3A_183 : vector<16xi32> to vector<16xi32>
    %swap3A_185 = vector.shape_cast %and3A_181 : vector<16xi32> to vector<16xi32>
    tpu.vector_store %arg9[%swap3A_182], %swap3A_185 {strides = array<i32>} : memref<128xi32, #tpu.memory_space<vmem>>, vector<16xi32>,
    %shift_right_logical3A_186 = arith.constant 16 : i32
    %shift_right_logical3A_187 = vector.broadcast %shift_right_logical3A_186 : i32 to vector<16xi32>
    %shift_right_logical3A_188 = arith.shrui %get3A_178, %shift_right_logical3A_187 : vector<16xi32>
    %swap3A_189 = arith.constant 16 : index
    %swap3A_190 = tpu.vector_load %arg10[%swap3A_189] {strides = array<i32>} : memref<128xi32, #tpu.memory_space<vmem>>, vector<16xi32>,
    %swap3A_191 = vector.shape_cast %swap3A_190 : vector<16xi32> to vector<16xi32>
    %swap3A_192 = vector.shape_cast %shift_right_logical3A_188 : vector<16xi32> to vector<16xi32>
    tpu.vector_store %arg10[%swap3A_189], %swap3A_192 {strides = array<i32>} : memref<128xi32, #tpu.memory_space<vmem>>, vector<16xi32>,
    %get3A_193 = arith.constant 1 : i32
    %get3A_194 = arith.index_cast %get3A_193 : i32 to index
    %get3A_195 = arith.constant 32 : index
    %get3A_196 = tpu.vector_load %arg6[%get3A_194, %get3A_195] {strides = array<i32>} : memref<80x128xi32, #tpu.memory_space<vmem>>, vector<1x16xi32>,
    %get3A_197 = vector.shape_cast %get3A_196 : vector<1x16xi32> to vector<16xi32>
    %and3A_198 = arith.constant 65535 : i32
    %and3A_199 = vector.broadcast %and3A_198 : i32 to vector<16xi32>
    %and3A_200 = arith.andi %get3A_197, %and3A_199 : vector<16xi32>
    %swap3A_201 = arith.constant 32 : index
    %swap3A_202 = tpu.vector_load %arg9[%swap3A_201] {strides = array<i32>} : memref<128xi32, #tpu.memory_space<vmem>>, vector<16xi32>,
    %swap3A_203 = vector.shape_cast %swap3A_202 : vector<16xi32> to vector<16xi32>
    %swap3A_204 = vector.shape_cast %and3A_200 : vector<16xi32> to vector<16xi32>
    tpu.vector_store %arg9[%swap3A_201], %swap3A_204 {strides = array<i32>} : memref<128xi32, #tpu.memory_space<vmem>>, vector<16xi32>,
    %shift_right_logical3A_205 = arith.constant 16 : i32
    %shift_right_logical3A_206 = vector.broadcast %shift_right_logical3A_205 : i32 to vector<16xi32>
    %shift_right_logical3A_207 = arith.shrui %get3A_197, %shift_right_logical3A_206 : vector<16xi32>
    %swap3A_208 = arith.constant 32 : index
    %swap3A_209 = tpu.vector_load %arg10[%swap3A_208] {strides = array<i32>} : memref<128xi32, #tpu.memory_space<vmem>>, vector<16xi32>,
    %swap3A_210 = vector.shape_cast %swap3A_209 : vector<16xi32> to vector<16xi32>
    %swap3A_211 = vector.shape_cast %shift_right_logical3A_207 : vector<16xi32> to vector<16xi32>
    tpu.vector_store %arg10[%swap3A_208], %swap3A_211 {strides = array<i32>} : memref<128xi32, #tpu.memory_space<vmem>>, vector<16xi32>,
    %get3A_212 = arith.constant 1 : i32
    %get3A_213 = arith.index_cast %get3A_212 : i32 to index
    %get3A_214 = arith.constant 48 : index
    %get3A_215 = tpu.vector_load %arg6[%get3A_213, %get3A_214] {strides = array<i32>} : memref<80x128xi32, #tpu.memory_space<vmem>>, vector<1x16xi32>,
    %get3A_216 = vector.shape_cast %get3A_215 : vector<1x16xi32> to vector<16xi32>
    %and3A_217 = arith.constant 65535 : i32
    %and3A_218 = vector.broadcast %and3A_217 : i32 to vector<16xi32>
    %and3A_219 = arith.andi %get3A_216, %and3A_218 : vector<16xi32>
    %swap3A_220 = arith.constant 48 : index
    %swap3A_221 = tpu.vector_load %arg9[%swap3A_220] {strides = array<i32>} : memref<128xi32, #tpu.memory_space<vmem>>, vector<16xi32>,
    %swap3A_222 = vector.shape_cast %swap3A_221 : vector<16xi32> to vector<16xi32>
    %swap3A_223 = vector.shape_cast %and3A_219 : vector<16xi32> to vector<16xi32>
    tpu.vector_store %arg9[%swap3A_220], %swap3A_223 {strides = array<i32>} : memref<128xi32, #tpu.memory_space<vmem>>, vector<16xi32>,
    %shift_right_logical3A_224 = arith.constant 16 : i32
    %shift_right_logical3A_225 = vector.broadcast %shift_right_logical3A_224 : i32 to vector<16xi32>
    %shift_right_logical3A_226 = arith.shrui %get3A_216, %shift_right_logical3A_225 : vector<16xi32>
    %swap3A_227 = arith.constant 48 : index
    %swap3A_228 = tpu.vector_load %arg10[%swap3A_227] {strides = array<i32>} : memref<128xi32, #tpu.memory_space<vmem>>, vector<16xi32>,
    %swap3A_229 = vector.shape_cast %swap3A_228 : vector<16xi32> to vector<16xi32>
    %swap3A_230 = vector.shape_cast %shift_right_logical3A_226 : vector<16xi32> to vector<16xi32>
    tpu.vector_store %arg10[%swap3A_227], %swap3A_230 {strides = array<i32>} : memref<128xi32, #tpu.memory_space<vmem>>, vector<16xi32>,
    %get3A_231 = arith.constant 1 : i32
    %get3A_232 = arith.index_cast %get3A_231 : i32 to index
    %get3A_233 = arith.constant 64 : index
    %get3A_234 = tpu.vector_load %arg6[%get3A_232, %get3A_233] {strides = array<i32>} : memref<80x128xi32, #tpu.memory_space<vmem>>, vector<1x16xi32>,
    %get3A_235 = vector.shape_cast %get3A_234 : vector<1x16xi32> to vector<16xi32>
    %and3A_236 = arith.constant 65535 : i32
    %and3A_237 = vector.broadcast %and3A_236 : i32 to vector<16xi32>
    %and3A_238 = arith.andi %get3A_235, %and3A_237 : vector<16xi32>
    %swap3A_239 = arith.constant 64 : index
    %swap3A_240 = tpu.vector_load %arg9[%swap3A_239] {strides = array<i32>} : memref<128xi32, #tpu.memory_space<vmem>>, vector<16xi32>,
    %swap3A_241 = vector.shape_cast %swap3A_240 : vector<16xi32> to vector<16xi32>
    %swap3A_242 = vector.shape_cast %and3A_238 : vector<16xi32> to vector<16xi32>
    tpu.vector_store %arg9[%swap3A_239], %swap3A_242 {strides = array<i32>} : memref<128xi32, #tpu.memory_space<vmem>>, vector<16xi32>,
    %shift_right_logical3A_243 = arith.constant 16 : i32
    %shift_right_logical3A_244 = vector.broadcast %shift_right_logical3A_243 : i32 to vector<16xi32>
    %shift_right_logical3A_245 = arith.shrui %get3A_235, %shift_right_logical3A_244 : vector<16xi32>
    %swap3A_246 = arith.constant 64 : index
    %swap3A_247 = tpu.vector_load %arg10[%swap3A_246] {strides = array<i32>} : memref<128xi32, #tpu.memory_space<vmem>>, vector<16xi32>,
    %swap3A_248 = vector.shape_cast %swap3A_247 : vector<16xi32> to vector<16xi32>
    %swap3A_249 = vector.shape_cast %shift_right_logical3A_245 : vector<16xi32> to vector<16xi32>
    tpu.vector_store %arg10[%swap3A_246], %swap3A_249 {strides = array<i32>} : memref<128xi32, #tpu.memory_space<vmem>>, vector<16xi32>,
    %get3A_250 = arith.constant 1 : i32
    %get3A_251 = arith.index_cast %get3A_250 : i32 to index
    %get3A_252 = arith.constant 80 : index
    %get3A_253 = tpu.vector_load %arg6[%get3A_251, %get3A_252] {strides = array<i32>} : memref<80x128xi32, #tpu.memory_space<vmem>>, vector<1x16xi32>,
    %get3A_254 = vector.shape_cast %get3A_253 : vector<1x16xi32> to vector<16xi32>
    %and3A_255 = arith.constant 65535 : i32
    %and3A_256 = vector.broadcast %and3A_255 : i32 to vector<16xi32>
    %and3A_257 = arith.andi %get3A_254, %and3A_256 : vector<16xi32>
    %swap3A_258 = arith.constant 80 : index
    %swap3A_259 = tpu.vector_load %arg9[%swap3A_258] {strides = array<i32>} : memref<128xi32, #tpu.memory_space<vmem>>, vector<16xi32>,
    %swap3A_260 = vector.shape_cast %swap3A_259 : vector<16xi32> to vector<16xi32>
    %swap3A_261 = vector.shape_cast %and3A_257 : vector<16xi32> to vector<16xi32>
    tpu.vector_store %arg9[%swap3A_258], %swap3A_261 {strides = array<i32>} : memref<128xi32, #tpu.memory_space<vmem>>, vector<16xi32>,
    %shift_right_logical3A_262 = arith.constant 16 : i32
    %shift_right_logical3A_263 = vector.broadcast %shift_right_logical3A_262 : i32 to vector<16xi32>
    %shift_right_logical3A_264 = arith.shrui %get3A_254, %shift_right_logical3A_263 : vector<16xi32>
    %swap3A_265 = arith.constant 80 : index
    %swap3A_266 = tpu.vector_load %arg10[%swap3A_265] {strides = array<i32>} : memref<128xi32, #tpu.memory_space<vmem>>, vector<16xi32>,
    %swap3A_267 = vector.shape_cast %swap3A_266 : vector<16xi32> to vector<16xi32>
    %swap3A_268 = vector.shape_cast %shift_right_logical3A_264 : vector<16xi32> to vector<16xi32>
    tpu.vector_store %arg10[%swap3A_265], %swap3A_268 {strides = array<i32>} : memref<128xi32, #tpu.memory_space<vmem>>, vector<16xi32>,
    %get3A_269 = arith.constant 1 : i32
    %get3A_270 = arith.index_cast %get3A_269 : i32 to index
    %get3A_271 = arith.constant 96 : index
    %get3A_272 = tpu.vector_load %arg6[%get3A_270, %get3A_271] {strides = array<i32>} : memref<80x128xi32, #tpu.memory_space<vmem>>, vector<1x16xi32>,
    %get3A_273 = vector.shape_cast %get3A_272 : vector<1x16xi32> to vector<16xi32>
    %and3A_274 = arith.constant 65535 : i32
    %and3A_275 = vector.broadcast %and3A_274 : i32 to vector<16xi32>
    %and3A_276 = arith.andi %get3A_273, %and3A_275 : vector<16xi32>
    %swap3A_277 = arith.constant 96 : index
    %swap3A_278 = tpu.vector_load %arg9[%swap3A_277] {strides = array<i32>} : memref<128xi32, #tpu.memory_space<vmem>>, vector<16xi32>,
    %swap3A_279 = vector.shape_cast %swap3A_278 : vector<16xi32> to vector<16xi32>
    %swap3A_280 = vector.shape_cast %and3A_276 : vector<16xi32> to vector<16xi32>
    tpu.vector_store %arg9[%swap3A_277], %swap3A_280 {strides = array<i32>} : memref<128xi32, #tpu.memory_space<vmem>>, vector<16xi32>,
    %shift_right_logical3A_281 = arith.constant 16 : i32
    %shift_right_logical3A_282 = vector.broadcast %shift_right_logical3A_281 : i32 to vector<16xi32>
    %shift_right_logical3A_283 = arith.shrui %get3A_273, %shift_right_logical3A_282 : vector<16xi32>
    %swap3A_284 = arith.constant 96 : index
    %swap3A_285 = tpu.vector_load %arg10[%swap3A_284] {strides = array<i32>} : memref<128xi32, #tpu.memory_space<vmem>>, vector<16xi32>,
    %swap3A_286 = vector.shape_cast %swap3A_285 : vector<16xi32> to vector<16xi32>
    %swap3A_287 = vector.shape_cast %shift_right_logical3A_283 : vector<16xi32> to vector<16xi32>
    tpu.vector_store %arg10[%swap3A_284], %swap3A_287 {strides = array<i32>} : memref<128xi32, #tpu.memory_space<vmem>>, vector<16xi32>,
    %get3A_288 = arith.constant 1 : i32
    %get3A_289 = arith.index_cast %get3A_288 : i32 to index
    %get3A_290 = arith.constant 112 : index
    %get3A_291 = tpu.vector_load %arg6[%get3A_289, %get3A_290] {strides = array<i32>} : memref<80x128xi32, #tpu.memory_space<vmem>>, vector<1x16xi32>,
    %get3A_292 = vector.shape_cast %get3A_291 : vector<1x16xi32> to vector<16xi32>
    %and3A_293 = arith.constant 65535 : i32
    %and3A_294 = vector.broadcast %and3A_293 : i32 to vector<16xi32>
    %and3A_295 = arith.andi %get3A_292, %and3A_294 : vector<16xi32>
    %swap3A_296 = arith.constant 112 : index
    %swap3A_297 = tpu.vector_load %arg9[%swap3A_296] {strides = array<i32>} : memref<128xi32, #tpu.memory_space<vmem>>, vector<16xi32>,
    %swap3A_298 = vector.shape_cast %swap3A_297 : vector<16xi32> to vector<16xi32>
    %swap3A_299 = vector.shape_cast %and3A_295 : vector<16xi32> to vector<16xi32>
    tpu.vector_store %arg9[%swap3A_296], %swap3A_299 {strides = array<i32>} : memref<128xi32, #tpu.memory_space<vmem>>, vector<16xi32>,
    %shift_right_logical3A_300 = arith.constant 16 : i32
    %shift_right_logical3A_301 = vector.broadcast %shift_right_logical3A_300 : i32 to vector<16xi32>
    %shift_right_logical3A_302 = arith.shrui %get3A_292, %shift_right_logical3A_301 : vector<16xi32>
    %swap3A_303 = arith.constant 112 : index
    %swap3A_304 = tpu.vector_load %arg10[%swap3A_303] {strides = array<i32>} : memref<128xi32, #tpu.memory_space<vmem>>, vector<16xi32>,
    %swap3A_305 = vector.shape_cast %swap3A_304 : vector<16xi32> to vector<16xi32>
    %swap3A_306 = vector.shape_cast %shift_right_logical3A_302 : vector<16xi32> to vector<16xi32>
    tpu.vector_store %arg10[%swap3A_303], %swap3A_306 {strides = array<i32>} : memref<128xi32, #tpu.memory_space<vmem>>, vector<16xi32>,
    %dma_start3A_307 = arith.constant 0 : i32
    %dma_start3A_308 = arith.constant 0 : i32
    %dma_start3A_309 = tpu.memref_slice %arg3[%dma_start3A_307, %dma_start3A_308] : memref<10112x128xf32, #tpu.memory_space<hbm>> -> memref<10112x128xf32, #tpu.memory_space<hbm>>
    tpu.enqueue_indirect_dma source(%dma_start3A_309 : memref<10112x128xf32, #tpu.memory_space<hbm>>) target(%arg12 : memref<128x128xf32, #tpu.memory_space<vmem>>) offsets(%arg9 : memref<128xi32, #tpu.memory_space<vmem>>) semaphore(%arg15 : memref<!tpu.dma_semaphore, #tpu.memory_space<semaphore_mem>>)
    %scan3A = arith.constant 0 : i32
    %scan3A_310 = arith.constant 0 : i32
    %scan3A_311 = arith.constant 40 : i32
    %scan3A_312 = arith.addi %scan3A_310, %scan3A_311 : i32
    %scan3A_313 = arith.constant 1 : i32
    scf.for %scan3A_320 = %scan3A_310 to %scan3A_312 step %scan3A_313  : i32 {
      %mul3A_321 = arith.constant 2 : i32
      %mul3A_322 = arith.muli %mul3A_321, %scan3A_320 : i32
      %dma_wait3A = arith.constant 0 : i32
      %dma_wait3A_323 = arith.constant 0 : i32
      %dma_wait3A_324 = tpu.memref_slice %arg3[%dma_wait3A, %dma_wait3A_323] : memref<10112x128xf32, #tpu.memory_space<hbm>> -> memref<10112x128xf32, #tpu.memory_space<hbm>>
      tpu.wait_indirect_dma semaphore(%arg14 : memref<!tpu.dma_semaphore, #tpu.memory_space<semaphore_mem>>) src(%dma_wait3A_324 : memref<10112x128xf32, #tpu.memory_space<hbm>>) dst(%arg11 : memref<128x128xf32, #tpu.memory_space<vmem>>)
      "tpu.region"() ({
        %run_scoped3A = tpu.sem_alloc : memref<!tpu.dma_semaphore, #tpu.memory_space<semaphore_mem>>
        %dma_start3A_335 = arith.constant 0 : i32
        %dma_start3A_336 = arith.constant 0 : i32
        %dma_start3A_337 = tpu.memref_slice %arg13[%dma_start3A_335, %dma_start3A_336] : memref<10112x128xf32, #tpu.memory_space<vmem_shared>> -> memref<10112x128xf32, #tpu.memory_space<vmem_shared>>
        tpu.enqueue_indirect_dma source(%arg11 : memref<128x128xf32, #tpu.memory_space<vmem>>) target(%dma_start3A_337 : memref<10112x128xf32, #tpu.memory_space<vmem_shared>>) offsets(%arg8 : memref<128xi32, #tpu.memory_space<vmem>>) semaphore(%run_scoped3A : memref<!tpu.dma_semaphore, #tpu.memory_space<semaphore_mem>>) {add = true}
        %dma_wait3A_338 = arith.constant 0 : i32
        %dma_wait3A_339 = arith.constant 0 : i32
        %dma_wait3A_340 = tpu.memref_slice %arg13[%dma_wait3A_338, %dma_wait3A_339] : memref<10112x128xf32, #tpu.memory_space<vmem_shared>> -> memref<10112x128xf32, #tpu.memory_space<vmem_shared>>
        tpu.wait_indirect_dma semaphore(%run_scoped3A : memref<!tpu.dma_semaphore, #tpu.memory_space<semaphore_mem>>) src(%arg11 : memref<128x128xf32, #tpu.memory_space<vmem>>) dst(%dma_wait3A_340 : memref<10112x128xf32, #tpu.memory_space<vmem_shared>>)
        tpu.yield
      }) : () -> ()
      %lt3A = arith.constant 39 : i32
      %lt3A_325 = arith.cmpi slt, %scan3A_320, %lt3A : i32
      %convert_element_type3A = arith.extui %lt3A_325 : i1 to i32
      %cond3A = arith.constant 0 : i32
      %cond3A_326 = arith.cmpi ne, %convert_element_type3A, %cond3A : i32
      scf.if %cond3A_326 {
        %add3A_335 = arith.constant 2 : i32
        %add3A_336 = arith.addi %mul3A_322, %add3A_335 : i32
        %get3A_337 = arith.index_cast %add3A_336 : i32 to index
        %get3A_338 = arith.constant 0 : index
        %get3A_339 = tpu.vector_load %arg6[%get3A_337, %get3A_338] {strides = array<i32>} : memref<80x128xi32, #tpu.memory_space<vmem>>, vector<1x16xi32>,
        %get3A_340 = vector.shape_cast %get3A_339 : vector<1x16xi32> to vector<16xi32>
        %and3A_341 = arith.constant 65535 : i32
        %and3A_342 = vector.broadcast %and3A_341 : i32 to vector<16xi32>
        %and3A_343 = arith.andi %get3A_340, %and3A_342 : vector<16xi32>
        %swap3A_344 = arith.constant 0 : index
        %swap3A_345 = tpu.vector_load %arg7[%swap3A_344] {strides = array<i32>} : memref<128xi32, #tpu.memory_space<vmem>>, vector<16xi32>,
        %swap3A_346 = vector.shape_cast %swap3A_345 : vector<16xi32> to vector<16xi32>
        %swap3A_347 = vector.shape_cast %and3A_343 : vector<16xi32> to vector<16xi32>
        tpu.vector_store %arg7[%swap3A_344], %swap3A_347 {strides = array<i32>} : memref<128xi32, #tpu.memory_space<vmem>>, vector<16xi32>,
        %shift_right_logical3A_348 = arith.constant 16 : i32
        %shift_right_logical3A_349 = vector.broadcast %shift_right_logical3A_348 : i32 to vector<16xi32>
        %shift_right_logical3A_350 = arith.shrui %get3A_340, %shift_right_logical3A_349 : vector<16xi32>
        %swap3A_351 = arith.constant 0 : index
        %swap3A_352 = tpu.vector_load %arg8[%swap3A_351] {strides = array<i32>} : memref<128xi32, #tpu.memory_space<vmem>>, vector<16xi32>,
        %swap3A_353 = vector.shape_cast %swap3A_352 : vector<16xi32> to vector<16xi32>
        %swap3A_354 = vector.shape_cast %shift_right_logical3A_350 : vector<16xi32> to vector<16xi32>
        tpu.vector_store %arg8[%swap3A_351], %swap3A_354 {strides = array<i32>} : memref<128xi32, #tpu.memory_space<vmem>>, vector<16xi32>,
        %get3A_355 = arith.index_cast %add3A_336 : i32 to index
        %get3A_356 = arith.constant 16 : index
        %get3A_357 = tpu.vector_load %arg6[%get3A_355, %get3A_356] {strides = array<i32>} : memref<80x128xi32, #tpu.memory_space<vmem>>, vector<1x16xi32>,
        %get3A_358 = vector.shape_cast %get3A_357 : vector<1x16xi32> to vector<16xi32>
        %and3A_359 = arith.constant 65535 : i32
        %and3A_360 = vector.broadcast %and3A_359 : i32 to vector<16xi32>
        %and3A_361 = arith.andi %get3A_358, %and3A_360 : vector<16xi32>
        %swap3A_362 = arith.constant 16 : index
        %swap3A_363 = tpu.vector_load %arg7[%swap3A_362] {strides = array<i32>} : memref<128xi32, #tpu.memory_space<vmem>>, vector<16xi32>,
        %swap3A_364 = vector.shape_cast %swap3A_363 : vector<16xi32> to vector<16xi32>
        %swap3A_365 = vector.shape_cast %and3A_361 : vector<16xi32> to vector<16xi32>
        tpu.vector_store %arg7[%swap3A_362], %swap3A_365 {strides = array<i32>} : memref<128xi32, #tpu.memory_space<vmem>>, vector<16xi32>,
        %shift_right_logical3A_366 = arith.constant 16 : i32
        %shift_right_logical3A_367 = vector.broadcast %shift_right_logical3A_366 : i32 to vector<16xi32>
        %shift_right_logical3A_368 = arith.shrui %get3A_358, %shift_right_logical3A_367 : vector<16xi32>
        %swap3A_369 = arith.constant 16 : index
        %swap3A_370 = tpu.vector_load %arg8[%swap3A_369] {strides = array<i32>} : memref<128xi32, #tpu.memory_space<vmem>>, vector<16xi32>,
        %swap3A_371 = vector.shape_cast %swap3A_370 : vector<16xi32> to vector<16xi32>
        %swap3A_372 = vector.shape_cast %shift_right_logical3A_368 : vector<16xi32> to vector<16xi32>
        tpu.vector_store %arg8[%swap3A_369], %swap3A_372 {strides = array<i32>} : memref<128xi32, #tpu.memory_space<vmem>>, vector<16xi32>,
        %get3A_373 = arith.index_cast %add3A_336 : i32 to index
        %get3A_374 = arith.constant 32 : index
        %get3A_375 = tpu.vector_load %arg6[%get3A_373, %get3A_374] {strides = array<i32>} : memref<80x128xi32, #tpu.memory_space<vmem>>, vector<1x16xi32>,
        %get3A_376 = vector.shape_cast %get3A_375 : vector<1x16xi32> to vector<16xi32>
        %and3A_377 = arith.constant 65535 : i32
        %and3A_378 = vector.broadcast %and3A_377 : i32 to vector<16xi32>
        %and3A_379 = arith.andi %get3A_376, %and3A_378 : vector<16xi32>
        %swap3A_380 = arith.constant 32 : index
        %swap3A_381 = tpu.vector_load %arg7[%swap3A_380] {strides = array<i32>} : memref<128xi32, #tpu.memory_space<vmem>>, vector<16xi32>,
        %swap3A_382 = vector.shape_cast %swap3A_381 : vector<16xi32> to vector<16xi32>
        %swap3A_383 = vector.shape_cast %and3A_379 : vector<16xi32> to vector<16xi32>
        tpu.vector_store %arg7[%swap3A_380], %swap3A_383 {strides = array<i32>} : memref<128xi32, #tpu.memory_space<vmem>>, vector<16xi32>,
        %shift_right_logical3A_384 = arith.constant 16 : i32
        %shift_right_logical3A_385 = vector.broadcast %shift_right_logical3A_384 : i32 to vector<16xi32>
        %shift_right_logical3A_386 = arith.shrui %get3A_376, %shift_right_logical3A_385 : vector<16xi32>
        %swap3A_387 = arith.constant 32 : index
        %swap3A_388 = tpu.vector_load %arg8[%swap3A_387] {strides = array<i32>} : memref<128xi32, #tpu.memory_space<vmem>>, vector<16xi32>,
        %swap3A_389 = vector.shape_cast %swap3A_388 : vector<16xi32> to vector<16xi32>
        %swap3A_390 = vector.shape_cast %shift_right_logical3A_386 : vector<16xi32> to vector<16xi32>
        tpu.vector_store %arg8[%swap3A_387], %swap3A_390 {strides = array<i32>} : memref<128xi32, #tpu.memory_space<vmem>>, vector<16xi32>,
        %get3A_391 = arith.index_cast %add3A_336 : i32 to index
        %get3A_392 = arith.constant 48 : index
        %get3A_393 = tpu.vector_load %arg6[%get3A_391, %get3A_392] {strides = array<i32>} : memref<80x128xi32, #tpu.memory_space<vmem>>, vector<1x16xi32>,
        %get3A_394 = vector.shape_cast %get3A_393 : vector<1x16xi32> to vector<16xi32>
        %and3A_395 = arith.constant 65535 : i32
        %and3A_396 = vector.broadcast %and3A_395 : i32 to vector<16xi32>
        %and3A_397 = arith.andi %get3A_394, %and3A_396 : vector<16xi32>
        %swap3A_398 = arith.constant 48 : index
        %swap3A_399 = tpu.vector_load %arg7[%swap3A_398] {strides = array<i32>} : memref<128xi32, #tpu.memory_space<vmem>>, vector<16xi32>,
        %swap3A_400 = vector.shape_cast %swap3A_399 : vector<16xi32> to vector<16xi32>
        %swap3A_401 = vector.shape_cast %and3A_397 : vector<16xi32> to vector<16xi32>
        tpu.vector_store %arg7[%swap3A_398], %swap3A_401 {strides = array<i32>} : memref<128xi32, #tpu.memory_space<vmem>>, vector<16xi32>,
        %shift_right_logical3A_402 = arith.constant 16 : i32
        %shift_right_logical3A_403 = vector.broadcast %shift_right_logical3A_402 : i32 to vector<16xi32>
        %shift_right_logical3A_404 = arith.shrui %get3A_394, %shift_right_logical3A_403 : vector<16xi32>
        %swap3A_405 = arith.constant 48 : index
        %swap3A_406 = tpu.vector_load %arg8[%swap3A_405] {strides = array<i32>} : memref<128xi32, #tpu.memory_space<vmem>>, vector<16xi32>,
        %swap3A_407 = vector.shape_cast %swap3A_406 : vector<16xi32> to vector<16xi32>
        %swap3A_408 = vector.shape_cast %shift_right_logical3A_404 : vector<16xi32> to vector<16xi32>
        tpu.vector_store %arg8[%swap3A_405], %swap3A_408 {strides = array<i32>} : memref<128xi32, #tpu.memory_space<vmem>>, vector<16xi32>,
        %get3A_409 = arith.index_cast %add3A_336 : i32 to index
        %get3A_410 = arith.constant 64 : index
        %get3A_411 = tpu.vector_load %arg6[%get3A_409, %get3A_410] {strides = array<i32>} : memref<80x128xi32, #tpu.memory_space<vmem>>, vector<1x16xi32>,
        %get3A_412 = vector.shape_cast %get3A_411 : vector<1x16xi32> to vector<16xi32>
        %and3A_413 = arith.constant 65535 : i32
        %and3A_414 = vector.broadcast %and3A_413 : i32 to vector<16xi32>
        %and3A_415 = arith.andi %get3A_412, %and3A_414 : vector<16xi32>
        %swap3A_416 = arith.constant 64 : index
        %swap3A_417 = tpu.vector_load %arg7[%swap3A_416] {strides = array<i32>} : memref<128xi32, #tpu.memory_space<vmem>>, vector<16xi32>,
        %swap3A_418 = vector.shape_cast %swap3A_417 : vector<16xi32> to vector<16xi32>
        %swap3A_419 = vector.shape_cast %and3A_415 : vector<16xi32> to vector<16xi32>
        tpu.vector_store %arg7[%swap3A_416], %swap3A_419 {strides = array<i32>} : memref<128xi32, #tpu.memory_space<vmem>>, vector<16xi32>,
        %shift_right_logical3A_420 = arith.constant 16 : i32
        %shift_right_logical3A_421 = vector.broadcast %shift_right_logical3A_420 : i32 to vector<16xi32>
        %shift_right_logical3A_422 = arith.shrui %get3A_412, %shift_right_logical3A_421 : vector<16xi32>
        %swap3A_423 = arith.constant 64 : index
        %swap3A_424 = tpu.vector_load %arg8[%swap3A_423] {strides = array<i32>} : memref<128xi32, #tpu.memory_space<vmem>>, vector<16xi32>,
        %swap3A_425 = vector.shape_cast %swap3A_424 : vector<16xi32> to vector<16xi32>
        %swap3A_426 = vector.shape_cast %shift_right_logical3A_422 : vector<16xi32> to vector<16xi32>
        tpu.vector_store %arg8[%swap3A_423], %swap3A_426 {strides = array<i32>} : memref<128xi32, #tpu.memory_space<vmem>>, vector<16xi32>,
        %get3A_427 = arith.index_cast %add3A_336 : i32 to index
        %get3A_428 = arith.constant 80 : index
        %get3A_429 = tpu.vector_load %arg6[%get3A_427, %get3A_428] {strides = array<i32>} : memref<80x128xi32, #tpu.memory_space<vmem>>, vector<1x16xi32>,
        %get3A_430 = vector.shape_cast %get3A_429 : vector<1x16xi32> to vector<16xi32>
        %and3A_431 = arith.constant 65535 : i32
        %and3A_432 = vector.broadcast %and3A_431 : i32 to vector<16xi32>
        %and3A_433 = arith.andi %get3A_430, %and3A_432 : vector<16xi32>
        %swap3A_434 = arith.constant 80 : index
        %swap3A_435 = tpu.vector_load %arg7[%swap3A_434] {strides = array<i32>} : memref<128xi32, #tpu.memory_space<vmem>>, vector<16xi32>,
        %swap3A_436 = vector.shape_cast %swap3A_435 : vector<16xi32> to vector<16xi32>
        %swap3A_437 = vector.shape_cast %and3A_433 : vector<16xi32> to vector<16xi32>
        tpu.vector_store %arg7[%swap3A_434], %swap3A_437 {strides = array<i32>} : memref<128xi32, #tpu.memory_space<vmem>>, vector<16xi32>,
        %shift_right_logical3A_438 = arith.constant 16 : i32
        %shift_right_logical3A_439 = vector.broadcast %shift_right_logical3A_438 : i32 to vector<16xi32>
        %shift_right_logical3A_440 = arith.shrui %get3A_430, %shift_right_logical3A_439 : vector<16xi32>
        %swap3A_441 = arith.constant 80 : index
        %swap3A_442 = tpu.vector_load %arg8[%swap3A_441] {strides = array<i32>} : memref<128xi32, #tpu.memory_space<vmem>>, vector<16xi32>,
        %swap3A_443 = vector.shape_cast %swap3A_442 : vector<16xi32> to vector<16xi32>
        %swap3A_444 = vector.shape_cast %shift_right_logical3A_440 : vector<16xi32> to vector<16xi32>
        tpu.vector_store %arg8[%swap3A_441], %swap3A_444 {strides = array<i32>} : memref<128xi32, #tpu.memory_space<vmem>>, vector<16xi32>,
        %get3A_445 = arith.index_cast %add3A_336 : i32 to index
        %get3A_446 = arith.constant 96 : index
        %get3A_447 = tpu.vector_load %arg6[%get3A_445, %get3A_446] {strides = array<i32>} : memref<80x128xi32, #tpu.memory_space<vmem>>, vector<1x16xi32>,
        %get3A_448 = vector.shape_cast %get3A_447 : vector<1x16xi32> to vector<16xi32>
        %and3A_449 = arith.constant 65535 : i32
        %and3A_450 = vector.broadcast %and3A_449 : i32 to vector<16xi32>
        %and3A_451 = arith.andi %get3A_448, %and3A_450 : vector<16xi32>
        %swap3A_452 = arith.constant 96 : index
        %swap3A_453 = tpu.vector_load %arg7[%swap3A_452] {strides = array<i32>} : memref<128xi32, #tpu.memory_space<vmem>>, vector<16xi32>,
        %swap3A_454 = vector.shape_cast %swap3A_453 : vector<16xi32> to vector<16xi32>
        %swap3A_455 = vector.shape_cast %and3A_451 : vector<16xi32> to vector<16xi32>
        tpu.vector_store %arg7[%swap3A_452], %swap3A_455 {strides = array<i32>} : memref<128xi32, #tpu.memory_space<vmem>>, vector<16xi32>,
        %shift_right_logical3A_456 = arith.constant 16 : i32
        %shift_right_logical3A_457 = vector.broadcast %shift_right_logical3A_456 : i32 to vector<16xi32>
        %shift_right_logical3A_458 = arith.shrui %get3A_448, %shift_right_logical3A_457 : vector<16xi32>
        %swap3A_459 = arith.constant 96 : index
        %swap3A_460 = tpu.vector_load %arg8[%swap3A_459] {strides = array<i32>} : memref<128xi32, #tpu.memory_space<vmem>>, vector<16xi32>,
        %swap3A_461 = vector.shape_cast %swap3A_460 : vector<16xi32> to vector<16xi32>
        %swap3A_462 = vector.shape_cast %shift_right_logical3A_458 : vector<16xi32> to vector<16xi32>
        tpu.vector_store %arg8[%swap3A_459], %swap3A_462 {strides = array<i32>} : memref<128xi32, #tpu.memory_space<vmem>>, vector<16xi32>,
        %get3A_463 = arith.index_cast %add3A_336 : i32 to index
        %get3A_464 = arith.constant 112 : index
        %get3A_465 = tpu.vector_load %arg6[%get3A_463, %get3A_464] {strides = array<i32>} : memref<80x128xi32, #tpu.memory_space<vmem>>, vector<1x16xi32>,
        %get3A_466 = vector.shape_cast %get3A_465 : vector<1x16xi32> to vector<16xi32>
        %and3A_467 = arith.constant 65535 : i32
        %and3A_468 = vector.broadcast %and3A_467 : i32 to vector<16xi32>
        %and3A_469 = arith.andi %get3A_466, %and3A_468 : vector<16xi32>
        %swap3A_470 = arith.constant 112 : index
        %swap3A_471 = tpu.vector_load %arg7[%swap3A_470] {strides = array<i32>} : memref<128xi32, #tpu.memory_space<vmem>>, vector<16xi32>,
        %swap3A_472 = vector.shape_cast %swap3A_471 : vector<16xi32> to vector<16xi32>
        %swap3A_473 = vector.shape_cast %and3A_469 : vector<16xi32> to vector<16xi32>
        tpu.vector_store %arg7[%swap3A_470], %swap3A_473 {strides = array<i32>} : memref<128xi32, #tpu.memory_space<vmem>>, vector<16xi32>,
        %shift_right_logical3A_474 = arith.constant 16 : i32
        %shift_right_logical3A_475 = vector.broadcast %shift_right_logical3A_474 : i32 to vector<16xi32>
        %shift_right_logical3A_476 = arith.shrui %get3A_466, %shift_right_logical3A_475 : vector<16xi32>
        %swap3A_477 = arith.constant 112 : index
        %swap3A_478 = tpu.vector_load %arg8[%swap3A_477] {strides = array<i32>} : memref<128xi32, #tpu.memory_space<vmem>>, vector<16xi32>,
        %swap3A_479 = vector.shape_cast %swap3A_478 : vector<16xi32> to vector<16xi32>
        %swap3A_480 = vector.shape_cast %shift_right_logical3A_476 : vector<16xi32> to vector<16xi32>
        tpu.vector_store %arg8[%swap3A_477], %swap3A_480 {strides = array<i32>} : memref<128xi32, #tpu.memory_space<vmem>>, vector<16xi32>,
        %dma_start3A_481 = arith.constant 0 : i32
        %dma_start3A_482 = arith.constant 0 : i32
        %dma_start3A_483 = tpu.memref_slice %arg3[%dma_start3A_481, %dma_start3A_482] : memref<10112x128xf32, #tpu.memory_space<hbm>> -> memref<10112x128xf32, #tpu.memory_space<hbm>>
        tpu.enqueue_indirect_dma source(%dma_start3A_483 : memref<10112x128xf32, #tpu.memory_space<hbm>>) target(%arg11 : memref<128x128xf32, #tpu.memory_space<vmem>>) offsets(%arg7 : memref<128xi32, #tpu.memory_space<vmem>>) semaphore(%arg14 : memref<!tpu.dma_semaphore, #tpu.memory_space<semaphore_mem>>)
      } else {
      }
      %dma_wait3A_327 = arith.constant 0 : i32
      %dma_wait3A_328 = arith.constant 0 : i32
      %dma_wait3A_329 = tpu.memref_slice %arg3[%dma_wait3A_327, %dma_wait3A_328] : memref<10112x128xf32, #tpu.memory_space<hbm>> -> memref<10112x128xf32, #tpu.memory_space<hbm>>
      tpu.wait_indirect_dma semaphore(%arg15 : memref<!tpu.dma_semaphore, #tpu.memory_space<semaphore_mem>>) src(%dma_wait3A_329 : memref<10112x128xf32, #tpu.memory_space<hbm>>) dst(%arg12 : memref<128x128xf32, #tpu.memory_space<vmem>>)
      "tpu.region"() ({
        %run_scoped3A = tpu.sem_alloc : memref<!tpu.dma_semaphore, #tpu.memory_space<semaphore_mem>>
        %dma_start3A_335 = arith.constant 0 : i32
        %dma_start3A_336 = arith.constant 0 : i32
        %dma_start3A_337 = tpu.memref_slice %arg13[%dma_start3A_335, %dma_start3A_336] : memref<10112x128xf32, #tpu.memory_space<vmem_shared>> -> memref<10112x128xf32, #tpu.memory_space<vmem_shared>>
        tpu.enqueue_indirect_dma source(%arg12 : memref<128x128xf32, #tpu.memory_space<vmem>>) target(%dma_start3A_337 : memref<10112x128xf32, #tpu.memory_space<vmem_shared>>) offsets(%arg10 : memref<128xi32, #tpu.memory_space<vmem>>) semaphore(%run_scoped3A : memref<!tpu.dma_semaphore, #tpu.memory_space<semaphore_mem>>) {add = true}
        %dma_wait3A_338 = arith.constant 0 : i32
        %dma_wait3A_339 = arith.constant 0 : i32
        %dma_wait3A_340 = tpu.memref_slice %arg13[%dma_wait3A_338, %dma_wait3A_339] : memref<10112x128xf32, #tpu.memory_space<vmem_shared>> -> memref<10112x128xf32, #tpu.memory_space<vmem_shared>>
        tpu.wait_indirect_dma semaphore(%run_scoped3A : memref<!tpu.dma_semaphore, #tpu.memory_space<semaphore_mem>>) src(%arg12 : memref<128x128xf32, #tpu.memory_space<vmem>>) dst(%dma_wait3A_340 : memref<10112x128xf32, #tpu.memory_space<vmem_shared>>)
        tpu.yield
      }) : () -> ()
      %lt3A_330 = arith.constant 39 : i32
      %lt3A_331 = arith.cmpi slt, %scan3A_320, %lt3A_330 : i32
      %convert_element_type3A_332 = arith.extui %lt3A_331 : i1 to i32
      %cond3A_333 = arith.constant 0 : i32
      %cond3A_334 = arith.cmpi ne, %convert_element_type3A_332, %cond3A_333 : i32
      scf.if %cond3A_334 {
        %add3A_335 = arith.constant 3 : i32
        %add3A_336 = arith.addi %mul3A_322, %add3A_335 : i32
        %get3A_337 = arith.index_cast %add3A_336 : i32 to index
        %get3A_338 = arith.constant 0 : index
        %get3A_339 = tpu.vector_load %arg6[%get3A_337, %get3A_338] {strides = array<i32>} : memref<80x128xi32, #tpu.memory_space<vmem>>, vector<1x16xi32>,
        %get3A_340 = vector.shape_cast %get3A_339 : vector<1x16xi32> to vector<16xi32>
        %and3A_341 = arith.constant 65535 : i32
        %and3A_342 = vector.broadcast %and3A_341 : i32 to vector<16xi32>
        %and3A_343 = arith.andi %get3A_340, %and3A_342 : vector<16xi32>
        %swap3A_344 = arith.constant 0 : index
        %swap3A_345 = tpu.vector_load %arg9[%swap3A_344] {strides = array<i32>} : memref<128xi32, #tpu.memory_space<vmem>>, vector<16xi32>,
        %swap3A_346 = vector.shape_cast %swap3A_345 : vector<16xi32> to vector<16xi32>
        %swap3A_347 = vector.shape_cast %and3A_343 : vector<16xi32> to vector<16xi32>
        tpu.vector_store %arg9[%swap3A_344], %swap3A_347 {strides = array<i32>} : memref<128xi32, #tpu.memory_space<vmem>>, vector<16xi32>,
        %shift_right_logical3A_348 = arith.constant 16 : i32
        %shift_right_logical3A_349 = vector.broadcast %shift_right_logical3A_348 : i32 to vector<16xi32>
        %shift_right_logical3A_350 = arith.shrui %get3A_340, %shift_right_logical3A_349 : vector<16xi32>
        %swap3A_351 = arith.constant 0 : index
        %swap3A_352 = tpu.vector_load %arg10[%swap3A_351] {strides = array<i32>} : memref<128xi32, #tpu.memory_space<vmem>>, vector<16xi32>,
        %swap3A_353 = vector.shape_cast %swap3A_352 : vector<16xi32> to vector<16xi32>
        %swap3A_354 = vector.shape_cast %shift_right_logical3A_350 : vector<16xi32> to vector<16xi32>
        tpu.vector_store %arg10[%swap3A_351], %swap3A_354 {strides = array<i32>} : memref<128xi32, #tpu.memory_space<vmem>>, vector<16xi32>,
        %get3A_355 = arith.index_cast %add3A_336 : i32 to index
        %get3A_356 = arith.constant 16 : index
        %get3A_357 = tpu.vector_load %arg6[%get3A_355, %get3A_356] {strides = array<i32>} : memref<80x128xi32, #tpu.memory_space<vmem>>, vector<1x16xi32>,
        %get3A_358 = vector.shape_cast %get3A_357 : vector<1x16xi32> to vector<16xi32>
        %and3A_359 = arith.constant 65535 : i32
        %and3A_360 = vector.broadcast %and3A_359 : i32 to vector<16xi32>
        %and3A_361 = arith.andi %get3A_358, %and3A_360 : vector<16xi32>
        %swap3A_362 = arith.constant 16 : index
        %swap3A_363 = tpu.vector_load %arg9[%swap3A_362] {strides = array<i32>} : memref<128xi32, #tpu.memory_space<vmem>>, vector<16xi32>,
        %swap3A_364 = vector.shape_cast %swap3A_363 : vector<16xi32> to vector<16xi32>
        %swap3A_365 = vector.shape_cast %and3A_361 : vector<16xi32> to vector<16xi32>
        tpu.vector_store %arg9[%swap3A_362], %swap3A_365 {strides = array<i32>} : memref<128xi32, #tpu.memory_space<vmem>>, vector<16xi32>,
        %shift_right_logical3A_366 = arith.constant 16 : i32
        %shift_right_logical3A_367 = vector.broadcast %shift_right_logical3A_366 : i32 to vector<16xi32>
        %shift_right_logical3A_368 = arith.shrui %get3A_358, %shift_right_logical3A_367 : vector<16xi32>
        %swap3A_369 = arith.constant 16 : index
        %swap3A_370 = tpu.vector_load %arg10[%swap3A_369] {strides = array<i32>} : memref<128xi32, #tpu.memory_space<vmem>>, vector<16xi32>,
        %swap3A_371 = vector.shape_cast %swap3A_370 : vector<16xi32> to vector<16xi32>
        %swap3A_372 = vector.shape_cast %shift_right_logical3A_368 : vector<16xi32> to vector<16xi32>
        tpu.vector_store %arg10[%swap3A_369], %swap3A_372 {strides = array<i32>} : memref<128xi32, #tpu.memory_space<vmem>>, vector<16xi32>,
        %get3A_373 = arith.index_cast %add3A_336 : i32 to index
        %get3A_374 = arith.constant 32 : index
        %get3A_375 = tpu.vector_load %arg6[%get3A_373, %get3A_374] {strides = array<i32>} : memref<80x128xi32, #tpu.memory_space<vmem>>, vector<1x16xi32>,
        %get3A_376 = vector.shape_cast %get3A_375 : vector<1x16xi32> to vector<16xi32>
        %and3A_377 = arith.constant 65535 : i32
        %and3A_378 = vector.broadcast %and3A_377 : i32 to vector<16xi32>
        %and3A_379 = arith.andi %get3A_376, %and3A_378 : vector<16xi32>
        %swap3A_380 = arith.constant 32 : index
        %swap3A_381 = tpu.vector_load %arg9[%swap3A_380] {strides = array<i32>} : memref<128xi32, #tpu.memory_space<vmem>>, vector<16xi32>,
        %swap3A_382 = vector.shape_cast %swap3A_381 : vector<16xi32> to vector<16xi32>
        %swap3A_383 = vector.shape_cast %and3A_379 : vector<16xi32> to vector<16xi32>
        tpu.vector_store %arg9[%swap3A_380], %swap3A_383 {strides = array<i32>} : memref<128xi32, #tpu.memory_space<vmem>>, vector<16xi32>,
        %shift_right_logical3A_384 = arith.constant 16 : i32
        %shift_right_logical3A_385 = vector.broadcast %shift_right_logical3A_384 : i32 to vector<16xi32>
        %shift_right_logical3A_386 = arith.shrui %get3A_376, %shift_right_logical3A_385 : vector<16xi32>
        %swap3A_387 = arith.constant 32 : index
        %swap3A_388 = tpu.vector_load %arg10[%swap3A_387] {strides = array<i32>} : memref<128xi32, #tpu.memory_space<vmem>>, vector<16xi32>,
        %swap3A_389 = vector.shape_cast %swap3A_388 : vector<16xi32> to vector<16xi32>
        %swap3A_390 = vector.shape_cast %shift_right_logical3A_386 : vector<16xi32> to vector<16xi32>
        tpu.vector_store %arg10[%swap3A_387], %swap3A_390 {strides = array<i32>} : memref<128xi32, #tpu.memory_space<vmem>>, vector<16xi32>,
        %get3A_391 = arith.index_cast %add3A_336 : i32 to index
        %get3A_392 = arith.constant 48 : index
        %get3A_393 = tpu.vector_load %arg6[%get3A_391, %get3A_392] {strides = array<i32>} : memref<80x128xi32, #tpu.memory_space<vmem>>, vector<1x16xi32>,
        %get3A_394 = vector.shape_cast %get3A_393 : vector<1x16xi32> to vector<16xi32>
        %and3A_395 = arith.constant 65535 : i32
        %and3A_396 = vector.broadcast %and3A_395 : i32 to vector<16xi32>
        %and3A_397 = arith.andi %get3A_394, %and3A_396 : vector<16xi32>
        %swap3A_398 = arith.constant 48 : index
        %swap3A_399 = tpu.vector_load %arg9[%swap3A_398] {strides = array<i32>} : memref<128xi32, #tpu.memory_space<vmem>>, vector<16xi32>,
        %swap3A_400 = vector.shape_cast %swap3A_399 : vector<16xi32> to vector<16xi32>
        %swap3A_401 = vector.shape_cast %and3A_397 : vector<16xi32> to vector<16xi32>
        tpu.vector_store %arg9[%swap3A_398], %swap3A_401 {strides = array<i32>} : memref<128xi32, #tpu.memory_space<vmem>>, vector<16xi32>,
        %shift_right_logical3A_402 = arith.constant 16 : i32
        %shift_right_logical3A_403 = vector.broadcast %shift_right_logical3A_402 : i32 to vector<16xi32>
        %shift_right_logical3A_404 = arith.shrui %get3A_394, %shift_right_logical3A_403 : vector<16xi32>
        %swap3A_405 = arith.constant 48 : index
        %swap3A_406 = tpu.vector_load %arg10[%swap3A_405] {strides = array<i32>} : memref<128xi32, #tpu.memory_space<vmem>>, vector<16xi32>,
        %swap3A_407 = vector.shape_cast %swap3A_406 : vector<16xi32> to vector<16xi32>
        %swap3A_408 = vector.shape_cast %shift_right_logical3A_404 : vector<16xi32> to vector<16xi32>
        tpu.vector_store %arg10[%swap3A_405], %swap3A_408 {strides = array<i32>} : memref<128xi32, #tpu.memory_space<vmem>>, vector<16xi32>,
        %get3A_409 = arith.index_cast %add3A_336 : i32 to index
        %get3A_410 = arith.constant 64 : index
        %get3A_411 = tpu.vector_load %arg6[%get3A_409, %get3A_410] {strides = array<i32>} : memref<80x128xi32, #tpu.memory_space<vmem>>, vector<1x16xi32>,
        %get3A_412 = vector.shape_cast %get3A_411 : vector<1x16xi32> to vector<16xi32>
        %and3A_413 = arith.constant 65535 : i32
        %and3A_414 = vector.broadcast %and3A_413 : i32 to vector<16xi32>
        %and3A_415 = arith.andi %get3A_412, %and3A_414 : vector<16xi32>
        %swap3A_416 = arith.constant 64 : index
        %swap3A_417 = tpu.vector_load %arg9[%swap3A_416] {strides = array<i32>} : memref<128xi32, #tpu.memory_space<vmem>>, vector<16xi32>,
        %swap3A_418 = vector.shape_cast %swap3A_417 : vector<16xi32> to vector<16xi32>
        %swap3A_419 = vector.shape_cast %and3A_415 : vector<16xi32> to vector<16xi32>
        tpu.vector_store %arg9[%swap3A_416], %swap3A_419 {strides = array<i32>} : memref<128xi32, #tpu.memory_space<vmem>>, vector<16xi32>,
        %shift_right_logical3A_420 = arith.constant 16 : i32
        %shift_right_logical3A_421 = vector.broadcast %shift_right_logical3A_420 : i32 to vector<16xi32>
        %shift_right_logical3A_422 = arith.shrui %get3A_412, %shift_right_logical3A_421 : vector<16xi32>
        %swap3A_423 = arith.constant 64 : index
        %swap3A_424 = tpu.vector_load %arg10[%swap3A_423] {strides = array<i32>} : memref<128xi32, #tpu.memory_space<vmem>>, vector<16xi32>,
        %swap3A_425 = vector.shape_cast %swap3A_424 : vector<16xi32> to vector<16xi32>
        %swap3A_426 = vector.shape_cast %shift_right_logical3A_422 : vector<16xi32> to vector<16xi32>
        tpu.vector_store %arg10[%swap3A_423], %swap3A_426 {strides = array<i32>} : memref<128xi32, #tpu.memory_space<vmem>>, vector<16xi32>,
        %get3A_427 = arith.index_cast %add3A_336 : i32 to index
        %get3A_428 = arith.constant 80 : index
        %get3A_429 = tpu.vector_load %arg6[%get3A_427, %get3A_428] {strides = array<i32>} : memref<80x128xi32, #tpu.memory_space<vmem>>, vector<1x16xi32>,
        %get3A_430 = vector.shape_cast %get3A_429 : vector<1x16xi32> to vector<16xi32>
        %and3A_431 = arith.constant 65535 : i32
        %and3A_432 = vector.broadcast %and3A_431 : i32 to vector<16xi32>
        %and3A_433 = arith.andi %get3A_430, %and3A_432 : vector<16xi32>
        %swap3A_434 = arith.constant 80 : index
        %swap3A_435 = tpu.vector_load %arg9[%swap3A_434] {strides = array<i32>} : memref<128xi32, #tpu.memory_space<vmem>>, vector<16xi32>,
        %swap3A_436 = vector.shape_cast %swap3A_435 : vector<16xi32> to vector<16xi32>
        %swap3A_437 = vector.shape_cast %and3A_433 : vector<16xi32> to vector<16xi32>
        tpu.vector_store %arg9[%swap3A_434], %swap3A_437 {strides = array<i32>} : memref<128xi32, #tpu.memory_space<vmem>>, vector<16xi32>,
        %shift_right_logical3A_438 = arith.constant 16 : i32
        %shift_right_logical3A_439 = vector.broadcast %shift_right_logical3A_438 : i32 to vector<16xi32>
        %shift_right_logical3A_440 = arith.shrui %get3A_430, %shift_right_logical3A_439 : vector<16xi32>
        %swap3A_441 = arith.constant 80 : index
        %swap3A_442 = tpu.vector_load %arg10[%swap3A_441] {strides = array<i32>} : memref<128xi32, #tpu.memory_space<vmem>>, vector<16xi32>,
        %swap3A_443 = vector.shape_cast %swap3A_442 : vector<16xi32> to vector<16xi32>
        %swap3A_444 = vector.shape_cast %shift_right_logical3A_440 : vector<16xi32> to vector<16xi32>
        tpu.vector_store %arg10[%swap3A_441], %swap3A_444 {strides = array<i32>} : memref<128xi32, #tpu.memory_space<vmem>>, vector<16xi32>,
        %get3A_445 = arith.index_cast %add3A_336 : i32 to index
        %get3A_446 = arith.constant 96 : index
        %get3A_447 = tpu.vector_load %arg6[%get3A_445, %get3A_446] {strides = array<i32>} : memref<80x128xi32, #tpu.memory_space<vmem>>, vector<1x16xi32>,
        %get3A_448 = vector.shape_cast %get3A_447 : vector<1x16xi32> to vector<16xi32>
        %and3A_449 = arith.constant 65535 : i32
        %and3A_450 = vector.broadcast %and3A_449 : i32 to vector<16xi32>
        %and3A_451 = arith.andi %get3A_448, %and3A_450 : vector<16xi32>
        %swap3A_452 = arith.constant 96 : index
        %swap3A_453 = tpu.vector_load %arg9[%swap3A_452] {strides = array<i32>} : memref<128xi32, #tpu.memory_space<vmem>>, vector<16xi32>,
        %swap3A_454 = vector.shape_cast %swap3A_453 : vector<16xi32> to vector<16xi32>
        %swap3A_455 = vector.shape_cast %and3A_451 : vector<16xi32> to vector<16xi32>
        tpu.vector_store %arg9[%swap3A_452], %swap3A_455 {strides = array<i32>} : memref<128xi32, #tpu.memory_space<vmem>>, vector<16xi32>,
        %shift_right_logical3A_456 = arith.constant 16 : i32
        %shift_right_logical3A_457 = vector.broadcast %shift_right_logical3A_456 : i32 to vector<16xi32>
        %shift_right_logical3A_458 = arith.shrui %get3A_448, %shift_right_logical3A_457 : vector<16xi32>
        %swap3A_459 = arith.constant 96 : index
        %swap3A_460 = tpu.vector_load %arg10[%swap3A_459] {strides = array<i32>} : memref<128xi32, #tpu.memory_space<vmem>>, vector<16xi32>,
        %swap3A_461 = vector.shape_cast %swap3A_460 : vector<16xi32> to vector<16xi32>
        %swap3A_462 = vector.shape_cast %shift_right_logical3A_458 : vector<16xi32> to vector<16xi32>
        tpu.vector_store %arg10[%swap3A_459], %swap3A_462 {strides = array<i32>} : memref<128xi32, #tpu.memory_space<vmem>>, vector<16xi32>,
        %get3A_463 = arith.index_cast %add3A_336 : i32 to index
        %get3A_464 = arith.constant 112 : index
        %get3A_465 = tpu.vector_load %arg6[%get3A_463, %get3A_464] {strides = array<i32>} : memref<80x128xi32, #tpu.memory_space<vmem>>, vector<1x16xi32>,
        %get3A_466 = vector.shape_cast %get3A_465 : vector<1x16xi32> to vector<16xi32>
        %and3A_467 = arith.constant 65535 : i32
        %and3A_468 = vector.broadcast %and3A_467 : i32 to vector<16xi32>
        %and3A_469 = arith.andi %get3A_466, %and3A_468 : vector<16xi32>
        %swap3A_470 = arith.constant 112 : index
        %swap3A_471 = tpu.vector_load %arg9[%swap3A_470] {strides = array<i32>} : memref<128xi32, #tpu.memory_space<vmem>>, vector<16xi32>,
        %swap3A_472 = vector.shape_cast %swap3A_471 : vector<16xi32> to vector<16xi32>
        %swap3A_473 = vector.shape_cast %and3A_469 : vector<16xi32> to vector<16xi32>
        tpu.vector_store %arg9[%swap3A_470], %swap3A_473 {strides = array<i32>} : memref<128xi32, #tpu.memory_space<vmem>>, vector<16xi32>,
        %shift_right_logical3A_474 = arith.constant 16 : i32
        %shift_right_logical3A_475 = vector.broadcast %shift_right_logical3A_474 : i32 to vector<16xi32>
        %shift_right_logical3A_476 = arith.shrui %get3A_466, %shift_right_logical3A_475 : vector<16xi32>
        %swap3A_477 = arith.constant 112 : index
        %swap3A_478 = tpu.vector_load %arg10[%swap3A_477] {strides = array<i32>} : memref<128xi32, #tpu.memory_space<vmem>>, vector<16xi32>,
        %swap3A_479 = vector.shape_cast %swap3A_478 : vector<16xi32> to vector<16xi32>
        %swap3A_480 = vector.shape_cast %shift_right_logical3A_476 : vector<16xi32> to vector<16xi32>
        tpu.vector_store %arg10[%swap3A_477], %swap3A_480 {strides = array<i32>} : memref<128xi32, #tpu.memory_space<vmem>>, vector<16xi32>,
        %dma_start3A_481 = arith.constant 0 : i32
        %dma_start3A_482 = arith.constant 0 : i32
        %dma_start3A_483 = tpu.memref_slice %arg3[%dma_start3A_481, %dma_start3A_482] : memref<10112x128xf32, #tpu.memory_space<hbm>> -> memref<10112x128xf32, #tpu.memory_space<hbm>>
        tpu.enqueue_indirect_dma source(%dma_start3A_483 : memref<10112x128xf32, #tpu.memory_space<hbm>>) target(%arg12 : memref<128x128xf32, #tpu.memory_space<vmem>>) offsets(%arg9 : memref<128xi32, #tpu.memory_space<vmem>>) semaphore(%arg15 : memref<!tpu.dma_semaphore, #tpu.memory_space<semaphore_mem>>)
      } else {
      }
    }
    %scan3A_314 = arith.constant 40 : i32
    %barrier3A_315 = arith.constant 0 : index
    tpu.barrier barrier_id(%barrier3A_315)
    %mul3A_316 = arith.constant 632 : i32
    %mul3A_317 = arith.muli %arg1, %mul3A_316 : i32
    %mul3A_318 = arith.constant 632 : i32
    %mul3A_319 = arith.muli %arg1, %mul3A_318 : i32
    "tpu.region"() ({
      %run_scoped3A = tpu.sem_alloc : memref<!tpu.dma_semaphore, #tpu.memory_space<semaphore_mem>>
      %dma_start3A_320 = arith.constant 0 : i32
      %dma_start3A_321 = tpu.memref_slice %arg5[%arg0, %mul3A_319, %dma_start3A_320] : memref<2x10112x128xf32, #tpu.memory_space<hbm>> -> memref<1x632x128xf32, #tpu.memory_space<hbm>>
      %dma_start3A_322 = tpu.memref_squeeze %dma_start3A_321 : memref<1x632x128xf32, #tpu.memory_space<hbm>> -> memref<632x128xf32, #tpu.memory_space<hbm>>
      %dma_start3A_323 = arith.constant 0 : i32
      %dma_start3A_324 = tpu.memref_slice %arg13[%mul3A_317, %dma_start3A_323] : memref<10112x128xf32, #tpu.memory_space<vmem_shared>> -> memref<632x128xf32, #tpu.memory_space<vmem_shared>>
      tpu.enqueue_dma source(%dma_start3A_324 : memref<632x128xf32, #tpu.memory_space<vmem_shared>>) target(%dma_start3A_322 : memref<632x128xf32, #tpu.memory_space<hbm>>) target_semaphore(%run_scoped3A : memref<!tpu.dma_semaphore, #tpu.memory_space<semaphore_mem>>)
      %dma_wait3A = arith.constant 0 : i32
      %dma_wait3A_325 = tpu.memref_slice %arg5[%arg0, %mul3A_319, %dma_wait3A] : memref<2x10112x128xf32, #tpu.memory_space<hbm>> -> memref<1x632x128xf32, #tpu.memory_space<hbm>>
      %dma_wait3A_326 = tpu.memref_squeeze %dma_wait3A_325 : memref<1x632x128xf32, #tpu.memory_space<hbm>> -> memref<632x128xf32, #tpu.memory_space<hbm>>
      %dma_wait3A_327 = arith.constant 0 : i32
      %dma_wait3A_328 = tpu.memref_slice %arg13[%mul3A_317, %dma_wait3A_327] : memref<10112x128xf32, #tpu.memory_space<vmem_shared>> -> memref<632x128xf32, #tpu.memory_space<vmem_shared>>
      tpu.wait_dma2 semaphore(%run_scoped3A : memref<!tpu.dma_semaphore, #tpu.memory_space<semaphore_mem>>) src(%dma_wait3A_328 : memref<632x128xf32, #tpu.memory_space<vmem_shared>>) dst(%dma_wait3A_326 : memref<632x128xf32, #tpu.memory_space<hbm>>)
      tpu.yield
    }) : () -> ()
    return
  }
}

#map = affine_map<(d0, d1) -> (0, 0)>
#map1 = affine_map<(d0, d1) -> (0, 0, 0)>
module attributes {stable_mosaic.version = 14 : i64} {
  func.func @agg_kernel(%arg0: i32, %arg1: i32, %arg2: memref<2560x128xi32, #tpu.memory_space<hbm>>, %arg3: memref<10112x128xf32, #tpu.memory_space<hbm>>, %arg4: memref<632x128xf32, #tpu.memory_space<hbm>>, %arg5: memref<2x10112x128xf32, #tpu.memory_space<hbm>>, %arg6: memref<80x128xi32, #tpu.memory_space<vmem>>, %arg7: memref<128xi32, #tpu.memory_space<vmem>>, %arg8: memref<128xi32, #tpu.memory_space<vmem>>, %arg9: memref<128xi32, #tpu.memory_space<vmem>>, %arg10: memref<128xi32, #tpu.memory_space<vmem>>, %arg11: memref<128x128xf32, #tpu.memory_space<vmem>>, %arg12: memref<128x128xf32, #tpu.memory_space<vmem>>, %arg13: memref<10112x128xf32, #tpu.memory_space<vmem_shared>>, %arg14: memref<!tpu.dma_semaphore, #tpu.memory_space<semaphore_mem>>, %arg15: memref<!tpu.dma_semaphore, #tpu.memory_space<semaphore_mem>>) attributes {dimension_semantics = [#tpu.dimension_semantics<core_parallel>, #tpu.dimension_semantics<subcore_parallel>], iteration_bounds = array<i64: 2, 16>, scalar_prefetch = 0 : i64, scratch_operands = 10 : i64, tpu.core_type = #tpu.core_type<sc_vector_subcore>, window_params = [{transform_indices = #map}, {transform_indices = #map}, {transform_indices = #map}, {transform_indices = #map1}]} {
    %mul3A = arith.constant 16 : i32
    %mul3A_0 = arith.muli %arg0, %mul3A : i32
    %add3A = arith.addi %mul3A_0, %arg1 : i32
    %mul3A_1 = arith.constant 80 : i32
    %mul3A_2 = arith.muli %add3A, %mul3A_1 : i32
    "tpu.region"() ({
      %run_scoped3A = tpu.sem_alloc : memref<!tpu.dma_semaphore, #tpu.memory_space<semaphore_mem>>
      %dma_start3A_320 = arith.constant 0 : i32
      %dma_start3A_321 = tpu.memref_slice %arg2[%mul3A_2, %dma_start3A_320] : memref<2560x128xi32, #tpu.memory_space<hbm>> -> memref<80x128xi32, #tpu.memory_space<hbm>>
      %dma_start3A_322 = arith.constant 0 : i32
      %dma_start3A_323 = tpu.memref_slice %arg2[%mul3A_2, %dma_start3A_322] : memref<2560x128xi32, #tpu.memory_space<hbm>> -> memref<80x128xi32, #tpu.memory_space<hbm>>
      tpu.enqueue_dma source(%dma_start3A_323 : memref<80x128xi32, #tpu.memory_space<hbm>>) target(%arg6 : memref<80x128xi32, #tpu.memory_space<vmem>>) target_semaphore(%run_scoped3A : memref<!tpu.dma_semaphore, #tpu.memory_space<semaphore_mem>>)
      %dma_wait3A = arith.constant 0 : i32
      %dma_wait3A_324 = tpu.memref_slice %arg2[%mul3A_2, %dma_wait3A] : memref<2560x128xi32, #tpu.memory_space<hbm>> -> memref<80x128xi32, #tpu.memory_space<hbm>>
      %dma_wait3A_325 = arith.constant 0 : i32
      %dma_wait3A_326 = tpu.memref_slice %arg2[%mul3A_2, %dma_wait3A_325] : memref<2560x128xi32, #tpu.memory_space<hbm>> -> memref<80x128xi32, #tpu.memory_space<hbm>>
      tpu.wait_dma2 semaphore(%run_scoped3A : memref<!tpu.dma_semaphore, #tpu.memory_space<semaphore_mem>>) src(%dma_wait3A_326 : memref<80x128xi32, #tpu.memory_space<hbm>>) dst(%arg6 : memref<80x128xi32, #tpu.memory_space<vmem>>)
      tpu.yield
    }) : () -> ()
    %mul3A_3 = arith.constant 632 : i32
    %mul3A_4 = arith.muli %arg1, %mul3A_3 : i32
    "tpu.region"() ({
      %run_scoped3A = tpu.sem_alloc : memref<!tpu.dma_semaphore, #tpu.memory_space<semaphore_mem>>
      %dma_start3A_320 = arith.constant 0 : i32
      %dma_start3A_321 = tpu.memref_slice %arg13[%mul3A_4, %dma_start3A_320] : memref<10112x128xf32, #tpu.memory_space<vmem_shared>> -> memref<632x128xf32, #tpu.memory_space<vmem_shared>>
      tpu.enqueue_dma source(%arg4 : memref<632x128xf32, #tpu.memory_space<hbm>>) target(%dma_start3A_321 : memref<632x128xf32, #tpu.memory_space<vmem_shared>>) target_semaphore(%run_scoped3A : memref<!tpu.dma_semaphore, #tpu.memory_space<semaphore_mem>>)
      %dma_wait3A = arith.constant 0 : i32
      %dma_wait3A_322 = tpu.memref_slice %arg13[%mul3A_4, %dma_wait3A] : memref<10112x128xf32, #tpu.memory_space<vmem_shared>> -> memref<632x128xf32, #tpu.memory_space<vmem_shared>>
      tpu.wait_dma2 semaphore(%run_scoped3A : memref<!tpu.dma_semaphore, #tpu.memory_space<semaphore_mem>>) src(%arg4 : memref<632x128xf32, #tpu.memory_space<hbm>>) dst(%dma_wait3A_322 : memref<632x128xf32, #tpu.memory_space<vmem_shared>>)
      tpu.yield
    }) : () -> ()
    %barrier3A = arith.constant 0 : index
    tpu.barrier barrier_id(%barrier3A)
    %get3A = arith.constant 0 : i32
    %get3A_5 = arith.index_cast %get3A : i32 to index
    %get3A_6 = arith.constant 0 : index
    %get3A_7 = tpu.vector_load %arg6[%get3A_5, %get3A_6] {strides = array<i32>} : memref<80x128xi32, #tpu.memory_space<vmem>>, vector<1x16xi32>,
    %get3A_8 = vector.shape_cast %get3A_7 : vector<1x16xi32> to vector<16xi32>
    %and3A = arith.constant 65535 : i32
    %and3A_9 = vector.broadcast %and3A : i32 to vector<16xi32>
    %and3A_10 = arith.andi %get3A_8, %and3A_9 : vector<16xi32>
    %swap3A = arith.constant 0 : index
    %swap3A_11 = tpu.vector_load %arg7[%swap3A] {strides = array<i32>} : memref<128xi32, #tpu.memory_space<vmem>>, vector<16xi32>,
    %swap3A_12 = vector.shape_cast %swap3A_11 : vector<16xi32> to vector<16xi32>
    %swap3A_13 = vector.shape_cast %and3A_10 : vector<16xi32> to vector<16xi32>
    tpu.vector_store %arg7[%swap3A], %swap3A_13 {strides = array<i32>} : memref<128xi32, #tpu.memory_space<vmem>>, vector<16xi32>,
    %shift_right_logical3A = arith.constant 16 : i32
    %shift_right_logical3A_14 = vector.broadcast %shift_right_logical3A : i32 to vector<16xi32>
    %shift_right_logical3A_15 = arith.shrui %get3A_8, %shift_right_logical3A_14 : vector<16xi32>
    %swap3A_16 = arith.constant 0 : index
    %swap3A_17 = tpu.vector_load %arg8[%swap3A_16] {strides = array<i32>} : memref<128xi32, #tpu.memory_space<vmem>>, vector<16xi32>,
    %swap3A_18 = vector.shape_cast %swap3A_17 : vector<16xi32> to vector<16xi32>
    %swap3A_19 = vector.shape_cast %shift_right_logical3A_15 : vector<16xi32> to vector<16xi32>
    tpu.vector_store %arg8[%swap3A_16], %swap3A_19 {strides = array<i32>} : memref<128xi32, #tpu.memory_space<vmem>>, vector<16xi32>,
    %get3A_20 = arith.constant 0 : i32
    %get3A_21 = arith.index_cast %get3A_20 : i32 to index
    %get3A_22 = arith.constant 16 : index
    %get3A_23 = tpu.vector_load %arg6[%get3A_21, %get3A_22] {strides = array<i32>} : memref<80x128xi32, #tpu.memory_space<vmem>>, vector<1x16xi32>,
    %get3A_24 = vector.shape_cast %get3A_23 : vector<1x16xi32> to vector<16xi32>
    %and3A_25 = arith.constant 65535 : i32
    %and3A_26 = vector.broadcast %and3A_25 : i32 to vector<16xi32>
    %and3A_27 = arith.andi %get3A_24, %and3A_26 : vector<16xi32>
    %swap3A_28 = arith.constant 16 : index
    %swap3A_29 = tpu.vector_load %arg7[%swap3A_28] {strides = array<i32>} : memref<128xi32, #tpu.memory_space<vmem>>, vector<16xi32>,
    %swap3A_30 = vector.shape_cast %swap3A_29 : vector<16xi32> to vector<16xi32>
    %swap3A_31 = vector.shape_cast %and3A_27 : vector<16xi32> to vector<16xi32>
    tpu.vector_store %arg7[%swap3A_28], %swap3A_31 {strides = array<i32>} : memref<128xi32, #tpu.memory_space<vmem>>, vector<16xi32>,
    %shift_right_logical3A_32 = arith.constant 16 : i32
    %shift_right_logical3A_33 = vector.broadcast %shift_right_logical3A_32 : i32 to vector<16xi32>
    %shift_right_logical3A_34 = arith.shrui %get3A_24, %shift_right_logical3A_33 : vector<16xi32>
    %swap3A_35 = arith.constant 16 : index
    %swap3A_36 = tpu.vector_load %arg8[%swap3A_35] {strides = array<i32>} : memref<128xi32, #tpu.memory_space<vmem>>, vector<16xi32>,
    %swap3A_37 = vector.shape_cast %swap3A_36 : vector<16xi32> to vector<16xi32>
    %swap3A_38 = vector.shape_cast %shift_right_logical3A_34 : vector<16xi32> to vector<16xi32>
    tpu.vector_store %arg8[%swap3A_35], %swap3A_38 {strides = array<i32>} : memref<128xi32, #tpu.memory_space<vmem>>, vector<16xi32>,
    %get3A_39 = arith.constant 0 : i32
    %get3A_40 = arith.index_cast %get3A_39 : i32 to index
    %get3A_41 = arith.constant 32 : index
    %get3A_42 = tpu.vector_load %arg6[%get3A_40, %get3A_41] {strides = array<i32>} : memref<80x128xi32, #tpu.memory_space<vmem>>, vector<1x16xi32>,
    %get3A_43 = vector.shape_cast %get3A_42 : vector<1x16xi32> to vector<16xi32>
    %and3A_44 = arith.constant 65535 : i32
    %and3A_45 = vector.broadcast %and3A_44 : i32 to vector<16xi32>
    %and3A_46 = arith.andi %get3A_43, %and3A_45 : vector<16xi32>
    %swap3A_47 = arith.constant 32 : index
    %swap3A_48 = tpu.vector_load %arg7[%swap3A_47] {strides = array<i32>} : memref<128xi32, #tpu.memory_space<vmem>>, vector<16xi32>,
    %swap3A_49 = vector.shape_cast %swap3A_48 : vector<16xi32> to vector<16xi32>
    %swap3A_50 = vector.shape_cast %and3A_46 : vector<16xi32> to vector<16xi32>
    tpu.vector_store %arg7[%swap3A_47], %swap3A_50 {strides = array<i32>} : memref<128xi32, #tpu.memory_space<vmem>>, vector<16xi32>,
    %shift_right_logical3A_51 = arith.constant 16 : i32
    %shift_right_logical3A_52 = vector.broadcast %shift_right_logical3A_51 : i32 to vector<16xi32>
    %shift_right_logical3A_53 = arith.shrui %get3A_43, %shift_right_logical3A_52 : vector<16xi32>
    %swap3A_54 = arith.constant 32 : index
    %swap3A_55 = tpu.vector_load %arg8[%swap3A_54] {strides = array<i32>} : memref<128xi32, #tpu.memory_space<vmem>>, vector<16xi32>,
    %swap3A_56 = vector.shape_cast %swap3A_55 : vector<16xi32> to vector<16xi32>
    %swap3A_57 = vector.shape_cast %shift_right_logical3A_53 : vector<16xi32> to vector<16xi32>
    tpu.vector_store %arg8[%swap3A_54], %swap3A_57 {strides = array<i32>} : memref<128xi32, #tpu.memory_space<vmem>>, vector<16xi32>,
    %get3A_58 = arith.constant 0 : i32
    %get3A_59 = arith.index_cast %get3A_58 : i32 to index
    %get3A_60 = arith.constant 48 : index
    %get3A_61 = tpu.vector_load %arg6[%get3A_59, %get3A_60] {strides = array<i32>} : memref<80x128xi32, #tpu.memory_space<vmem>>, vector<1x16xi32>,
    %get3A_62 = vector.shape_cast %get3A_61 : vector<1x16xi32> to vector<16xi32>
    %and3A_63 = arith.constant 65535 : i32
    %and3A_64 = vector.broadcast %and3A_63 : i32 to vector<16xi32>
    %and3A_65 = arith.andi %get3A_62, %and3A_64 : vector<16xi32>
    %swap3A_66 = arith.constant 48 : index
    %swap3A_67 = tpu.vector_load %arg7[%swap3A_66] {strides = array<i32>} : memref<128xi32, #tpu.memory_space<vmem>>, vector<16xi32>,
    %swap3A_68 = vector.shape_cast %swap3A_67 : vector<16xi32> to vector<16xi32>
    %swap3A_69 = vector.shape_cast %and3A_65 : vector<16xi32> to vector<16xi32>
    tpu.vector_store %arg7[%swap3A_66], %swap3A_69 {strides = array<i32>} : memref<128xi32, #tpu.memory_space<vmem>>, vector<16xi32>,
    %shift_right_logical3A_70 = arith.constant 16 : i32
    %shift_right_logical3A_71 = vector.broadcast %shift_right_logical3A_70 : i32 to vector<16xi32>
    %shift_right_logical3A_72 = arith.shrui %get3A_62, %shift_right_logical3A_71 : vector<16xi32>
    %swap3A_73 = arith.constant 48 : index
    %swap3A_74 = tpu.vector_load %arg8[%swap3A_73] {strides = array<i32>} : memref<128xi32, #tpu.memory_space<vmem>>, vector<16xi32>,
    %swap3A_75 = vector.shape_cast %swap3A_74 : vector<16xi32> to vector<16xi32>
    %swap3A_76 = vector.shape_cast %shift_right_logical3A_72 : vector<16xi32> to vector<16xi32>
    tpu.vector_store %arg8[%swap3A_73], %swap3A_76 {strides = array<i32>} : memref<128xi32, #tpu.memory_space<vmem>>, vector<16xi32>,
    %get3A_77 = arith.constant 0 : i32
    %get3A_78 = arith.index_cast %get3A_77 : i32 to index
    %get3A_79 = arith.constant 64 : index
    %get3A_80 = tpu.vector_load %arg6[%get3A_78, %get3A_79] {strides = array<i32>} : memref<80x128xi32, #tpu.memory_space<vmem>>, vector<1x16xi32>,
    %get3A_81 = vector.shape_cast %get3A_80 : vector<1x16xi32> to vector<16xi32>
    %and3A_82 = arith.constant 65535 : i32
    %and3A_83 = vector.broadcast %and3A_82 : i32 to vector<16xi32>
    %and3A_84 = arith.andi %get3A_81, %and3A_83 : vector<16xi32>
    %swap3A_85 = arith.constant 64 : index
    %swap3A_86 = tpu.vector_load %arg7[%swap3A_85] {strides = array<i32>} : memref<128xi32, #tpu.memory_space<vmem>>, vector<16xi32>,
    %swap3A_87 = vector.shape_cast %swap3A_86 : vector<16xi32> to vector<16xi32>
    %swap3A_88 = vector.shape_cast %and3A_84 : vector<16xi32> to vector<16xi32>
    tpu.vector_store %arg7[%swap3A_85], %swap3A_88 {strides = array<i32>} : memref<128xi32, #tpu.memory_space<vmem>>, vector<16xi32>,
    %shift_right_logical3A_89 = arith.constant 16 : i32
    %shift_right_logical3A_90 = vector.broadcast %shift_right_logical3A_89 : i32 to vector<16xi32>
    %shift_right_logical3A_91 = arith.shrui %get3A_81, %shift_right_logical3A_90 : vector<16xi32>
    %swap3A_92 = arith.constant 64 : index
    %swap3A_93 = tpu.vector_load %arg8[%swap3A_92] {strides = array<i32>} : memref<128xi32, #tpu.memory_space<vmem>>, vector<16xi32>,
    %swap3A_94 = vector.shape_cast %swap3A_93 : vector<16xi32> to vector<16xi32>
    %swap3A_95 = vector.shape_cast %shift_right_logical3A_91 : vector<16xi32> to vector<16xi32>
    tpu.vector_store %arg8[%swap3A_92], %swap3A_95 {strides = array<i32>} : memref<128xi32, #tpu.memory_space<vmem>>, vector<16xi32>,
    %get3A_96 = arith.constant 0 : i32
    %get3A_97 = arith.index_cast %get3A_96 : i32 to index
    %get3A_98 = arith.constant 80 : index
    %get3A_99 = tpu.vector_load %arg6[%get3A_97, %get3A_98] {strides = array<i32>} : memref<80x128xi32, #tpu.memory_space<vmem>>, vector<1x16xi32>,
    %get3A_100 = vector.shape_cast %get3A_99 : vector<1x16xi32> to vector<16xi32>
    %and3A_101 = arith.constant 65535 : i32
    %and3A_102 = vector.broadcast %and3A_101 : i32 to vector<16xi32>
    %and3A_103 = arith.andi %get3A_100, %and3A_102 : vector<16xi32>
    %swap3A_104 = arith.constant 80 : index
    %swap3A_105 = tpu.vector_load %arg7[%swap3A_104] {strides = array<i32>} : memref<128xi32, #tpu.memory_space<vmem>>, vector<16xi32>,
    %swap3A_106 = vector.shape_cast %swap3A_105 : vector<16xi32> to vector<16xi32>
    %swap3A_107 = vector.shape_cast %and3A_103 : vector<16xi32> to vector<16xi32>
    tpu.vector_store %arg7[%swap3A_104], %swap3A_107 {strides = array<i32>} : memref<128xi32, #tpu.memory_space<vmem>>, vector<16xi32>,
    %shift_right_logical3A_108 = arith.constant 16 : i32
    %shift_right_logical3A_109 = vector.broadcast %shift_right_logical3A_108 : i32 to vector<16xi32>
    %shift_right_logical3A_110 = arith.shrui %get3A_100, %shift_right_logical3A_109 : vector<16xi32>
    %swap3A_111 = arith.constant 80 : index
    %swap3A_112 = tpu.vector_load %arg8[%swap3A_111] {strides = array<i32>} : memref<128xi32, #tpu.memory_space<vmem>>, vector<16xi32>,
    %swap3A_113 = vector.shape_cast %swap3A_112 : vector<16xi32> to vector<16xi32>
    %swap3A_114 = vector.shape_cast %shift_right_logical3A_110 : vector<16xi32> to vector<16xi32>
    tpu.vector_store %arg8[%swap3A_111], %swap3A_114 {strides = array<i32>} : memref<128xi32, #tpu.memory_space<vmem>>, vector<16xi32>,
    %get3A_115 = arith.constant 0 : i32
    %get3A_116 = arith.index_cast %get3A_115 : i32 to index
    %get3A_117 = arith.constant 96 : index
    %get3A_118 = tpu.vector_load %arg6[%get3A_116, %get3A_117] {strides = array<i32>} : memref<80x128xi32, #tpu.memory_space<vmem>>, vector<1x16xi32>,
    %get3A_119 = vector.shape_cast %get3A_118 : vector<1x16xi32> to vector<16xi32>
    %and3A_120 = arith.constant 65535 : i32
    %and3A_121 = vector.broadcast %and3A_120 : i32 to vector<16xi32>
    %and3A_122 = arith.andi %get3A_119, %and3A_121 : vector<16xi32>
    %swap3A_123 = arith.constant 96 : index
    %swap3A_124 = tpu.vector_load %arg7[%swap3A_123] {strides = array<i32>} : memref<128xi32, #tpu.memory_space<vmem>>, vector<16xi32>,
    %swap3A_125 = vector.shape_cast %swap3A_124 : vector<16xi32> to vector<16xi32>
    %swap3A_126 = vector.shape_cast %and3A_122 : vector<16xi32> to vector<16xi32>
    tpu.vector_store %arg7[%swap3A_123], %swap3A_126 {strides = array<i32>} : memref<128xi32, #tpu.memory_space<vmem>>, vector<16xi32>,
    %shift_right_logical3A_127 = arith.constant 16 : i32
    %shift_right_logical3A_128 = vector.broadcast %shift_right_logical3A_127 : i32 to vector<16xi32>
    %shift_right_logical3A_129 = arith.shrui %get3A_119, %shift_right_logical3A_128 : vector<16xi32>
    %swap3A_130 = arith.constant 96 : index
    %swap3A_131 = tpu.vector_load %arg8[%swap3A_130] {strides = array<i32>} : memref<128xi32, #tpu.memory_space<vmem>>, vector<16xi32>,
    %swap3A_132 = vector.shape_cast %swap3A_131 : vector<16xi32> to vector<16xi32>
    %swap3A_133 = vector.shape_cast %shift_right_logical3A_129 : vector<16xi32> to vector<16xi32>
    tpu.vector_store %arg8[%swap3A_130], %swap3A_133 {strides = array<i32>} : memref<128xi32, #tpu.memory_space<vmem>>, vector<16xi32>,
    %get3A_134 = arith.constant 0 : i32
    %get3A_135 = arith.index_cast %get3A_134 : i32 to index
    %get3A_136 = arith.constant 112 : index
    %get3A_137 = tpu.vector_load %arg6[%get3A_135, %get3A_136] {strides = array<i32>} : memref<80x128xi32, #tpu.memory_space<vmem>>, vector<1x16xi32>,
    %get3A_138 = vector.shape_cast %get3A_137 : vector<1x16xi32> to vector<16xi32>
    %and3A_139 = arith.constant 65535 : i32
    %and3A_140 = vector.broadcast %and3A_139 : i32 to vector<16xi32>
    %and3A_141 = arith.andi %get3A_138, %and3A_140 : vector<16xi32>
    %swap3A_142 = arith.constant 112 : index
    %swap3A_143 = tpu.vector_load %arg7[%swap3A_142] {strides = array<i32>} : memref<128xi32, #tpu.memory_space<vmem>>, vector<16xi32>,
    %swap3A_144 = vector.shape_cast %swap3A_143 : vector<16xi32> to vector<16xi32>
    %swap3A_145 = vector.shape_cast %and3A_141 : vector<16xi32> to vector<16xi32>
    tpu.vector_store %arg7[%swap3A_142], %swap3A_145 {strides = array<i32>} : memref<128xi32, #tpu.memory_space<vmem>>, vector<16xi32>,
    %shift_right_logical3A_146 = arith.constant 16 : i32
    %shift_right_logical3A_147 = vector.broadcast %shift_right_logical3A_146 : i32 to vector<16xi32>
    %shift_right_logical3A_148 = arith.shrui %get3A_138, %shift_right_logical3A_147 : vector<16xi32>
    %swap3A_149 = arith.constant 112 : index
    %swap3A_150 = tpu.vector_load %arg8[%swap3A_149] {strides = array<i32>} : memref<128xi32, #tpu.memory_space<vmem>>, vector<16xi32>,
    %swap3A_151 = vector.shape_cast %swap3A_150 : vector<16xi32> to vector<16xi32>
    %swap3A_152 = vector.shape_cast %shift_right_logical3A_148 : vector<16xi32> to vector<16xi32>
    tpu.vector_store %arg8[%swap3A_149], %swap3A_152 {strides = array<i32>} : memref<128xi32, #tpu.memory_space<vmem>>, vector<16xi32>,
    %dma_start3A = arith.constant 0 : i32
    %dma_start3A_153 = arith.constant 0 : i32
    %dma_start3A_154 = tpu.memref_slice %arg3[%dma_start3A, %dma_start3A_153] : memref<10112x128xf32, #tpu.memory_space<hbm>> -> memref<10112x128xf32, #tpu.memory_space<hbm>>
    tpu.enqueue_indirect_dma source(%dma_start3A_154 : memref<10112x128xf32, #tpu.memory_space<hbm>>) target(%arg11 : memref<128x128xf32, #tpu.memory_space<vmem>>) offsets(%arg7 : memref<128xi32, #tpu.memory_space<vmem>>) semaphore(%arg14 : memref<!tpu.dma_semaphore, #tpu.memory_space<semaphore_mem>>)
    %get3A_155 = arith.constant 1 : i32
    %get3A_156 = arith.index_cast %get3A_155 : i32 to index
    %get3A_157 = arith.constant 0 : index
    %get3A_158 = tpu.vector_load %arg6[%get3A_156, %get3A_157] {strides = array<i32>} : memref<80x128xi32, #tpu.memory_space<vmem>>, vector<1x16xi32>,
    %get3A_159 = vector.shape_cast %get3A_158 : vector<1x16xi32> to vector<16xi32>
    %and3A_160 = arith.constant 65535 : i32
    %and3A_161 = vector.broadcast %and3A_160 : i32 to vector<16xi32>
    %and3A_162 = arith.andi %get3A_159, %and3A_161 : vector<16xi32>
    %swap3A_163 = arith.constant 0 : index
    %swap3A_164 = tpu.vector_load %arg9[%swap3A_163] {strides = array<i32>} : memref<128xi32, #tpu.memory_space<vmem>>, vector<16xi32>,
    %swap3A_165 = vector.shape_cast %swap3A_164 : vector<16xi32> to vector<16xi32>
    %swap3A_166 = vector.shape_cast %and3A_162 : vector<16xi32> to vector<16xi32>
    tpu.vector_store %arg9[%swap3A_163], %swap3A_166 {strides = array<i32>} : memref<128xi32, #tpu.memory_space<vmem>>, vector<16xi32>,
    %shift_right_logical3A_167 = arith.constant 16 : i32
    %shift_right_logical3A_168 = vector.broadcast %shift_right_logical3A_167 : i32 to vector<16xi32>
    %shift_right_logical3A_169 = arith.shrui %get3A_159, %shift_right_logical3A_168 : vector<16xi32>
    %swap3A_170 = arith.constant 0 : index
    %swap3A_171 = tpu.vector_load %arg10[%swap3A_170] {strides = array<i32>} : memref<128xi32, #tpu.memory_space<vmem>>, vector<16xi32>,
    %swap3A_172 = vector.shape_cast %swap3A_171 : vector<16xi32> to vector<16xi32>
    %swap3A_173 = vector.shape_cast %shift_right_logical3A_169 : vector<16xi32> to vector<16xi32>
    tpu.vector_store %arg10[%swap3A_170], %swap3A_173 {strides = array<i32>} : memref<128xi32, #tpu.memory_space<vmem>>, vector<16xi32>,
    %get3A_174 = arith.constant 1 : i32
    %get3A_175 = arith.index_cast %get3A_174 : i32 to index
    %get3A_176 = arith.constant 16 : index
    %get3A_177 = tpu.vector_load %arg6[%get3A_175, %get3A_176] {strides = array<i32>} : memref<80x128xi32, #tpu.memory_space<vmem>>, vector<1x16xi32>,
    %get3A_178 = vector.shape_cast %get3A_177 : vector<1x16xi32> to vector<16xi32>
    %and3A_179 = arith.constant 65535 : i32
    %and3A_180 = vector.broadcast %and3A_179 : i32 to vector<16xi32>
    %and3A_181 = arith.andi %get3A_178, %and3A_180 : vector<16xi32>
    %swap3A_182 = arith.constant 16 : index
    %swap3A_183 = tpu.vector_load %arg9[%swap3A_182] {strides = array<i32>} : memref<128xi32, #tpu.memory_space<vmem>>, vector<16xi32>,
    %swap3A_184 = vector.shape_cast %swap3A_183 : vector<16xi32> to vector<16xi32>
    %swap3A_185 = vector.shape_cast %and3A_181 : vector<16xi32> to vector<16xi32>
    tpu.vector_store %arg9[%swap3A_182], %swap3A_185 {strides = array<i32>} : memref<128xi32, #tpu.memory_space<vmem>>, vector<16xi32>,
    %shift_right_logical3A_186 = arith.constant 16 : i32
    %shift_right_logical3A_187 = vector.broadcast %shift_right_logical3A_186 : i32 to vector<16xi32>
    %shift_right_logical3A_188 = arith.shrui %get3A_178, %shift_right_logical3A_187 : vector<16xi32>
    %swap3A_189 = arith.constant 16 : index
    %swap3A_190 = tpu.vector_load %arg10[%swap3A_189] {strides = array<i32>} : memref<128xi32, #tpu.memory_space<vmem>>, vector<16xi32>,
    %swap3A_191 = vector.shape_cast %swap3A_190 : vector<16xi32> to vector<16xi32>
    %swap3A_192 = vector.shape_cast %shift_right_logical3A_188 : vector<16xi32> to vector<16xi32>
    tpu.vector_store %arg10[%swap3A_189], %swap3A_192 {strides = array<i32>} : memref<128xi32, #tpu.memory_space<vmem>>, vector<16xi32>,
    %get3A_193 = arith.constant 1 : i32
    %get3A_194 = arith.index_cast %get3A_193 : i32 to index
    %get3A_195 = arith.constant 32 : index
    %get3A_196 = tpu.vector_load %arg6[%get3A_194, %get3A_195] {strides = array<i32>} : memref<80x128xi32, #tpu.memory_space<vmem>>, vector<1x16xi32>,
    %get3A_197 = vector.shape_cast %get3A_196 : vector<1x16xi32> to vector<16xi32>
    %and3A_198 = arith.constant 65535 : i32
    %and3A_199 = vector.broadcast %and3A_198 : i32 to vector<16xi32>
    %and3A_200 = arith.andi %get3A_197, %and3A_199 : vector<16xi32>
    %swap3A_201 = arith.constant 32 : index
    %swap3A_202 = tpu.vector_load %arg9[%swap3A_201] {strides = array<i32>} : memref<128xi32, #tpu.memory_space<vmem>>, vector<16xi32>,
    %swap3A_203 = vector.shape_cast %swap3A_202 : vector<16xi32> to vector<16xi32>
    %swap3A_204 = vector.shape_cast %and3A_200 : vector<16xi32> to vector<16xi32>
    tpu.vector_store %arg9[%swap3A_201], %swap3A_204 {strides = array<i32>} : memref<128xi32, #tpu.memory_space<vmem>>, vector<16xi32>,
    %shift_right_logical3A_205 = arith.constant 16 : i32
    %shift_right_logical3A_206 = vector.broadcast %shift_right_logical3A_205 : i32 to vector<16xi32>
    %shift_right_logical3A_207 = arith.shrui %get3A_197, %shift_right_logical3A_206 : vector<16xi32>
    %swap3A_208 = arith.constant 32 : index
    %swap3A_209 = tpu.vector_load %arg10[%swap3A_208] {strides = array<i32>} : memref<128xi32, #tpu.memory_space<vmem>>, vector<16xi32>,
    %swap3A_210 = vector.shape_cast %swap3A_209 : vector<16xi32> to vector<16xi32>
    %swap3A_211 = vector.shape_cast %shift_right_logical3A_207 : vector<16xi32> to vector<16xi32>
    tpu.vector_store %arg10[%swap3A_208], %swap3A_211 {strides = array<i32>} : memref<128xi32, #tpu.memory_space<vmem>>, vector<16xi32>,
    %get3A_212 = arith.constant 1 : i32
    %get3A_213 = arith.index_cast %get3A_212 : i32 to index
    %get3A_214 = arith.constant 48 : index
    %get3A_215 = tpu.vector_load %arg6[%get3A_213, %get3A_214] {strides = array<i32>} : memref<80x128xi32, #tpu.memory_space<vmem>>, vector<1x16xi32>,
    %get3A_216 = vector.shape_cast %get3A_215 : vector<1x16xi32> to vector<16xi32>
    %and3A_217 = arith.constant 65535 : i32
    %and3A_218 = vector.broadcast %and3A_217 : i32 to vector<16xi32>
    %and3A_219 = arith.andi %get3A_216, %and3A_218 : vector<16xi32>
    %swap3A_220 = arith.constant 48 : index
    %swap3A_221 = tpu.vector_load %arg9[%swap3A_220] {strides = array<i32>} : memref<128xi32, #tpu.memory_space<vmem>>, vector<16xi32>,
    %swap3A_222 = vector.shape_cast %swap3A_221 : vector<16xi32> to vector<16xi32>
    %swap3A_223 = vector.shape_cast %and3A_219 : vector<16xi32> to vector<16xi32>
    tpu.vector_store %arg9[%swap3A_220], %swap3A_223 {strides = array<i32>} : memref<128xi32, #tpu.memory_space<vmem>>, vector<16xi32>,
    %shift_right_logical3A_224 = arith.constant 16 : i32
    %shift_right_logical3A_225 = vector.broadcast %shift_right_logical3A_224 : i32 to vector<16xi32>
    %shift_right_logical3A_226 = arith.shrui %get3A_216, %shift_right_logical3A_225 : vector<16xi32>
    %swap3A_227 = arith.constant 48 : index
    %swap3A_228 = tpu.vector_load %arg10[%swap3A_227] {strides = array<i32>} : memref<128xi32, #tpu.memory_space<vmem>>, vector<16xi32>,
    %swap3A_229 = vector.shape_cast %swap3A_228 : vector<16xi32> to vector<16xi32>
    %swap3A_230 = vector.shape_cast %shift_right_logical3A_226 : vector<16xi32> to vector<16xi32>
    tpu.vector_store %arg10[%swap3A_227], %swap3A_230 {strides = array<i32>} : memref<128xi32, #tpu.memory_space<vmem>>, vector<16xi32>,
    %get3A_231 = arith.constant 1 : i32
    %get3A_232 = arith.index_cast %get3A_231 : i32 to index
    %get3A_233 = arith.constant 64 : index
    %get3A_234 = tpu.vector_load %arg6[%get3A_232, %get3A_233] {strides = array<i32>} : memref<80x128xi32, #tpu.memory_space<vmem>>, vector<1x16xi32>,
    %get3A_235 = vector.shape_cast %get3A_234 : vector<1x16xi32> to vector<16xi32>
    %and3A_236 = arith.constant 65535 : i32
    %and3A_237 = vector.broadcast %and3A_236 : i32 to vector<16xi32>
    %and3A_238 = arith.andi %get3A_235, %and3A_237 : vector<16xi32>
    %swap3A_239 = arith.constant 64 : index
    %swap3A_240 = tpu.vector_load %arg9[%swap3A_239] {strides = array<i32>} : memref<128xi32, #tpu.memory_space<vmem>>, vector<16xi32>,
    %swap3A_241 = vector.shape_cast %swap3A_240 : vector<16xi32> to vector<16xi32>
    %swap3A_242 = vector.shape_cast %and3A_238 : vector<16xi32> to vector<16xi32>
    tpu.vector_store %arg9[%swap3A_239], %swap3A_242 {strides = array<i32>} : memref<128xi32, #tpu.memory_space<vmem>>, vector<16xi32>,
    %shift_right_logical3A_243 = arith.constant 16 : i32
    %shift_right_logical3A_244 = vector.broadcast %shift_right_logical3A_243 : i32 to vector<16xi32>
    %shift_right_logical3A_245 = arith.shrui %get3A_235, %shift_right_logical3A_244 : vector<16xi32>
    %swap3A_246 = arith.constant 64 : index
    %swap3A_247 = tpu.vector_load %arg10[%swap3A_246] {strides = array<i32>} : memref<128xi32, #tpu.memory_space<vmem>>, vector<16xi32>,
    %swap3A_248 = vector.shape_cast %swap3A_247 : vector<16xi32> to vector<16xi32>
    %swap3A_249 = vector.shape_cast %shift_right_logical3A_245 : vector<16xi32> to vector<16xi32>
    tpu.vector_store %arg10[%swap3A_246], %swap3A_249 {strides = array<i32>} : memref<128xi32, #tpu.memory_space<vmem>>, vector<16xi32>,
    %get3A_250 = arith.constant 1 : i32
    %get3A_251 = arith.index_cast %get3A_250 : i32 to index
    %get3A_252 = arith.constant 80 : index
    %get3A_253 = tpu.vector_load %arg6[%get3A_251, %get3A_252] {strides = array<i32>} : memref<80x128xi32, #tpu.memory_space<vmem>>, vector<1x16xi32>,
    %get3A_254 = vector.shape_cast %get3A_253 : vector<1x16xi32> to vector<16xi32>
    %and3A_255 = arith.constant 65535 : i32
    %and3A_256 = vector.broadcast %and3A_255 : i32 to vector<16xi32>
    %and3A_257 = arith.andi %get3A_254, %and3A_256 : vector<16xi32>
    %swap3A_258 = arith.constant 80 : index
    %swap3A_259 = tpu.vector_load %arg9[%swap3A_258] {strides = array<i32>} : memref<128xi32, #tpu.memory_space<vmem>>, vector<16xi32>,
    %swap3A_260 = vector.shape_cast %swap3A_259 : vector<16xi32> to vector<16xi32>
    %swap3A_261 = vector.shape_cast %and3A_257 : vector<16xi32> to vector<16xi32>
    tpu.vector_store %arg9[%swap3A_258], %swap3A_261 {strides = array<i32>} : memref<128xi32, #tpu.memory_space<vmem>>, vector<16xi32>,
    %shift_right_logical3A_262 = arith.constant 16 : i32
    %shift_right_logical3A_263 = vector.broadcast %shift_right_logical3A_262 : i32 to vector<16xi32>
    %shift_right_logical3A_264 = arith.shrui %get3A_254, %shift_right_logical3A_263 : vector<16xi32>
    %swap3A_265 = arith.constant 80 : index
    %swap3A_266 = tpu.vector_load %arg10[%swap3A_265] {strides = array<i32>} : memref<128xi32, #tpu.memory_space<vmem>>, vector<16xi32>,
    %swap3A_267 = vector.shape_cast %swap3A_266 : vector<16xi32> to vector<16xi32>
    %swap3A_268 = vector.shape_cast %shift_right_logical3A_264 : vector<16xi32> to vector<16xi32>
    tpu.vector_store %arg10[%swap3A_265], %swap3A_268 {strides = array<i32>} : memref<128xi32, #tpu.memory_space<vmem>>, vector<16xi32>,
    %get3A_269 = arith.constant 1 : i32
    %get3A_270 = arith.index_cast %get3A_269 : i32 to index
    %get3A_271 = arith.constant 96 : index
    %get3A_272 = tpu.vector_load %arg6[%get3A_270, %get3A_271] {strides = array<i32>} : memref<80x128xi32, #tpu.memory_space<vmem>>, vector<1x16xi32>,
    %get3A_273 = vector.shape_cast %get3A_272 : vector<1x16xi32> to vector<16xi32>
    %and3A_274 = arith.constant 65535 : i32
    %and3A_275 = vector.broadcast %and3A_274 : i32 to vector<16xi32>
    %and3A_276 = arith.andi %get3A_273, %and3A_275 : vector<16xi32>
    %swap3A_277 = arith.constant 96 : index
    %swap3A_278 = tpu.vector_load %arg9[%swap3A_277] {strides = array<i32>} : memref<128xi32, #tpu.memory_space<vmem>>, vector<16xi32>,
    %swap3A_279 = vector.shape_cast %swap3A_278 : vector<16xi32> to vector<16xi32>
    %swap3A_280 = vector.shape_cast %and3A_276 : vector<16xi32> to vector<16xi32>
    tpu.vector_store %arg9[%swap3A_277], %swap3A_280 {strides = array<i32>} : memref<128xi32, #tpu.memory_space<vmem>>, vector<16xi32>,
    %shift_right_logical3A_281 = arith.constant 16 : i32
    %shift_right_logical3A_282 = vector.broadcast %shift_right_logical3A_281 : i32 to vector<16xi32>
    %shift_right_logical3A_283 = arith.shrui %get3A_273, %shift_right_logical3A_282 : vector<16xi32>
    %swap3A_284 = arith.constant 96 : index
    %swap3A_285 = tpu.vector_load %arg10[%swap3A_284] {strides = array<i32>} : memref<128xi32, #tpu.memory_space<vmem>>, vector<16xi32>,
    %swap3A_286 = vector.shape_cast %swap3A_285 : vector<16xi32> to vector<16xi32>
    %swap3A_287 = vector.shape_cast %shift_right_logical3A_283 : vector<16xi32> to vector<16xi32>
    tpu.vector_store %arg10[%swap3A_284], %swap3A_287 {strides = array<i32>} : memref<128xi32, #tpu.memory_space<vmem>>, vector<16xi32>,
    %get3A_288 = arith.constant 1 : i32
    %get3A_289 = arith.index_cast %get3A_288 : i32 to index
    %get3A_290 = arith.constant 112 : index
    %get3A_291 = tpu.vector_load %arg6[%get3A_289, %get3A_290] {strides = array<i32>} : memref<80x128xi32, #tpu.memory_space<vmem>>, vector<1x16xi32>,
    %get3A_292 = vector.shape_cast %get3A_291 : vector<1x16xi32> to vector<16xi32>
    %and3A_293 = arith.constant 65535 : i32
    %and3A_294 = vector.broadcast %and3A_293 : i32 to vector<16xi32>
    %and3A_295 = arith.andi %get3A_292, %and3A_294 : vector<16xi32>
    %swap3A_296 = arith.constant 112 : index
    %swap3A_297 = tpu.vector_load %arg9[%swap3A_296] {strides = array<i32>} : memref<128xi32, #tpu.memory_space<vmem>>, vector<16xi32>,
    %swap3A_298 = vector.shape_cast %swap3A_297 : vector<16xi32> to vector<16xi32>
    %swap3A_299 = vector.shape_cast %and3A_295 : vector<16xi32> to vector<16xi32>
    tpu.vector_store %arg9[%swap3A_296], %swap3A_299 {strides = array<i32>} : memref<128xi32, #tpu.memory_space<vmem>>, vector<16xi32>,
    %shift_right_logical3A_300 = arith.constant 16 : i32
    %shift_right_logical3A_301 = vector.broadcast %shift_right_logical3A_300 : i32 to vector<16xi32>
    %shift_right_logical3A_302 = arith.shrui %get3A_292, %shift_right_logical3A_301 : vector<16xi32>
    %swap3A_303 = arith.constant 112 : index
    %swap3A_304 = tpu.vector_load %arg10[%swap3A_303] {strides = array<i32>} : memref<128xi32, #tpu.memory_space<vmem>>, vector<16xi32>,
    %swap3A_305 = vector.shape_cast %swap3A_304 : vector<16xi32> to vector<16xi32>
    %swap3A_306 = vector.shape_cast %shift_right_logical3A_302 : vector<16xi32> to vector<16xi32>
    tpu.vector_store %arg10[%swap3A_303], %swap3A_306 {strides = array<i32>} : memref<128xi32, #tpu.memory_space<vmem>>, vector<16xi32>,
    %dma_start3A_307 = arith.constant 0 : i32
    %dma_start3A_308 = arith.constant 0 : i32
    %dma_start3A_309 = tpu.memref_slice %arg3[%dma_start3A_307, %dma_start3A_308] : memref<10112x128xf32, #tpu.memory_space<hbm>> -> memref<10112x128xf32, #tpu.memory_space<hbm>>
    tpu.enqueue_indirect_dma source(%dma_start3A_309 : memref<10112x128xf32, #tpu.memory_space<hbm>>) target(%arg12 : memref<128x128xf32, #tpu.memory_space<vmem>>) offsets(%arg9 : memref<128xi32, #tpu.memory_space<vmem>>) semaphore(%arg15 : memref<!tpu.dma_semaphore, #tpu.memory_space<semaphore_mem>>)
    %scan3A = arith.constant 0 : i32
    %scan3A_310 = arith.constant 0 : i32
    %scan3A_311 = arith.constant 40 : i32
    %scan3A_312 = arith.addi %scan3A_310, %scan3A_311 : i32
    %scan3A_313 = arith.constant 1 : i32
    scf.for %scan3A_320 = %scan3A_310 to %scan3A_312 step %scan3A_313  : i32 {
      %mul3A_321 = arith.constant 2 : i32
      %mul3A_322 = arith.muli %mul3A_321, %scan3A_320 : i32
      %dma_wait3A = arith.constant 0 : i32
      %dma_wait3A_323 = arith.constant 0 : i32
      %dma_wait3A_324 = tpu.memref_slice %arg3[%dma_wait3A, %dma_wait3A_323] : memref<10112x128xf32, #tpu.memory_space<hbm>> -> memref<10112x128xf32, #tpu.memory_space<hbm>>
      tpu.wait_indirect_dma semaphore(%arg14 : memref<!tpu.dma_semaphore, #tpu.memory_space<semaphore_mem>>) src(%dma_wait3A_324 : memref<10112x128xf32, #tpu.memory_space<hbm>>) dst(%arg11 : memref<128x128xf32, #tpu.memory_space<vmem>>)
      "tpu.region"() ({
        %run_scoped3A = tpu.sem_alloc : memref<!tpu.dma_semaphore, #tpu.memory_space<semaphore_mem>>
        %dma_start3A_335 = arith.constant 0 : i32
        %dma_start3A_336 = arith.constant 0 : i32
        %dma_start3A_337 = tpu.memref_slice %arg13[%dma_start3A_335, %dma_start3A_336] : memref<10112x128xf32, #tpu.memory_space<vmem_shared>> -> memref<10112x128xf32, #tpu.memory_space<vmem_shared>>
        tpu.enqueue_indirect_dma source(%arg11 : memref<128x128xf32, #tpu.memory_space<vmem>>) target(%dma_start3A_337 : memref<10112x128xf32, #tpu.memory_space<vmem_shared>>) offsets(%arg8 : memref<128xi32, #tpu.memory_space<vmem>>) semaphore(%run_scoped3A : memref<!tpu.dma_semaphore, #tpu.memory_space<semaphore_mem>>) {add = true}
        %dma_wait3A_338 = arith.constant 0 : i32
        %dma_wait3A_339 = arith.constant 0 : i32
        %dma_wait3A_340 = tpu.memref_slice %arg13[%dma_wait3A_338, %dma_wait3A_339] : memref<10112x128xf32, #tpu.memory_space<vmem_shared>> -> memref<10112x128xf32, #tpu.memory_space<vmem_shared>>
        tpu.wait_indirect_dma semaphore(%run_scoped3A : memref<!tpu.dma_semaphore, #tpu.memory_space<semaphore_mem>>) src(%arg11 : memref<128x128xf32, #tpu.memory_space<vmem>>) dst(%dma_wait3A_340 : memref<10112x128xf32, #tpu.memory_space<vmem_shared>>)
        tpu.yield
      }) : () -> ()
      %lt3A = arith.constant 39 : i32
      %lt3A_325 = arith.cmpi slt, %scan3A_320, %lt3A : i32
      %convert_element_type3A = arith.extui %lt3A_325 : i1 to i32
      %cond3A = arith.constant 0 : i32
      %cond3A_326 = arith.cmpi ne, %convert_element_type3A, %cond3A : i32
      scf.if %cond3A_326 {
        %add3A_335 = arith.constant 2 : i32
        %add3A_336 = arith.addi %mul3A_322, %add3A_335 : i32
        %get3A_337 = arith.index_cast %add3A_336 : i32 to index
        %get3A_338 = arith.constant 0 : index
        %get3A_339 = tpu.vector_load %arg6[%get3A_337, %get3A_338] {strides = array<i32>} : memref<80x128xi32, #tpu.memory_space<vmem>>, vector<1x16xi32>,
        %get3A_340 = vector.shape_cast %get3A_339 : vector<1x16xi32> to vector<16xi32>
        %and3A_341 = arith.constant 65535 : i32
        %and3A_342 = vector.broadcast %and3A_341 : i32 to vector<16xi32>
        %and3A_343 = arith.andi %get3A_340, %and3A_342 : vector<16xi32>
        %swap3A_344 = arith.constant 0 : index
        %swap3A_345 = tpu.vector_load %arg7[%swap3A_344] {strides = array<i32>} : memref<128xi32, #tpu.memory_space<vmem>>, vector<16xi32>,
        %swap3A_346 = vector.shape_cast %swap3A_345 : vector<16xi32> to vector<16xi32>
        %swap3A_347 = vector.shape_cast %and3A_343 : vector<16xi32> to vector<16xi32>
        tpu.vector_store %arg7[%swap3A_344], %swap3A_347 {strides = array<i32>} : memref<128xi32, #tpu.memory_space<vmem>>, vector<16xi32>,
        %shift_right_logical3A_348 = arith.constant 16 : i32
        %shift_right_logical3A_349 = vector.broadcast %shift_right_logical3A_348 : i32 to vector<16xi32>
        %shift_right_logical3A_350 = arith.shrui %get3A_340, %shift_right_logical3A_349 : vector<16xi32>
        %swap3A_351 = arith.constant 0 : index
        %swap3A_352 = tpu.vector_load %arg8[%swap3A_351] {strides = array<i32>} : memref<128xi32, #tpu.memory_space<vmem>>, vector<16xi32>,
        %swap3A_353 = vector.shape_cast %swap3A_352 : vector<16xi32> to vector<16xi32>
        %swap3A_354 = vector.shape_cast %shift_right_logical3A_350 : vector<16xi32> to vector<16xi32>
        tpu.vector_store %arg8[%swap3A_351], %swap3A_354 {strides = array<i32>} : memref<128xi32, #tpu.memory_space<vmem>>, vector<16xi32>,
        %get3A_355 = arith.index_cast %add3A_336 : i32 to index
        %get3A_356 = arith.constant 16 : index
        %get3A_357 = tpu.vector_load %arg6[%get3A_355, %get3A_356] {strides = array<i32>} : memref<80x128xi32, #tpu.memory_space<vmem>>, vector<1x16xi32>,
        %get3A_358 = vector.shape_cast %get3A_357 : vector<1x16xi32> to vector<16xi32>
        %and3A_359 = arith.constant 65535 : i32
        %and3A_360 = vector.broadcast %and3A_359 : i32 to vector<16xi32>
        %and3A_361 = arith.andi %get3A_358, %and3A_360 : vector<16xi32>
        %swap3A_362 = arith.constant 16 : index
        %swap3A_363 = tpu.vector_load %arg7[%swap3A_362] {strides = array<i32>} : memref<128xi32, #tpu.memory_space<vmem>>, vector<16xi32>,
        %swap3A_364 = vector.shape_cast %swap3A_363 : vector<16xi32> to vector<16xi32>
        %swap3A_365 = vector.shape_cast %and3A_361 : vector<16xi32> to vector<16xi32>
        tpu.vector_store %arg7[%swap3A_362], %swap3A_365 {strides = array<i32>} : memref<128xi32, #tpu.memory_space<vmem>>, vector<16xi32>,
        %shift_right_logical3A_366 = arith.constant 16 : i32
        %shift_right_logical3A_367 = vector.broadcast %shift_right_logical3A_366 : i32 to vector<16xi32>
        %shift_right_logical3A_368 = arith.shrui %get3A_358, %shift_right_logical3A_367 : vector<16xi32>
        %swap3A_369 = arith.constant 16 : index
        %swap3A_370 = tpu.vector_load %arg8[%swap3A_369] {strides = array<i32>} : memref<128xi32, #tpu.memory_space<vmem>>, vector<16xi32>,
        %swap3A_371 = vector.shape_cast %swap3A_370 : vector<16xi32> to vector<16xi32>
        %swap3A_372 = vector.shape_cast %shift_right_logical3A_368 : vector<16xi32> to vector<16xi32>
        tpu.vector_store %arg8[%swap3A_369], %swap3A_372 {strides = array<i32>} : memref<128xi32, #tpu.memory_space<vmem>>, vector<16xi32>,
        %get3A_373 = arith.index_cast %add3A_336 : i32 to index
        %get3A_374 = arith.constant 32 : index
        %get3A_375 = tpu.vector_load %arg6[%get3A_373, %get3A_374] {strides = array<i32>} : memref<80x128xi32, #tpu.memory_space<vmem>>, vector<1x16xi32>,
        %get3A_376 = vector.shape_cast %get3A_375 : vector<1x16xi32> to vector<16xi32>
        %and3A_377 = arith.constant 65535 : i32
        %and3A_378 = vector.broadcast %and3A_377 : i32 to vector<16xi32>
        %and3A_379 = arith.andi %get3A_376, %and3A_378 : vector<16xi32>
        %swap3A_380 = arith.constant 32 : index
        %swap3A_381 = tpu.vector_load %arg7[%swap3A_380] {strides = array<i32>} : memref<128xi32, #tpu.memory_space<vmem>>, vector<16xi32>,
        %swap3A_382 = vector.shape_cast %swap3A_381 : vector<16xi32> to vector<16xi32>
        %swap3A_383 = vector.shape_cast %and3A_379 : vector<16xi32> to vector<16xi32>
        tpu.vector_store %arg7[%swap3A_380], %swap3A_383 {strides = array<i32>} : memref<128xi32, #tpu.memory_space<vmem>>, vector<16xi32>,
        %shift_right_logical3A_384 = arith.constant 16 : i32
        %shift_right_logical3A_385 = vector.broadcast %shift_right_logical3A_384 : i32 to vector<16xi32>
        %shift_right_logical3A_386 = arith.shrui %get3A_376, %shift_right_logical3A_385 : vector<16xi32>
        %swap3A_387 = arith.constant 32 : index
        %swap3A_388 = tpu.vector_load %arg8[%swap3A_387] {strides = array<i32>} : memref<128xi32, #tpu.memory_space<vmem>>, vector<16xi32>,
        %swap3A_389 = vector.shape_cast %swap3A_388 : vector<16xi32> to vector<16xi32>
        %swap3A_390 = vector.shape_cast %shift_right_logical3A_386 : vector<16xi32> to vector<16xi32>
        tpu.vector_store %arg8[%swap3A_387], %swap3A_390 {strides = array<i32>} : memref<128xi32, #tpu.memory_space<vmem>>, vector<16xi32>,
        %get3A_391 = arith.index_cast %add3A_336 : i32 to index
        %get3A_392 = arith.constant 48 : index
        %get3A_393 = tpu.vector_load %arg6[%get3A_391, %get3A_392] {strides = array<i32>} : memref<80x128xi32, #tpu.memory_space<vmem>>, vector<1x16xi32>,
        %get3A_394 = vector.shape_cast %get3A_393 : vector<1x16xi32> to vector<16xi32>
        %and3A_395 = arith.constant 65535 : i32
        %and3A_396 = vector.broadcast %and3A_395 : i32 to vector<16xi32>
        %and3A_397 = arith.andi %get3A_394, %and3A_396 : vector<16xi32>
        %swap3A_398 = arith.constant 48 : index
        %swap3A_399 = tpu.vector_load %arg7[%swap3A_398] {strides = array<i32>} : memref<128xi32, #tpu.memory_space<vmem>>, vector<16xi32>,
        %swap3A_400 = vector.shape_cast %swap3A_399 : vector<16xi32> to vector<16xi32>
        %swap3A_401 = vector.shape_cast %and3A_397 : vector<16xi32> to vector<16xi32>
        tpu.vector_store %arg7[%swap3A_398], %swap3A_401 {strides = array<i32>} : memref<128xi32, #tpu.memory_space<vmem>>, vector<16xi32>,
        %shift_right_logical3A_402 = arith.constant 16 : i32
        %shift_right_logical3A_403 = vector.broadcast %shift_right_logical3A_402 : i32 to vector<16xi32>
        %shift_right_logical3A_404 = arith.shrui %get3A_394, %shift_right_logical3A_403 : vector<16xi32>
        %swap3A_405 = arith.constant 48 : index
        %swap3A_406 = tpu.vector_load %arg8[%swap3A_405] {strides = array<i32>} : memref<128xi32, #tpu.memory_space<vmem>>, vector<16xi32>,
        %swap3A_407 = vector.shape_cast %swap3A_406 : vector<16xi32> to vector<16xi32>
        %swap3A_408 = vector.shape_cast %shift_right_logical3A_404 : vector<16xi32> to vector<16xi32>
        tpu.vector_store %arg8[%swap3A_405], %swap3A_408 {strides = array<i32>} : memref<128xi32, #tpu.memory_space<vmem>>, vector<16xi32>,
        %get3A_409 = arith.index_cast %add3A_336 : i32 to index
        %get3A_410 = arith.constant 64 : index
        %get3A_411 = tpu.vector_load %arg6[%get3A_409, %get3A_410] {strides = array<i32>} : memref<80x128xi32, #tpu.memory_space<vmem>>, vector<1x16xi32>,
        %get3A_412 = vector.shape_cast %get3A_411 : vector<1x16xi32> to vector<16xi32>
        %and3A_413 = arith.constant 65535 : i32
        %and3A_414 = vector.broadcast %and3A_413 : i32 to vector<16xi32>
        %and3A_415 = arith.andi %get3A_412, %and3A_414 : vector<16xi32>
        %swap3A_416 = arith.constant 64 : index
        %swap3A_417 = tpu.vector_load %arg7[%swap3A_416] {strides = array<i32>} : memref<128xi32, #tpu.memory_space<vmem>>, vector<16xi32>,
        %swap3A_418 = vector.shape_cast %swap3A_417 : vector<16xi32> to vector<16xi32>
        %swap3A_419 = vector.shape_cast %and3A_415 : vector<16xi32> to vector<16xi32>
        tpu.vector_store %arg7[%swap3A_416], %swap3A_419 {strides = array<i32>} : memref<128xi32, #tpu.memory_space<vmem>>, vector<16xi32>,
        %shift_right_logical3A_420 = arith.constant 16 : i32
        %shift_right_logical3A_421 = vector.broadcast %shift_right_logical3A_420 : i32 to vector<16xi32>
        %shift_right_logical3A_422 = arith.shrui %get3A_412, %shift_right_logical3A_421 : vector<16xi32>
        %swap3A_423 = arith.constant 64 : index
        %swap3A_424 = tpu.vector_load %arg8[%swap3A_423] {strides = array<i32>} : memref<128xi32, #tpu.memory_space<vmem>>, vector<16xi32>,
        %swap3A_425 = vector.shape_cast %swap3A_424 : vector<16xi32> to vector<16xi32>
        %swap3A_426 = vector.shape_cast %shift_right_logical3A_422 : vector<16xi32> to vector<16xi32>
        tpu.vector_store %arg8[%swap3A_423], %swap3A_426 {strides = array<i32>} : memref<128xi32, #tpu.memory_space<vmem>>, vector<16xi32>,
        %get3A_427 = arith.index_cast %add3A_336 : i32 to index
        %get3A_428 = arith.constant 80 : index
        %get3A_429 = tpu.vector_load %arg6[%get3A_427, %get3A_428] {strides = array<i32>} : memref<80x128xi32, #tpu.memory_space<vmem>>, vector<1x16xi32>,
        %get3A_430 = vector.shape_cast %get3A_429 : vector<1x16xi32> to vector<16xi32>
        %and3A_431 = arith.constant 65535 : i32
        %and3A_432 = vector.broadcast %and3A_431 : i32 to vector<16xi32>
        %and3A_433 = arith.andi %get3A_430, %and3A_432 : vector<16xi32>
        %swap3A_434 = arith.constant 80 : index
        %swap3A_435 = tpu.vector_load %arg7[%swap3A_434] {strides = array<i32>} : memref<128xi32, #tpu.memory_space<vmem>>, vector<16xi32>,
        %swap3A_436 = vector.shape_cast %swap3A_435 : vector<16xi32> to vector<16xi32>
        %swap3A_437 = vector.shape_cast %and3A_433 : vector<16xi32> to vector<16xi32>
        tpu.vector_store %arg7[%swap3A_434], %swap3A_437 {strides = array<i32>} : memref<128xi32, #tpu.memory_space<vmem>>, vector<16xi32>,
        %shift_right_logical3A_438 = arith.constant 16 : i32
        %shift_right_logical3A_439 = vector.broadcast %shift_right_logical3A_438 : i32 to vector<16xi32>
        %shift_right_logical3A_440 = arith.shrui %get3A_430, %shift_right_logical3A_439 : vector<16xi32>
        %swap3A_441 = arith.constant 80 : index
        %swap3A_442 = tpu.vector_load %arg8[%swap3A_441] {strides = array<i32>} : memref<128xi32, #tpu.memory_space<vmem>>, vector<16xi32>,
        %swap3A_443 = vector.shape_cast %swap3A_442 : vector<16xi32> to vector<16xi32>
        %swap3A_444 = vector.shape_cast %shift_right_logical3A_440 : vector<16xi32> to vector<16xi32>
        tpu.vector_store %arg8[%swap3A_441], %swap3A_444 {strides = array<i32>} : memref<128xi32, #tpu.memory_space<vmem>>, vector<16xi32>,
        %get3A_445 = arith.index_cast %add3A_336 : i32 to index
        %get3A_446 = arith.constant 96 : index
        %get3A_447 = tpu.vector_load %arg6[%get3A_445, %get3A_446] {strides = array<i32>} : memref<80x128xi32, #tpu.memory_space<vmem>>, vector<1x16xi32>,
        %get3A_448 = vector.shape_cast %get3A_447 : vector<1x16xi32> to vector<16xi32>
        %and3A_449 = arith.constant 65535 : i32
        %and3A_450 = vector.broadcast %and3A_449 : i32 to vector<16xi32>
        %and3A_451 = arith.andi %get3A_448, %and3A_450 : vector<16xi32>
        %swap3A_452 = arith.constant 96 : index
        %swap3A_453 = tpu.vector_load %arg7[%swap3A_452] {strides = array<i32>} : memref<128xi32, #tpu.memory_space<vmem>>, vector<16xi32>,
        %swap3A_454 = vector.shape_cast %swap3A_453 : vector<16xi32> to vector<16xi32>
        %swap3A_455 = vector.shape_cast %and3A_451 : vector<16xi32> to vector<16xi32>
        tpu.vector_store %arg7[%swap3A_452], %swap3A_455 {strides = array<i32>} : memref<128xi32, #tpu.memory_space<vmem>>, vector<16xi32>,
        %shift_right_logical3A_456 = arith.constant 16 : i32
        %shift_right_logical3A_457 = vector.broadcast %shift_right_logical3A_456 : i32 to vector<16xi32>
        %shift_right_logical3A_458 = arith.shrui %get3A_448, %shift_right_logical3A_457 : vector<16xi32>
        %swap3A_459 = arith.constant 96 : index
        %swap3A_460 = tpu.vector_load %arg8[%swap3A_459] {strides = array<i32>} : memref<128xi32, #tpu.memory_space<vmem>>, vector<16xi32>,
        %swap3A_461 = vector.shape_cast %swap3A_460 : vector<16xi32> to vector<16xi32>
        %swap3A_462 = vector.shape_cast %shift_right_logical3A_458 : vector<16xi32> to vector<16xi32>
        tpu.vector_store %arg8[%swap3A_459], %swap3A_462 {strides = array<i32>} : memref<128xi32, #tpu.memory_space<vmem>>, vector<16xi32>,
        %get3A_463 = arith.index_cast %add3A_336 : i32 to index
        %get3A_464 = arith.constant 112 : index
        %get3A_465 = tpu.vector_load %arg6[%get3A_463, %get3A_464] {strides = array<i32>} : memref<80x128xi32, #tpu.memory_space<vmem>>, vector<1x16xi32>,
        %get3A_466 = vector.shape_cast %get3A_465 : vector<1x16xi32> to vector<16xi32>
        %and3A_467 = arith.constant 65535 : i32
        %and3A_468 = vector.broadcast %and3A_467 : i32 to vector<16xi32>
        %and3A_469 = arith.andi %get3A_466, %and3A_468 : vector<16xi32>
        %swap3A_470 = arith.constant 112 : index
        %swap3A_471 = tpu.vector_load %arg7[%swap3A_470] {strides = array<i32>} : memref<128xi32, #tpu.memory_space<vmem>>, vector<16xi32>,
        %swap3A_472 = vector.shape_cast %swap3A_471 : vector<16xi32> to vector<16xi32>
        %swap3A_473 = vector.shape_cast %and3A_469 : vector<16xi32> to vector<16xi32>
        tpu.vector_store %arg7[%swap3A_470], %swap3A_473 {strides = array<i32>} : memref<128xi32, #tpu.memory_space<vmem>>, vector<16xi32>,
        %shift_right_logical3A_474 = arith.constant 16 : i32
        %shift_right_logical3A_475 = vector.broadcast %shift_right_logical3A_474 : i32 to vector<16xi32>
        %shift_right_logical3A_476 = arith.shrui %get3A_466, %shift_right_logical3A_475 : vector<16xi32>
        %swap3A_477 = arith.constant 112 : index
        %swap3A_478 = tpu.vector_load %arg8[%swap3A_477] {strides = array<i32>} : memref<128xi32, #tpu.memory_space<vmem>>, vector<16xi32>,
        %swap3A_479 = vector.shape_cast %swap3A_478 : vector<16xi32> to vector<16xi32>
        %swap3A_480 = vector.shape_cast %shift_right_logical3A_476 : vector<16xi32> to vector<16xi32>
        tpu.vector_store %arg8[%swap3A_477], %swap3A_480 {strides = array<i32>} : memref<128xi32, #tpu.memory_space<vmem>>, vector<16xi32>,
        %dma_start3A_481 = arith.constant 0 : i32
        %dma_start3A_482 = arith.constant 0 : i32
        %dma_start3A_483 = tpu.memref_slice %arg3[%dma_start3A_481, %dma_start3A_482] : memref<10112x128xf32, #tpu.memory_space<hbm>> -> memref<10112x128xf32, #tpu.memory_space<hbm>>
        tpu.enqueue_indirect_dma source(%dma_start3A_483 : memref<10112x128xf32, #tpu.memory_space<hbm>>) target(%arg11 : memref<128x128xf32, #tpu.memory_space<vmem>>) offsets(%arg7 : memref<128xi32, #tpu.memory_space<vmem>>) semaphore(%arg14 : memref<!tpu.dma_semaphore, #tpu.memory_space<semaphore_mem>>)
      } else {
      }
      %dma_wait3A_327 = arith.constant 0 : i32
      %dma_wait3A_328 = arith.constant 0 : i32
      %dma_wait3A_329 = tpu.memref_slice %arg3[%dma_wait3A_327, %dma_wait3A_328] : memref<10112x128xf32, #tpu.memory_space<hbm>> -> memref<10112x128xf32, #tpu.memory_space<hbm>>
      tpu.wait_indirect_dma semaphore(%arg15 : memref<!tpu.dma_semaphore, #tpu.memory_space<semaphore_mem>>) src(%dma_wait3A_329 : memref<10112x128xf32, #tpu.memory_space<hbm>>) dst(%arg12 : memref<128x128xf32, #tpu.memory_space<vmem>>)
      "tpu.region"() ({
        %run_scoped3A = tpu.sem_alloc : memref<!tpu.dma_semaphore, #tpu.memory_space<semaphore_mem>>
        %dma_start3A_335 = arith.constant 0 : i32
        %dma_start3A_336 = arith.constant 0 : i32
        %dma_start3A_337 = tpu.memref_slice %arg13[%dma_start3A_335, %dma_start3A_336] : memref<10112x128xf32, #tpu.memory_space<vmem_shared>> -> memref<10112x128xf32, #tpu.memory_space<vmem_shared>>
        tpu.enqueue_indirect_dma source(%arg12 : memref<128x128xf32, #tpu.memory_space<vmem>>) target(%dma_start3A_337 : memref<10112x128xf32, #tpu.memory_space<vmem_shared>>) offsets(%arg10 : memref<128xi32, #tpu.memory_space<vmem>>) semaphore(%run_scoped3A : memref<!tpu.dma_semaphore, #tpu.memory_space<semaphore_mem>>) {add = true}
        %dma_wait3A_338 = arith.constant 0 : i32
        %dma_wait3A_339 = arith.constant 0 : i32
        %dma_wait3A_340 = tpu.memref_slice %arg13[%dma_wait3A_338, %dma_wait3A_339] : memref<10112x128xf32, #tpu.memory_space<vmem_shared>> -> memref<10112x128xf32, #tpu.memory_space<vmem_shared>>
        tpu.wait_indirect_dma semaphore(%run_scoped3A : memref<!tpu.dma_semaphore, #tpu.memory_space<semaphore_mem>>) src(%arg12 : memref<128x128xf32, #tpu.memory_space<vmem>>) dst(%dma_wait3A_340 : memref<10112x128xf32, #tpu.memory_space<vmem_shared>>)
        tpu.yield
      }) : () -> ()
      %lt3A_330 = arith.constant 39 : i32
      %lt3A_331 = arith.cmpi slt, %scan3A_320, %lt3A_330 : i32
      %convert_element_type3A_332 = arith.extui %lt3A_331 : i1 to i32
      %cond3A_333 = arith.constant 0 : i32
      %cond3A_334 = arith.cmpi ne, %convert_element_type3A_332, %cond3A_333 : i32
      scf.if %cond3A_334 {
        %add3A_335 = arith.constant 3 : i32
        %add3A_336 = arith.addi %mul3A_322, %add3A_335 : i32
        %get3A_337 = arith.index_cast %add3A_336 : i32 to index
        %get3A_338 = arith.constant 0 : index
        %get3A_339 = tpu.vector_load %arg6[%get3A_337, %get3A_338] {strides = array<i32>} : memref<80x128xi32, #tpu.memory_space<vmem>>, vector<1x16xi32>,
        %get3A_340 = vector.shape_cast %get3A_339 : vector<1x16xi32> to vector<16xi32>
        %and3A_341 = arith.constant 65535 : i32
        %and3A_342 = vector.broadcast %and3A_341 : i32 to vector<16xi32>
        %and3A_343 = arith.andi %get3A_340, %and3A_342 : vector<16xi32>
        %swap3A_344 = arith.constant 0 : index
        %swap3A_345 = tpu.vector_load %arg9[%swap3A_344] {strides = array<i32>} : memref<128xi32, #tpu.memory_space<vmem>>, vector<16xi32>,
        %swap3A_346 = vector.shape_cast %swap3A_345 : vector<16xi32> to vector<16xi32>
        %swap3A_347 = vector.shape_cast %and3A_343 : vector<16xi32> to vector<16xi32>
        tpu.vector_store %arg9[%swap3A_344], %swap3A_347 {strides = array<i32>} : memref<128xi32, #tpu.memory_space<vmem>>, vector<16xi32>,
        %shift_right_logical3A_348 = arith.constant 16 : i32
        %shift_right_logical3A_349 = vector.broadcast %shift_right_logical3A_348 : i32 to vector<16xi32>
        %shift_right_logical3A_350 = arith.shrui %get3A_340, %shift_right_logical3A_349 : vector<16xi32>
        %swap3A_351 = arith.constant 0 : index
        %swap3A_352 = tpu.vector_load %arg10[%swap3A_351] {strides = array<i32>} : memref<128xi32, #tpu.memory_space<vmem>>, vector<16xi32>,
        %swap3A_353 = vector.shape_cast %swap3A_352 : vector<16xi32> to vector<16xi32>
        %swap3A_354 = vector.shape_cast %shift_right_logical3A_350 : vector<16xi32> to vector<16xi32>
        tpu.vector_store %arg10[%swap3A_351], %swap3A_354 {strides = array<i32>} : memref<128xi32, #tpu.memory_space<vmem>>, vector<16xi32>,
        %get3A_355 = arith.index_cast %add3A_336 : i32 to index
        %get3A_356 = arith.constant 16 : index
        %get3A_357 = tpu.vector_load %arg6[%get3A_355, %get3A_356] {strides = array<i32>} : memref<80x128xi32, #tpu.memory_space<vmem>>, vector<1x16xi32>,
        %get3A_358 = vector.shape_cast %get3A_357 : vector<1x16xi32> to vector<16xi32>
        %and3A_359 = arith.constant 65535 : i32
        %and3A_360 = vector.broadcast %and3A_359 : i32 to vector<16xi32>
        %and3A_361 = arith.andi %get3A_358, %and3A_360 : vector<16xi32>
        %swap3A_362 = arith.constant 16 : index
        %swap3A_363 = tpu.vector_load %arg9[%swap3A_362] {strides = array<i32>} : memref<128xi32, #tpu.memory_space<vmem>>, vector<16xi32>,
        %swap3A_364 = vector.shape_cast %swap3A_363 : vector<16xi32> to vector<16xi32>
        %swap3A_365 = vector.shape_cast %and3A_361 : vector<16xi32> to vector<16xi32>
        tpu.vector_store %arg9[%swap3A_362], %swap3A_365 {strides = array<i32>} : memref<128xi32, #tpu.memory_space<vmem>>, vector<16xi32>,
        %shift_right_logical3A_366 = arith.constant 16 : i32
        %shift_right_logical3A_367 = vector.broadcast %shift_right_logical3A_366 : i32 to vector<16xi32>
        %shift_right_logical3A_368 = arith.shrui %get3A_358, %shift_right_logical3A_367 : vector<16xi32>
        %swap3A_369 = arith.constant 16 : index
        %swap3A_370 = tpu.vector_load %arg10[%swap3A_369] {strides = array<i32>} : memref<128xi32, #tpu.memory_space<vmem>>, vector<16xi32>,
        %swap3A_371 = vector.shape_cast %swap3A_370 : vector<16xi32> to vector<16xi32>
        %swap3A_372 = vector.shape_cast %shift_right_logical3A_368 : vector<16xi32> to vector<16xi32>
        tpu.vector_store %arg10[%swap3A_369], %swap3A_372 {strides = array<i32>} : memref<128xi32, #tpu.memory_space<vmem>>, vector<16xi32>,
        %get3A_373 = arith.index_cast %add3A_336 : i32 to index
        %get3A_374 = arith.constant 32 : index
        %get3A_375 = tpu.vector_load %arg6[%get3A_373, %get3A_374] {strides = array<i32>} : memref<80x128xi32, #tpu.memory_space<vmem>>, vector<1x16xi32>,
        %get3A_376 = vector.shape_cast %get3A_375 : vector<1x16xi32> to vector<16xi32>
        %and3A_377 = arith.constant 65535 : i32
        %and3A_378 = vector.broadcast %and3A_377 : i32 to vector<16xi32>
        %and3A_379 = arith.andi %get3A_376, %and3A_378 : vector<16xi32>
        %swap3A_380 = arith.constant 32 : index
        %swap3A_381 = tpu.vector_load %arg9[%swap3A_380] {strides = array<i32>} : memref<128xi32, #tpu.memory_space<vmem>>, vector<16xi32>,
        %swap3A_382 = vector.shape_cast %swap3A_381 : vector<16xi32> to vector<16xi32>
        %swap3A_383 = vector.shape_cast %and3A_379 : vector<16xi32> to vector<16xi32>
        tpu.vector_store %arg9[%swap3A_380], %swap3A_383 {strides = array<i32>} : memref<128xi32, #tpu.memory_space<vmem>>, vector<16xi32>,
        %shift_right_logical3A_384 = arith.constant 16 : i32
        %shift_right_logical3A_385 = vector.broadcast %shift_right_logical3A_384 : i32 to vector<16xi32>
        %shift_right_logical3A_386 = arith.shrui %get3A_376, %shift_right_logical3A_385 : vector<16xi32>
        %swap3A_387 = arith.constant 32 : index
        %swap3A_388 = tpu.vector_load %arg10[%swap3A_387] {strides = array<i32>} : memref<128xi32, #tpu.memory_space<vmem>>, vector<16xi32>,
        %swap3A_389 = vector.shape_cast %swap3A_388 : vector<16xi32> to vector<16xi32>
        %swap3A_390 = vector.shape_cast %shift_right_logical3A_386 : vector<16xi32> to vector<16xi32>
        tpu.vector_store %arg10[%swap3A_387], %swap3A_390 {strides = array<i32>} : memref<128xi32, #tpu.memory_space<vmem>>, vector<16xi32>,
        %get3A_391 = arith.index_cast %add3A_336 : i32 to index
        %get3A_392 = arith.constant 48 : index
        %get3A_393 = tpu.vector_load %arg6[%get3A_391, %get3A_392] {strides = array<i32>} : memref<80x128xi32, #tpu.memory_space<vmem>>, vector<1x16xi32>,
        %get3A_394 = vector.shape_cast %get3A_393 : vector<1x16xi32> to vector<16xi32>
        %and3A_395 = arith.constant 65535 : i32
        %and3A_396 = vector.broadcast %and3A_395 : i32 to vector<16xi32>
        %and3A_397 = arith.andi %get3A_394, %and3A_396 : vector<16xi32>
        %swap3A_398 = arith.constant 48 : index
        %swap3A_399 = tpu.vector_load %arg9[%swap3A_398] {strides = array<i32>} : memref<128xi32, #tpu.memory_space<vmem>>, vector<16xi32>,
        %swap3A_400 = vector.shape_cast %swap3A_399 : vector<16xi32> to vector<16xi32>
        %swap3A_401 = vector.shape_cast %and3A_397 : vector<16xi32> to vector<16xi32>
        tpu.vector_store %arg9[%swap3A_398], %swap3A_401 {strides = array<i32>} : memref<128xi32, #tpu.memory_space<vmem>>, vector<16xi32>,
        %shift_right_logical3A_402 = arith.constant 16 : i32
        %shift_right_logical3A_403 = vector.broadcast %shift_right_logical3A_402 : i32 to vector<16xi32>
        %shift_right_logical3A_404 = arith.shrui %get3A_394, %shift_right_logical3A_403 : vector<16xi32>
        %swap3A_405 = arith.constant 48 : index
        %swap3A_406 = tpu.vector_load %arg10[%swap3A_405] {strides = array<i32>} : memref<128xi32, #tpu.memory_space<vmem>>, vector<16xi32>,
        %swap3A_407 = vector.shape_cast %swap3A_406 : vector<16xi32> to vector<16xi32>
        %swap3A_408 = vector.shape_cast %shift_right_logical3A_404 : vector<16xi32> to vector<16xi32>
        tpu.vector_store %arg10[%swap3A_405], %swap3A_408 {strides = array<i32>} : memref<128xi32, #tpu.memory_space<vmem>>, vector<16xi32>,
        %get3A_409 = arith.index_cast %add3A_336 : i32 to index
        %get3A_410 = arith.constant 64 : index
        %get3A_411 = tpu.vector_load %arg6[%get3A_409, %get3A_410] {strides = array<i32>} : memref<80x128xi32, #tpu.memory_space<vmem>>, vector<1x16xi32>,
        %get3A_412 = vector.shape_cast %get3A_411 : vector<1x16xi32> to vector<16xi32>
        %and3A_413 = arith.constant 65535 : i32
        %and3A_414 = vector.broadcast %and3A_413 : i32 to vector<16xi32>
        %and3A_415 = arith.andi %get3A_412, %and3A_414 : vector<16xi32>
        %swap3A_416 = arith.constant 64 : index
        %swap3A_417 = tpu.vector_load %arg9[%swap3A_416] {strides = array<i32>} : memref<128xi32, #tpu.memory_space<vmem>>, vector<16xi32>,
        %swap3A_418 = vector.shape_cast %swap3A_417 : vector<16xi32> to vector<16xi32>
        %swap3A_419 = vector.shape_cast %and3A_415 : vector<16xi32> to vector<16xi32>
        tpu.vector_store %arg9[%swap3A_416], %swap3A_419 {strides = array<i32>} : memref<128xi32, #tpu.memory_space<vmem>>, vector<16xi32>,
        %shift_right_logical3A_420 = arith.constant 16 : i32
        %shift_right_logical3A_421 = vector.broadcast %shift_right_logical3A_420 : i32 to vector<16xi32>
        %shift_right_logical3A_422 = arith.shrui %get3A_412, %shift_right_logical3A_421 : vector<16xi32>
        %swap3A_423 = arith.constant 64 : index
        %swap3A_424 = tpu.vector_load %arg10[%swap3A_423] {strides = array<i32>} : memref<128xi32, #tpu.memory_space<vmem>>, vector<16xi32>,
        %swap3A_425 = vector.shape_cast %swap3A_424 : vector<16xi32> to vector<16xi32>
        %swap3A_426 = vector.shape_cast %shift_right_logical3A_422 : vector<16xi32> to vector<16xi32>
        tpu.vector_store %arg10[%swap3A_423], %swap3A_426 {strides = array<i32>} : memref<128xi32, #tpu.memory_space<vmem>>, vector<16xi32>,
        %get3A_427 = arith.index_cast %add3A_336 : i32 to index
        %get3A_428 = arith.constant 80 : index
        %get3A_429 = tpu.vector_load %arg6[%get3A_427, %get3A_428] {strides = array<i32>} : memref<80x128xi32, #tpu.memory_space<vmem>>, vector<1x16xi32>,
        %get3A_430 = vector.shape_cast %get3A_429 : vector<1x16xi32> to vector<16xi32>
        %and3A_431 = arith.constant 65535 : i32
        %and3A_432 = vector.broadcast %and3A_431 : i32 to vector<16xi32>
        %and3A_433 = arith.andi %get3A_430, %and3A_432 : vector<16xi32>
        %swap3A_434 = arith.constant 80 : index
        %swap3A_435 = tpu.vector_load %arg9[%swap3A_434] {strides = array<i32>} : memref<128xi32, #tpu.memory_space<vmem>>, vector<16xi32>,
        %swap3A_436 = vector.shape_cast %swap3A_435 : vector<16xi32> to vector<16xi32>
        %swap3A_437 = vector.shape_cast %and3A_433 : vector<16xi32> to vector<16xi32>
        tpu.vector_store %arg9[%swap3A_434], %swap3A_437 {strides = array<i32>} : memref<128xi32, #tpu.memory_space<vmem>>, vector<16xi32>,
        %shift_right_logical3A_438 = arith.constant 16 : i32
        %shift_right_logical3A_439 = vector.broadcast %shift_right_logical3A_438 : i32 to vector<16xi32>
        %shift_right_logical3A_440 = arith.shrui %get3A_430, %shift_right_logical3A_439 : vector<16xi32>
        %swap3A_441 = arith.constant 80 : index
        %swap3A_442 = tpu.vector_load %arg10[%swap3A_441] {strides = array<i32>} : memref<128xi32, #tpu.memory_space<vmem>>, vector<16xi32>,
        %swap3A_443 = vector.shape_cast %swap3A_442 : vector<16xi32> to vector<16xi32>
        %swap3A_444 = vector.shape_cast %shift_right_logical3A_440 : vector<16xi32> to vector<16xi32>
        tpu.vector_store %arg10[%swap3A_441], %swap3A_444 {strides = array<i32>} : memref<128xi32, #tpu.memory_space<vmem>>, vector<16xi32>,
        %get3A_445 = arith.index_cast %add3A_336 : i32 to index
        %get3A_446 = arith.constant 96 : index
        %get3A_447 = tpu.vector_load %arg6[%get3A_445, %get3A_446] {strides = array<i32>} : memref<80x128xi32, #tpu.memory_space<vmem>>, vector<1x16xi32>,
        %get3A_448 = vector.shape_cast %get3A_447 : vector<1x16xi32> to vector<16xi32>
        %and3A_449 = arith.constant 65535 : i32
        %and3A_450 = vector.broadcast %and3A_449 : i32 to vector<16xi32>
        %and3A_451 = arith.andi %get3A_448, %and3A_450 : vector<16xi32>
        %swap3A_452 = arith.constant 96 : index
        %swap3A_453 = tpu.vector_load %arg9[%swap3A_452] {strides = array<i32>} : memref<128xi32, #tpu.memory_space<vmem>>, vector<16xi32>,
        %swap3A_454 = vector.shape_cast %swap3A_453 : vector<16xi32> to vector<16xi32>
        %swap3A_455 = vector.shape_cast %and3A_451 : vector<16xi32> to vector<16xi32>
        tpu.vector_store %arg9[%swap3A_452], %swap3A_455 {strides = array<i32>} : memref<128xi32, #tpu.memory_space<vmem>>, vector<16xi32>,
        %shift_right_logical3A_456 = arith.constant 16 : i32
        %shift_right_logical3A_457 = vector.broadcast %shift_right_logical3A_456 : i32 to vector<16xi32>
        %shift_right_logical3A_458 = arith.shrui %get3A_448, %shift_right_logical3A_457 : vector<16xi32>
        %swap3A_459 = arith.constant 96 : index
        %swap3A_460 = tpu.vector_load %arg10[%swap3A_459] {strides = array<i32>} : memref<128xi32, #tpu.memory_space<vmem>>, vector<16xi32>,
        %swap3A_461 = vector.shape_cast %swap3A_460 : vector<16xi32> to vector<16xi32>
        %swap3A_462 = vector.shape_cast %shift_right_logical3A_458 : vector<16xi32> to vector<16xi32>
        tpu.vector_store %arg10[%swap3A_459], %swap3A_462 {strides = array<i32>} : memref<128xi32, #tpu.memory_space<vmem>>, vector<16xi32>,
        %get3A_463 = arith.index_cast %add3A_336 : i32 to index
        %get3A_464 = arith.constant 112 : index
        %get3A_465 = tpu.vector_load %arg6[%get3A_463, %get3A_464] {strides = array<i32>} : memref<80x128xi32, #tpu.memory_space<vmem>>, vector<1x16xi32>,
        %get3A_466 = vector.shape_cast %get3A_465 : vector<1x16xi32> to vector<16xi32>
        %and3A_467 = arith.constant 65535 : i32
        %and3A_468 = vector.broadcast %and3A_467 : i32 to vector<16xi32>
        %and3A_469 = arith.andi %get3A_466, %and3A_468 : vector<16xi32>
        %swap3A_470 = arith.constant 112 : index
        %swap3A_471 = tpu.vector_load %arg9[%swap3A_470] {strides = array<i32>} : memref<128xi32, #tpu.memory_space<vmem>>, vector<16xi32>,
        %swap3A_472 = vector.shape_cast %swap3A_471 : vector<16xi32> to vector<16xi32>
        %swap3A_473 = vector.shape_cast %and3A_469 : vector<16xi32> to vector<16xi32>
        tpu.vector_store %arg9[%swap3A_470], %swap3A_473 {strides = array<i32>} : memref<128xi32, #tpu.memory_space<vmem>>, vector<16xi32>,
        %shift_right_logical3A_474 = arith.constant 16 : i32
        %shift_right_logical3A_475 = vector.broadcast %shift_right_logical3A_474 : i32 to vector<16xi32>
        %shift_right_logical3A_476 = arith.shrui %get3A_466, %shift_right_logical3A_475 : vector<16xi32>
        %swap3A_477 = arith.constant 112 : index
        %swap3A_478 = tpu.vector_load %arg10[%swap3A_477] {strides = array<i32>} : memref<128xi32, #tpu.memory_space<vmem>>, vector<16xi32>,
        %swap3A_479 = vector.shape_cast %swap3A_478 : vector<16xi32> to vector<16xi32>
        %swap3A_480 = vector.shape_cast %shift_right_logical3A_476 : vector<16xi32> to vector<16xi32>
        tpu.vector_store %arg10[%swap3A_477], %swap3A_480 {strides = array<i32>} : memref<128xi32, #tpu.memory_space<vmem>>, vector<16xi32>,
        %dma_start3A_481 = arith.constant 0 : i32
        %dma_start3A_482 = arith.constant 0 : i32
        %dma_start3A_483 = tpu.memref_slice %arg3[%dma_start3A_481, %dma_start3A_482] : memref<10112x128xf32, #tpu.memory_space<hbm>> -> memref<10112x128xf32, #tpu.memory_space<hbm>>
        tpu.enqueue_indirect_dma source(%dma_start3A_483 : memref<10112x128xf32, #tpu.memory_space<hbm>>) target(%arg12 : memref<128x128xf32, #tpu.memory_space<vmem>>) offsets(%arg9 : memref<128xi32, #tpu.memory_space<vmem>>) semaphore(%arg15 : memref<!tpu.dma_semaphore, #tpu.memory_space<semaphore_mem>>)
      } else {
      }
    }
    %scan3A_314 = arith.constant 40 : i32
    %barrier3A_315 = arith.constant 0 : index
    tpu.barrier barrier_id(%barrier3A_315)
    %mul3A_316 = arith.constant 632 : i32
    %mul3A_317 = arith.muli %arg1, %mul3A_316 : i32
    %mul3A_318 = arith.constant 632 : i32
    %mul3A_319 = arith.muli %arg1, %mul3A_318 : i32
    "tpu.region"() ({
      %run_scoped3A = tpu.sem_alloc : memref<!tpu.dma_semaphore, #tpu.memory_space<semaphore_mem>>
      %dma_start3A_320 = arith.constant 0 : i32
      %dma_start3A_321 = tpu.memref_slice %arg5[%arg0, %mul3A_319, %dma_start3A_320] : memref<2x10112x128xf32, #tpu.memory_space<hbm>> -> memref<1x632x128xf32, #tpu.memory_space<hbm>>
      %dma_start3A_322 = tpu.memref_squeeze %dma_start3A_321 : memref<1x632x128xf32, #tpu.memory_space<hbm>> -> memref<632x128xf32, #tpu.memory_space<hbm>>
      %dma_start3A_323 = arith.constant 0 : i32
      %dma_start3A_324 = tpu.memref_slice %arg13[%mul3A_317, %dma_start3A_323] : memref<10112x128xf32, #tpu.memory_space<vmem_shared>> -> memref<632x128xf32, #tpu.memory_space<vmem_shared>>
      tpu.enqueue_dma source(%dma_start3A_324 : memref<632x128xf32, #tpu.memory_space<vmem_shared>>) target(%dma_start3A_322 : memref<632x128xf32, #tpu.memory_space<hbm>>) target_semaphore(%run_scoped3A : memref<!tpu.dma_semaphore, #tpu.memory_space<semaphore_mem>>)
      %dma_wait3A = arith.constant 0 : i32
      %dma_wait3A_325 = tpu.memref_slice %arg5[%arg0, %mul3A_319, %dma_wait3A] : memref<2x10112x128xf32, #tpu.memory_space<hbm>> -> memref<1x632x128xf32, #tpu.memory_space<hbm>>
      %dma_wait3A_326 = tpu.memref_squeeze %dma_wait3A_325 : memref<1x632x128xf32, #tpu.memory_space<hbm>> -> memref<632x128xf32, #tpu.memory_space<hbm>>
      %dma_wait3A_327 = arith.constant 0 : i32
      %dma_wait3A_328 = tpu.memref_slice %arg13[%mul3A_317, %dma_wait3A_327] : memref<10112x128xf32, #tpu.memory_space<vmem_shared>> -> memref<632x128xf32, #tpu.memory_space<vmem_shared>>
      tpu.wait_dma2 semaphore(%run_scoped3A : memref<!tpu.dma_semaphore, #tpu.memory_space<semaphore_mem>>) src(%dma_wait3A_328 : memref<632x128xf32, #tpu.memory_space<vmem_shared>>) dst(%dma_wait3A_326 : memref<632x128xf32, #tpu.memory_space<hbm>>)
      tpu.yield
    }) : () -> ()
    return
  }
}

module attributes {stable_mosaic.version = 14 : i64} {
  func.func @kern(%arg0: i32, %arg1: memref<1264x128xf32, #tpu.memory_space<vmem>>, %arg2: memref<1264x1xf32, #tpu.memory_space<vmem>>, %arg3: memref<128x128xf32, #tpu.memory_space<vmem>>, %arg4: memref<64x128xf32, #tpu.memory_space<vmem>>, %arg5: memref<2x256xi32, #tpu.memory_space<vmem>>, %arg6: memref<1x128xf32, #tpu.memory_space<vmem>>, %arg7: memref<1264x128xf32, #tpu.memory_space<vmem>>, %arg8: memref<64x128xf32, #tpu.memory_space<vmem>>) attributes {dimension_semantics = [#tpu.dimension_semantics<arbitrary>], iteration_bounds = array<i64: 8>, scalar_prefetch = 0 : i64, scratch_operands = 0 : i64, tpu.core_type = #tpu.core_type<tc>, window_params = [{transform_indices = @transform_0, window_bounds = array<i64: 1264, 128>}, {transform_indices = @transform_1, window_bounds = array<i64: 1264, 1>}, {pipeline_mode = #tpu.pipeline_mode<synchronous>, transform_indices = @transform_2, window_bounds = array<i64: 128, 128>}, {pipeline_mode = #tpu.pipeline_mode<synchronous>, transform_indices = @transform_3, window_bounds = array<i64: 64, 128>}, {pipeline_mode = #tpu.pipeline_mode<synchronous>, transform_indices = @transform_4, window_bounds = array<i64: 2, 256>}, {pipeline_mode = #tpu.pipeline_mode<synchronous>, transform_indices = @transform_5, window_bounds = array<i64: 1, 128>}, {transform_indices = @transform_6, window_bounds = array<i64: 1264, 128>}, {pipeline_mode = #tpu.pipeline_mode<synchronous>, transform_indices = @transform_7, window_bounds = array<i64: 64, 128>}]} {
    %get3A = arith.constant 0 : index
    %get3A_0 = arith.constant 0 : index
    %get3A_1 = vector.load %arg2[%get3A, %get3A_0] : memref<1264x1xf32, #tpu.memory_space<vmem>>, vector<1264x1xf32>
    %get3A_2 = arith.constant 0 : index
    %get3A_3 = arith.constant 0 : index
    %get3A_4 = vector.load %arg1[%get3A_2, %get3A_3] : memref<1264x128xf32, #tpu.memory_space<vmem>>, vector<1264x128xf32>
    %get3A_5 = arith.constant 0 : index
    %get3A_6 = arith.constant 0 : index
    %get3A_7 = vector.load %arg3[%get3A_5, %get3A_6] : memref<128x128xf32, #tpu.memory_space<vmem>>, vector<128x128xf32>
    %dot_general3A = arith.constant dense<0.000000e+00> : vector<1264x128xf32>
    %dot_general3A_8 = tpu.matmul %get3A_4, %get3A_7, %dot_general3A {dimension_numbers = #tpu.dot_dimension_numbers<[1], [0], [0], [1], [0, 0, 1, 1], [], []>, transpose_lhs_hint = false} : vector<1264x128xf32>, vector<128x128xf32>, vector<1264x128xf32> -> vector<1264x128xf32>
    %mul3A = vector.broadcast %get3A_1 : vector<1264x1xf32> to vector<1264x128xf32>
    %mul3A_9 = arith.mulf %mul3A, %dot_general3A_8 : vector<1264x128xf32>
    %swap3A = arith.constant 0 : index
    %swap3A_10 = arith.constant 0 : index
    %swap3A_11 = vector.load %arg7[%swap3A, %swap3A_10] : memref<1264x128xf32, #tpu.memory_space<vmem>>, vector<1264x128xf32>
    tpu.vector_store %arg7[%swap3A, %swap3A_10], %mul3A_9 {strides = array<i32>} : memref<1264x128xf32, #tpu.memory_space<vmem>>, vector<1264x128xf32>,
    %eq3A = arith.constant 0 : i32
    %eq3A_12 = arith.cmpi eq, %arg0, %eq3A : i32
    %convert_element_type3A = arith.extui %eq3A_12 : i1 to i32
    %cond3A = arith.constant 0 : i32
    %cond3A_13 = arith.cmpi ne, %convert_element_type3A, %cond3A : i32
    scf.if %cond3A_13 {
      %get3A_14 = arith.constant 0 : index
      %get3A_15 = arith.constant 0 : index
      %get3A_16 = vector.load %arg5[%get3A_14, %get3A_15] : memref<2x256xi32, #tpu.memory_space<vmem>>, vector<1x256xi32>
      %get3A_17 = arith.constant 1 : index
      %get3A_18 = arith.constant 0 : index
      %get3A_19 = vector.load %arg5[%get3A_17, %get3A_18] : memref<2x256xi32, #tpu.memory_space<vmem>>, vector<1x256xi32>
      %iota3A = tpu.iota {dimensions = array<i32: 0>} : vector<64x256xi32>
      %eq3A_20 = vector.broadcast %get3A_16 : vector<1x256xi32> to vector<64x256xi32>
      %eq3A_21 = arith.cmpi eq, %iota3A, %eq3A_20 : vector<64x256xi32>
      %convert_element_type3A_22 = arith.extui %eq3A_21 : vector<64x256xi1> to vector<64x256xi32>
      %convert_element_type3A_23 = arith.sitofp %convert_element_type3A_22 : vector<64x256xi32> to vector<64x256xf32>
      %eq3A_24 = vector.broadcast %get3A_19 : vector<1x256xi32> to vector<64x256xi32>
      %eq3A_25 = arith.cmpi eq, %iota3A, %eq3A_24 : vector<64x256xi32>
      %convert_element_type3A_26 = arith.extui %eq3A_25 : vector<64x256xi1> to vector<64x256xi32>
      %convert_element_type3A_27 = arith.sitofp %convert_element_type3A_26 : vector<64x256xi32> to vector<64x256xf32>
      %dot_general3A_28 = arith.constant dense<0.000000e+00> : vector<64x64xf32>
      %dot_general3A_29 = tpu.matmul %convert_element_type3A_27, %convert_element_type3A_23, %dot_general3A_28 {dimension_numbers = #tpu.dot_dimension_numbers<[1], [1], [0], [0], [0, 0, 1, 0], [], []>, precision = #tpu.contract_precision<fp32>, transpose_lhs_hint = false} : vector<64x256xf32>, vector<64x256xf32>, vector<64x64xf32> -> vector<64x64xf32>
      %reduce_sum3A = arith.constant dense<0.000000e+00> : vector<64xf32>
      %reduce_sum3A_30 = vector.multi_reduction <add>, %dot_general3A_29, %reduce_sum3A [1] : vector<64x64xf32> to vector<64xf32>
      %broadcast_in_dim3A = vector.shape_cast %reduce_sum3A_30 : vector<64xf32> to vector<64x1xf32>
      %add3A = arith.constant 1.000000e+00 : f32
      %add3A_31 = vector.broadcast %add3A : f32 to vector<64x1xf32>
      %add3A_32 = arith.addf %broadcast_in_dim3A, %add3A_31 : vector<64x1xf32>
      %rsqrt3A = math.rsqrt %add3A_32 : vector<64x1xf32>
      %iota3A_33 = tpu.iota {dimensions = array<i32: 0>} : vector<64x64xi32>
      %iota3A_34 = tpu.iota {dimensions = array<i32: 1>} : vector<64x64xi32>
      %eq3A_35 = arith.cmpi eq, %iota3A_33, %iota3A_34 : vector<64x64xi32>
      %convert_element_type3A_36 = arith.extui %eq3A_35 : vector<64x64xi1> to vector<64x64xi32>
      %convert_element_type3A_37 = arith.sitofp %convert_element_type3A_36 : vector<64x64xi32> to vector<64x64xf32>
      %get3A_38 = arith.constant 0 : index
      %get3A_39 = arith.constant 0 : index
      %get3A_40 = vector.load %arg4[%get3A_38, %get3A_39] : memref<64x128xf32, #tpu.memory_space<vmem>>, vector<64x128xf32>
      %get3A_41 = arith.constant 0 : index
      %get3A_42 = arith.constant 0 : index
      %get3A_43 = vector.load %arg3[%get3A_41, %get3A_42] : memref<128x128xf32, #tpu.memory_space<vmem>>, vector<128x128xf32>
      %dot_general3A_44 = arith.constant dense<0.000000e+00> : vector<64x128xf32>
      %dot_general3A_45 = tpu.matmul %get3A_40, %get3A_43, %dot_general3A_44 {dimension_numbers = #tpu.dot_dimension_numbers<[1], [0], [0], [1], [0, 0, 1, 1], [], []>, transpose_lhs_hint = false} : vector<64x128xf32>, vector<128x128xf32>, vector<64x128xf32> -> vector<64x128xf32>
      %add3A_46 = arith.addf %dot_general3A_29, %convert_element_type3A_37 : vector<64x64xf32>
      %mul3A_47 = vector.broadcast %rsqrt3A : vector<64x1xf32> to vector<64x128xf32>
      %mul3A_48 = arith.mulf %mul3A_47, %dot_general3A_45 : vector<64x128xf32>
      %dot_general3A_49 = arith.constant dense<0.000000e+00> : vector<64x128xf32>
      %dot_general3A_50 = tpu.matmul %add3A_46, %mul3A_48, %dot_general3A_49 {dimension_numbers = #tpu.dot_dimension_numbers<[1], [0], [0], [1], [0, 0, 1, 1], [], []>, precision = #tpu.contract_precision<fp32>, transpose_lhs_hint = false} : vector<64x64xf32>, vector<64x128xf32>, vector<64x128xf32> -> vector<64x128xf32>
      %mul3A_51 = vector.broadcast %rsqrt3A : vector<64x1xf32> to vector<64x128xf32>
      %mul3A_52 = arith.mulf %mul3A_51, %dot_general3A_50 : vector<64x128xf32>
      %get3A_53 = arith.constant 0 : index
      %get3A_54 = arith.constant 0 : index
      %get3A_55 = vector.load %arg6[%get3A_53, %get3A_54] : memref<1x128xf32, #tpu.memory_space<vmem>>, vector<1x128xf32>
      %add3A_56 = vector.broadcast %get3A_55 : vector<1x128xf32> to vector<64x128xf32>
      %add3A_57 = arith.addf %mul3A_52, %add3A_56 : vector<64x128xf32>
      %mul3A_58 = arith.mulf %add3A_57, %add3A_57 : vector<64x128xf32>
      %reduce_sum3A_59 = arith.constant dense<0.000000e+00> : vector<64xf32>
      %reduce_sum3A_60 = vector.multi_reduction <add>, %mul3A_58, %reduce_sum3A_59 [1] : vector<64x128xf32> to vector<64xf32>
      %broadcast_in_dim3A_61 = vector.shape_cast %reduce_sum3A_60 : vector<64xf32> to vector<64x1xf32>
      %sqrt3A = math.sqrt %broadcast_in_dim3A_61 : vector<64x1xf32>
      %max3A = arith.constant 9.99999996E-13 : f32
      %max3A_62 = vector.broadcast %max3A : f32 to vector<64x1xf32>
      %max3A_63 = arith.maximumf %sqrt3A, %max3A_62 : vector<64x1xf32>
      %div3A = vector.broadcast %max3A_63 : vector<64x1xf32> to vector<64x128xf32>
      %div3A_64 = arith.divf %add3A_57, %div3A : vector<64x128xf32>
      %gt3A = arith.constant 0.000000e+00 : f32
      %gt3A_65 = vector.broadcast %gt3A : f32 to vector<64x128xf32>
      %gt3A_66 = arith.cmpf ogt, %div3A_64, %gt3A_65 : vector<64x128xf32>
      %exp3A = math.exp %div3A_64 : vector<64x128xf32>
      %sub3A = arith.constant 1.000000e+00 : f32
      %sub3A_67 = vector.broadcast %sub3A : f32 to vector<64x128xf32>
      %sub3A_68 = arith.subf %exp3A, %sub3A_67 : vector<64x128xf32>
      %select_n3A = arith.select %gt3A_66, %div3A_64, %sub3A_68 : vector<64x128xi1>, vector<64x128xf32>
      %swap3A_69 = arith.constant 0 : index
      %swap3A_70 = arith.constant 0 : index
      %swap3A_71 = vector.load %arg8[%swap3A_69, %swap3A_70] : memref<64x128xf32, #tpu.memory_space<vmem>>, vector<64x128xf32>
      tpu.vector_store %arg8[%swap3A_69, %swap3A_70], %select_n3A {strides = array<i32>} : memref<64x128xf32, #tpu.memory_space<vmem>>, vector<64x128xf32>,
    } else {
    }
    return
  }
  func.func @transform_0(%arg0: i32) -> (i32, i32) {
    %c0_i32 = arith.constant 0 : i32
    %c0_i32_0 = arith.constant 0 : i32
    return %arg0, %c0_i32 : i32, i32
  }
  func.func @transform_1(%arg0: i32) -> (i32, i32) {
    %c0_i32 = arith.constant 0 : i32
    %c0_i32_0 = arith.constant 0 : i32
    return %arg0, %c0_i32 : i32, i32
  }
  func.func @transform_2(%arg0: i32) -> (i32, i32) {
    %c0_i32 = arith.constant 0 : i32
    %c0_i32_0 = arith.constant 0 : i32
    %c0_i32_1 = arith.constant 0 : i32
    return %c0_i32, %c0_i32_0 : i32, i32
  }
  func.func @transform_3(%arg0: i32) -> (i32, i32) {
    %c0_i32 = arith.constant 0 : i32
    %c0_i32_0 = arith.constant 0 : i32
    %c0_i32_1 = arith.constant 0 : i32
    return %c0_i32, %c0_i32_0 : i32, i32
  }
  func.func @transform_4(%arg0: i32) -> (i32, i32) {
    %c0_i32 = arith.constant 0 : i32
    %c0_i32_0 = arith.constant 0 : i32
    %c0_i32_1 = arith.constant 0 : i32
    return %c0_i32, %c0_i32_0 : i32, i32
  }
  func.func @transform_5(%arg0: i32) -> (i32, i32) {
    %c0_i32 = arith.constant 0 : i32
    %c0_i32_0 = arith.constant 0 : i32
    %c0_i32_1 = arith.constant 0 : i32
    return %c0_i32, %c0_i32_0 : i32, i32
  }
  func.func @transform_6(%arg0: i32) -> (i32, i32) {
    %c0_i32 = arith.constant 0 : i32
    %c0_i32_0 = arith.constant 0 : i32
    return %arg0, %c0_i32 : i32, i32
  }
  func.func @transform_7(%arg0: i32) -> (i32, i32) {
    %c0_i32 = arith.constant 0 : i32
    %c0_i32_0 = arith.constant 0 : i32
    %c0_i32_1 = arith.constant 0 : i32
    return %c0_i32, %c0_i32_0 : i32, i32
  }
}

module attributes {stable_mosaic.version = 14 : i64} {
  func.func @kern(%arg0: i32, %arg1: memref<2x1264x128xf32, #tpu.memory_space<vmem>>, %arg2: memref<1264x128xf32, #tpu.memory_space<vmem>>, %arg3: memref<1264x1xf32, #tpu.memory_space<vmem>>, %arg4: memref<1x128xf32, #tpu.memory_space<vmem>>, %arg5: memref<1264x128xf32, #tpu.memory_space<vmem>>) attributes {dimension_semantics = [#tpu.dimension_semantics<arbitrary>], iteration_bounds = array<i64: 8>, scalar_prefetch = 0 : i64, scratch_operands = 0 : i64, tpu.core_type = #tpu.core_type<tc>, window_params = [{transform_indices = @transform_0, window_bounds = array<i64: 2, 1264, 128>}, {transform_indices = @transform_1, window_bounds = array<i64: 1264, 128>}, {transform_indices = @transform_2, window_bounds = array<i64: 1264, 1>}, {pipeline_mode = #tpu.pipeline_mode<synchronous>, transform_indices = @transform_3, window_bounds = array<i64: 1, 128>}, {transform_indices = @transform_4, window_bounds = array<i64: 1264, 128>}]} {
    %get3A = arith.constant 0 : index
    %get3A_0 = arith.constant 0 : index
    %get3A_1 = arith.constant 0 : index
    %get3A_2 = vector.load %arg1[%get3A, %get3A_0, %get3A_1] : memref<2x1264x128xf32, #tpu.memory_space<vmem>>, vector<2x1264x128xf32>
    %get3A_3 = arith.constant 0 : index
    %get3A_4 = arith.constant 0 : index
    %get3A_5 = vector.load %arg3[%get3A_3, %get3A_4] : memref<1264x1xf32, #tpu.memory_space<vmem>>, vector<1264x1xf32>
    %slice3A = vector.extract_strided_slice %get3A_2 {offsets = [0, 0, 0], sizes = [1, 1264, 128], strides = [1, 1, 1]} : vector<2x1264x128xf32> to vector<1x1264x128xf32>
    %squeeze3A = vector.shape_cast %slice3A : vector<1x1264x128xf32> to vector<1264x128xf32>
    %slice3A_6 = vector.extract_strided_slice %get3A_2 {offsets = [1, 0, 0], sizes = [1, 1264, 128], strides = [1, 1, 1]} : vector<2x1264x128xf32> to vector<1x1264x128xf32>
    %squeeze3A_7 = vector.shape_cast %slice3A_6 : vector<1x1264x128xf32> to vector<1264x128xf32>
    %add3A = arith.addf %squeeze3A, %squeeze3A_7 : vector<1264x128xf32>
    %get3A_8 = arith.constant 0 : index
    %get3A_9 = arith.constant 0 : index
    %get3A_10 = vector.load %arg2[%get3A_8, %get3A_9] : memref<1264x128xf32, #tpu.memory_space<vmem>>, vector<1264x128xf32>
    %add3A_11 = arith.addf %add3A, %get3A_10 : vector<1264x128xf32>
    %mul3A = vector.broadcast %get3A_5 : vector<1264x1xf32> to vector<1264x128xf32>
    %mul3A_12 = arith.mulf %mul3A, %add3A_11 : vector<1264x128xf32>
    %get3A_13 = arith.constant 0 : index
    %get3A_14 = arith.constant 0 : index
    %get3A_15 = vector.load %arg4[%get3A_13, %get3A_14] : memref<1x128xf32, #tpu.memory_space<vmem>>, vector<1x128xf32>
    %add3A_16 = vector.broadcast %get3A_15 : vector<1x128xf32> to vector<1264x128xf32>
    %add3A_17 = arith.addf %mul3A_12, %add3A_16 : vector<1264x128xf32>
    %mul3A_18 = arith.mulf %add3A_17, %add3A_17 : vector<1264x128xf32>
    %reduce_sum3A = arith.constant dense<0.000000e+00> : vector<1264xf32>
    %reduce_sum3A_19 = vector.multi_reduction <add>, %mul3A_18, %reduce_sum3A [1] : vector<1264x128xf32> to vector<1264xf32>
    %broadcast_in_dim3A = vector.shape_cast %reduce_sum3A_19 : vector<1264xf32> to vector<1264x1xf32>
    %sqrt3A = math.sqrt %broadcast_in_dim3A : vector<1264x1xf32>
    %max3A = arith.constant 9.99999996E-13 : f32
    %max3A_20 = vector.broadcast %max3A : f32 to vector<1264x1xf32>
    %max3A_21 = arith.maximumf %sqrt3A, %max3A_20 : vector<1264x1xf32>
    %div3A = vector.broadcast %max3A_21 : vector<1264x1xf32> to vector<1264x128xf32>
    %div3A_22 = arith.divf %add3A_17, %div3A : vector<1264x128xf32>
    %gt3A = arith.constant 0.000000e+00 : f32
    %gt3A_23 = vector.broadcast %gt3A : f32 to vector<1264x128xf32>
    %gt3A_24 = arith.cmpf ogt, %div3A_22, %gt3A_23 : vector<1264x128xf32>
    %exp3A = math.exp %div3A_22 : vector<1264x128xf32>
    %sub3A = arith.constant 1.000000e+00 : f32
    %sub3A_25 = vector.broadcast %sub3A : f32 to vector<1264x128xf32>
    %sub3A_26 = arith.subf %exp3A, %sub3A_25 : vector<1264x128xf32>
    %select_n3A = arith.select %gt3A_24, %div3A_22, %sub3A_26 : vector<1264x128xi1>, vector<1264x128xf32>
    %swap3A = arith.constant 0 : index
    %swap3A_27 = arith.constant 0 : index
    %swap3A_28 = vector.load %arg5[%swap3A, %swap3A_27] : memref<1264x128xf32, #tpu.memory_space<vmem>>, vector<1264x128xf32>
    tpu.vector_store %arg5[%swap3A, %swap3A_27], %select_n3A {strides = array<i32>} : memref<1264x128xf32, #tpu.memory_space<vmem>>, vector<1264x128xf32>,
    return
  }
  func.func @transform_0(%arg0: i32) -> (i32, i32, i32) {
    %c0_i32 = arith.constant 0 : i32
    %c0_i32_0 = arith.constant 0 : i32
    %c0_i32_1 = arith.constant 0 : i32
    return %c0_i32, %arg0, %c0_i32_0 : i32, i32, i32
  }
  func.func @transform_1(%arg0: i32) -> (i32, i32) {
    %c0_i32 = arith.constant 0 : i32
    %c0_i32_0 = arith.constant 0 : i32
    return %arg0, %c0_i32 : i32, i32
  }
  func.func @transform_2(%arg0: i32) -> (i32, i32) {
    %c0_i32 = arith.constant 0 : i32
    %c0_i32_0 = arith.constant 0 : i32
    return %arg0, %c0_i32 : i32, i32
  }
  func.func @transform_3(%arg0: i32) -> (i32, i32) {
    %c0_i32 = arith.constant 0 : i32
    %c0_i32_0 = arith.constant 0 : i32
    %c0_i32_1 = arith.constant 0 : i32
    return %c0_i32, %c0_i32_0 : i32, i32
  }
  func.func @transform_4(%arg0: i32) -> (i32, i32) {
    %c0_i32 = arith.constant 0 : i32
    %c0_i32_0 = arith.constant 0 : i32
    return %arg0, %c0_i32 : i32, i32
  }
}

module attributes {stable_mosaic.version = 14 : i64} {
  func.func @kern(%arg0: i32, %arg1: memref<1264x128xf32, #tpu.memory_space<vmem>>, %arg2: memref<1264x1xf32, #tpu.memory_space<vmem>>, %arg3: memref<128x128xf32, #tpu.memory_space<vmem>>, %arg4: memref<64x128xf32, #tpu.memory_space<vmem>>, %arg5: memref<2x256xi32, #tpu.memory_space<vmem>>, %arg6: memref<1x128xf32, #tpu.memory_space<vmem>>, %arg7: memref<1264x128xf32, #tpu.memory_space<vmem>>, %arg8: memref<64x128xf32, #tpu.memory_space<vmem>>) attributes {dimension_semantics = [#tpu.dimension_semantics<arbitrary>], iteration_bounds = array<i64: 8>, scalar_prefetch = 0 : i64, scratch_operands = 0 : i64, tpu.core_type = #tpu.core_type<tc>, window_params = [{transform_indices = @transform_0, window_bounds = array<i64: 1264, 128>}, {transform_indices = @transform_1, window_bounds = array<i64: 1264, 1>}, {pipeline_mode = #tpu.pipeline_mode<synchronous>, transform_indices = @transform_2, window_bounds = array<i64: 128, 128>}, {pipeline_mode = #tpu.pipeline_mode<synchronous>, transform_indices = @transform_3, window_bounds = array<i64: 64, 128>}, {pipeline_mode = #tpu.pipeline_mode<synchronous>, transform_indices = @transform_4, window_bounds = array<i64: 2, 256>}, {pipeline_mode = #tpu.pipeline_mode<synchronous>, transform_indices = @transform_5, window_bounds = array<i64: 1, 128>}, {transform_indices = @transform_6, window_bounds = array<i64: 1264, 128>}, {pipeline_mode = #tpu.pipeline_mode<synchronous>, transform_indices = @transform_7, window_bounds = array<i64: 64, 128>}]} {
    %get3A = arith.constant 0 : index
    %get3A_0 = arith.constant 0 : index
    %get3A_1 = vector.load %arg2[%get3A, %get3A_0] : memref<1264x1xf32, #tpu.memory_space<vmem>>, vector<1264x1xf32>
    %get3A_2 = arith.constant 0 : index
    %get3A_3 = arith.constant 0 : index
    %get3A_4 = vector.load %arg1[%get3A_2, %get3A_3] : memref<1264x128xf32, #tpu.memory_space<vmem>>, vector<1264x128xf32>
    %get3A_5 = arith.constant 0 : index
    %get3A_6 = arith.constant 0 : index
    %get3A_7 = vector.load %arg3[%get3A_5, %get3A_6] : memref<128x128xf32, #tpu.memory_space<vmem>>, vector<128x128xf32>
    %dot_general3A = arith.constant dense<0.000000e+00> : vector<1264x128xf32>
    %dot_general3A_8 = tpu.matmul %get3A_4, %get3A_7, %dot_general3A {dimension_numbers = #tpu.dot_dimension_numbers<[1], [0], [0], [1], [0, 0, 1, 1], [], []>, transpose_lhs_hint = false} : vector<1264x128xf32>, vector<128x128xf32>, vector<1264x128xf32> -> vector<1264x128xf32>
    %mul3A = vector.broadcast %get3A_1 : vector<1264x1xf32> to vector<1264x128xf32>
    %mul3A_9 = arith.mulf %mul3A, %dot_general3A_8 : vector<1264x128xf32>
    %swap3A = arith.constant 0 : index
    %swap3A_10 = arith.constant 0 : index
    %swap3A_11 = vector.load %arg7[%swap3A, %swap3A_10] : memref<1264x128xf32, #tpu.memory_space<vmem>>, vector<1264x128xf32>
    tpu.vector_store %arg7[%swap3A, %swap3A_10], %mul3A_9 {strides = array<i32>} : memref<1264x128xf32, #tpu.memory_space<vmem>>, vector<1264x128xf32>,
    %eq3A = arith.constant 0 : i32
    %eq3A_12 = arith.cmpi eq, %arg0, %eq3A : i32
    %convert_element_type3A = arith.extui %eq3A_12 : i1 to i32
    %cond3A = arith.constant 0 : i32
    %cond3A_13 = arith.cmpi ne, %convert_element_type3A, %cond3A : i32
    scf.if %cond3A_13 {
      %get3A_14 = arith.constant 0 : index
      %get3A_15 = arith.constant 0 : index
      %get3A_16 = vector.load %arg5[%get3A_14, %get3A_15] : memref<2x256xi32, #tpu.memory_space<vmem>>, vector<1x256xi32>
      %get3A_17 = arith.constant 1 : index
      %get3A_18 = arith.constant 0 : index
      %get3A_19 = vector.load %arg5[%get3A_17, %get3A_18] : memref<2x256xi32, #tpu.memory_space<vmem>>, vector<1x256xi32>
      %iota3A = tpu.iota {dimensions = array<i32: 0>} : vector<64x256xi32>
      %eq3A_20 = vector.broadcast %get3A_16 : vector<1x256xi32> to vector<64x256xi32>
      %eq3A_21 = arith.cmpi eq, %iota3A, %eq3A_20 : vector<64x256xi32>
      %convert_element_type3A_22 = arith.extui %eq3A_21 : vector<64x256xi1> to vector<64x256xi32>
      %convert_element_type3A_23 = arith.sitofp %convert_element_type3A_22 : vector<64x256xi32> to vector<64x256xf32>
      %eq3A_24 = vector.broadcast %get3A_19 : vector<1x256xi32> to vector<64x256xi32>
      %eq3A_25 = arith.cmpi eq, %iota3A, %eq3A_24 : vector<64x256xi32>
      %convert_element_type3A_26 = arith.extui %eq3A_25 : vector<64x256xi1> to vector<64x256xi32>
      %convert_element_type3A_27 = arith.sitofp %convert_element_type3A_26 : vector<64x256xi32> to vector<64x256xf32>
      %dot_general3A_28 = arith.constant dense<0.000000e+00> : vector<64x64xf32>
      %dot_general3A_29 = tpu.matmul %convert_element_type3A_27, %convert_element_type3A_23, %dot_general3A_28 {dimension_numbers = #tpu.dot_dimension_numbers<[1], [1], [0], [0], [0, 0, 1, 0], [], []>, precision = #tpu.contract_precision<fp32>, transpose_lhs_hint = false} : vector<64x256xf32>, vector<64x256xf32>, vector<64x64xf32> -> vector<64x64xf32>
      %reduce_sum3A = arith.constant dense<0.000000e+00> : vector<64xf32>
      %reduce_sum3A_30 = vector.multi_reduction <add>, %dot_general3A_29, %reduce_sum3A [1] : vector<64x64xf32> to vector<64xf32>
      %broadcast_in_dim3A = vector.shape_cast %reduce_sum3A_30 : vector<64xf32> to vector<64x1xf32>
      %add3A = arith.constant 1.000000e+00 : f32
      %add3A_31 = vector.broadcast %add3A : f32 to vector<64x1xf32>
      %add3A_32 = arith.addf %broadcast_in_dim3A, %add3A_31 : vector<64x1xf32>
      %rsqrt3A = math.rsqrt %add3A_32 : vector<64x1xf32>
      %iota3A_33 = tpu.iota {dimensions = array<i32: 0>} : vector<64x64xi32>
      %iota3A_34 = tpu.iota {dimensions = array<i32: 1>} : vector<64x64xi32>
      %eq3A_35 = arith.cmpi eq, %iota3A_33, %iota3A_34 : vector<64x64xi32>
      %convert_element_type3A_36 = arith.extui %eq3A_35 : vector<64x64xi1> to vector<64x64xi32>
      %convert_element_type3A_37 = arith.sitofp %convert_element_type3A_36 : vector<64x64xi32> to vector<64x64xf32>
      %get3A_38 = arith.constant 0 : index
      %get3A_39 = arith.constant 0 : index
      %get3A_40 = vector.load %arg4[%get3A_38, %get3A_39] : memref<64x128xf32, #tpu.memory_space<vmem>>, vector<64x128xf32>
      %get3A_41 = arith.constant 0 : index
      %get3A_42 = arith.constant 0 : index
      %get3A_43 = vector.load %arg3[%get3A_41, %get3A_42] : memref<128x128xf32, #tpu.memory_space<vmem>>, vector<128x128xf32>
      %dot_general3A_44 = arith.constant dense<0.000000e+00> : vector<64x128xf32>
      %dot_general3A_45 = tpu.matmul %get3A_40, %get3A_43, %dot_general3A_44 {dimension_numbers = #tpu.dot_dimension_numbers<[1], [0], [0], [1], [0, 0, 1, 1], [], []>, transpose_lhs_hint = false} : vector<64x128xf32>, vector<128x128xf32>, vector<64x128xf32> -> vector<64x128xf32>
      %add3A_46 = arith.addf %dot_general3A_29, %convert_element_type3A_37 : vector<64x64xf32>
      %mul3A_47 = vector.broadcast %rsqrt3A : vector<64x1xf32> to vector<64x128xf32>
      %mul3A_48 = arith.mulf %mul3A_47, %dot_general3A_45 : vector<64x128xf32>
      %dot_general3A_49 = arith.constant dense<0.000000e+00> : vector<64x128xf32>
      %dot_general3A_50 = tpu.matmul %add3A_46, %mul3A_48, %dot_general3A_49 {dimension_numbers = #tpu.dot_dimension_numbers<[1], [0], [0], [1], [0, 0, 1, 1], [], []>, precision = #tpu.contract_precision<fp32>, transpose_lhs_hint = false} : vector<64x64xf32>, vector<64x128xf32>, vector<64x128xf32> -> vector<64x128xf32>
      %mul3A_51 = vector.broadcast %rsqrt3A : vector<64x1xf32> to vector<64x128xf32>
      %mul3A_52 = arith.mulf %mul3A_51, %dot_general3A_50 : vector<64x128xf32>
      %get3A_53 = arith.constant 0 : index
      %get3A_54 = arith.constant 0 : index
      %get3A_55 = vector.load %arg6[%get3A_53, %get3A_54] : memref<1x128xf32, #tpu.memory_space<vmem>>, vector<1x128xf32>
      %add3A_56 = vector.broadcast %get3A_55 : vector<1x128xf32> to vector<64x128xf32>
      %add3A_57 = arith.addf %mul3A_52, %add3A_56 : vector<64x128xf32>
      %mul3A_58 = arith.mulf %add3A_57, %add3A_57 : vector<64x128xf32>
      %reduce_sum3A_59 = arith.constant dense<0.000000e+00> : vector<64xf32>
      %reduce_sum3A_60 = vector.multi_reduction <add>, %mul3A_58, %reduce_sum3A_59 [1] : vector<64x128xf32> to vector<64xf32>
      %broadcast_in_dim3A_61 = vector.shape_cast %reduce_sum3A_60 : vector<64xf32> to vector<64x1xf32>
      %sqrt3A = math.sqrt %broadcast_in_dim3A_61 : vector<64x1xf32>
      %max3A = arith.constant 9.99999996E-13 : f32
      %max3A_62 = vector.broadcast %max3A : f32 to vector<64x1xf32>
      %max3A_63 = arith.maximumf %sqrt3A, %max3A_62 : vector<64x1xf32>
      %div3A = vector.broadcast %max3A_63 : vector<64x1xf32> to vector<64x128xf32>
      %div3A_64 = arith.divf %add3A_57, %div3A : vector<64x128xf32>
      %swap3A_65 = arith.constant 0 : index
      %swap3A_66 = arith.constant 0 : index
      %swap3A_67 = vector.load %arg8[%swap3A_65, %swap3A_66] : memref<64x128xf32, #tpu.memory_space<vmem>>, vector<64x128xf32>
      tpu.vector_store %arg8[%swap3A_65, %swap3A_66], %div3A_64 {strides = array<i32>} : memref<64x128xf32, #tpu.memory_space<vmem>>, vector<64x128xf32>,
    } else {
    }
    return
  }
  func.func @transform_0(%arg0: i32) -> (i32, i32) {
    %c0_i32 = arith.constant 0 : i32
    %c0_i32_0 = arith.constant 0 : i32
    return %arg0, %c0_i32 : i32, i32
  }
  func.func @transform_1(%arg0: i32) -> (i32, i32) {
    %c0_i32 = arith.constant 0 : i32
    %c0_i32_0 = arith.constant 0 : i32
    return %arg0, %c0_i32 : i32, i32
  }
  func.func @transform_2(%arg0: i32) -> (i32, i32) {
    %c0_i32 = arith.constant 0 : i32
    %c0_i32_0 = arith.constant 0 : i32
    %c0_i32_1 = arith.constant 0 : i32
    return %c0_i32, %c0_i32_0 : i32, i32
  }
  func.func @transform_3(%arg0: i32) -> (i32, i32) {
    %c0_i32 = arith.constant 0 : i32
    %c0_i32_0 = arith.constant 0 : i32
    %c0_i32_1 = arith.constant 0 : i32
    return %c0_i32, %c0_i32_0 : i32, i32
  }
  func.func @transform_4(%arg0: i32) -> (i32, i32) {
    %c0_i32 = arith.constant 0 : i32
    %c0_i32_0 = arith.constant 0 : i32
    %c0_i32_1 = arith.constant 0 : i32
    return %c0_i32, %c0_i32_0 : i32, i32
  }
  func.func @transform_5(%arg0: i32) -> (i32, i32) {
    %c0_i32 = arith.constant 0 : i32
    %c0_i32_0 = arith.constant 0 : i32
    %c0_i32_1 = arith.constant 0 : i32
    return %c0_i32, %c0_i32_0 : i32, i32
  }
  func.func @transform_6(%arg0: i32) -> (i32, i32) {
    %c0_i32 = arith.constant 0 : i32
    %c0_i32_0 = arith.constant 0 : i32
    return %arg0, %c0_i32 : i32, i32
  }
  func.func @transform_7(%arg0: i32) -> (i32, i32) {
    %c0_i32 = arith.constant 0 : i32
    %c0_i32_0 = arith.constant 0 : i32
    %c0_i32_1 = arith.constant 0 : i32
    return %c0_i32, %c0_i32_0 : i32, i32
  }
}

module attributes {stable_mosaic.version = 14 : i64} {
  func.func @kern(%arg0: i32, %arg1: memref<2x1264x128xf32, #tpu.memory_space<vmem>>, %arg2: memref<1264x128xf32, #tpu.memory_space<vmem>>, %arg3: memref<1264x1xf32, #tpu.memory_space<vmem>>, %arg4: memref<1x128xf32, #tpu.memory_space<vmem>>, %arg5: memref<1264x128xf32, #tpu.memory_space<vmem>>) attributes {dimension_semantics = [#tpu.dimension_semantics<arbitrary>], iteration_bounds = array<i64: 8>, scalar_prefetch = 0 : i64, scratch_operands = 0 : i64, tpu.core_type = #tpu.core_type<tc>, window_params = [{transform_indices = @transform_0, window_bounds = array<i64: 2, 1264, 128>}, {transform_indices = @transform_1, window_bounds = array<i64: 1264, 128>}, {transform_indices = @transform_2, window_bounds = array<i64: 1264, 1>}, {pipeline_mode = #tpu.pipeline_mode<synchronous>, transform_indices = @transform_3, window_bounds = array<i64: 1, 128>}, {transform_indices = @transform_4, window_bounds = array<i64: 1264, 128>}]} {
    %get3A = arith.constant 0 : index
    %get3A_0 = arith.constant 0 : index
    %get3A_1 = arith.constant 0 : index
    %get3A_2 = vector.load %arg1[%get3A, %get3A_0, %get3A_1] : memref<2x1264x128xf32, #tpu.memory_space<vmem>>, vector<2x1264x128xf32>
    %get3A_3 = arith.constant 0 : index
    %get3A_4 = arith.constant 0 : index
    %get3A_5 = vector.load %arg3[%get3A_3, %get3A_4] : memref<1264x1xf32, #tpu.memory_space<vmem>>, vector<1264x1xf32>
    %slice3A = vector.extract_strided_slice %get3A_2 {offsets = [0, 0, 0], sizes = [1, 1264, 128], strides = [1, 1, 1]} : vector<2x1264x128xf32> to vector<1x1264x128xf32>
    %squeeze3A = vector.shape_cast %slice3A : vector<1x1264x128xf32> to vector<1264x128xf32>
    %slice3A_6 = vector.extract_strided_slice %get3A_2 {offsets = [1, 0, 0], sizes = [1, 1264, 128], strides = [1, 1, 1]} : vector<2x1264x128xf32> to vector<1x1264x128xf32>
    %squeeze3A_7 = vector.shape_cast %slice3A_6 : vector<1x1264x128xf32> to vector<1264x128xf32>
    %add3A = arith.addf %squeeze3A, %squeeze3A_7 : vector<1264x128xf32>
    %get3A_8 = arith.constant 0 : index
    %get3A_9 = arith.constant 0 : index
    %get3A_10 = vector.load %arg2[%get3A_8, %get3A_9] : memref<1264x128xf32, #tpu.memory_space<vmem>>, vector<1264x128xf32>
    %add3A_11 = arith.addf %add3A, %get3A_10 : vector<1264x128xf32>
    %mul3A = vector.broadcast %get3A_5 : vector<1264x1xf32> to vector<1264x128xf32>
    %mul3A_12 = arith.mulf %mul3A, %add3A_11 : vector<1264x128xf32>
    %get3A_13 = arith.constant 0 : index
    %get3A_14 = arith.constant 0 : index
    %get3A_15 = vector.load %arg4[%get3A_13, %get3A_14] : memref<1x128xf32, #tpu.memory_space<vmem>>, vector<1x128xf32>
    %add3A_16 = vector.broadcast %get3A_15 : vector<1x128xf32> to vector<1264x128xf32>
    %add3A_17 = arith.addf %mul3A_12, %add3A_16 : vector<1264x128xf32>
    %mul3A_18 = arith.mulf %add3A_17, %add3A_17 : vector<1264x128xf32>
    %reduce_sum3A = arith.constant dense<0.000000e+00> : vector<1264xf32>
    %reduce_sum3A_19 = vector.multi_reduction <add>, %mul3A_18, %reduce_sum3A [1] : vector<1264x128xf32> to vector<1264xf32>
    %broadcast_in_dim3A = vector.shape_cast %reduce_sum3A_19 : vector<1264xf32> to vector<1264x1xf32>
    %sqrt3A = math.sqrt %broadcast_in_dim3A : vector<1264x1xf32>
    %max3A = arith.constant 9.99999996E-13 : f32
    %max3A_20 = vector.broadcast %max3A : f32 to vector<1264x1xf32>
    %max3A_21 = arith.maximumf %sqrt3A, %max3A_20 : vector<1264x1xf32>
    %div3A = vector.broadcast %max3A_21 : vector<1264x1xf32> to vector<1264x128xf32>
    %div3A_22 = arith.divf %add3A_17, %div3A : vector<1264x128xf32>
    %swap3A = arith.constant 0 : index
    %swap3A_23 = arith.constant 0 : index
    %swap3A_24 = vector.load %arg5[%swap3A, %swap3A_23] : memref<1264x128xf32, #tpu.memory_space<vmem>>, vector<1264x128xf32>
    tpu.vector_store %arg5[%swap3A, %swap3A_23], %div3A_22 {strides = array<i32>} : memref<1264x128xf32, #tpu.memory_space<vmem>>, vector<1264x128xf32>,
    return
  }
  func.func @transform_0(%arg0: i32) -> (i32, i32, i32) {
    %c0_i32 = arith.constant 0 : i32
    %c0_i32_0 = arith.constant 0 : i32
    %c0_i32_1 = arith.constant 0 : i32
    return %c0_i32, %arg0, %c0_i32_0 : i32, i32, i32
  }
  func.func @transform_1(%arg0: i32) -> (i32, i32) {
    %c0_i32 = arith.constant 0 : i32
    %c0_i32_0 = arith.constant 0 : i32
    return %arg0, %c0_i32 : i32, i32
  }
  func.func @transform_2(%arg0: i32) -> (i32, i32) {
    %c0_i32 = arith.constant 0 : i32
    %c0_i32_0 = arith.constant 0 : i32
    return %arg0, %c0_i32 : i32, i32
  }
  func.func @transform_3(%arg0: i32) -> (i32, i32) {
    %c0_i32 = arith.constant 0 : i32
    %c0_i32_0 = arith.constant 0 : i32
    %c0_i32_1 = arith.constant 0 : i32
    return %c0_i32, %c0_i32_0 : i32, i32
  }
  func.func @transform_4(%arg0: i32) -> (i32, i32) {
    %c0_i32 = arith.constant 0 : i32
    %c0_i32_0 = arith.constant 0 : i32
    return %arg0, %c0_i32 : i32, i32
  }
}

module attributes {stable_mosaic.version = 14 : i64} {
  func.func @kern(%arg0: memref<3x128xf32, #tpu.memory_space<vmem>>, %arg1: memref<3x512x128xf32, #tpu.memory_space<vmem>>, %arg2: memref<3x16x128x128xf32, #tpu.memory_space<vmem>>, %arg3: memref<3x16xf32, #tpu.memory_space<vmem>>, %arg4: memref<48x24xf32, #tpu.memory_space<vmem>>, %arg5: memref<1x24xf32, #tpu.memory_space<vmem>>, %arg6: memref<24x12xf32, #tpu.memory_space<vmem>>, %arg7: memref<1x12xf32, #tpu.memory_space<vmem>>, %arg8: memref<12x1xf32, #tpu.memory_space<vmem>>, %arg9: memref<1x1xf32, #tpu.memory_space<vmem>>, %arg10: memref<512x1xf32, #tpu.memory_space<vmem>>) attributes {dimension_semantics = [], scalar_prefetch = 0 : i64, scratch_operands = 0 : i64, tpu.core_type = #tpu.core_type<tc>} {
    %get3A = arith.constant 0 : index
    %get3A_0 = arith.constant 0 : index
    %get3A_1 = vector.load %arg0[%get3A, %get3A_0] : memref<3x128xf32, #tpu.memory_space<vmem>>, vector<1x128xf32>
    %get3A_2 = arith.constant 0 : index
    %get3A_3 = arith.constant 0 : index
    %get3A_4 = arith.constant 0 : index
    %get3A_5 = arith.constant 0 : index
    %get3A_6 = vector.load %arg2[%get3A_2, %get3A_3, %get3A_4, %get3A_5] : memref<3x16x128x128xf32, #tpu.memory_space<vmem>>, vector<1x1x128x128xf32>
    %get3A_7 = vector.shape_cast %get3A_6 : vector<1x1x128x128xf32> to vector<128x128xf32>
    %dot_general3A = arith.constant dense<0.000000e+00> : vector<1x128xf32>
    %dot_general3A_8 = tpu.matmul %get3A_1, %get3A_7, %dot_general3A {dimension_numbers = #tpu.dot_dimension_numbers<[1], [0], [0], [1], [0, 0, 1, 1], [], []>, precision = #tpu.contract_precision<fp32>, transpose_lhs_hint = false} : vector<1x128xf32>, vector<128x128xf32>, vector<1x128xf32> -> vector<1x128xf32>
    %get3A_9 = arith.constant 0 : index
    %get3A_10 = arith.constant 1 : index
    %get3A_11 = arith.constant 0 : index
    %get3A_12 = arith.constant 0 : index
    %get3A_13 = vector.load %arg2[%get3A_9, %get3A_10, %get3A_11, %get3A_12] : memref<3x16x128x128xf32, #tpu.memory_space<vmem>>, vector<1x1x128x128xf32>
    %get3A_14 = vector.shape_cast %get3A_13 : vector<1x1x128x128xf32> to vector<128x128xf32>
    %dot_general3A_15 = arith.constant dense<0.000000e+00> : vector<1x128xf32>
    %dot_general3A_16 = tpu.matmul %get3A_1, %get3A_14, %dot_general3A_15 {dimension_numbers = #tpu.dot_dimension_numbers<[1], [0], [0], [1], [0, 0, 1, 1], [], []>, precision = #tpu.contract_precision<fp32>, transpose_lhs_hint = false} : vector<1x128xf32>, vector<128x128xf32>, vector<1x128xf32> -> vector<1x128xf32>
    %get3A_17 = arith.constant 0 : index
    %get3A_18 = arith.constant 2 : index
    %get3A_19 = arith.constant 0 : index
    %get3A_20 = arith.constant 0 : index
    %get3A_21 = vector.load %arg2[%get3A_17, %get3A_18, %get3A_19, %get3A_20] : memref<3x16x128x128xf32, #tpu.memory_space<vmem>>, vector<1x1x128x128xf32>
    %get3A_22 = vector.shape_cast %get3A_21 : vector<1x1x128x128xf32> to vector<128x128xf32>
    %dot_general3A_23 = arith.constant dense<0.000000e+00> : vector<1x128xf32>
    %dot_general3A_24 = tpu.matmul %get3A_1, %get3A_22, %dot_general3A_23 {dimension_numbers = #tpu.dot_dimension_numbers<[1], [0], [0], [1], [0, 0, 1, 1], [], []>, precision = #tpu.contract_precision<fp32>, transpose_lhs_hint = false} : vector<1x128xf32>, vector<128x128xf32>, vector<1x128xf32> -> vector<1x128xf32>
    %get3A_25 = arith.constant 0 : index
    %get3A_26 = arith.constant 3 : index
    %get3A_27 = arith.constant 0 : index
    %get3A_28 = arith.constant 0 : index
    %get3A_29 = vector.load %arg2[%get3A_25, %get3A_26, %get3A_27, %get3A_28] : memref<3x16x128x128xf32, #tpu.memory_space<vmem>>, vector<1x1x128x128xf32>
    %get3A_30 = vector.shape_cast %get3A_29 : vector<1x1x128x128xf32> to vector<128x128xf32>
    %dot_general3A_31 = arith.constant dense<0.000000e+00> : vector<1x128xf32>
    %dot_general3A_32 = tpu.matmul %get3A_1, %get3A_30, %dot_general3A_31 {dimension_numbers = #tpu.dot_dimension_numbers<[1], [0], [0], [1], [0, 0, 1, 1], [], []>, precision = #tpu.contract_precision<fp32>, transpose_lhs_hint = false} : vector<1x128xf32>, vector<128x128xf32>, vector<1x128xf32> -> vector<1x128xf32>
    %get3A_33 = arith.constant 0 : index
    %get3A_34 = arith.constant 4 : index
    %get3A_35 = arith.constant 0 : index
    %get3A_36 = arith.constant 0 : index
    %get3A_37 = vector.load %arg2[%get3A_33, %get3A_34, %get3A_35, %get3A_36] : memref<3x16x128x128xf32, #tpu.memory_space<vmem>>, vector<1x1x128x128xf32>
    %get3A_38 = vector.shape_cast %get3A_37 : vector<1x1x128x128xf32> to vector<128x128xf32>
    %dot_general3A_39 = arith.constant dense<0.000000e+00> : vector<1x128xf32>
    %dot_general3A_40 = tpu.matmul %get3A_1, %get3A_38, %dot_general3A_39 {dimension_numbers = #tpu.dot_dimension_numbers<[1], [0], [0], [1], [0, 0, 1, 1], [], []>, precision = #tpu.contract_precision<fp32>, transpose_lhs_hint = false} : vector<1x128xf32>, vector<128x128xf32>, vector<1x128xf32> -> vector<1x128xf32>
    %get3A_41 = arith.constant 0 : index
    %get3A_42 = arith.constant 5 : index
    %get3A_43 = arith.constant 0 : index
    %get3A_44 = arith.constant 0 : index
    %get3A_45 = vector.load %arg2[%get3A_41, %get3A_42, %get3A_43, %get3A_44] : memref<3x16x128x128xf32, #tpu.memory_space<vmem>>, vector<1x1x128x128xf32>
    %get3A_46 = vector.shape_cast %get3A_45 : vector<1x1x128x128xf32> to vector<128x128xf32>
    %dot_general3A_47 = arith.constant dense<0.000000e+00> : vector<1x128xf32>
    %dot_general3A_48 = tpu.matmul %get3A_1, %get3A_46, %dot_general3A_47 {dimension_numbers = #tpu.dot_dimension_numbers<[1], [0], [0], [1], [0, 0, 1, 1], [], []>, precision = #tpu.contract_precision<fp32>, transpose_lhs_hint = false} : vector<1x128xf32>, vector<128x128xf32>, vector<1x128xf32> -> vector<1x128xf32>
    %get3A_49 = arith.constant 0 : index
    %get3A_50 = arith.constant 6 : index
    %get3A_51 = arith.constant 0 : index
    %get3A_52 = arith.constant 0 : index
    %get3A_53 = vector.load %arg2[%get3A_49, %get3A_50, %get3A_51, %get3A_52] : memref<3x16x128x128xf32, #tpu.memory_space<vmem>>, vector<1x1x128x128xf32>
    %get3A_54 = vector.shape_cast %get3A_53 : vector<1x1x128x128xf32> to vector<128x128xf32>
    %dot_general3A_55 = arith.constant dense<0.000000e+00> : vector<1x128xf32>
    %dot_general3A_56 = tpu.matmul %get3A_1, %get3A_54, %dot_general3A_55 {dimension_numbers = #tpu.dot_dimension_numbers<[1], [0], [0], [1], [0, 0, 1, 1], [], []>, precision = #tpu.contract_precision<fp32>, transpose_lhs_hint = false} : vector<1x128xf32>, vector<128x128xf32>, vector<1x128xf32> -> vector<1x128xf32>
    %get3A_57 = arith.constant 0 : index
    %get3A_58 = arith.constant 7 : index
    %get3A_59 = arith.constant 0 : index
    %get3A_60 = arith.constant 0 : index
    %get3A_61 = vector.load %arg2[%get3A_57, %get3A_58, %get3A_59, %get3A_60] : memref<3x16x128x128xf32, #tpu.memory_space<vmem>>, vector<1x1x128x128xf32>
    %get3A_62 = vector.shape_cast %get3A_61 : vector<1x1x128x128xf32> to vector<128x128xf32>
    %dot_general3A_63 = arith.constant dense<0.000000e+00> : vector<1x128xf32>
    %dot_general3A_64 = tpu.matmul %get3A_1, %get3A_62, %dot_general3A_63 {dimension_numbers = #tpu.dot_dimension_numbers<[1], [0], [0], [1], [0, 0, 1, 1], [], []>, precision = #tpu.contract_precision<fp32>, transpose_lhs_hint = false} : vector<1x128xf32>, vector<128x128xf32>, vector<1x128xf32> -> vector<1x128xf32>
    %get3A_65 = arith.constant 0 : index
    %get3A_66 = arith.constant 8 : index
    %get3A_67 = arith.constant 0 : index
    %get3A_68 = arith.constant 0 : index
    %get3A_69 = vector.load %arg2[%get3A_65, %get3A_66, %get3A_67, %get3A_68] : memref<3x16x128x128xf32, #tpu.memory_space<vmem>>, vector<1x1x128x128xf32>
    %get3A_70 = vector.shape_cast %get3A_69 : vector<1x1x128x128xf32> to vector<128x128xf32>
    %dot_general3A_71 = arith.constant dense<0.000000e+00> : vector<1x128xf32>
    %dot_general3A_72 = tpu.matmul %get3A_1, %get3A_70, %dot_general3A_71 {dimension_numbers = #tpu.dot_dimension_numbers<[1], [0], [0], [1], [0, 0, 1, 1], [], []>, precision = #tpu.contract_precision<fp32>, transpose_lhs_hint = false} : vector<1x128xf32>, vector<128x128xf32>, vector<1x128xf32> -> vector<1x128xf32>
    %get3A_73 = arith.constant 0 : index
    %get3A_74 = arith.constant 9 : index
    %get3A_75 = arith.constant 0 : index
    %get3A_76 = arith.constant 0 : index
    %get3A_77 = vector.load %arg2[%get3A_73, %get3A_74, %get3A_75, %get3A_76] : memref<3x16x128x128xf32, #tpu.memory_space<vmem>>, vector<1x1x128x128xf32>
    %get3A_78 = vector.shape_cast %get3A_77 : vector<1x1x128x128xf32> to vector<128x128xf32>
    %dot_general3A_79 = arith.constant dense<0.000000e+00> : vector<1x128xf32>
    %dot_general3A_80 = tpu.matmul %get3A_1, %get3A_78, %dot_general3A_79 {dimension_numbers = #tpu.dot_dimension_numbers<[1], [0], [0], [1], [0, 0, 1, 1], [], []>, precision = #tpu.contract_precision<fp32>, transpose_lhs_hint = false} : vector<1x128xf32>, vector<128x128xf32>, vector<1x128xf32> -> vector<1x128xf32>
    %get3A_81 = arith.constant 0 : index
    %get3A_82 = arith.constant 10 : index
    %get3A_83 = arith.constant 0 : index
    %get3A_84 = arith.constant 0 : index
    %get3A_85 = vector.load %arg2[%get3A_81, %get3A_82, %get3A_83, %get3A_84] : memref<3x16x128x128xf32, #tpu.memory_space<vmem>>, vector<1x1x128x128xf32>
    %get3A_86 = vector.shape_cast %get3A_85 : vector<1x1x128x128xf32> to vector<128x128xf32>
    %dot_general3A_87 = arith.constant dense<0.000000e+00> : vector<1x128xf32>
    %dot_general3A_88 = tpu.matmul %get3A_1, %get3A_86, %dot_general3A_87 {dimension_numbers = #tpu.dot_dimension_numbers<[1], [0], [0], [1], [0, 0, 1, 1], [], []>, precision = #tpu.contract_precision<fp32>, transpose_lhs_hint = false} : vector<1x128xf32>, vector<128x128xf32>, vector<1x128xf32> -> vector<1x128xf32>
    %get3A_89 = arith.constant 0 : index
    %get3A_90 = arith.constant 11 : index
    %get3A_91 = arith.constant 0 : index
    %get3A_92 = arith.constant 0 : index
    %get3A_93 = vector.load %arg2[%get3A_89, %get3A_90, %get3A_91, %get3A_92] : memref<3x16x128x128xf32, #tpu.memory_space<vmem>>, vector<1x1x128x128xf32>
    %get3A_94 = vector.shape_cast %get3A_93 : vector<1x1x128x128xf32> to vector<128x128xf32>
    %dot_general3A_95 = arith.constant dense<0.000000e+00> : vector<1x128xf32>
    %dot_general3A_96 = tpu.matmul %get3A_1, %get3A_94, %dot_general3A_95 {dimension_numbers = #tpu.dot_dimension_numbers<[1], [0], [0], [1], [0, 0, 1, 1], [], []>, precision = #tpu.contract_precision<fp32>, transpose_lhs_hint = false} : vector<1x128xf32>, vector<128x128xf32>, vector<1x128xf32> -> vector<1x128xf32>
    %get3A_97 = arith.constant 0 : index
    %get3A_98 = arith.constant 12 : index
    %get3A_99 = arith.constant 0 : index
    %get3A_100 = arith.constant 0 : index
    %get3A_101 = vector.load %arg2[%get3A_97, %get3A_98, %get3A_99, %get3A_100] : memref<3x16x128x128xf32, #tpu.memory_space<vmem>>, vector<1x1x128x128xf32>
    %get3A_102 = vector.shape_cast %get3A_101 : vector<1x1x128x128xf32> to vector<128x128xf32>
    %dot_general3A_103 = arith.constant dense<0.000000e+00> : vector<1x128xf32>
    %dot_general3A_104 = tpu.matmul %get3A_1, %get3A_102, %dot_general3A_103 {dimension_numbers = #tpu.dot_dimension_numbers<[1], [0], [0], [1], [0, 0, 1, 1], [], []>, precision = #tpu.contract_precision<fp32>, transpose_lhs_hint = false} : vector<1x128xf32>, vector<128x128xf32>, vector<1x128xf32> -> vector<1x128xf32>
    %get3A_105 = arith.constant 0 : index
    %get3A_106 = arith.constant 13 : index
    %get3A_107 = arith.constant 0 : index
    %get3A_108 = arith.constant 0 : index
    %get3A_109 = vector.load %arg2[%get3A_105, %get3A_106, %get3A_107, %get3A_108] : memref<3x16x128x128xf32, #tpu.memory_space<vmem>>, vector<1x1x128x128xf32>
    %get3A_110 = vector.shape_cast %get3A_109 : vector<1x1x128x128xf32> to vector<128x128xf32>
    %dot_general3A_111 = arith.constant dense<0.000000e+00> : vector<1x128xf32>
    %dot_general3A_112 = tpu.matmul %get3A_1, %get3A_110, %dot_general3A_111 {dimension_numbers = #tpu.dot_dimension_numbers<[1], [0], [0], [1], [0, 0, 1, 1], [], []>, precision = #tpu.contract_precision<fp32>, transpose_lhs_hint = false} : vector<1x128xf32>, vector<128x128xf32>, vector<1x128xf32> -> vector<1x128xf32>
    %get3A_113 = arith.constant 0 : index
    %get3A_114 = arith.constant 14 : index
    %get3A_115 = arith.constant 0 : index
    %get3A_116 = arith.constant 0 : index
    %get3A_117 = vector.load %arg2[%get3A_113, %get3A_114, %get3A_115, %get3A_116] : memref<3x16x128x128xf32, #tpu.memory_space<vmem>>, vector<1x1x128x128xf32>
    %get3A_118 = vector.shape_cast %get3A_117 : vector<1x1x128x128xf32> to vector<128x128xf32>
    %dot_general3A_119 = arith.constant dense<0.000000e+00> : vector<1x128xf32>
    %dot_general3A_120 = tpu.matmul %get3A_1, %get3A_118, %dot_general3A_119 {dimension_numbers = #tpu.dot_dimension_numbers<[1], [0], [0], [1], [0, 0, 1, 1], [], []>, precision = #tpu.contract_precision<fp32>, transpose_lhs_hint = false} : vector<1x128xf32>, vector<128x128xf32>, vector<1x128xf32> -> vector<1x128xf32>
    %get3A_121 = arith.constant 0 : index
    %get3A_122 = arith.constant 15 : index
    %get3A_123 = arith.constant 0 : index
    %get3A_124 = arith.constant 0 : index
    %get3A_125 = vector.load %arg2[%get3A_121, %get3A_122, %get3A_123, %get3A_124] : memref<3x16x128x128xf32, #tpu.memory_space<vmem>>, vector<1x1x128x128xf32>
    %get3A_126 = vector.shape_cast %get3A_125 : vector<1x1x128x128xf32> to vector<128x128xf32>
    %dot_general3A_127 = arith.constant dense<0.000000e+00> : vector<1x128xf32>
    %dot_general3A_128 = tpu.matmul %get3A_1, %get3A_126, %dot_general3A_127 {dimension_numbers = #tpu.dot_dimension_numbers<[1], [0], [0], [1], [0, 0, 1, 1], [], []>, precision = #tpu.contract_precision<fp32>, transpose_lhs_hint = false} : vector<1x128xf32>, vector<128x128xf32>, vector<1x128xf32> -> vector<1x128xf32>
    %concatenate3A = tpu.concatenate %dot_general3A_8, %dot_general3A_16, %dot_general3A_24, %dot_general3A_32, %dot_general3A_40, %dot_general3A_48, %dot_general3A_56, %dot_general3A_64, %dot_general3A_72, %dot_general3A_80, %dot_general3A_88, %dot_general3A_96, %dot_general3A_104, %dot_general3A_112, %dot_general3A_120, %dot_general3A_128 in 0 : vector<1x128xf32>, vector<1x128xf32>, vector<1x128xf32>, vector<1x128xf32>, vector<1x128xf32>, vector<1x128xf32>, vector<1x128xf32>, vector<1x128xf32>, vector<1x128xf32>, vector<1x128xf32>, vector<1x128xf32>, vector<1x128xf32>, vector<1x128xf32>, vector<1x128xf32>, vector<1x128xf32>, vector<1x128xf32> -> vector<16x128xf32>
    %get3A_129 = arith.constant 0 : index
    %get3A_130 = arith.constant 0 : index
    %get3A_131 = arith.constant 0 : index
    %get3A_132 = vector.load %arg1[%get3A_129, %get3A_130, %get3A_131] : memref<3x512x128xf32, #tpu.memory_space<vmem>>, vector<1x512x128xf32>
    %get3A_133 = vector.shape_cast %get3A_132 : vector<1x512x128xf32> to vector<512x128xf32>
    %dot_general3A_134 = arith.constant dense<0.000000e+00> : vector<512x16xf32>
    %dot_general3A_135 = tpu.matmul %get3A_133, %concatenate3A, %dot_general3A_134 {dimension_numbers = #tpu.dot_dimension_numbers<[1], [1], [0], [0], [0, 0, 1, 0], [], []>, precision = #tpu.contract_precision<fp32>, transpose_lhs_hint = false} : vector<512x128xf32>, vector<16x128xf32>, vector<512x16xf32> -> vector<512x16xf32>
    %get3A_136 = arith.constant 0 : index
    %get3A_137 = arith.constant 0 : index
    %get3A_138 = vector.load %arg3[%get3A_136, %get3A_137] : memref<3x16xf32, #tpu.memory_space<vmem>>, vector<1x16xf32>
    %add3A = vector.broadcast %get3A_138 : vector<1x16xf32> to vector<512x16xf32>
    %add3A_139 = arith.addf %dot_general3A_135, %add3A : vector<512x16xf32>
    %get3A_140 = arith.constant 1 : index
    %get3A_141 = arith.constant 0 : index
    %get3A_142 = vector.load %arg0[%get3A_140, %get3A_141] : memref<3x128xf32, #tpu.memory_space<vmem>>, vector<1x128xf32>
    %get3A_143 = arith.constant 1 : index
    %get3A_144 = arith.constant 0 : index
    %get3A_145 = arith.constant 0 : index
    %get3A_146 = arith.constant 0 : index
    %get3A_147 = vector.load %arg2[%get3A_143, %get3A_144, %get3A_145, %get3A_146] : memref<3x16x128x128xf32, #tpu.memory_space<vmem>>, vector<1x1x128x128xf32>
    %get3A_148 = vector.shape_cast %get3A_147 : vector<1x1x128x128xf32> to vector<128x128xf32>
    %dot_general3A_149 = arith.constant dense<0.000000e+00> : vector<1x128xf32>
    %dot_general3A_150 = tpu.matmul %get3A_142, %get3A_148, %dot_general3A_149 {dimension_numbers = #tpu.dot_dimension_numbers<[1], [0], [0], [1], [0, 0, 1, 1], [], []>, precision = #tpu.contract_precision<fp32>, transpose_lhs_hint = false} : vector<1x128xf32>, vector<128x128xf32>, vector<1x128xf32> -> vector<1x128xf32>
    %get3A_151 = arith.constant 1 : index
    %get3A_152 = arith.constant 1 : index
    %get3A_153 = arith.constant 0 : index
    %get3A_154 = arith.constant 0 : index
    %get3A_155 = vector.load %arg2[%get3A_151, %get3A_152, %get3A_153, %get3A_154] : memref<3x16x128x128xf32, #tpu.memory_space<vmem>>, vector<1x1x128x128xf32>
    %get3A_156 = vector.shape_cast %get3A_155 : vector<1x1x128x128xf32> to vector<128x128xf32>
    %dot_general3A_157 = arith.constant dense<0.000000e+00> : vector<1x128xf32>
    %dot_general3A_158 = tpu.matmul %get3A_142, %get3A_156, %dot_general3A_157 {dimension_numbers = #tpu.dot_dimension_numbers<[1], [0], [0], [1], [0, 0, 1, 1], [], []>, precision = #tpu.contract_precision<fp32>, transpose_lhs_hint = false} : vector<1x128xf32>, vector<128x128xf32>, vector<1x128xf32> -> vector<1x128xf32>
    %get3A_159 = arith.constant 1 : index
    %get3A_160 = arith.constant 2 : index
    %get3A_161 = arith.constant 0 : index
    %get3A_162 = arith.constant 0 : index
    %get3A_163 = vector.load %arg2[%get3A_159, %get3A_160, %get3A_161, %get3A_162] : memref<3x16x128x128xf32, #tpu.memory_space<vmem>>, vector<1x1x128x128xf32>
    %get3A_164 = vector.shape_cast %get3A_163 : vector<1x1x128x128xf32> to vector<128x128xf32>
    %dot_general3A_165 = arith.constant dense<0.000000e+00> : vector<1x128xf32>
    %dot_general3A_166 = tpu.matmul %get3A_142, %get3A_164, %dot_general3A_165 {dimension_numbers = #tpu.dot_dimension_numbers<[1], [0], [0], [1], [0, 0, 1, 1], [], []>, precision = #tpu.contract_precision<fp32>, transpose_lhs_hint = false} : vector<1x128xf32>, vector<128x128xf32>, vector<1x128xf32> -> vector<1x128xf32>
    %get3A_167 = arith.constant 1 : index
    %get3A_168 = arith.constant 3 : index
    %get3A_169 = arith.constant 0 : index
    %get3A_170 = arith.constant 0 : index
    %get3A_171 = vector.load %arg2[%get3A_167, %get3A_168, %get3A_169, %get3A_170] : memref<3x16x128x128xf32, #tpu.memory_space<vmem>>, vector<1x1x128x128xf32>
    %get3A_172 = vector.shape_cast %get3A_171 : vector<1x1x128x128xf32> to vector<128x128xf32>
    %dot_general3A_173 = arith.constant dense<0.000000e+00> : vector<1x128xf32>
    %dot_general3A_174 = tpu.matmul %get3A_142, %get3A_172, %dot_general3A_173 {dimension_numbers = #tpu.dot_dimension_numbers<[1], [0], [0], [1], [0, 0, 1, 1], [], []>, precision = #tpu.contract_precision<fp32>, transpose_lhs_hint = false} : vector<1x128xf32>, vector<128x128xf32>, vector<1x128xf32> -> vector<1x128xf32>
    %get3A_175 = arith.constant 1 : index
    %get3A_176 = arith.constant 4 : index
    %get3A_177 = arith.constant 0 : index
    %get3A_178 = arith.constant 0 : index
    %get3A_179 = vector.load %arg2[%get3A_175, %get3A_176, %get3A_177, %get3A_178] : memref<3x16x128x128xf32, #tpu.memory_space<vmem>>, vector<1x1x128x128xf32>
    %get3A_180 = vector.shape_cast %get3A_179 : vector<1x1x128x128xf32> to vector<128x128xf32>
    %dot_general3A_181 = arith.constant dense<0.000000e+00> : vector<1x128xf32>
    %dot_general3A_182 = tpu.matmul %get3A_142, %get3A_180, %dot_general3A_181 {dimension_numbers = #tpu.dot_dimension_numbers<[1], [0], [0], [1], [0, 0, 1, 1], [], []>, precision = #tpu.contract_precision<fp32>, transpose_lhs_hint = false} : vector<1x128xf32>, vector<128x128xf32>, vector<1x128xf32> -> vector<1x128xf32>
    %get3A_183 = arith.constant 1 : index
    %get3A_184 = arith.constant 5 : index
    %get3A_185 = arith.constant 0 : index
    %get3A_186 = arith.constant 0 : index
    %get3A_187 = vector.load %arg2[%get3A_183, %get3A_184, %get3A_185, %get3A_186] : memref<3x16x128x128xf32, #tpu.memory_space<vmem>>, vector<1x1x128x128xf32>
    %get3A_188 = vector.shape_cast %get3A_187 : vector<1x1x128x128xf32> to vector<128x128xf32>
    %dot_general3A_189 = arith.constant dense<0.000000e+00> : vector<1x128xf32>
    %dot_general3A_190 = tpu.matmul %get3A_142, %get3A_188, %dot_general3A_189 {dimension_numbers = #tpu.dot_dimension_numbers<[1], [0], [0], [1], [0, 0, 1, 1], [], []>, precision = #tpu.contract_precision<fp32>, transpose_lhs_hint = false} : vector<1x128xf32>, vector<128x128xf32>, vector<1x128xf32> -> vector<1x128xf32>
    %get3A_191 = arith.constant 1 : index
    %get3A_192 = arith.constant 6 : index
    %get3A_193 = arith.constant 0 : index
    %get3A_194 = arith.constant 0 : index
    %get3A_195 = vector.load %arg2[%get3A_191, %get3A_192, %get3A_193, %get3A_194] : memref<3x16x128x128xf32, #tpu.memory_space<vmem>>, vector<1x1x128x128xf32>
    %get3A_196 = vector.shape_cast %get3A_195 : vector<1x1x128x128xf32> to vector<128x128xf32>
    %dot_general3A_197 = arith.constant dense<0.000000e+00> : vector<1x128xf32>
    %dot_general3A_198 = tpu.matmul %get3A_142, %get3A_196, %dot_general3A_197 {dimension_numbers = #tpu.dot_dimension_numbers<[1], [0], [0], [1], [0, 0, 1, 1], [], []>, precision = #tpu.contract_precision<fp32>, transpose_lhs_hint = false} : vector<1x128xf32>, vector<128x128xf32>, vector<1x128xf32> -> vector<1x128xf32>
    %get3A_199 = arith.constant 1 : index
    %get3A_200 = arith.constant 7 : index
    %get3A_201 = arith.constant 0 : index
    %get3A_202 = arith.constant 0 : index
    %get3A_203 = vector.load %arg2[%get3A_199, %get3A_200, %get3A_201, %get3A_202] : memref<3x16x128x128xf32, #tpu.memory_space<vmem>>, vector<1x1x128x128xf32>
    %get3A_204 = vector.shape_cast %get3A_203 : vector<1x1x128x128xf32> to vector<128x128xf32>
    %dot_general3A_205 = arith.constant dense<0.000000e+00> : vector<1x128xf32>
    %dot_general3A_206 = tpu.matmul %get3A_142, %get3A_204, %dot_general3A_205 {dimension_numbers = #tpu.dot_dimension_numbers<[1], [0], [0], [1], [0, 0, 1, 1], [], []>, precision = #tpu.contract_precision<fp32>, transpose_lhs_hint = false} : vector<1x128xf32>, vector<128x128xf32>, vector<1x128xf32> -> vector<1x128xf32>
    %get3A_207 = arith.constant 1 : index
    %get3A_208 = arith.constant 8 : index
    %get3A_209 = arith.constant 0 : index
    %get3A_210 = arith.constant 0 : index
    %get3A_211 = vector.load %arg2[%get3A_207, %get3A_208, %get3A_209, %get3A_210] : memref<3x16x128x128xf32, #tpu.memory_space<vmem>>, vector<1x1x128x128xf32>
    %get3A_212 = vector.shape_cast %get3A_211 : vector<1x1x128x128xf32> to vector<128x128xf32>
    %dot_general3A_213 = arith.constant dense<0.000000e+00> : vector<1x128xf32>
    %dot_general3A_214 = tpu.matmul %get3A_142, %get3A_212, %dot_general3A_213 {dimension_numbers = #tpu.dot_dimension_numbers<[1], [0], [0], [1], [0, 0, 1, 1], [], []>, precision = #tpu.contract_precision<fp32>, transpose_lhs_hint = false} : vector<1x128xf32>, vector<128x128xf32>, vector<1x128xf32> -> vector<1x128xf32>
    %get3A_215 = arith.constant 1 : index
    %get3A_216 = arith.constant 9 : index
    %get3A_217 = arith.constant 0 : index
    %get3A_218 = arith.constant 0 : index
    %get3A_219 = vector.load %arg2[%get3A_215, %get3A_216, %get3A_217, %get3A_218] : memref<3x16x128x128xf32, #tpu.memory_space<vmem>>, vector<1x1x128x128xf32>
    %get3A_220 = vector.shape_cast %get3A_219 : vector<1x1x128x128xf32> to vector<128x128xf32>
    %dot_general3A_221 = arith.constant dense<0.000000e+00> : vector<1x128xf32>
    %dot_general3A_222 = tpu.matmul %get3A_142, %get3A_220, %dot_general3A_221 {dimension_numbers = #tpu.dot_dimension_numbers<[1], [0], [0], [1], [0, 0, 1, 1], [], []>, precision = #tpu.contract_precision<fp32>, transpose_lhs_hint = false} : vector<1x128xf32>, vector<128x128xf32>, vector<1x128xf32> -> vector<1x128xf32>
    %get3A_223 = arith.constant 1 : index
    %get3A_224 = arith.constant 10 : index
    %get3A_225 = arith.constant 0 : index
    %get3A_226 = arith.constant 0 : index
    %get3A_227 = vector.load %arg2[%get3A_223, %get3A_224, %get3A_225, %get3A_226] : memref<3x16x128x128xf32, #tpu.memory_space<vmem>>, vector<1x1x128x128xf32>
    %get3A_228 = vector.shape_cast %get3A_227 : vector<1x1x128x128xf32> to vector<128x128xf32>
    %dot_general3A_229 = arith.constant dense<0.000000e+00> : vector<1x128xf32>
    %dot_general3A_230 = tpu.matmul %get3A_142, %get3A_228, %dot_general3A_229 {dimension_numbers = #tpu.dot_dimension_numbers<[1], [0], [0], [1], [0, 0, 1, 1], [], []>, precision = #tpu.contract_precision<fp32>, transpose_lhs_hint = false} : vector<1x128xf32>, vector<128x128xf32>, vector<1x128xf32> -> vector<1x128xf32>
    %get3A_231 = arith.constant 1 : index
    %get3A_232 = arith.constant 11 : index
    %get3A_233 = arith.constant 0 : index
    %get3A_234 = arith.constant 0 : index
    %get3A_235 = vector.load %arg2[%get3A_231, %get3A_232, %get3A_233, %get3A_234] : memref<3x16x128x128xf32, #tpu.memory_space<vmem>>, vector<1x1x128x128xf32>
    %get3A_236 = vector.shape_cast %get3A_235 : vector<1x1x128x128xf32> to vector<128x128xf32>
    %dot_general3A_237 = arith.constant dense<0.000000e+00> : vector<1x128xf32>
    %dot_general3A_238 = tpu.matmul %get3A_142, %get3A_236, %dot_general3A_237 {dimension_numbers = #tpu.dot_dimension_numbers<[1], [0], [0], [1], [0, 0, 1, 1], [], []>, precision = #tpu.contract_precision<fp32>, transpose_lhs_hint = false} : vector<1x128xf32>, vector<128x128xf32>, vector<1x128xf32> -> vector<1x128xf32>
    %get3A_239 = arith.constant 1 : index
    %get3A_240 = arith.constant 12 : index
    %get3A_241 = arith.constant 0 : index
    %get3A_242 = arith.constant 0 : index
    %get3A_243 = vector.load %arg2[%get3A_239, %get3A_240, %get3A_241, %get3A_242] : memref<3x16x128x128xf32, #tpu.memory_space<vmem>>, vector<1x1x128x128xf32>
    %get3A_244 = vector.shape_cast %get3A_243 : vector<1x1x128x128xf32> to vector<128x128xf32>
    %dot_general3A_245 = arith.constant dense<0.000000e+00> : vector<1x128xf32>
    %dot_general3A_246 = tpu.matmul %get3A_142, %get3A_244, %dot_general3A_245 {dimension_numbers = #tpu.dot_dimension_numbers<[1], [0], [0], [1], [0, 0, 1, 1], [], []>, precision = #tpu.contract_precision<fp32>, transpose_lhs_hint = false} : vector<1x128xf32>, vector<128x128xf32>, vector<1x128xf32> -> vector<1x128xf32>
    %get3A_247 = arith.constant 1 : index
    %get3A_248 = arith.constant 13 : index
    %get3A_249 = arith.constant 0 : index
    %get3A_250 = arith.constant 0 : index
    %get3A_251 = vector.load %arg2[%get3A_247, %get3A_248, %get3A_249, %get3A_250] : memref<3x16x128x128xf32, #tpu.memory_space<vmem>>, vector<1x1x128x128xf32>
    %get3A_252 = vector.shape_cast %get3A_251 : vector<1x1x128x128xf32> to vector<128x128xf32>
    %dot_general3A_253 = arith.constant dense<0.000000e+00> : vector<1x128xf32>
    %dot_general3A_254 = tpu.matmul %get3A_142, %get3A_252, %dot_general3A_253 {dimension_numbers = #tpu.dot_dimension_numbers<[1], [0], [0], [1], [0, 0, 1, 1], [], []>, precision = #tpu.contract_precision<fp32>, transpose_lhs_hint = false} : vector<1x128xf32>, vector<128x128xf32>, vector<1x128xf32> -> vector<1x128xf32>
    %get3A_255 = arith.constant 1 : index
    %get3A_256 = arith.constant 14 : index
    %get3A_257 = arith.constant 0 : index
    %get3A_258 = arith.constant 0 : index
    %get3A_259 = vector.load %arg2[%get3A_255, %get3A_256, %get3A_257, %get3A_258] : memref<3x16x128x128xf32, #tpu.memory_space<vmem>>, vector<1x1x128x128xf32>
    %get3A_260 = vector.shape_cast %get3A_259 : vector<1x1x128x128xf32> to vector<128x128xf32>
    %dot_general3A_261 = arith.constant dense<0.000000e+00> : vector<1x128xf32>
    %dot_general3A_262 = tpu.matmul %get3A_142, %get3A_260, %dot_general3A_261 {dimension_numbers = #tpu.dot_dimension_numbers<[1], [0], [0], [1], [0, 0, 1, 1], [], []>, precision = #tpu.contract_precision<fp32>, transpose_lhs_hint = false} : vector<1x128xf32>, vector<128x128xf32>, vector<1x128xf32> -> vector<1x128xf32>
    %get3A_263 = arith.constant 1 : index
    %get3A_264 = arith.constant 15 : index
    %get3A_265 = arith.constant 0 : index
    %get3A_266 = arith.constant 0 : index
    %get3A_267 = vector.load %arg2[%get3A_263, %get3A_264, %get3A_265, %get3A_266] : memref<3x16x128x128xf32, #tpu.memory_space<vmem>>, vector<1x1x128x128xf32>
    %get3A_268 = vector.shape_cast %get3A_267 : vector<1x1x128x128xf32> to vector<128x128xf32>
    %dot_general3A_269 = arith.constant dense<0.000000e+00> : vector<1x128xf32>
    %dot_general3A_270 = tpu.matmul %get3A_142, %get3A_268, %dot_general3A_269 {dimension_numbers = #tpu.dot_dimension_numbers<[1], [0], [0], [1], [0, 0, 1, 1], [], []>, precision = #tpu.contract_precision<fp32>, transpose_lhs_hint = false} : vector<1x128xf32>, vector<128x128xf32>, vector<1x128xf32> -> vector<1x128xf32>
    %concatenate3A_271 = tpu.concatenate %dot_general3A_150, %dot_general3A_158, %dot_general3A_166, %dot_general3A_174, %dot_general3A_182, %dot_general3A_190, %dot_general3A_198, %dot_general3A_206, %dot_general3A_214, %dot_general3A_222, %dot_general3A_230, %dot_general3A_238, %dot_general3A_246, %dot_general3A_254, %dot_general3A_262, %dot_general3A_270 in 0 : vector<1x128xf32>, vector<1x128xf32>, vector<1x128xf32>, vector<1x128xf32>, vector<1x128xf32>, vector<1x128xf32>, vector<1x128xf32>, vector<1x128xf32>, vector<1x128xf32>, vector<1x128xf32>, vector<1x128xf32>, vector<1x128xf32>, vector<1x128xf32>, vector<1x128xf32>, vector<1x128xf32>, vector<1x128xf32> -> vector<16x128xf32>
    %get3A_272 = arith.constant 1 : index
    %get3A_273 = arith.constant 0 : index
    %get3A_274 = arith.constant 0 : index
    %get3A_275 = vector.load %arg1[%get3A_272, %get3A_273, %get3A_274] : memref<3x512x128xf32, #tpu.memory_space<vmem>>, vector<1x512x128xf32>
    %get3A_276 = vector.shape_cast %get3A_275 : vector<1x512x128xf32> to vector<512x128xf32>
    %dot_general3A_277 = arith.constant dense<0.000000e+00> : vector<512x16xf32>
    %dot_general3A_278 = tpu.matmul %get3A_276, %concatenate3A_271, %dot_general3A_277 {dimension_numbers = #tpu.dot_dimension_numbers<[1], [1], [0], [0], [0, 0, 1, 0], [], []>, precision = #tpu.contract_precision<fp32>, transpose_lhs_hint = false} : vector<512x128xf32>, vector<16x128xf32>, vector<512x16xf32> -> vector<512x16xf32>
    %get3A_279 = arith.constant 1 : index
    %get3A_280 = arith.constant 0 : index
    %get3A_281 = vector.load %arg3[%get3A_279, %get3A_280] : memref<3x16xf32, #tpu.memory_space<vmem>>, vector<1x16xf32>
    %add3A_282 = vector.broadcast %get3A_281 : vector<1x16xf32> to vector<512x16xf32>
    %add3A_283 = arith.addf %dot_general3A_278, %add3A_282 : vector<512x16xf32>
    %get3A_284 = arith.constant 2 : index
    %get3A_285 = arith.constant 0 : index
    %get3A_286 = vector.load %arg0[%get3A_284, %get3A_285] : memref<3x128xf32, #tpu.memory_space<vmem>>, vector<1x128xf32>
    %get3A_287 = arith.constant 2 : index
    %get3A_288 = arith.constant 0 : index
    %get3A_289 = arith.constant 0 : index
    %get3A_290 = arith.constant 0 : index
    %get3A_291 = vector.load %arg2[%get3A_287, %get3A_288, %get3A_289, %get3A_290] : memref<3x16x128x128xf32, #tpu.memory_space<vmem>>, vector<1x1x128x128xf32>
    %get3A_292 = vector.shape_cast %get3A_291 : vector<1x1x128x128xf32> to vector<128x128xf32>
    %dot_general3A_293 = arith.constant dense<0.000000e+00> : vector<1x128xf32>
    %dot_general3A_294 = tpu.matmul %get3A_286, %get3A_292, %dot_general3A_293 {dimension_numbers = #tpu.dot_dimension_numbers<[1], [0], [0], [1], [0, 0, 1, 1], [], []>, precision = #tpu.contract_precision<fp32>, transpose_lhs_hint = false} : vector<1x128xf32>, vector<128x128xf32>, vector<1x128xf32> -> vector<1x128xf32>
    %get3A_295 = arith.constant 2 : index
    %get3A_296 = arith.constant 1 : index
    %get3A_297 = arith.constant 0 : index
    %get3A_298 = arith.constant 0 : index
    %get3A_299 = vector.load %arg2[%get3A_295, %get3A_296, %get3A_297, %get3A_298] : memref<3x16x128x128xf32, #tpu.memory_space<vmem>>, vector<1x1x128x128xf32>
    %get3A_300 = vector.shape_cast %get3A_299 : vector<1x1x128x128xf32> to vector<128x128xf32>
    %dot_general3A_301 = arith.constant dense<0.000000e+00> : vector<1x128xf32>
    %dot_general3A_302 = tpu.matmul %get3A_286, %get3A_300, %dot_general3A_301 {dimension_numbers = #tpu.dot_dimension_numbers<[1], [0], [0], [1], [0, 0, 1, 1], [], []>, precision = #tpu.contract_precision<fp32>, transpose_lhs_hint = false} : vector<1x128xf32>, vector<128x128xf32>, vector<1x128xf32> -> vector<1x128xf32>
    %get3A_303 = arith.constant 2 : index
    %get3A_304 = arith.constant 2 : index
    %get3A_305 = arith.constant 0 : index
    %get3A_306 = arith.constant 0 : index
    %get3A_307 = vector.load %arg2[%get3A_303, %get3A_304, %get3A_305, %get3A_306] : memref<3x16x128x128xf32, #tpu.memory_space<vmem>>, vector<1x1x128x128xf32>
    %get3A_308 = vector.shape_cast %get3A_307 : vector<1x1x128x128xf32> to vector<128x128xf32>
    %dot_general3A_309 = arith.constant dense<0.000000e+00> : vector<1x128xf32>
    %dot_general3A_310 = tpu.matmul %get3A_286, %get3A_308, %dot_general3A_309 {dimension_numbers = #tpu.dot_dimension_numbers<[1], [0], [0], [1], [0, 0, 1, 1], [], []>, precision = #tpu.contract_precision<fp32>, transpose_lhs_hint = false} : vector<1x128xf32>, vector<128x128xf32>, vector<1x128xf32> -> vector<1x128xf32>
    %get3A_311 = arith.constant 2 : index
    %get3A_312 = arith.constant 3 : index
    %get3A_313 = arith.constant 0 : index
    %get3A_314 = arith.constant 0 : index
    %get3A_315 = vector.load %arg2[%get3A_311, %get3A_312, %get3A_313, %get3A_314] : memref<3x16x128x128xf32, #tpu.memory_space<vmem>>, vector<1x1x128x128xf32>
    %get3A_316 = vector.shape_cast %get3A_315 : vector<1x1x128x128xf32> to vector<128x128xf32>
    %dot_general3A_317 = arith.constant dense<0.000000e+00> : vector<1x128xf32>
    %dot_general3A_318 = tpu.matmul %get3A_286, %get3A_316, %dot_general3A_317 {dimension_numbers = #tpu.dot_dimension_numbers<[1], [0], [0], [1], [0, 0, 1, 1], [], []>, precision = #tpu.contract_precision<fp32>, transpose_lhs_hint = false} : vector<1x128xf32>, vector<128x128xf32>, vector<1x128xf32> -> vector<1x128xf32>
    %get3A_319 = arith.constant 2 : index
    %get3A_320 = arith.constant 4 : index
    %get3A_321 = arith.constant 0 : index
    %get3A_322 = arith.constant 0 : index
    %get3A_323 = vector.load %arg2[%get3A_319, %get3A_320, %get3A_321, %get3A_322] : memref<3x16x128x128xf32, #tpu.memory_space<vmem>>, vector<1x1x128x128xf32>
    %get3A_324 = vector.shape_cast %get3A_323 : vector<1x1x128x128xf32> to vector<128x128xf32>
    %dot_general3A_325 = arith.constant dense<0.000000e+00> : vector<1x128xf32>
    %dot_general3A_326 = tpu.matmul %get3A_286, %get3A_324, %dot_general3A_325 {dimension_numbers = #tpu.dot_dimension_numbers<[1], [0], [0], [1], [0, 0, 1, 1], [], []>, precision = #tpu.contract_precision<fp32>, transpose_lhs_hint = false} : vector<1x128xf32>, vector<128x128xf32>, vector<1x128xf32> -> vector<1x128xf32>
    %get3A_327 = arith.constant 2 : index
    %get3A_328 = arith.constant 5 : index
    %get3A_329 = arith.constant 0 : index
    %get3A_330 = arith.constant 0 : index
    %get3A_331 = vector.load %arg2[%get3A_327, %get3A_328, %get3A_329, %get3A_330] : memref<3x16x128x128xf32, #tpu.memory_space<vmem>>, vector<1x1x128x128xf32>
    %get3A_332 = vector.shape_cast %get3A_331 : vector<1x1x128x128xf32> to vector<128x128xf32>
    %dot_general3A_333 = arith.constant dense<0.000000e+00> : vector<1x128xf32>
    %dot_general3A_334 = tpu.matmul %get3A_286, %get3A_332, %dot_general3A_333 {dimension_numbers = #tpu.dot_dimension_numbers<[1], [0], [0], [1], [0, 0, 1, 1], [], []>, precision = #tpu.contract_precision<fp32>, transpose_lhs_hint = false} : vector<1x128xf32>, vector<128x128xf32>, vector<1x128xf32> -> vector<1x128xf32>
    %get3A_335 = arith.constant 2 : index
    %get3A_336 = arith.constant 6 : index
    %get3A_337 = arith.constant 0 : index
    %get3A_338 = arith.constant 0 : index
    %get3A_339 = vector.load %arg2[%get3A_335, %get3A_336, %get3A_337, %get3A_338] : memref<3x16x128x128xf32, #tpu.memory_space<vmem>>, vector<1x1x128x128xf32>
    %get3A_340 = vector.shape_cast %get3A_339 : vector<1x1x128x128xf32> to vector<128x128xf32>
    %dot_general3A_341 = arith.constant dense<0.000000e+00> : vector<1x128xf32>
    %dot_general3A_342 = tpu.matmul %get3A_286, %get3A_340, %dot_general3A_341 {dimension_numbers = #tpu.dot_dimension_numbers<[1], [0], [0], [1], [0, 0, 1, 1], [], []>, precision = #tpu.contract_precision<fp32>, transpose_lhs_hint = false} : vector<1x128xf32>, vector<128x128xf32>, vector<1x128xf32> -> vector<1x128xf32>
    %get3A_343 = arith.constant 2 : index
    %get3A_344 = arith.constant 7 : index
    %get3A_345 = arith.constant 0 : index
    %get3A_346 = arith.constant 0 : index
    %get3A_347 = vector.load %arg2[%get3A_343, %get3A_344, %get3A_345, %get3A_346] : memref<3x16x128x128xf32, #tpu.memory_space<vmem>>, vector<1x1x128x128xf32>
    %get3A_348 = vector.shape_cast %get3A_347 : vector<1x1x128x128xf32> to vector<128x128xf32>
    %dot_general3A_349 = arith.constant dense<0.000000e+00> : vector<1x128xf32>
    %dot_general3A_350 = tpu.matmul %get3A_286, %get3A_348, %dot_general3A_349 {dimension_numbers = #tpu.dot_dimension_numbers<[1], [0], [0], [1], [0, 0, 1, 1], [], []>, precision = #tpu.contract_precision<fp32>, transpose_lhs_hint = false} : vector<1x128xf32>, vector<128x128xf32>, vector<1x128xf32> -> vector<1x128xf32>
    %get3A_351 = arith.constant 2 : index
    %get3A_352 = arith.constant 8 : index
    %get3A_353 = arith.constant 0 : index
    %get3A_354 = arith.constant 0 : index
    %get3A_355 = vector.load %arg2[%get3A_351, %get3A_352, %get3A_353, %get3A_354] : memref<3x16x128x128xf32, #tpu.memory_space<vmem>>, vector<1x1x128x128xf32>
    %get3A_356 = vector.shape_cast %get3A_355 : vector<1x1x128x128xf32> to vector<128x128xf32>
    %dot_general3A_357 = arith.constant dense<0.000000e+00> : vector<1x128xf32>
    %dot_general3A_358 = tpu.matmul %get3A_286, %get3A_356, %dot_general3A_357 {dimension_numbers = #tpu.dot_dimension_numbers<[1], [0], [0], [1], [0, 0, 1, 1], [], []>, precision = #tpu.contract_precision<fp32>, transpose_lhs_hint = false} : vector<1x128xf32>, vector<128x128xf32>, vector<1x128xf32> -> vector<1x128xf32>
    %get3A_359 = arith.constant 2 : index
    %get3A_360 = arith.constant 9 : index
    %get3A_361 = arith.constant 0 : index
    %get3A_362 = arith.constant 0 : index
    %get3A_363 = vector.load %arg2[%get3A_359, %get3A_360, %get3A_361, %get3A_362] : memref<3x16x128x128xf32, #tpu.memory_space<vmem>>, vector<1x1x128x128xf32>
    %get3A_364 = vector.shape_cast %get3A_363 : vector<1x1x128x128xf32> to vector<128x128xf32>
    %dot_general3A_365 = arith.constant dense<0.000000e+00> : vector<1x128xf32>
    %dot_general3A_366 = tpu.matmul %get3A_286, %get3A_364, %dot_general3A_365 {dimension_numbers = #tpu.dot_dimension_numbers<[1], [0], [0], [1], [0, 0, 1, 1], [], []>, precision = #tpu.contract_precision<fp32>, transpose_lhs_hint = false} : vector<1x128xf32>, vector<128x128xf32>, vector<1x128xf32> -> vector<1x128xf32>
    %get3A_367 = arith.constant 2 : index
    %get3A_368 = arith.constant 10 : index
    %get3A_369 = arith.constant 0 : index
    %get3A_370 = arith.constant 0 : index
    %get3A_371 = vector.load %arg2[%get3A_367, %get3A_368, %get3A_369, %get3A_370] : memref<3x16x128x128xf32, #tpu.memory_space<vmem>>, vector<1x1x128x128xf32>
    %get3A_372 = vector.shape_cast %get3A_371 : vector<1x1x128x128xf32> to vector<128x128xf32>
    %dot_general3A_373 = arith.constant dense<0.000000e+00> : vector<1x128xf32>
    %dot_general3A_374 = tpu.matmul %get3A_286, %get3A_372, %dot_general3A_373 {dimension_numbers = #tpu.dot_dimension_numbers<[1], [0], [0], [1], [0, 0, 1, 1], [], []>, precision = #tpu.contract_precision<fp32>, transpose_lhs_hint = false} : vector<1x128xf32>, vector<128x128xf32>, vector<1x128xf32> -> vector<1x128xf32>
    %get3A_375 = arith.constant 2 : index
    %get3A_376 = arith.constant 11 : index
    %get3A_377 = arith.constant 0 : index
    %get3A_378 = arith.constant 0 : index
    %get3A_379 = vector.load %arg2[%get3A_375, %get3A_376, %get3A_377, %get3A_378] : memref<3x16x128x128xf32, #tpu.memory_space<vmem>>, vector<1x1x128x128xf32>
    %get3A_380 = vector.shape_cast %get3A_379 : vector<1x1x128x128xf32> to vector<128x128xf32>
    %dot_general3A_381 = arith.constant dense<0.000000e+00> : vector<1x128xf32>
    %dot_general3A_382 = tpu.matmul %get3A_286, %get3A_380, %dot_general3A_381 {dimension_numbers = #tpu.dot_dimension_numbers<[1], [0], [0], [1], [0, 0, 1, 1], [], []>, precision = #tpu.contract_precision<fp32>, transpose_lhs_hint = false} : vector<1x128xf32>, vector<128x128xf32>, vector<1x128xf32> -> vector<1x128xf32>
    %get3A_383 = arith.constant 2 : index
    %get3A_384 = arith.constant 12 : index
    %get3A_385 = arith.constant 0 : index
    %get3A_386 = arith.constant 0 : index
    %get3A_387 = vector.load %arg2[%get3A_383, %get3A_384, %get3A_385, %get3A_386] : memref<3x16x128x128xf32, #tpu.memory_space<vmem>>, vector<1x1x128x128xf32>
    %get3A_388 = vector.shape_cast %get3A_387 : vector<1x1x128x128xf32> to vector<128x128xf32>
    %dot_general3A_389 = arith.constant dense<0.000000e+00> : vector<1x128xf32>
    %dot_general3A_390 = tpu.matmul %get3A_286, %get3A_388, %dot_general3A_389 {dimension_numbers = #tpu.dot_dimension_numbers<[1], [0], [0], [1], [0, 0, 1, 1], [], []>, precision = #tpu.contract_precision<fp32>, transpose_lhs_hint = false} : vector<1x128xf32>, vector<128x128xf32>, vector<1x128xf32> -> vector<1x128xf32>
    %get3A_391 = arith.constant 2 : index
    %get3A_392 = arith.constant 13 : index
    %get3A_393 = arith.constant 0 : index
    %get3A_394 = arith.constant 0 : index
    %get3A_395 = vector.load %arg2[%get3A_391, %get3A_392, %get3A_393, %get3A_394] : memref<3x16x128x128xf32, #tpu.memory_space<vmem>>, vector<1x1x128x128xf32>
    %get3A_396 = vector.shape_cast %get3A_395 : vector<1x1x128x128xf32> to vector<128x128xf32>
    %dot_general3A_397 = arith.constant dense<0.000000e+00> : vector<1x128xf32>
    %dot_general3A_398 = tpu.matmul %get3A_286, %get3A_396, %dot_general3A_397 {dimension_numbers = #tpu.dot_dimension_numbers<[1], [0], [0], [1], [0, 0, 1, 1], [], []>, precision = #tpu.contract_precision<fp32>, transpose_lhs_hint = false} : vector<1x128xf32>, vector<128x128xf32>, vector<1x128xf32> -> vector<1x128xf32>
    %get3A_399 = arith.constant 2 : index
    %get3A_400 = arith.constant 14 : index
    %get3A_401 = arith.constant 0 : index
    %get3A_402 = arith.constant 0 : index
    %get3A_403 = vector.load %arg2[%get3A_399, %get3A_400, %get3A_401, %get3A_402] : memref<3x16x128x128xf32, #tpu.memory_space<vmem>>, vector<1x1x128x128xf32>
    %get3A_404 = vector.shape_cast %get3A_403 : vector<1x1x128x128xf32> to vector<128x128xf32>
    %dot_general3A_405 = arith.constant dense<0.000000e+00> : vector<1x128xf32>
    %dot_general3A_406 = tpu.matmul %get3A_286, %get3A_404, %dot_general3A_405 {dimension_numbers = #tpu.dot_dimension_numbers<[1], [0], [0], [1], [0, 0, 1, 1], [], []>, precision = #tpu.contract_precision<fp32>, transpose_lhs_hint = false} : vector<1x128xf32>, vector<128x128xf32>, vector<1x128xf32> -> vector<1x128xf32>
    %get3A_407 = arith.constant 2 : index
    %get3A_408 = arith.constant 15 : index
    %get3A_409 = arith.constant 0 : index
    %get3A_410 = arith.constant 0 : index
    %get3A_411 = vector.load %arg2[%get3A_407, %get3A_408, %get3A_409, %get3A_410] : memref<3x16x128x128xf32, #tpu.memory_space<vmem>>, vector<1x1x128x128xf32>
    %get3A_412 = vector.shape_cast %get3A_411 : vector<1x1x128x128xf32> to vector<128x128xf32>
    %dot_general3A_413 = arith.constant dense<0.000000e+00> : vector<1x128xf32>
    %dot_general3A_414 = tpu.matmul %get3A_286, %get3A_412, %dot_general3A_413 {dimension_numbers = #tpu.dot_dimension_numbers<[1], [0], [0], [1], [0, 0, 1, 1], [], []>, precision = #tpu.contract_precision<fp32>, transpose_lhs_hint = false} : vector<1x128xf32>, vector<128x128xf32>, vector<1x128xf32> -> vector<1x128xf32>
    %concatenate3A_415 = tpu.concatenate %dot_general3A_294, %dot_general3A_302, %dot_general3A_310, %dot_general3A_318, %dot_general3A_326, %dot_general3A_334, %dot_general3A_342, %dot_general3A_350, %dot_general3A_358, %dot_general3A_366, %dot_general3A_374, %dot_general3A_382, %dot_general3A_390, %dot_general3A_398, %dot_general3A_406, %dot_general3A_414 in 0 : vector<1x128xf32>, vector<1x128xf32>, vector<1x128xf32>, vector<1x128xf32>, vector<1x128xf32>, vector<1x128xf32>, vector<1x128xf32>, vector<1x128xf32>, vector<1x128xf32>, vector<1x128xf32>, vector<1x128xf32>, vector<1x128xf32>, vector<1x128xf32>, vector<1x128xf32>, vector<1x128xf32>, vector<1x128xf32> -> vector<16x128xf32>
    %get3A_416 = arith.constant 2 : index
    %get3A_417 = arith.constant 0 : index
    %get3A_418 = arith.constant 0 : index
    %get3A_419 = vector.load %arg1[%get3A_416, %get3A_417, %get3A_418] : memref<3x512x128xf32, #tpu.memory_space<vmem>>, vector<1x512x128xf32>
    %get3A_420 = vector.shape_cast %get3A_419 : vector<1x512x128xf32> to vector<512x128xf32>
    %dot_general3A_421 = arith.constant dense<0.000000e+00> : vector<512x16xf32>
    %dot_general3A_422 = tpu.matmul %get3A_420, %concatenate3A_415, %dot_general3A_421 {dimension_numbers = #tpu.dot_dimension_numbers<[1], [1], [0], [0], [0, 0, 1, 0], [], []>, precision = #tpu.contract_precision<fp32>, transpose_lhs_hint = false} : vector<512x128xf32>, vector<16x128xf32>, vector<512x16xf32> -> vector<512x16xf32>
    %get3A_423 = arith.constant 2 : index
    %get3A_424 = arith.constant 0 : index
    %get3A_425 = vector.load %arg3[%get3A_423, %get3A_424] : memref<3x16xf32, #tpu.memory_space<vmem>>, vector<1x16xf32>
    %add3A_426 = vector.broadcast %get3A_425 : vector<1x16xf32> to vector<512x16xf32>
    %add3A_427 = arith.addf %dot_general3A_422, %add3A_426 : vector<512x16xf32>
    %concatenate3A_428 = tpu.concatenate %add3A_139, %add3A_283, %add3A_427 in 1 : vector<512x16xf32>, vector<512x16xf32>, vector<512x16xf32> -> vector<512x48xf32>
    %get3A_429 = arith.constant 0 : index
    %get3A_430 = arith.constant 0 : index
    %get3A_431 = vector.load %arg4[%get3A_429, %get3A_430] : memref<48x24xf32, #tpu.memory_space<vmem>>, vector<48x24xf32>
    %dot_general3A_432 = arith.constant dense<0.000000e+00> : vector<512x24xf32>
    %dot_general3A_433 = tpu.matmul %concatenate3A_428, %get3A_431, %dot_general3A_432 {dimension_numbers = #tpu.dot_dimension_numbers<[1], [0], [0], [1], [0, 0, 1, 1], [], []>, precision = #tpu.contract_precision<fp32>, transpose_lhs_hint = false} : vector<512x48xf32>, vector<48x24xf32>, vector<512x24xf32> -> vector<512x24xf32>
    %get3A_434 = arith.constant 0 : index
    %get3A_435 = arith.constant 0 : index
    %get3A_436 = vector.load %arg5[%get3A_434, %get3A_435] : memref<1x24xf32, #tpu.memory_space<vmem>>, vector<1x24xf32>
    %add3A_437 = vector.broadcast %get3A_436 : vector<1x24xf32> to vector<512x24xf32>
    %add3A_438 = arith.addf %dot_general3A_433, %add3A_437 : vector<512x24xf32>
    %max3A = arith.constant 0.000000e+00 : f32
    %max3A_439 = vector.broadcast %max3A : f32 to vector<512x24xf32>
    %max3A_440 = arith.maximumf %add3A_438, %max3A_439 : vector<512x24xf32>
    %get3A_441 = arith.constant 0 : index
    %get3A_442 = arith.constant 0 : index
    %get3A_443 = vector.load %arg6[%get3A_441, %get3A_442] : memref<24x12xf32, #tpu.memory_space<vmem>>, vector<24x12xf32>
    %dot_general3A_444 = arith.constant dense<0.000000e+00> : vector<512x12xf32>
    %dot_general3A_445 = tpu.matmul %max3A_440, %get3A_443, %dot_general3A_444 {dimension_numbers = #tpu.dot_dimension_numbers<[1], [0], [0], [1], [0, 0, 1, 1], [], []>, precision = #tpu.contract_precision<fp32>, transpose_lhs_hint = false} : vector<512x24xf32>, vector<24x12xf32>, vector<512x12xf32> -> vector<512x12xf32>
    %get3A_446 = arith.constant 0 : index
    %get3A_447 = arith.constant 0 : index
    %get3A_448 = vector.load %arg7[%get3A_446, %get3A_447] : memref<1x12xf32, #tpu.memory_space<vmem>>, vector<1x12xf32>
    %add3A_449 = vector.broadcast %get3A_448 : vector<1x12xf32> to vector<512x12xf32>
    %add3A_450 = arith.addf %dot_general3A_445, %add3A_449 : vector<512x12xf32>
    %max3A_451 = arith.constant 0.000000e+00 : f32
    %max3A_452 = vector.broadcast %max3A_451 : f32 to vector<512x12xf32>
    %max3A_453 = arith.maximumf %add3A_450, %max3A_452 : vector<512x12xf32>
    %get3A_454 = arith.constant 0 : index
    %get3A_455 = arith.constant 0 : index
    %get3A_456 = vector.load %arg8[%get3A_454, %get3A_455] : memref<12x1xf32, #tpu.memory_space<vmem>>, vector<12x1xf32>
    %dot_general3A_457 = arith.constant dense<0.000000e+00> : vector<512x1xf32>
    %dot_general3A_458 = tpu.matmul %max3A_453, %get3A_456, %dot_general3A_457 {dimension_numbers = #tpu.dot_dimension_numbers<[1], [0], [0], [1], [0, 0, 1, 1], [], []>, precision = #tpu.contract_precision<fp32>, transpose_lhs_hint = false} : vector<512x12xf32>, vector<12x1xf32>, vector<512x1xf32> -> vector<512x1xf32>
    %get3A_459 = arith.constant 0 : index
    %get3A_460 = arith.constant 0 : index
    %get3A_461 = vector.load %arg9[%get3A_459, %get3A_460] : memref<1x1xf32, #tpu.memory_space<vmem>>, vector<1x1xf32>
    %add3A_462 = vector.broadcast %get3A_461 : vector<1x1xf32> to vector<512x1xf32>
    %add3A_463 = arith.addf %dot_general3A_458, %add3A_462 : vector<512x1xf32>
    %swap3A = arith.constant 0 : index
    %swap3A_464 = arith.constant 0 : index
    %swap3A_465 = vector.load %arg10[%swap3A, %swap3A_464] : memref<512x1xf32, #tpu.memory_space<vmem>>, vector<512x1xf32>
    tpu.vector_store %arg10[%swap3A, %swap3A_464], %add3A_463 {strides = array<i32>} : memref<512x1xf32, #tpu.memory_space<vmem>>, vector<512x1xf32>,
    return
  }
}

</mosaic_0001>

<sc_bundles>
// kernel: kernel.13.cloned.1.call-start
scs
__scs_entry_jumppad:
0x0: {  	(pc) =	sbr.rel $0x88, $3  }
0x1: {  	(tag) =	ssettag $0x0;
	lr =	simm.s32 $0x1  }
0x2: {  	[smem:$0x3F8F] =	sst lr;
	_ =	strace $0xD0000000  }
0x3: {  	_ = 	snop  }
0x4: {  	_ = 	snop  }
0x5: {  	_ = 	snop  }
0x6: {  	_ = 	snop  }
0x7: {  	_ = 	snop  }
__scs_overlays_trampoline_lowered:
0x8: {  	[smem:$0x3F9E] =	sst s0  }
0x9: {  	[smem:$0x3F9F] =	sst s1  }
0xa: {  	[smem:$0x3FA0] =	sst s2  }
0xb: {  	[smem:$0x3FA1] =	sst s3  }
0xc: {  	[smem:$0x3FA2] =	sst s4  }
0xd: {  	[smem:$0x3FA3] =	sst s5  }
0xe: {  	[smem:$0x3FA4] =	sst s6  }
0xf: {  	[smem:$0x3FA5] =	sst s7  }
0x10: {  	[smem:$0x3FA6] =	sst s8  }
0x11: {  	[smem:$0x3FA7] =	sst s9;
	s0 =	simm.s32 @!p0 $0x0  }
0x12: {  	s1 =	sld [smem:$0x3F8D];
	s0 =	simm.s32 @p0 $0x1  }
0x13: {  	[smem:$0x3FA8] =	sst s0;
	s0 =	simm.s32 @!p1 $0x0  }
0x14: {  	s2 =	sld [smem:$0x3F8C];
	s0 =	simm.s32 @p1 $0x1  }
0x15: {  	[smem:$0x3FA9] =	sst s0;
	s0 =	simm.s32 @!p2 $0x0  }
0x16: {  	s3 =	sld [smem:$0x3FDB];
	s0 =	simm.s32 @p2 $0x1  }
0x17: {  	s4 =	simm.s32 $0x1BF5;
	[smem:$0x3FAB] =	sst s0  }
0x18: {  	s0 =	sld [smem:$0x3F8E];
	_ =	swait.ge [sflag:s4], $0x0  }
0x19: {  	s7 =	sld [smem:$0x3F8F]  }
0x1a: {  	s8 =	sadd.s32 $0xFFFFE003, lr  }
0x1b: {  	s9 =	sadd.s32 $0xFFFFFEF7, lr;
	s5 =	simm.s32 $0xFFFFFFFF;
	p2 =	slt.u32 s8, $0xFFFFF086  }
0x1c: {  	p1 =	slt.u32 s9, $0xF7A;
	s5 =	simm.s32 @!p2 $0x0  }
0x1d: {  	s5 =	simm.s32 @p1 $0x1;
	p0 =	seq.s32 s7, s2  }
0x1e: {  	s7 =	smul.u32 @!p0 $0xF7A, s2;
	p2 =	seq.s32 @!p0 s5, $0x0  }
0x1f: {  	s9 =	smul.u32 $0xF7A, s1;
	s8 =	simm.s32 @!p0 $0x1BF5;
	p2 =	por !p2, p0  }
0x20: {  	[sflag:s8] =	ssyncset.s32 @!p0 $0xFFFFF086;
	s6 =	sadd.s32 @!p0 s3, s7;
	s7 =	simm.s32 @!p0 $0x108  }
0x21: {  	s3 =	sadd.s32 s3, s9;
	s6 =	sadd.s32 @!p0 $0x88, s6;
	s7 =	simm.s32 @p2 $0x1082  }
0x22: {  	[simem:s7], [sflag:s8] =	dma.local @!p0 [hbm:s6], $0xF7A  }
0x23: {  	s9 =	sor.u32 $0xD0000000, s2;
	s6 =	simm.s32 $0x108;
	_ =	swait.ge @!p0 [sflag:s8], $0x0  }
0x24: {  	s3 =	sadd.s32 $0x88, s3;
	s6 =	simm.s32 @!p1 $0x1082;
	[sflag:s4] =	ssyncset.s32 $0xFFFFF086  }
0x25: {  	[simem:s6], [sflag:s4] =	dma.local [hbm:s3], $0xF7A  }
0x26: {  	[smem:$0x3F8F] =	sst s1;
	(tag) =	ssettag s2;
	_ =	strace s9  }
0x27: {  	s1 =	sld [smem:$0x3F9F]  }
0x28: {  	s2 =	sld [smem:$0x3FA0]  }
0x29: {  	s4 =	sld [smem:$0x3FA2]  }
0x2a: {  	p0 =	seq.s32 s5, $0x0;
	s5 =	sld [smem:$0x3FA3]  }
0x2b: {  	s6 =	sld [smem:$0x3FA4]  }
0x2c: {  	s7 =	sld [smem:$0x3FA5]  }
0x2d: {  	s3 =	simm.s32 $0x108;
	s8 =	sld [smem:$0x3FA6]  }
0x2e: {  	s3 =	simm.s32 @!p0 $0x1082;
	s9 =	sld [smem:$0x3FA7]  }
0x2f: {  	lr =	sadd.s32 s0, s3;
	s0 =	sld [smem:$0x3F9E]  }
0x30: {  	s3 =	sld [smem:$0x3FA1]  }
0x31: {  	[smem:$0x3FAA] =	sst s10  }
0x32: {  	s10 =	sld [smem:$0x3FA8];
	_ =	sdelay $0x3  }
0x33: {  	p0 =	seq.s32 s10, $0x1;
	s10 =	sld [smem:$0x3FAA];
	_ =	sdelay $0x3  }
0x34: {  	[smem:$0x3FAA] =	sst s10  }
0x35: {  	s10 =	sld [smem:$0x3FA9];
	_ =	sdelay $0x3  }
0x36: {  	p1 =	seq.s32 s10, $0x1;
	s10 =	sld [smem:$0x3FAA];
	_ =	sdelay $0x3  }
0x37: {  	[smem:$0x3FAA] =	sst s10  }
0x38: {  	s10 =	sld [smem:$0x3FAB]  }
0x39: {  	_ = 	snop;
	(pc) =	sbr.ind lr, $3  }
0x3a: {  	_ = 	snop  }
0x3b: {  	_ = 	snop  }
0x3c: {  	p2 =	seq.s32 s10, $0x1;
	s10 =	sld [smem:$0x3FAA]  }
0x3d: {  	_ =	shalt  }
0x3e: {  	_ =	shalt  }
0x3f: {  	_ =	shalt  }
0x40: {  	_ =	shalt  }
0x41: {  	_ =	shalt  }
0x42: {  	_ =	shalt  }
0x43: {  	_ =	shalt  }
0x44: {  	_ =	shalt  }
0x45: {  	_ =	shalt  }
0x46: {  	_ =	shalt  }
0x47: {  	_ =	shalt  }
0x48: {  	_ =	shalt  }
0x49: {  	_ =	shalt  }
0x4a: {  	_ =	shalt  }
0x4b: {  	_ =	shalt  }
0x4c: {  	_ =	shalt  }
0x4d: {  	_ =	shalt  }
0x4e: {  	_ =	shalt  }
0x4f: {  	_ =	shalt  }
0x50: {  	_ =	shalt  }
0x51: {  	_ =	shalt  }
0x52: {  	_ =	shalt  }
0x53: {  	_ =	shalt  }
0x54: {  	_ =	shalt  }
0x55: {  	_ =	shalt  }
0x56: {  	_ =	shalt  }
0x57: {  	_ =	shalt  }
0x58: {  	_ =	shalt  }
0x59: {  	_ =	shalt  }
0x5a: {  	_ =	shalt  }
0x5b: {  	_ =	shalt  }
0x5c: {  	_ =	shalt  }
0x5d: {  	_ =	shalt  }
0x5e: {  	_ =	shalt  }
0x5f: {  	_ =	shalt  }
0x60: {  	_ =	shalt  }
0x61: {  	_ =	shalt  }
0x62: {  	_ =	shalt  }
0x63: {  	_ =	shalt  }
0x64: {  	_ =	shalt  }
0x65: {  	_ =	shalt  }
0x66: {  	_ =	shalt  }
0x67: {  	_ =	shalt  }
0x68: {  	_ =	shalt  }
0x69: {  	_ =	shalt  }
0x6a: {  	_ =	shalt  }
0x6b: {  	_ =	shalt  }
0x6c: {  	_ =	shalt  }
0x6d: {  	_ =	shalt  }
0x6e: {  	_ =	shalt  }
0x6f: {  	_ =	shalt  }
0x70: {  	_ =	shalt  }
0x71: {  	_ =	shalt  }
0x72: {  	_ =	shalt  }
0x73: {  	_ =	shalt  }
0x74: {  	_ =	shalt  }
0x75: {  	_ =	shalt  }
0x76: {  	_ =	shalt  }
0x77: {  	_ =	shalt  }
0x78: {  	_ =	shalt  }
0x79: {  	_ =	shalt  }
0x7a: {  	_ =	shalt  }
0x7b: {  	_ =	shalt  }
0x7c: {  	_ =	shalt  }
0x7d: {  	_ =	shalt  }
0x7e: {  	_ =	shalt  }
0x7f: {  	_ =	shalt  }
0x80: {  	_ =	shalt  }
0x81: {  	_ =	shalt  }
0x82: {  	_ =	shalt  }
0x83: {  	_ =	shalt  }
0x84: {  	_ =	shalt  }
0x85: {  	_ =	shalt  }
0x86: {  	_ =	shalt  }
0x87: {  	_ =	shalt  }
.Lfunc_end0:
.L_simem_size_0:
called_computation_lowered:
.L_overlay_start_0:
0x88: {  	s2 =	sld [smem:$0x3FD9]  }
0x89: {  	s3 =	sld [smem:$0x3FFE];
	_ =	sdelay $0x1  }
0x8a: {  	s1 =	srdreg.scid  }
0x8b: {  	s0 =	sand.u32 $0x1, s1  }
0x8c: {  	s14 =	sshll.u32 s0, $0xA;
	s2 =	sadd.s32 s3, s2  }
0x8d: {  	s2 =	sadd.s32 s2, s14  }
0x8e: {  	[smem:$0x3FB6] =	sst s2  }
0x8f: {  	_ = 	snop  }
0x90: {  	s2 =	sld [smem:$0x3FD0];
	_ =	sdelay $0x2  }
0x91: {  	s15 =	simm.s32 $0xA;
	s4 =	simm.s32 $0x10  }
0x92: {  	[smem:s4], [sflag:s15] =	dma.local [hbm:s2], $0x1  }
0x93: {  	_ =	swait.eq [sflag:s15], $0x1  }
0x94: {  	[sflag:s15] =	ssyncset.done $0x0  }
0x95: {  	[sflag:s15] =	ssyncadd.s32 $0xFFFFFFFF  }
0x96: {  	s16 =	sld [smem:$0x11];
	(tm) =	ssettm $0x1  }
0x97: {  	s17 =	sld [smem:$0x3FFB];
	_ =	sdelay $0x3  }
0x98: {  	_ =	strace s17  }
0x99: {  	s3 =	sld [smem:$0x3FFC];
	_ =	sdelay $0x3  }
0x9a: {  	_ =	strace s3  }
0x9b: {  	s3 =	sld [smem:$0x3FFD];
	_ =	sdelay $0x3  }
0x9c: {  	_ =	strace s3  }
0x9d: {  	_ =	strace $0x8FFFFFFF  }
0x9e: {  	s18 =	sld [smem:$0x3FDB];
	_ =	sdelay $0x1  }
0x9f: {  	s19 =	simm.s32 $_scs_section_size  }
0xa0: {  	s5 =	simm.s32 $_size__tile_overlayer_lowered;
	s6 =	simm.s32 $_tile_overlayer_lowered  }
0xa1: {  	s22 =	simm.s32 $0x1BFF;
	s21 =	sshll.u32 s6, $0x1;
	s3 =	sadd.s32 s19, s18  }
0xa2: {  	s7 =	simm.s32 $0x0;
	s20 =	sshll.u32 s5, $0x1;
	s5 =	sadd.s32 s21, s3  }
0xa3: {  	[timem:s7], [sflag:s22] =	dma.local [hbm:s5], s20  }
0xa4: {  	_ =	swait.ge [sflag:s22], s20  }
0xa5: {  	s4 =	ssub.s32 $0x0, s20;
	[sflag:s22] =	ssyncset.done $0x0  }
0xa6: {  	[sflag:s22] =	ssyncadd.s32 s4;
	_ =	sdelay $0x1  }
0xa7: {  	s23 =	simm.s32 $0x1B8B  }
0xa8: {  	_ =	swait.ge [sflag:s23], $0x1  }
0xa9: {  	[sflag:s23] =	ssyncset.done $0x0  }
0xaa: {  	s25 =	simm.s32 $0x1B8E;
	s24 =	sld [smem:$0x3FFE];
	[sflag:s23] =	ssyncadd.s32 $0xFFFFFFFF  }
0xab: {  	s26 =	simm.s32 $execute0_lowered;
	[smem:$0x3FD2] =	sst s25  }
0xac: {  	s5 =	sshll.u32 s26, $0x1;
	_ =	strace $0x80000046;
	[dreg:$0x1] =	wrdreg $0xFFFFFFFF  }
0xad: {  	s28 =	simm.s32 $_size_execute0_lowered;
	s3 =	sadd.s32 s3, s5;
	[dreg:$0x0] =	wrdreg $0x0  }
0xae: {  	s5 =	sshll.u32 s28, $0x1;
	[dreg:$0x2] =	wrdreg s3  }
0xaf: {  	[dreg:$0x3] =	wrdreg s5  }
0xb0: {  	[dreg:$0x4] =	wrdreg $0xC0  }
0xb1: {  	_ =	task [dreg:s7], $0x5FFFF  }
0xb2: {  	[dreg:$0x1] =	wrdreg $0xFFFFFFFF  }
0xb3: {  	[dreg:$0x0] =	wrdreg $0x60  }
0xb4: {  	[dreg:$0x2] =	wrdreg s24  }
0xb5: {  	[dreg:$0x3] =	wrdreg s16  }
0xb6: {  	[dreg:$0x4] =	wrdreg $0x28800  }
0xb7: {  	[dreg:$0x5] =	wrdreg $0x9  }
0xb8: {  	_ =	task.clear_ibuf [dreg:s7], $0x6FFFF;
	_ =	strace $0x90000046  }
0xb9: {  	s29 =	simm.s32 $0x9;
	_ =	strace $0x80000048  }
0xba: {  	_ =	swait.ge [sflag:s29], $0x1  }
0xbb: {  	[sflag:s29] =	ssyncadd.s32 $0xFFFFFFFF  }
0xbc: {  	_ =	strace $0x90000048  }
0xbd: {  	_ =	sfence  }
0xbe: {  	s30 =	sld [smem:$0x0];
	_ =	sdelay $0x2  }
0xbf: {  	s31 =	sshll.u32 s1, $0xD;
	s1 =	sshrl.u32 s1, $0x2  }
0xc0: {  	s3 =	sand.u32 $0x4000, s31;
	s1 =	sadd.s32 s1, s30  }
0xc1: {  	s0 =	sor.u32 s3, s0;
	s1 =	sshll.u32 s1, $0x11  }
0xc2: {  	s0 =	sor.u32 s1, s0  }
0xc3: {  	s0 =	sadd.s32 $0x8F2B, s0  }
0xc4: {  	[sflag:s0] =	ssyncadd.remote.s32 $0x1  }
0xc5: {  	_ =	sfence.sel $0xFFFF  }
0xc6: {  	[dreg:$0x0] =	wrdreg $0xFFFFFFFF;
	(pc) =	sbr.abs _section_cstart, $3  }
0xc7: {  	[dreg:$0x1] =	wrdreg $0xFFFFFFFF  }
0xc8: {  	_ =	task.clear_ibuf [dreg:s7], $0x2FFFF;
	_ =	strace $0x9FFFFFFF  }
0xc9: {  	(tm) =	ssettm $0x7FFFFFFF  }
tec
execute0_lowered:
.L_overlay_start_1:
0x0: {  	(tag) =	ssettag $0x1  }
0x1: {  	s5 =	rddreg [dreg:$0x0]  }
0x2: {  	s2 =	rddreg [dreg:$0x1]  }
0x3: {  	s3 =	rddreg [dreg:$0x2];
	s4 =	srdreg.scid  }
0x4: {  	s1 =	stileid.u32;
	s0 =	rddreg [dreg:$0x3];
	s12 =	simm.s32 $0x2800  }
0x5: {  	s13 =	simm.s32 $0x1;
	s14 =	simm.s32 $0x0;
	s6 =	sand.u32 $0x1, s4  }
0x6: {  	s7 =	smul.u32 $0x280, s1;
	s4 =	simm.s32 $0x0;
	s31 =	sshll.u32 s1, $0x6  }
0x7: {  	s8 =	sshll.u32 s6, $0x4;
	s9 =	smul.u32 $0x2800, s6;
	[smem:$0x7FF] =	sst s4  }
0x8: {  	s6 =	ssub.s32 $0x2, s6;
	s8 =	sor.u32 s1, s8;
	_ =	strace $0x80000047  }
0x9: {  	s10 =	sshrl.u32 s6, $0x1;
	s8 =	smul.u32 $0x500, s8;
	s9 =	sadd.s32 s7, s9  }
0xa: {  	s11 =	sadd.s32 s7, s3;
	s10 =	ssub.s32 s6, s10;
	s9 =	sshrl.u32 s9, $0x3  }
0xb: {  	s7 =	smax.u32 s10, $0x1;
	s10 =	sshrl.u32 s11, $0x3;
	s8 =	sadd.s32 s8, s5  }
0xc: {  	s11 =	simm.s32 $0x80;
	s9 =	sadd.s32 s9, s5;
	s5 =	sadd.s32 $0x3200, s8  }
0xd: {  	v0 =	vimm.f32 $1.000000000e+00;
	s6 =	sadd.s32 $0xD200, s9;
	s8 =	simm.s32 $0x2;
	s9 =	sor.u32 $0x1C02, s31  }
.LBB2_1:
0xe: {  	[tilespmem:$0x2800] =	vst v0  }
0xf: {  	[tilespmem:$0x2810] =	vst v0  }
0x10: {  	[tilespmem:$0x2820] =	vst v0  }
0x11: {  	[tilespmem:$0x2830] =	vst v0  }
0x12: {  	[tilespmem:$0x2840] =	vst v0  }
0x13: {  	[tilespmem:$0x2850] =	vst v0  }
0x14: {  	[tilespmem:$0x2860] =	vst v0  }
0x15: {  	[tilespmem:$0x2870] =	vst v0  }
0x16: {  	[tilespmem:s4], [sflag:$0x2] =	stream.linear.gather [hbm4b:s5+s4], $0x2800, $0x38;
	[tilespmem:$0x2B00] =	vst v63  }
0x17: {  	_ =	swait.ge [sflag:s8], $0x2800  }
0x18: {  	[sflag:s8] =	ssyncset.done $0x0  }
0x19: {  	[sflag:s8] =	ssyncadd.s32 $0xFFFFD800  }
0x1a: {  	[spmem:s10], [sflag:s9] =	dma.local [hbm:s2], $0x50  }
0x1b: {  	_ =	swait.ge [sflag:s8], $0x50  }
0x1c: {  	[sflag:s8] =	ssyncset.done $0x0  }
0x1d: {  	[sflag:s8] =	ssyncadd.s32 $0xFFFFFFB0  }
0x1e: {  	s15 =	simm.s32 $0x0;
	[bflag:$0x0] =	sbarrier.arrive $0xFFFF  }
.LBB2_2:
0x1f: {  	p0 =	sne.s32 s15, $0x9E00  }
.Ltmp0:
0x20: {  	_ = 	snop;
	(pc) =	sbr.rel @p0 .LBB2_2-.Ltmp0, $3  }
0x21: {  	_ =	sdelay $0x1  }
0x22: {  	s16 =	sshra.s32 s15, $0x2;
	s15 =	sadd.s32 $0x200, s15  }
0x23: {  	[spmem:s3] =	stream.indirect.scatter.add.f32 [tilespmem:s12], [sflag:$0x1], $0x1, s16, s11, $0xb8;
	[tilespmem:$0x2B00] =	vst v63  }
0x24: {  	_ =	swait.ge [sflag:s13], $0x80  }
0x25: {  	s15 =	simm.s32 $0x4F;
	[sflag:s13] =	ssyncset.done $0x0  }
.LBB2_4:
0x26: {  	p0 =	sne.s32 s15, $0x1;
	s15 =	sadd.s32 $0xFFFFFFFF, s15;
	[sflag:s13] =	ssyncadd.s32 $0xFFFFFF80  }
.Ltmp1:
0x27: {  	(pc) =	sbr.rel @p0 .LBB2_4-.Ltmp1, $3  }
0x28: {  	_ =	sdelay $0x1  }
0x29: {  	_ =	swait.ge [sflag:s13], $0x80  }
0x2a: {  	[sflag:s13] =	ssyncset.done $0x0  }
0x2b: {  	s14 =	sadd.s32 $0x1, s14  }
0x2c: {  	[sflag:s13] =	ssyncadd.s32 $0xFFFFFF80;
	p0 =	sne.s32 s14, s7  }
.Ltmp2:
0x2d: {  	[bflag:$0x0] =	sbarrier.arrive $0xFFFF;
	(pc) =	sbr.rel @p0 .LBB2_1-.Ltmp2, $4  }
0x2e: {  	[hbm:s6], [sflag:s9] =	dma.local [spmem:s10], $0x50  }
0x2f: {  	_ =	swait.ge [sflag:s8], $0x50  }
0x30: {  	[sflag:s8] =	ssyncset.done $0x0  }
0x31: {  	[sflag:s8] =	ssyncadd.s32 $0xFFFFFFB0  }
0x32: {  	_ =	sfence.sel $0x180000  }
0x33: {  	[bflag:$0x0] =	sbarrier.arrive $0xFFFF  }
0x34: {  	p0 =	sne.s32 s1, $0x0;
	_ =	strace $0x90000047  }
0x35: {  	s0 =	sadd.s32 @!p0 $0x100000, s0;
	[bflag:$0x2] =	sbarrier.arrive $0xFFFF  }
0x36: {  	[sflag:s0] =	ssyncadd.tile.s32 @!p0 $0x1;
	_ =	shalt  }
.Lfunc_end2:
_tile_overlayer_lowered:
.L_overlay_start_2:
0x37: {  	(tag) =	ssettag $0x2  }
0x38: {  	s0 =	rddreg [dreg:$0x0];
	s2 =	stileid.u32  }
0x39: {  	s1 =	rddreg [dreg:$0x1];
	p0 =	sne.s32 s2, $0x0  }
0x3a: {  	s3 =	rddreg [dreg:$0x2];
	[bflag:$0x3] =	sbarrier.arrive $0xFFFF;
	s2 =	simm.s32 @!p0 $0x1C02  }
0x3b: {  	[timem:s3], [sflag:s2] =	dma.local @!p0 [hbm:s0], s1  }
0x3c: {  	s0 =	simm.s32 @!p0 $0x2  }
0x3d: {  	_ =	swait.ge @!p0 [sflag:s0], s1  }
0x3e: {  	s1 =	ssub.s32 @!p0 $0x0, s1;
	[sflag:s0] =	ssyncset.done @!p0 $0x0  }
0x3f: {  	[sflag:s0] =	ssyncadd.s32 @!p0 s1  }
0x40: {  	[bflag:$0x3] =	sbarrier.arrive $0xFFFF  }
0x41: {  	_ =	shalt  }

// kernel: kernel.16.cloned.1.call-start
scs
__scs_entry_jumppad:
0x0: {  	(pc) =	sbr.rel $0x88, $3  }
0x1: {  	(tag) =	ssettag $0x0;
	lr =	simm.s32 $0x1  }
0x2: {  	[smem:$0x3F8F] =	sst lr;
	_ =	strace $0xD0000000  }
0x3: {  	_ = 	snop  }
0x4: {  	_ = 	snop  }
0x5: {  	_ = 	snop  }
0x6: {  	_ = 	snop  }
0x7: {  	_ = 	snop  }
__scs_overlays_trampoline_lowered:
0x8: {  	[smem:$0x3F9E] =	sst s0  }
0x9: {  	[smem:$0x3F9F] =	sst s1  }
0xa: {  	[smem:$0x3FA0] =	sst s2  }
0xb: {  	[smem:$0x3FA1] =	sst s3  }
0xc: {  	[smem:$0x3FA2] =	sst s4  }
0xd: {  	[smem:$0x3FA3] =	sst s5  }
0xe: {  	[smem:$0x3FA4] =	sst s6  }
0xf: {  	[smem:$0x3FA5] =	sst s7  }
0x10: {  	[smem:$0x3FA6] =	sst s8  }
0x11: {  	[smem:$0x3FA7] =	sst s9;
	s0 =	simm.s32 @!p0 $0x0  }
0x12: {  	s1 =	sld [smem:$0x3F8D];
	s0 =	simm.s32 @p0 $0x1  }
0x13: {  	[smem:$0x3FA8] =	sst s0;
	s0 =	simm.s32 @!p1 $0x0  }
0x14: {  	s2 =	sld [smem:$0x3F8C];
	s0 =	simm.s32 @p1 $0x1  }
0x15: {  	[smem:$0x3FA9] =	sst s0;
	s0 =	simm.s32 @!p2 $0x0  }
0x16: {  	s3 =	sld [smem:$0x3FDB];
	s0 =	simm.s32 @p2 $0x1  }
0x17: {  	s4 =	simm.s32 $0x1BF5;
	[smem:$0x3FAB] =	sst s0  }
0x18: {  	s0 =	sld [smem:$0x3F8E];
	_ =	swait.ge [sflag:s4], $0x0  }
0x19: {  	s7 =	sld [smem:$0x3F8F]  }
0x1a: {  	s8 =	sadd.s32 $0xFFFFE003, lr  }
0x1b: {  	s9 =	sadd.s32 $0xFFFFFEF7, lr;
	s5 =	simm.s32 $0xFFFFFFFF;
	p2 =	slt.u32 s8, $0xFFFFF086  }
0x1c: {  	p1 =	slt.u32 s9, $0xF7A;
	s5 =	simm.s32 @!p2 $0x0  }
0x1d: {  	s5 =	simm.s32 @p1 $0x1;
	p0 =	seq.s32 s7, s2  }
0x1e: {  	s7 =	smul.u32 @!p0 $0xF7A, s2;
	p2 =	seq.s32 @!p0 s5, $0x0  }
0x1f: {  	s9 =	smul.u32 $0xF7A, s1;
	s8 =	simm.s32 @!p0 $0x1BF5;
	p2 =	por !p2, p0  }
0x20: {  	[sflag:s8] =	ssyncset.s32 @!p0 $0xFFFFF086;
	s6 =	sadd.s32 @!p0 s3, s7;
	s7 =	simm.s32 @!p0 $0x108  }
0x21: {  	s3 =	sadd.s32 s3, s9;
	s6 =	sadd.s32 @!p0 $0x88, s6;
	s7 =	simm.s32 @p2 $0x1082  }
0x22: {  	[simem:s7], [sflag:s8] =	dma.local @!p0 [hbm:s6], $0xF7A  }
0x23: {  	s9 =	sor.u32 $0xD0000000, s2;
	s6 =	simm.s32 $0x108;
	_ =	swait.ge @!p0 [sflag:s8], $0x0  }
0x24: {  	s3 =	sadd.s32 $0x88, s3;
	s6 =	simm.s32 @!p1 $0x1082;
	[sflag:s4] =	ssyncset.s32 $0xFFFFF086  }
0x25: {  	[simem:s6], [sflag:s4] =	dma.local [hbm:s3], $0xF7A  }
0x26: {  	[smem:$0x3F8F] =	sst s1;
	(tag) =	ssettag s2;
	_ =	strace s9  }
0x27: {  	s1 =	sld [smem:$0x3F9F]  }
0x28: {  	s2 =	sld [smem:$0x3FA0]  }
0x29: {  	s4 =	sld [smem:$0x3FA2]  }
0x2a: {  	p0 =	seq.s32 s5, $0x0;
	s5 =	sld [smem:$0x3FA3]  }
0x2b: {  	s6 =	sld [smem:$0x3FA4]  }
0x2c: {  	s7 =	sld [smem:$0x3FA5]  }
0x2d: {  	s3 =	simm.s32 $0x108;
	s8 =	sld [smem:$0x3FA6]  }
0x2e: {  	s3 =	simm.s32 @!p0 $0x1082;
	s9 =	sld [smem:$0x3FA7]  }
0x2f: {  	lr =	sadd.s32 s0, s3;
	s0 =	sld [smem:$0x3F9E]  }
0x30: {  	s3 =	sld [smem:$0x3FA1]  }
0x31: {  	[smem:$0x3FAA] =	sst s10  }
0x32: {  	s10 =	sld [smem:$0x3FA8];
	_ =	sdelay $0x3  }
0x33: {  	p0 =	seq.s32 s10, $0x1;
	s10 =	sld [smem:$0x3FAA];
	_ =	sdelay $0x3  }
0x34: {  	[smem:$0x3FAA] =	sst s10  }
0x35: {  	s10 =	sld [smem:$0x3FA9];
	_ =	sdelay $0x3  }
0x36: {  	p1 =	seq.s32 s10, $0x1;
	s10 =	sld [smem:$0x3FAA];
	_ =	sdelay $0x3  }
0x37: {  	[smem:$0x3FAA] =	sst s10  }
0x38: {  	s10 =	sld [smem:$0x3FAB]  }
0x39: {  	_ = 	snop;
	(pc) =	sbr.ind lr, $3  }
0x3a: {  	_ = 	snop  }
0x3b: {  	_ = 	snop  }
0x3c: {  	p2 =	seq.s32 s10, $0x1;
	s10 =	sld [smem:$0x3FAA]  }
0x3d: {  	_ =	shalt  }
0x3e: {  	_ =	shalt  }
0x3f: {  	_ =	shalt  }
0x40: {  	_ =	shalt  }
0x41: {  	_ =	shalt  }
0x42: {  	_ =	shalt  }
0x43: {  	_ =	shalt  }
0x44: {  	_ =	shalt  }
0x45: {  	_ =	shalt  }
0x46: {  	_ =	shalt  }
0x47: {  	_ =	shalt  }
0x48: {  	_ =	shalt  }
0x49: {  	_ =	shalt  }
0x4a: {  	_ =	shalt  }
0x4b: {  	_ =	shalt  }
0x4c: {  	_ =	shalt  }
0x4d: {  	_ =	shalt  }
0x4e: {  	_ =	shalt  }
0x4f: {  	_ =	shalt  }
0x50: {  	_ =	shalt  }
0x51: {  	_ =	shalt  }
0x52: {  	_ =	shalt  }
0x53: {  	_ =	shalt  }
0x54: {  	_ =	shalt  }
0x55: {  	_ =	shalt  }
0x56: {  	_ =	shalt  }
0x57: {  	_ =	shalt  }
0x58: {  	_ =	shalt  }
0x59: {  	_ =	shalt  }
0x5a: {  	_ =	shalt  }
0x5b: {  	_ =	shalt  }
0x5c: {  	_ =	shalt  }
0x5d: {  	_ =	shalt  }
0x5e: {  	_ =	shalt  }
0x5f: {  	_ =	shalt  }
0x60: {  	_ =	shalt  }
0x61: {  	_ =	shalt  }
0x62: {  	_ =	shalt  }
0x63: {  	_ =	shalt  }
0x64: {  	_ =	shalt  }
0x65: {  	_ =	shalt  }
0x66: {  	_ =	shalt  }
0x67: {  	_ =	shalt  }
0x68: {  	_ =	shalt  }
0x69: {  	_ =	shalt  }
0x6a: {  	_ =	shalt  }
0x6b: {  	_ =	shalt  }
0x6c: {  	_ =	shalt  }
0x6d: {  	_ =	shalt  }
0x6e: {  	_ =	shalt  }
0x6f: {  	_ =	shalt  }
0x70: {  	_ =	shalt  }
0x71: {  	_ =	shalt  }
0x72: {  	_ =	shalt  }
0x73: {  	_ =	shalt  }
0x74: {  	_ =	shalt  }
0x75: {  	_ =	shalt  }
0x76: {  	_ =	shalt  }
0x77: {  	_ =	shalt  }
0x78: {  	_ =	shalt  }
0x79: {  	_ =	shalt  }
0x7a: {  	_ =	shalt  }
0x7b: {  	_ =	shalt  }
0x7c: {  	_ =	shalt  }
0x7d: {  	_ =	shalt  }
0x7e: {  	_ =	shalt  }
0x7f: {  	_ =	shalt  }
0x80: {  	_ =	shalt  }
0x81: {  	_ =	shalt  }
0x82: {  	_ =	shalt  }
0x83: {  	_ =	shalt  }
0x84: {  	_ =	shalt  }
0x85: {  	_ =	shalt  }
0x86: {  	_ =	shalt  }
0x87: {  	_ =	shalt  }
.Lfunc_end0:
.L_simem_size_0:
called_computation.1_lowered:
.L_overlay_start_0:
0x88: {  	s2 =	sld [smem:$0x3FD9]  }
0x89: {  	s3 =	sld [smem:$0x3FFE];
	_ =	sdelay $0x1  }
0x8a: {  	s1 =	srdreg.scid  }
0x8b: {  	s0 =	sand.u32 $0x1, s1  }
0x8c: {  	s14 =	sshll.u32 s0, $0xA;
	s2 =	sadd.s32 s3, s2  }
0x8d: {  	s2 =	sadd.s32 s2, s14  }
0x8e: {  	[smem:$0x3FB6] =	sst s2  }
0x8f: {  	_ = 	snop  }
0x90: {  	s2 =	sld [smem:$0x3FD0];
	_ =	sdelay $0x2  }
0x91: {  	s15 =	simm.s32 $0xA;
	s4 =	simm.s32 $0x10  }
0x92: {  	[smem:s4], [sflag:s15] =	dma.local [hbm:s2], $0x1  }
0x93: {  	_ =	swait.eq [sflag:s15], $0x1  }
0x94: {  	[sflag:s15] =	ssyncset.done $0x0  }
0x95: {  	[sflag:s15] =	ssyncadd.s32 $0xFFFFFFFF  }
0x96: {  	s16 =	sld [smem:$0x12];
	(tm) =	ssettm $0x1  }
0x97: {  	s17 =	sld [smem:$0x3FFB];
	_ =	sdelay $0x3  }
0x98: {  	_ =	strace s17  }
0x99: {  	s3 =	sld [smem:$0x3FFC];
	_ =	sdelay $0x3  }
0x9a: {  	_ =	strace s3  }
0x9b: {  	s3 =	sld [smem:$0x3FFD];
	_ =	sdelay $0x3  }
0x9c: {  	_ =	strace s3  }
0x9d: {  	_ =	strace $0x8FFFFFFF  }
0x9e: {  	s18 =	sld [smem:$0x3FDB];
	_ =	sdelay $0x1  }
0x9f: {  	s19 =	simm.s32 $_scs_section_size  }
0xa0: {  	s5 =	simm.s32 $_size__tile_overlayer_lowered;
	s6 =	simm.s32 $_tile_overlayer_lowered  }
0xa1: {  	s22 =	simm.s32 $0x1BFF;
	s21 =	sshll.u32 s6, $0x1;
	s3 =	sadd.s32 s19, s18  }
0xa2: {  	s7 =	simm.s32 $0x0;
	s20 =	sshll.u32 s5, $0x1;
	s5 =	sadd.s32 s21, s3  }
0xa3: {  	[timem:s7], [sflag:s22] =	dma.local [hbm:s5], s20  }
0xa4: {  	_ =	swait.ge [sflag:s22], s20  }
0xa5: {  	s4 =	ssub.s32 $0x0, s20;
	[sflag:s22] =	ssyncset.done $0x0  }
0xa6: {  	[sflag:s22] =	ssyncadd.s32 s4;
	_ =	sdelay $0x1  }
0xa7: {  	s23 =	simm.s32 $0x1B8B  }
0xa8: {  	_ =	swait.ge [sflag:s23], $0x1  }
0xa9: {  	[sflag:s23] =	ssyncset.done $0x0  }
0xaa: {  	s25 =	simm.s32 $0x1B8E;
	s24 =	sld [smem:$0x3FFE];
	[sflag:s23] =	ssyncadd.s32 $0xFFFFFFFF  }
0xab: {  	s26 =	simm.s32 $execute0_lowered;
	[smem:$0x3FD2] =	sst s25  }
0xac: {  	s5 =	sshll.u32 s26, $0x1;
	_ =	strace $0x80000049;
	[dreg:$0x1] =	wrdreg $0xFFFFFFFF  }
0xad: {  	s28 =	simm.s32 $_size_execute0_lowered;
	s3 =	sadd.s32 s3, s5;
	[dreg:$0x0] =	wrdreg $0x0  }
0xae: {  	s5 =	sshll.u32 s28, $0x1;
	[dreg:$0x2] =	wrdreg s3  }
0xaf: {  	[dreg:$0x3] =	wrdreg s5  }
0xb0: {  	[dreg:$0x4] =	wrdreg $0xC0  }
0xb1: {  	_ =	task [dreg:s7], $0x5FFFF  }
0xb2: {  	[dreg:$0x1] =	wrdreg $0xFFFFFFFF  }
0xb3: {  	[dreg:$0x0] =	wrdreg $0x60  }
0xb4: {  	[dreg:$0x2] =	wrdreg s16  }
0xb5: {  	[dreg:$0x3] =	wrdreg s24  }
0xb6: {  	[dreg:$0x4] =	wrdreg $0xAA000  }
0xb7: {  	[dreg:$0x5] =	wrdreg $0x9  }
0xb8: {  	_ =	task.clear_ibuf [dreg:s7], $0x6FFFF;
	_ =	strace $0x90000049  }
0xb9: {  	s29 =	simm.s32 $0x9;
	_ =	strace $0x8000004B  }
0xba: {  	_ =	swait.ge [sflag:s29], $0x1  }
0xbb: {  	[sflag:s29] =	ssyncadd.s32 $0xFFFFFFFF  }
0xbc: {  	_ =	strace $0x9000004B  }
0xbd: {  	_ =	sfence  }
0xbe: {  	s30 =	sld [smem:$0x0];
	_ =	sdelay $0x2  }
0xbf: {  	s31 =	sshll.u32 s1, $0xD;
	s1 =	sshrl.u32 s1, $0x2  }
0xc0: {  	s3 =	sand.u32 $0x4000, s31;
	s1 =	sadd.s32 s1, s30  }
0xc1: {  	s0 =	sor.u32 s3, s0;
	s1 =	sshll.u32 s1, $0x11  }
0xc2: {  	s0 =	sor.u32 s1, s0  }
0xc3: {  	s0 =	sadd.s32 $0x8F2B, s0  }
0xc4: {  	[sflag:s0] =	ssyncadd.remote.s32 $0x1  }
0xc5: {  	_ =	sfence.sel $0xFFFF  }
0xc6: {  	[dreg:$0x0] =	wrdreg $0xFFFFFFFF;
	(pc) =	sbr.abs _section_cstart, $3  }
0xc7: {  	[dreg:$0x1] =	wrdreg $0xFFFFFFFF  }
0xc8: {  	_ =	task.clear_ibuf [dreg:s7], $0x2FFFF;
	_ =	strace $0x9FFFFFFF  }
0xc9: {  	(tm) =	ssettm $0x7FFFFFFF  }
tec
execute0_lowered:
.L_overlay_start_1:
0x0: {  	(tag) =	ssettag $0x1  }
0x1: {  	s6 =	rddreg [dreg:$0x0]  }
0x2: {  	s7 =	rddreg [dreg:$0x1]  }
0x3: {  	s1 =	rddreg [dreg:$0x2];
	s2 =	srdreg.scid  }
0x4: {  	s0 =	rddreg [dreg:$0x3];
	s3 =	simm.s32 $0x0;
	s13 =	simm.s32 $0x2800  }
0x5: {  	s14 =	simm.s32 $0x2A00;
	s15 =	simm.s32 $0x2900;
	s16 =	simm.s32 $0x6A00  }
0x6: {  	s17 =	simm.s32 $0x1;
	s18 =	simm.s32 $0x2880;
	s19 =	simm.s32 $0x2  }
0x7: {  	s20 =	simm.s32 $0x2980;
	s8 =	sand.u32 $0x1, s2;
	s2 =	stileid.u32  }
0x8: {  	s21 =	simm.s32 $0x0;
	[smem:$0x7FF] =	sst s3;
	s9 =	smul.u32 $0x13C000, s8  }
0x9: {  	s4 =	sadd.s32 $0x3200, s7;
	s5 =	sadd.s32 $0x2AA00, s7;
	s10 =	smul.u32 $0x13C00, s2  }
0xa: {  	_ =	strace $0x8000004A;
	s29 =	sshll.u32 s8, $0x4;
	s8 =	ssub.s32 $0x2, s8  }
0xb: {  	s11 =	smul.u32 $0x4F000, s2;
	s31 =	sshll.u32 s2, $0x6;
	s12 =	sshrl.u32 s8, $0x1  }
0xc: {  	s9 =	sadd.s32 s10, s9;
	s10 =	sor.u32 s2, s29;
	s8 =	ssub.s32 s8, s12  }
0xd: {  	s30 =	sshrl.u32 s11, $0x2;
	s12 =	simm.s32 $0x80;
	s9 =	sshrl.u32 s9, $0x3  }
0xe: {  	s10 =	smul.u32 $0x500, s10;
	s11 =	sadd.s32 s30, s1;
	s8 =	smax.u32 s8, $0x1  }
0xf: {  	s7 =	sadd.s32 s9, s7;
	s9 =	simm.s32 $0x3;
	s11 =	sshrl.u32 s11, $0x3  }
0x10: {  	s6 =	sadd.s32 s6, s10;
	s7 =	sadd.s32 $0x2D200, s7;
	s10 =	sor.u32 $0x1C03, s31  }
.LBB2_1:
0x11: {  	[tilespmem:s3], [sflag:$0x3] =	stream.linear.gather [hbm4b:s6+s3], $0x2800, $0x38;
	[tilespmem:$0x1E600] =	vst v63  }
0x12: {  	_ =	swait.ge [sflag:s9], $0x2800  }
0x13: {  	[sflag:s9] =	ssyncset.done $0x0  }
0x14: {  	[sflag:s9] =	ssyncadd.s32 $0xFFFFD800  }
0x15: {  	[spmem:s11], [sflag:s10] =	dma.local [hbm:s5], $0x2780  }
0x16: {  	_ =	swait.ge [sflag:s9], $0x2780  }
0x17: {  	[sflag:s9] =	ssyncset.done $0x0  }
0x18: {  	[sflag:s9] =	ssyncadd.s32 $0xFFFFD880  }
0x19: {  	[bflag:$0x0] =	sbarrier.arrive $0xFFFF  }
0x1a: {  	v0 =	vld [tilespmem:$0x0];
	_ =	sdelay $0x1  }
0x1b: {  	v1 =	vld [tilespmem:$0x10];
	_ =	sdelay $0x1  }
0x1c: {  	v2 =	vld [tilespmem:$0x20]  }
0x1d: {  	v3 =	vand.u32 $0xFFFF, v0  }
0x1e: {  	v0 =	vshrl.u32 v0, $0x10;
	[tilespmem:$0x2800] =	vst v3;
	v3 =	vld [tilespmem:$0x30]  }
0x1f: {  	[tilespmem:$0x2880] =	vst v0;
	v0 =	vand.u32 $0xFFFF, v1  }
0x20: {  	[tilespmem:$0x2810] =	vst v0;
	v0 =	vshrl.u32 v1, $0x10;
	v1 =	vld [tilespmem:$0x40]  }
0x21: {  	[tilespmem:$0x2890] =	vst v0;
	v0 =	vand.u32 $0xFFFF, v2  }
0x22: {  	[tilespmem:$0x2820] =	vst v0;
	v0 =	vshrl.u32 v2, $0x10;
	v2 =	vld [tilespmem:$0x50]  }
0x23: {  	[tilespmem:$0x28A0] =	vst v0;
	v0 =	vand.u32 $0xFFFF, v3  }
0x24: {  	[tilespmem:$0x2830] =	vst v0;
	v0 =	vshrl.u32 v3, $0x10;
	v3 =	vld [tilespmem:$0x60]  }
0x25: {  	[tilespmem:$0x28B0] =	vst v0;
	v0 =	vand.u32 $0xFFFF, v1  }
0x26: {  	[tilespmem:$0x2840] =	vst v0;
	v0 =	vshrl.u32 v1, $0x10;
	v1 =	vld [tilespmem:$0x70]  }
0x27: {  	[tilespmem:$0x28C0] =	vst v0;
	v0 =	vand.u32 $0xFFFF, v2  }
0x28: {  	[tilespmem:$0x2850] =	vst v0;
	v0 =	vshrl.u32 v2, $0x10  }
0x29: {  	[tilespmem:$0x28D0] =	vst v0;
	v0 =	vand.u32 $0xFFFF, v3  }
0x2a: {  	[tilespmem:$0x2860] =	vst v0;
	v0 =	vshrl.u32 v3, $0x10  }
0x2b: {  	[tilespmem:$0x28E0] =	vst v0;
	v0 =	vand.u32 $0xFFFF, v1  }
0x2c: {  	[tilespmem:$0x2870] =	vst v0;
	v0 =	vshrl.u32 v1, $0x10  }
0x2d: {  	[tilespmem:$0x28F0] =	vst v0  }
0x2e: {  	[tilespmem:s14], [sflag:$0x1] =	stream.indirect.gather [hbm4b:s4+s12], $0x80, s13, s12, $0xb8;
	[tilespmem:$0x1E600] =	vst v63  }
0x2f: {  	v0 =	vld [tilespmem:$0x80];
	_ =	sdelay $0x1  }
0x30: {  	v1 =	vld [tilespmem:$0x90];
	_ =	sdelay $0x1  }
0x31: {  	v2 =	vld [tilespmem:$0xA0]  }
0x32: {  	v3 =	vand.u32 $0xFFFF, v0  }
0x33: {  	v0 =	vshrl.u32 v0, $0x10;
	[tilespmem:$0x2900] =	vst v3;
	v3 =	vld [tilespmem:$0xB0]  }
0x34: {  	[tilespmem:$0x2980] =	vst v0;
	v0 =	vand.u32 $0xFFFF, v1  }
0x35: {  	[tilespmem:$0x2910] =	vst v0;
	v0 =	vshrl.u32 v1, $0x10;
	v1 =	vld [tilespmem:$0xC0]  }
0x36: {  	[tilespmem:$0x2990] =	vst v0;
	v0 =	vand.u32 $0xFFFF, v2  }
0x37: {  	[tilespmem:$0x2920] =	vst v0;
	v0 =	vshrl.u32 v2, $0x10;
	v2 =	vld [tilespmem:$0xD0]  }
0x38: {  	[tilespmem:$0x29A0] =	vst v0;
	v0 =	vand.u32 $0xFFFF, v3  }
0x39: {  	[tilespmem:$0x2930] =	vst v0;
	v0 =	vshrl.u32 v3, $0x10;
	v3 =	vld [tilespmem:$0xE0]  }
0x3a: {  	[tilespmem:$0x29B0] =	vst v0;
	v0 =	vand.u32 $0xFFFF, v1  }
0x3b: {  	[tilespmem:$0x2940] =	vst v0;
	v0 =	vshrl.u32 v1, $0x10;
	v1 =	vld [tilespmem:$0xF0]  }
0x3c: {  	[tilespmem:$0x29C0] =	vst v0;
	v0 =	vand.u32 $0xFFFF, v2  }
0x3d: {  	[tilespmem:$0x2950] =	vst v0;
	v0 =	vshrl.u32 v2, $0x10  }
0x3e: {  	[tilespmem:$0x29D0] =	vst v0;
	v0 =	vand.u32 $0xFFFF, v3  }
0x3f: {  	[tilespmem:$0x2960] =	vst v0;
	v0 =	vshrl.u32 v3, $0x10  }
0x40: {  	[tilespmem:$0x29E0] =	vst v0;
	v0 =	vand.u32 $0xFFFF, v1  }
0x41: {  	[tilespmem:$0x2970] =	vst v0;
	v0 =	vshrl.u32 v1, $0x10  }
0x42: {  	[tilespmem:$0x29F0] =	vst v0  }
0x43: {  	[tilespmem:s16], [sflag:$0x2] =	stream.indirect.gather [hbm4b:s4+s12], $0x80, s15, s12, $0xb8;
	[tilespmem:$0x1E600] =	vst v63  }
0x44: {  	_ =	swait.ge [sflag:s17], $0x4000  }
0x45: {  	[sflag:s17] =	ssyncset.done $0x0  }
0x46: {  	[sflag:s17] =	ssyncadd.s32 $0xFFFFC000  }
0x47: {  	[spmem:s1] =	stream.indirect.scatter.add.f32 [tilespmem:s14], [sflag:$0x3], $0x80, s18, s12, $0xb8;
	[tilespmem:$0x1E600] =	vst v63  }
0x48: {  	_ =	swait.ge [sflag:s9], $0x4000  }
0x49: {  	[sflag:s9] =	ssyncset.done $0x0  }
0x4a: {  	s22 =	simm.s32 $0x1F0;
	[sflag:s9] =	ssyncadd.s32 $0xFFFFC000  }
0x4b: {  	v0 =	vld [tilespmem:s22+$0xFFFFFF10];
	_ =	sdelay $0x4  }
0x4c: {  	v1 =	vand.u32 $0xFFFF, v0  }
0x4d: {  	v0 =	vshrl.u32 v0, $0x10;
	[tilespmem:$0x2800] =	vst v1  }
0x4e: {  	[tilespmem:$0x2880] =	vst v0  }
0x4f: {  	v0 =	vld [tilespmem:s22+$0xFFFFFF20];
	_ =	sdelay $0x4  }
0x50: {  	v1 =	vand.u32 $0xFFFF, v0  }
0x51: {  	v0 =	vshrl.u32 v0, $0x10;
	[tilespmem:$0x2810] =	vst v1  }
0x52: {  	[tilespmem:$0x2890] =	vst v0  }
0x53: {  	v0 =	vld [tilespmem:s22+$0xFFFFFF30];
	_ =	sdelay $0x4  }
0x54: {  	v1 =	vand.u32 $0xFFFF, v0  }
0x55: {  	v0 =	vshrl.u32 v0, $0x10;
	[tilespmem:$0x2820] =	vst v1  }
0x56: {  	[tilespmem:$0x28A0] =	vst v0  }
0x57: {  	v0 =	vld [tilespmem:s22+$0xFFFFFF40];
	_ =	sdelay $0x4  }
0x58: {  	v1 =	vand.u32 $0xFFFF, v0  }
0x59: {  	v0 =	vshrl.u32 v0, $0x10;
	[tilespmem:$0x2830] =	vst v1  }
0x5a: {  	[tilespmem:$0x28B0] =	vst v0  }
0x5b: {  	v0 =	vld [tilespmem:s22+$0xFFFFFF50];
	_ =	sdelay $0x4  }
0x5c: {  	v1 =	vand.u32 $0xFFFF, v0  }
0x5d: {  	v0 =	vshrl.u32 v0, $0x10;
	[tilespmem:$0x2840] =	vst v1  }
0x5e: {  	[tilespmem:$0x28C0] =	vst v0  }
0x5f: {  	v0 =	vld [tilespmem:s22+$0xFFFFFF60];
	_ =	sdelay $0x4  }
0x60: {  	v1 =	vand.u32 $0xFFFF, v0  }
0x61: {  	v0 =	vshrl.u32 v0, $0x10;
	[tilespmem:$0x2850] =	vst v1  }
0x62: {  	[tilespmem:$0x28D0] =	vst v0  }
0x63: {  	v0 =	vld [tilespmem:s22+$0xFFFFFF70];
	_ =	sdelay $0x4  }
0x64: {  	v1 =	vand.u32 $0xFFFF, v0  }
0x65: {  	v0 =	vshrl.u32 v0, $0x10;
	[tilespmem:$0x2860] =	vst v1  }
0x66: {  	[tilespmem:$0x28E0] =	vst v0  }
0x67: {  	v0 =	vld [tilespmem:s22+$0xFFFFFF80];
	_ =	sdelay $0x4  }
0x68: {  	v1 =	vand.u32 $0xFFFF, v0  }
0x69: {  	v0 =	vshrl.u32 v0, $0x10;
	[tilespmem:$0x2870] =	vst v1  }
0x6a: {  	[tilespmem:$0x28F0] =	vst v0  }
0x6b: {  	[tilespmem:s14], [sflag:$0x1] =	stream.indirect.gather [hbm4b:s4+s12], $0x80, s13, s12, $0xb8;
	[tilespmem:$0x1E600] =	vst v63  }
0x6c: {  	_ =	swait.ge [sflag:s19], $0x4000  }
0x6d: {  	[sflag:s19] =	ssyncset.done $0x0  }
0x6e: {  	[sflag:s19] =	ssyncadd.s32 $0xFFFFC000  }
0x6f: {  	[spmem:s1] =	stream.indirect.scatter.add.f32 [tilespmem:s16], [sflag:$0x3], $0x80, s20, s12, $0xb8;
	[tilespmem:$0x1E600] =	vst v63  }
0x70: {  	_ =	swait.ge [sflag:s9], $0x4000  }
0x71: {  	[sflag:s9] =	ssyncset.done $0x0  }
0x72: {  	[sflag:s9] =	ssyncadd.s32 $0xFFFFC000  }
0x73: {  	v0 =	vld [tilespmem:s22+$0xFFFFFF90];
	_ =	sdelay $0x4  }
0x74: {  	v1 =	vand.u32 $0xFFFF, v0  }
0x75: {  	v0 =	vshrl.u32 v0, $0x10;
	[tilespmem:$0x2900] =	vst v1  }
0x76: {  	[tilespmem:$0x2980] =	vst v0  }
0x77: {  	v0 =	vld [tilespmem:s22+$0xFFFFFFA0];
	_ =	sdelay $0x4  }
0x78: {  	v1 =	vand.u32 $0xFFFF, v0  }
0x79: {  	v0 =	vshrl.u32 v0, $0x10;
	[tilespmem:$0x2910] =	vst v1  }
0x7a: {  	[tilespmem:$0x2990] =	vst v0  }
0x7b: {  	v0 =	vld [tilespmem:s22+$0xFFFFFFB0];
	_ =	sdelay $0x4  }
0x7c: {  	v1 =	vand.u32 $0xFFFF, v0  }
0x7d: {  	v0 =	vshrl.u32 v0, $0x10;
	[tilespmem:$0x2920] =	vst v1  }
0x7e: {  	[tilespmem:$0x29A0] =	vst v0  }
0x7f: {  	v0 =	vld [tilespmem:s22+$0xFFFFFFC0];
	_ =	sdelay $0x4  }
0x80: {  	v1 =	vand.u32 $0xFFFF, v0  }
0x81: {  	v0 =	vshrl.u32 v0, $0x10;
	[tilespmem:$0x2930] =	vst v1  }
0x82: {  	[tilespmem:$0x29B0] =	vst v0  }
0x83: {  	v0 =	vld [tilespmem:s22+$0xFFFFFFD0];
	_ =	sdelay $0x4  }
0x84: {  	v1 =	vand.u32 $0xFFFF, v0  }
0x85: {  	v0 =	vshrl.u32 v0, $0x10;
	[tilespmem:$0x2940] =	vst v1  }
0x86: {  	[tilespmem:$0x29C0] =	vst v0  }
0x87: {  	v0 =	vld [tilespmem:s22+$0xFFFFFFE0];
	_ =	sdelay $0x4  }
0x88: {  	v1 =	vand.u32 $0xFFFF, v0  }
0x89: {  	v0 =	vshrl.u32 v0, $0x10;
	[tilespmem:$0x2950] =	vst v1  }
0x8a: {  	[tilespmem:$0x29D0] =	vst v0  }
0x8b: {  	v0 =	vld [tilespmem:s22+$0xFFFFFFF0];
	_ =	sdelay $0x4  }
0x8c: {  	v1 =	vand.u32 $0xFFFF, v0  }
0x8d: {  	s23 =	simm.s32 $0xBC0;
	v0 =	vshrl.u32 v0, $0x10;
	[tilespmem:$0x2960] =	vst v1  }
.LBB2_2:
0x8e: {  	p0 =	sne.s32 s23, $0x9FC0;
	[tilespmem:$0x29E0] =	vst v0;
	s24 =	smov.u32 s23;
	s23 =	sadd.s32 $0x400, s23  }
0x8f: {  	v0 =	vld [tilespmem:s22+$0x0];
	_ =	sdelay $0x4  }
0x90: {  	v1 =	vand.u32 $0xFFFF, v0;
	v0 =	vshrl.u32 v0, $0x10  }
0x91: {  	[tilespmem:$0x2970] =	vst v1  }
0x92: {  	[tilespmem:$0x29F0] =	vst v0  }
0x93: {  	[tilespmem:s16], [sflag:$0x2] =	stream.indirect.gather [hbm4b:s4+s12], $0x80, s15, s12, $0xb8;
	[tilespmem:$0x1E600] =	vst v63  }
0x94: {  	_ =	swait.ge [sflag:s17], $0x4000  }
0x95: {  	[sflag:s17] =	ssyncset.done $0x0  }
0x96: {  	[sflag:s17] =	ssyncadd.s32 $0xFFFFC000  }
0x97: {  	[spmem:s1] =	stream.indirect.scatter.add.f32 [tilespmem:s14], [sflag:$0x3], $0x80, s18, s12, $0xb8;
	[tilespmem:$0x1E600] =	vst v63  }
0x98: {  	_ =	swait.ge [sflag:s9], $0x4000  }
0x99: {  	[sflag:s9] =	ssyncset.done $0x0  }
0x9a: {  	s22 =	sshra.s32 s24, $0x2;
	[sflag:s9] =	ssyncadd.s32 $0xFFFFC000  }
0x9b: {  	v0 =	vld [tilespmem:s22+$0xFFFFFF10];
	_ =	sdelay $0x4  }
0x9c: {  	v1 =	vand.u32 $0xFFFF, v0;
	v0 =	vshrl.u32 v0, $0x10  }
0x9d: {  	[tilespmem:$0x2800] =	vst v1  }
0x9e: {  	[tilespmem:$0x2880] =	vst v0  }
0x9f: {  	v0 =	vld [tilespmem:s22+$0xFFFFFF20];
	_ =	sdelay $0x4  }
0xa0: {  	v1 =	vand.u32 $0xFFFF, v0;
	v0 =	vshrl.u32 v0, $0x10  }
0xa1: {  	[tilespmem:$0x2810] =	vst v1  }
0xa2: {  	[tilespmem:$0x2890] =	vst v0  }
0xa3: {  	v0 =	vld [tilespmem:s22+$0xFFFFFF30];
	_ =	sdelay $0x4  }
0xa4: {  	v1 =	vand.u32 $0xFFFF, v0;
	v0 =	vshrl.u32 v0, $0x10  }
0xa5: {  	[tilespmem:$0x2820] =	vst v1  }
0xa6: {  	[tilespmem:$0x28A0] =	vst v0  }
0xa7: {  	v0 =	vld [tilespmem:s22+$0xFFFFFF40];
	_ =	sdelay $0x4  }
0xa8: {  	v1 =	vand.u32 $0xFFFF, v0;
	v0 =	vshrl.u32 v0, $0x10  }
0xa9: {  	[tilespmem:$0x2830] =	vst v1  }
0xaa: {  	[tilespmem:$0x28B0] =	vst v0  }
0xab: {  	v0 =	vld [tilespmem:s22+$0xFFFFFF50];
	_ =	sdelay $0x4  }
0xac: {  	v1 =	vand.u32 $0xFFFF, v0;
	v0 =	vshrl.u32 v0, $0x10  }
0xad: {  	[tilespmem:$0x2840] =	vst v1  }
0xae: {  	[tilespmem:$0x28C0] =	vst v0  }
0xaf: {  	v0 =	vld [tilespmem:s22+$0xFFFFFF60];
	_ =	sdelay $0x4  }
0xb0: {  	v1 =	vand.u32 $0xFFFF, v0;
	v0 =	vshrl.u32 v0, $0x10  }
0xb1: {  	[tilespmem:$0x2850] =	vst v1  }
0xb2: {  	[tilespmem:$0x28D0] =	vst v0  }
0xb3: {  	v0 =	vld [tilespmem:s22+$0xFFFFFF70];
	_ =	sdelay $0x4  }
0xb4: {  	v1 =	vand.u32 $0xFFFF, v0;
	v0 =	vshrl.u32 v0, $0x10  }
0xb5: {  	[tilespmem:$0x2860] =	vst v1  }
0xb6: {  	[tilespmem:$0x28E0] =	vst v0  }
0xb7: {  	v0 =	vld [tilespmem:s22+$0xFFFFFF80];
	_ =	sdelay $0x4  }
0xb8: {  	v1 =	vand.u32 $0xFFFF, v0;
	v0 =	vshrl.u32 v0, $0x10  }
0xb9: {  	[tilespmem:$0x2870] =	vst v1  }
0xba: {  	[tilespmem:$0x28F0] =	vst v0  }
0xbb: {  	[tilespmem:s14], [sflag:$0x1] =	stream.indirect.gather [hbm4b:s4+s12], $0x80, s13, s12, $0xb8;
	[tilespmem:$0x1E600] =	vst v63  }
0xbc: {  	_ =	swait.ge [sflag:s19], $0x4000  }
0xbd: {  	[sflag:s19] =	ssyncset.done $0x0  }
0xbe: {  	[sflag:s19] =	ssyncadd.s32 $0xFFFFC000  }
0xbf: {  	[spmem:s1] =	stream.indirect.scatter.add.f32 [tilespmem:s16], [sflag:$0x3], $0x80, s20, s12, $0xb8;
	[tilespmem:$0x1E600] =	vst v63  }
0xc0: {  	_ =	swait.ge [sflag:s9], $0x4000  }
0xc1: {  	[sflag:s9] =	ssyncset.done $0x0  }
0xc2: {  	[sflag:s9] =	ssyncadd.s32 $0xFFFFC000  }
0xc3: {  	v0 =	vld [tilespmem:s22+$0xFFFFFF90];
	_ =	sdelay $0x4  }
0xc4: {  	v1 =	vand.u32 $0xFFFF, v0;
	v0 =	vshrl.u32 v0, $0x10  }
0xc5: {  	[tilespmem:$0x2900] =	vst v1  }
0xc6: {  	[tilespmem:$0x2980] =	vst v0  }
0xc7: {  	v0 =	vld [tilespmem:s22+$0xFFFFFFA0];
	_ =	sdelay $0x4  }
0xc8: {  	v1 =	vand.u32 $0xFFFF, v0;
	v0 =	vshrl.u32 v0, $0x10  }
0xc9: {  	[tilespmem:$0x2910] =	vst v1  }
0xca: {  	[tilespmem:$0x2990] =	vst v0  }
0xcb: {  	v0 =	vld [tilespmem:s22+$0xFFFFFFB0];
	_ =	sdelay $0x4  }
0xcc: {  	v1 =	vand.u32 $0xFFFF, v0;
	v0 =	vshrl.u32 v0, $0x10  }
0xcd: {  	[tilespmem:$0x2920] =	vst v1  }
0xce: {  	[tilespmem:$0x29A0] =	vst v0  }
0xcf: {  	v0 =	vld [tilespmem:s22+$0xFFFFFFC0];
	_ =	sdelay $0x4  }
0xd0: {  	v1 =	vand.u32 $0xFFFF, v0;
	v0 =	vshrl.u32 v0, $0x10  }
0xd1: {  	[tilespmem:$0x2930] =	vst v1  }
0xd2: {  	[tilespmem:$0x29B0] =	vst v0  }
0xd3: {  	v0 =	vld [tilespmem:s22+$0xFFFFFFD0];
	_ =	sdelay $0x4  }
0xd4: {  	v1 =	vand.u32 $0xFFFF, v0;
	v0 =	vshrl.u32 v0, $0x10  }
0xd5: {  	[tilespmem:$0x2940] =	vst v1  }
0xd6: {  	[tilespmem:$0x29C0] =	vst v0  }
0xd7: {  	v0 =	vld [tilespmem:s22+$0xFFFFFFE0];
	_ =	sdelay $0x4  }
0xd8: {  	v1 =	vand.u32 $0xFFFF, v0;
	v0 =	vshrl.u32 v0, $0x10  }
0xd9: {  	[tilespmem:$0x2950] =	vst v1  }
0xda: {  	[tilespmem:$0x29D0] =	vst v0  }
0xdb: {  	v0 =	vld [tilespmem:s22+$0xFFFFFFF0];
	_ =	sdelay $0x1  }
.Ltmp0:
0xdc: {  	(pc) =	sbr.rel @p0 .LBB2_2-.Ltmp0, $3  }
0xdd: {  	_ =	sdelay $0x1  }
0xde: {  	v1 =	vand.u32 $0xFFFF, v0;
	v0 =	vshrl.u32 v0, $0x10  }
0xdf: {  	[tilespmem:$0x2960] =	vst v1  }
0xe0: {  	[tilespmem:$0x29E0] =	vst v0  }
0xe1: {  	v0 =	vld [tilespmem:s22+$0x0];
	_ =	sdelay $0x4  }
0xe2: {  	v1 =	vand.u32 $0xFFFF, v0  }
0xe3: {  	v0 =	vshrl.u32 v0, $0x10;
	[tilespmem:$0x2970] =	vst v1  }
0xe4: {  	[tilespmem:$0x29F0] =	vst v0  }
0xe5: {  	[tilespmem:s16], [sflag:$0x2] =	stream.indirect.gather [hbm4b:s4+s12], $0x80, s15, s12, $0xb8;
	[tilespmem:$0x1E600] =	vst v63  }
0xe6: {  	_ =	swait.ge [sflag:s17], $0x4000  }
0xe7: {  	[sflag:s17] =	ssyncset.done $0x0  }
0xe8: {  	[sflag:s17] =	ssyncadd.s32 $0xFFFFC000  }
0xe9: {  	[spmem:s1] =	stream.indirect.scatter.add.f32 [tilespmem:s14], [sflag:$0x3], $0x80, s18, s12, $0xb8;
	[tilespmem:$0x1E600] =	vst v63  }
0xea: {  	_ =	swait.ge [sflag:s9], $0x4000  }
0xeb: {  	[sflag:s9] =	ssyncset.done $0x0  }
0xec: {  	[sflag:s9] =	ssyncadd.s32 $0xFFFFC000  }
0xed: {  	_ =	swait.ge [sflag:s19], $0x4000  }
0xee: {  	[sflag:s19] =	ssyncset.done $0x0  }
0xef: {  	[sflag:s19] =	ssyncadd.s32 $0xFFFFC000  }
0xf0: {  	[spmem:s1] =	stream.indirect.scatter.add.f32 [tilespmem:s16], [sflag:$0x3], $0x80, s20, s12, $0xb8;
	[tilespmem:$0x1E600] =	vst v63  }
0xf1: {  	_ =	swait.ge [sflag:s9], $0x4000  }
0xf2: {  	s21 =	sadd.s32 $0x1, s21;
	[sflag:s9] =	ssyncset.done $0x0  }
0xf3: {  	p0 =	sne.s32 s21, s8;
	[sflag:s9] =	ssyncadd.s32 $0xFFFFC000  }
.Ltmp1:
0xf4: {  	[bflag:$0x0] =	sbarrier.arrive $0xFFFF;
	(pc) =	sbr.rel @p0 .LBB2_1-.Ltmp1, $4  }
0xf5: {  	[hbm:s7], [sflag:s10] =	dma.local [spmem:s11], $0x2780  }
0xf6: {  	_ =	swait.ge [sflag:s9], $0x2780  }
0xf7: {  	[sflag:s9] =	ssyncset.done $0x0  }
0xf8: {  	[sflag:s9] =	ssyncadd.s32 $0xFFFFD880  }
0xf9: {  	_ =	sfence.sel $0x180000  }
0xfa: {  	[bflag:$0x0] =	sbarrier.arrive $0xFFFF  }
0xfb: {  	p0 =	sne.s32 s2, $0x0;
	_ =	strace $0x9000004A  }
0xfc: {  	s0 =	sadd.s32 @!p0 $0x100000, s0;
	[bflag:$0x2] =	sbarrier.arrive $0xFFFF  }
0xfd: {  	[sflag:s0] =	ssyncadd.tile.s32 @!p0 $0x1;
	_ =	shalt  }
.Lfunc_end2:
_tile_overlayer_lowered:
.L_overlay_start_2:
0xfe: {  	(tag) =	ssettag $0x2  }
0xff: {  	s0 =	rddreg [dreg:$0x0];
	s2 =	stileid.u32  }
0x100: {  	s1 =	rddreg [dreg:$0x1];
	p0 =	sne.s32 s2, $0x0  }
0x101: {  	s3 =	rddreg [dreg:$0x2];
	[bflag:$0x3] =	sbarrier.arrive $0xFFFF;
	s2 =	simm.s32 @!p0 $0x1C03  }
0x102: {  	[timem:s3], [sflag:s2] =	dma.local @!p0 [hbm:s0], s1  }
0x103: {  	s0 =	simm.s32 @!p0 $0x3  }
0x104: {  	_ =	swait.ge @!p0 [sflag:s0], s1  }
0x105: {  	s1 =	ssub.s32 @!p0 $0x0, s1;
	[sflag:s0] =	ssyncset.done @!p0 $0x0  }
0x106: {  	[sflag:s0] =	ssyncadd.s32 @!p0 s1  }
0x107: {  	[bflag:$0x3] =	sbarrier.arrive $0xFFFF  }
0x108: {  	_ =	shalt  }

// kernel: kernel.19.cloned.1.call-start
scs
__scs_entry_jumppad:
0x0: {  	(pc) =	sbr.rel $0x88, $3  }
0x1: {  	(tag) =	ssettag $0x0;
	lr =	simm.s32 $0x1  }
0x2: {  	[smem:$0x3F8F] =	sst lr;
	_ =	strace $0xD0000000  }
0x3: {  	_ = 	snop  }
0x4: {  	_ = 	snop  }
0x5: {  	_ = 	snop  }
0x6: {  	_ = 	snop  }
0x7: {  	_ = 	snop  }
__scs_overlays_trampoline_lowered:
0x8: {  	[smem:$0x3F9E] =	sst s0  }
0x9: {  	[smem:$0x3F9F] =	sst s1  }
0xa: {  	[smem:$0x3FA0] =	sst s2  }
0xb: {  	[smem:$0x3FA1] =	sst s3  }
0xc: {  	[smem:$0x3FA2] =	sst s4  }
0xd: {  	[smem:$0x3FA3] =	sst s5  }
0xe: {  	[smem:$0x3FA4] =	sst s6  }
0xf: {  	[smem:$0x3FA5] =	sst s7  }
0x10: {  	[smem:$0x3FA6] =	sst s8  }
0x11: {  	[smem:$0x3FA7] =	sst s9;
	s0 =	simm.s32 @!p0 $0x0  }
0x12: {  	s1 =	sld [smem:$0x3F8D];
	s0 =	simm.s32 @p0 $0x1  }
0x13: {  	[smem:$0x3FA8] =	sst s0;
	s0 =	simm.s32 @!p1 $0x0  }
0x14: {  	s2 =	sld [smem:$0x3F8C];
	s0 =	simm.s32 @p1 $0x1  }
0x15: {  	[smem:$0x3FA9] =	sst s0;
	s0 =	simm.s32 @!p2 $0x0  }
0x16: {  	s3 =	sld [smem:$0x3FDB];
	s0 =	simm.s32 @p2 $0x1  }
0x17: {  	s4 =	simm.s32 $0x1BF5;
	[smem:$0x3FAB] =	sst s0  }
0x18: {  	s0 =	sld [smem:$0x3F8E];
	_ =	swait.ge [sflag:s4], $0x0  }
0x19: {  	s7 =	sld [smem:$0x3F8F]  }
0x1a: {  	s8 =	sadd.s32 $0xFFFFE003, lr  }
0x1b: {  	s9 =	sadd.s32 $0xFFFFFEF7, lr;
	s5 =	simm.s32 $0xFFFFFFFF;
	p2 =	slt.u32 s8, $0xFFFFF086  }
0x1c: {  	p1 =	slt.u32 s9, $0xF7A;
	s5 =	simm.s32 @!p2 $0x0  }
0x1d: {  	s5 =	simm.s32 @p1 $0x1;
	p0 =	seq.s32 s7, s2  }
0x1e: {  	s7 =	smul.u32 @!p0 $0xF7A, s2;
	p2 =	seq.s32 @!p0 s5, $0x0  }
0x1f: {  	s9 =	smul.u32 $0xF7A, s1;
	s8 =	simm.s32 @!p0 $0x1BF5;
	p2 =	por !p2, p0  }
0x20: {  	[sflag:s8] =	ssyncset.s32 @!p0 $0xFFFFF086;
	s6 =	sadd.s32 @!p0 s3, s7;
	s7 =	simm.s32 @!p0 $0x108  }
0x21: {  	s3 =	sadd.s32 s3, s9;
	s6 =	sadd.s32 @!p0 $0x88, s6;
	s7 =	simm.s32 @p2 $0x1082  }
0x22: {  	[simem:s7], [sflag:s8] =	dma.local @!p0 [hbm:s6], $0xF7A  }
0x23: {  	s9 =	sor.u32 $0xD0000000, s2;
	s6 =	simm.s32 $0x108;
	_ =	swait.ge @!p0 [sflag:s8], $0x0  }
0x24: {  	s3 =	sadd.s32 $0x88, s3;
	s6 =	simm.s32 @!p1 $0x1082;
	[sflag:s4] =	ssyncset.s32 $0xFFFFF086  }
0x25: {  	[simem:s6], [sflag:s4] =	dma.local [hbm:s3], $0xF7A  }
0x26: {  	[smem:$0x3F8F] =	sst s1;
	(tag) =	ssettag s2;
	_ =	strace s9  }
0x27: {  	s1 =	sld [smem:$0x3F9F]  }
0x28: {  	s2 =	sld [smem:$0x3FA0]  }
0x29: {  	s4 =	sld [smem:$0x3FA2]  }
0x2a: {  	p0 =	seq.s32 s5, $0x0;
	s5 =	sld [smem:$0x3FA3]  }
0x2b: {  	s6 =	sld [smem:$0x3FA4]  }
0x2c: {  	s7 =	sld [smem:$0x3FA5]  }
0x2d: {  	s3 =	simm.s32 $0x108;
	s8 =	sld [smem:$0x3FA6]  }
0x2e: {  	s3 =	simm.s32 @!p0 $0x1082;
	s9 =	sld [smem:$0x3FA7]  }
0x2f: {  	lr =	sadd.s32 s0, s3;
	s0 =	sld [smem:$0x3F9E]  }
0x30: {  	s3 =	sld [smem:$0x3FA1]  }
0x31: {  	[smem:$0x3FAA] =	sst s10  }
0x32: {  	s10 =	sld [smem:$0x3FA8];
	_ =	sdelay $0x3  }
0x33: {  	p0 =	seq.s32 s10, $0x1;
	s10 =	sld [smem:$0x3FAA];
	_ =	sdelay $0x3  }
0x34: {  	[smem:$0x3FAA] =	sst s10  }
0x35: {  	s10 =	sld [smem:$0x3FA9];
	_ =	sdelay $0x3  }
0x36: {  	p1 =	seq.s32 s10, $0x1;
	s10 =	sld [smem:$0x3FAA];
	_ =	sdelay $0x3  }
0x37: {  	[smem:$0x3FAA] =	sst s10  }
0x38: {  	s10 =	sld [smem:$0x3FAB]  }
0x39: {  	_ = 	snop;
	(pc) =	sbr.ind lr, $3  }
0x3a: {  	_ = 	snop  }
0x3b: {  	_ = 	snop  }
0x3c: {  	p2 =	seq.s32 s10, $0x1;
	s10 =	sld [smem:$0x3FAA]  }
0x3d: {  	_ =	shalt  }
0x3e: {  	_ =	shalt  }
0x3f: {  	_ =	shalt  }
0x40: {  	_ =	shalt  }
0x41: {  	_ =	shalt  }
0x42: {  	_ =	shalt  }
0x43: {  	_ =	shalt  }
0x44: {  	_ =	shalt  }
0x45: {  	_ =	shalt  }
0x46: {  	_ =	shalt  }
0x47: {  	_ =	shalt  }
0x48: {  	_ =	shalt  }
0x49: {  	_ =	shalt  }
0x4a: {  	_ =	shalt  }
0x4b: {  	_ =	shalt  }
0x4c: {  	_ =	shalt  }
0x4d: {  	_ =	shalt  }
0x4e: {  	_ =	shalt  }
0x4f: {  	_ =	shalt  }
0x50: {  	_ =	shalt  }
0x51: {  	_ =	shalt  }
0x52: {  	_ =	shalt  }
0x53: {  	_ =	shalt  }
0x54: {  	_ =	shalt  }
0x55: {  	_ =	shalt  }
0x56: {  	_ =	shalt  }
0x57: {  	_ =	shalt  }
0x58: {  	_ =	shalt  }
0x59: {  	_ =	shalt  }
0x5a: {  	_ =	shalt  }
0x5b: {  	_ =	shalt  }
0x5c: {  	_ =	shalt  }
0x5d: {  	_ =	shalt  }
0x5e: {  	_ =	shalt  }
0x5f: {  	_ =	shalt  }
0x60: {  	_ =	shalt  }
0x61: {  	_ =	shalt  }
0x62: {  	_ =	shalt  }
0x63: {  	_ =	shalt  }
0x64: {  	_ =	shalt  }
0x65: {  	_ =	shalt  }
0x66: {  	_ =	shalt  }
0x67: {  	_ =	shalt  }
0x68: {  	_ =	shalt  }
0x69: {  	_ =	shalt  }
0x6a: {  	_ =	shalt  }
0x6b: {  	_ =	shalt  }
0x6c: {  	_ =	shalt  }
0x6d: {  	_ =	shalt  }
0x6e: {  	_ =	shalt  }
0x6f: {  	_ =	shalt  }
0x70: {  	_ =	shalt  }
0x71: {  	_ =	shalt  }
0x72: {  	_ =	shalt  }
0x73: {  	_ =	shalt  }
0x74: {  	_ =	shalt  }
0x75: {  	_ =	shalt  }
0x76: {  	_ =	shalt  }
0x77: {  	_ =	shalt  }
0x78: {  	_ =	shalt  }
0x79: {  	_ =	shalt  }
0x7a: {  	_ =	shalt  }
0x7b: {  	_ =	shalt  }
0x7c: {  	_ =	shalt  }
0x7d: {  	_ =	shalt  }
0x7e: {  	_ =	shalt  }
0x7f: {  	_ =	shalt  }
0x80: {  	_ =	shalt  }
0x81: {  	_ =	shalt  }
0x82: {  	_ =	shalt  }
0x83: {  	_ =	shalt  }
0x84: {  	_ =	shalt  }
0x85: {  	_ =	shalt  }
0x86: {  	_ =	shalt  }
0x87: {  	_ =	shalt  }
.Lfunc_end0:
.L_simem_size_0:
called_computation.2_lowered:
.L_overlay_start_0:
0x88: {  	s2 =	sld [smem:$0x3FD9]  }
0x89: {  	s3 =	sld [smem:$0x3FFE];
	_ =	sdelay $0x1  }
0x8a: {  	s1 =	srdreg.scid  }
0x8b: {  	s0 =	sand.u32 $0x1, s1  }
0x8c: {  	s14 =	sshll.u32 s0, $0xA;
	s2 =	sadd.s32 s3, s2  }
0x8d: {  	s2 =	sadd.s32 s2, s14  }
0x8e: {  	[smem:$0x3FB6] =	sst s2  }
0x8f: {  	_ = 	snop  }
0x90: {  	s2 =	sld [smem:$0x3FD0];
	_ =	sdelay $0x2  }
0x91: {  	s15 =	simm.s32 $0xA;
	s4 =	simm.s32 $0x10  }
0x92: {  	[smem:s4], [sflag:s15] =	dma.local [hbm:s2], $0x1  }
0x93: {  	_ =	swait.eq [sflag:s15], $0x1  }
0x94: {  	[sflag:s15] =	ssyncset.done $0x0  }
0x95: {  	[sflag:s15] =	ssyncadd.s32 $0xFFFFFFFF  }
0x96: {  	s16 =	sld [smem:$0x12];
	(tm) =	ssettm $0x1  }
0x97: {  	s17 =	sld [smem:$0x3FFB];
	_ =	sdelay $0x3  }
0x98: {  	_ =	strace s17  }
0x99: {  	s3 =	sld [smem:$0x3FFC];
	_ =	sdelay $0x3  }
0x9a: {  	_ =	strace s3  }
0x9b: {  	s3 =	sld [smem:$0x3FFD];
	_ =	sdelay $0x3  }
0x9c: {  	_ =	strace s3  }
0x9d: {  	_ =	strace $0x8FFFFFFF  }
0x9e: {  	s18 =	sld [smem:$0x3FDB];
	_ =	sdelay $0x1  }
0x9f: {  	s19 =	simm.s32 $_scs_section_size  }
0xa0: {  	s5 =	simm.s32 $_size__tile_overlayer_lowered;
	s6 =	simm.s32 $_tile_overlayer_lowered  }
0xa1: {  	s22 =	simm.s32 $0x1BFF;
	s21 =	sshll.u32 s6, $0x1;
	s3 =	sadd.s32 s19, s18  }
0xa2: {  	s7 =	simm.s32 $0x0;
	s20 =	sshll.u32 s5, $0x1;
	s5 =	sadd.s32 s21, s3  }
0xa3: {  	[timem:s7], [sflag:s22] =	dma.local [hbm:s5], s20  }
0xa4: {  	_ =	swait.ge [sflag:s22], s20  }
0xa5: {  	s4 =	ssub.s32 $0x0, s20;
	[sflag:s22] =	ssyncset.done $0x0  }
0xa6: {  	[sflag:s22] =	ssyncadd.s32 s4;
	_ =	sdelay $0x1  }
0xa7: {  	s23 =	simm.s32 $0x1B8B  }
0xa8: {  	_ =	swait.ge [sflag:s23], $0x1  }
0xa9: {  	[sflag:s23] =	ssyncset.done $0x0  }
0xaa: {  	s25 =	simm.s32 $0x1B8E;
	s24 =	sld [smem:$0x3FFE];
	[sflag:s23] =	ssyncadd.s32 $0xFFFFFFFF  }
0xab: {  	s26 =	simm.s32 $execute0_lowered;
	[smem:$0x3FD2] =	sst s25  }
0xac: {  	s5 =	sshll.u32 s26, $0x1;
	_ =	strace $0x8000004C;
	[dreg:$0x1] =	wrdreg $0xFFFFFFFF  }
0xad: {  	s28 =	simm.s32 $_size_execute0_lowered;
	s3 =	sadd.s32 s3, s5;
	[dreg:$0x0] =	wrdreg $0x0  }
0xae: {  	s5 =	sshll.u32 s28, $0x1;
	[dreg:$0x2] =	wrdreg s3  }
0xaf: {  	[dreg:$0x3] =	wrdreg s5  }
0xb0: {  	[dreg:$0x4] =	wrdreg $0xC0  }
0xb1: {  	_ =	task [dreg:s7], $0x5FFFF  }
0xb2: {  	[dreg:$0x1] =	wrdreg $0xFFFFFFFF  }
0xb3: {  	[dreg:$0x0] =	wrdreg $0x60  }
0xb4: {  	[dreg:$0x2] =	wrdreg s16  }
0xb5: {  	[dreg:$0x3] =	wrdreg s24  }
0xb6: {  	[dreg:$0x4] =	wrdreg $0xAA000  }
0xb7: {  	[dreg:$0x5] =	wrdreg $0x9  }
0xb8: {  	_ =	task.clear_ibuf [dreg:s7], $0x6FFFF;
	_ =	strace $0x9000004C  }
0xb9: {  	s29 =	simm.s32 $0x9;
	_ =	strace $0x8000004E  }
0xba: {  	_ =	swait.ge [sflag:s29], $0x1  }
0xbb: {  	[sflag:s29] =	ssyncadd.s32 $0xFFFFFFFF  }
0xbc: {  	_ =	strace $0x9000004E  }
0xbd: {  	_ =	sfence  }
0xbe: {  	s30 =	sld [smem:$0x0];
	_ =	sdelay $0x2  }
0xbf: {  	s31 =	sshll.u32 s1, $0xD;
	s1 =	sshrl.u32 s1, $0x2  }
0xc0: {  	s3 =	sand.u32 $0x4000, s31;
	s1 =	sadd.s32 s1, s30  }
0xc1: {  	s0 =	sor.u32 s3, s0;
	s1 =	sshll.u32 s1, $0x11  }
0xc2: {  	s0 =	sor.u32 s1, s0  }
0xc3: {  	s0 =	sadd.s32 $0x8F2B, s0  }
0xc4: {  	[sflag:s0] =	ssyncadd.remote.s32 $0x1  }
0xc5: {  	_ =	sfence.sel $0xFFFF  }
0xc6: {  	[dreg:$0x0] =	wrdreg $0xFFFFFFFF;
	(pc) =	sbr.abs _section_cstart, $3  }
0xc7: {  	[dreg:$0x1] =	wrdreg $0xFFFFFFFF  }
0xc8: {  	_ =	task.clear_ibuf [dreg:s7], $0x2FFFF;
	_ =	strace $0x9FFFFFFF  }
0xc9: {  	(tm) =	ssettm $0x7FFFFFFF  }
tec
execute0_lowered:
.L_overlay_start_1:
0x0: {  	(tag) =	ssettag $0x1  }
0x1: {  	s6 =	rddreg [dreg:$0x0]  }
0x2: {  	s7 =	rddreg [dreg:$0x1]  }
0x3: {  	s1 =	rddreg [dreg:$0x2];
	s2 =	srdreg.scid  }
0x4: {  	s0 =	rddreg [dreg:$0x3];
	s3 =	simm.s32 $0x0;
	s13 =	simm.s32 $0x2800  }
0x5: {  	s14 =	simm.s32 $0x2A00;
	s15 =	simm.s32 $0x2900;
	s16 =	simm.s32 $0x6A00  }
0x6: {  	s17 =	simm.s32 $0x1;
	s18 =	simm.s32 $0x2880;
	s19 =	simm.s32 $0x2  }
0x7: {  	s20 =	simm.s32 $0x2980;
	s8 =	sand.u32 $0x1, s2;
	s2 =	stileid.u32  }
0x8: {  	s21 =	simm.s32 $0x0;
	[smem:$0x7FF] =	sst s3;
	s9 =	smul.u32 $0x13C000, s8  }
0x9: {  	s4 =	sadd.s32 $0x3200, s7;
	s5 =	sadd.s32 $0x2AA00, s7;
	s10 =	smul.u32 $0x13C00, s2  }
0xa: {  	_ =	strace $0x8000004D;
	s29 =	sshll.u32 s8, $0x4;
	s8 =	ssub.s32 $0x2, s8  }
0xb: {  	s11 =	smul.u32 $0x4F000, s2;
	s31 =	sshll.u32 s2, $0x6;
	s12 =	sshrl.u32 s8, $0x1  }
0xc: {  	s9 =	sadd.s32 s10, s9;
	s10 =	sor.u32 s2, s29;
	s8 =	ssub.s32 s8, s12  }
0xd: {  	s30 =	sshrl.u32 s11, $0x2;
	s12 =	simm.s32 $0x80;
	s9 =	sshrl.u32 s9, $0x3  }
0xe: {  	s10 =	smul.u32 $0x500, s10;
	s11 =	sadd.s32 s30, s1;
	s8 =	smax.u32 s8, $0x1  }
0xf: {  	s7 =	sadd.s32 s9, s7;
	s9 =	simm.s32 $0x3;
	s11 =	sshrl.u32 s11, $0x3  }
0x10: {  	s6 =	sadd.s32 s6, s10;
	s7 =	sadd.s32 $0x2D200, s7;
	s10 =	sor.u32 $0x1C03, s31  }
.LBB2_1:
0x11: {  	[tilespmem:s3], [sflag:$0x3] =	stream.linear.gather [hbm4b:s6+s3], $0x2800, $0x38;
	[tilespmem:$0x1E600] =	vst v63  }
0x12: {  	_ =	swait.ge [sflag:s9], $0x2800  }
0x13: {  	[sflag:s9] =	ssyncset.done $0x0  }
0x14: {  	[sflag:s9] =	ssyncadd.s32 $0xFFFFD800  }
0x15: {  	[spmem:s11], [sflag:s10] =	dma.local [hbm:s5], $0x2780  }
0x16: {  	_ =	swait.ge [sflag:s9], $0x2780  }
0x17: {  	[sflag:s9] =	ssyncset.done $0x0  }
0x18: {  	[sflag:s9] =	ssyncadd.s32 $0xFFFFD880  }
0x19: {  	[bflag:$0x0] =	sbarrier.arrive $0xFFFF  }
0x1a: {  	v0 =	vld [tilespmem:$0x0];
	_ =	sdelay $0x1  }
0x1b: {  	v1 =	vld [tilespmem:$0x10];
	_ =	sdelay $0x1  }
0x1c: {  	v2 =	vld [tilespmem:$0x20]  }
0x1d: {  	v3 =	vand.u32 $0xFFFF, v0  }
0x1e: {  	v0 =	vshrl.u32 v0, $0x10;
	[tilespmem:$0x2800] =	vst v3;
	v3 =	vld [tilespmem:$0x30]  }
0x1f: {  	[tilespmem:$0x2880] =	vst v0;
	v0 =	vand.u32 $0xFFFF, v1  }
0x20: {  	[tilespmem:$0x2810] =	vst v0;
	v0 =	vshrl.u32 v1, $0x10;
	v1 =	vld [tilespmem:$0x40]  }
0x21: {  	[tilespmem:$0x2890] =	vst v0;
	v0 =	vand.u32 $0xFFFF, v2  }
0x22: {  	[tilespmem:$0x2820] =	vst v0;
	v0 =	vshrl.u32 v2, $0x10;
	v2 =	vld [tilespmem:$0x50]  }
0x23: {  	[tilespmem:$0x28A0] =	vst v0;
	v0 =	vand.u32 $0xFFFF, v3  }
0x24: {  	[tilespmem:$0x2830] =	vst v0;
	v0 =	vshrl.u32 v3, $0x10;
	v3 =	vld [tilespmem:$0x60]  }
0x25: {  	[tilespmem:$0x28B0] =	vst v0;
	v0 =	vand.u32 $0xFFFF, v1  }
0x26: {  	[tilespmem:$0x2840] =	vst v0;
	v0 =	vshrl.u32 v1, $0x10;
	v1 =	vld [tilespmem:$0x70]  }
0x27: {  	[tilespmem:$0x28C0] =	vst v0;
	v0 =	vand.u32 $0xFFFF, v2  }
0x28: {  	[tilespmem:$0x2850] =	vst v0;
	v0 =	vshrl.u32 v2, $0x10  }
0x29: {  	[tilespmem:$0x28D0] =	vst v0;
	v0 =	vand.u32 $0xFFFF, v3  }
0x2a: {  	[tilespmem:$0x2860] =	vst v0;
	v0 =	vshrl.u32 v3, $0x10  }
0x2b: {  	[tilespmem:$0x28E0] =	vst v0;
	v0 =	vand.u32 $0xFFFF, v1  }
0x2c: {  	[tilespmem:$0x2870] =	vst v0;
	v0 =	vshrl.u32 v1, $0x10  }
0x2d: {  	[tilespmem:$0x28F0] =	vst v0  }
0x2e: {  	[tilespmem:s14], [sflag:$0x1] =	stream.indirect.gather [hbm4b:s4+s12], $0x80, s13, s12, $0xb8;
	[tilespmem:$0x1E600] =	vst v63  }
0x2f: {  	v0 =	vld [tilespmem:$0x80];
	_ =	sdelay $0x1  }
0x30: {  	v1 =	vld [tilespmem:$0x90];
	_ =	sdelay $0x1  }
0x31: {  	v2 =	vld [tilespmem:$0xA0]  }
0x32: {  	v3 =	vand.u32 $0xFFFF, v0  }
0x33: {  	v0 =	vshrl.u32 v0, $0x10;
	[tilespmem:$0x2900] =	vst v3;
	v3 =	vld [tilespmem:$0xB0]  }
0x34: {  	[tilespmem:$0x2980] =	vst v0;
	v0 =	vand.u32 $0xFFFF, v1  }
0x35: {  	[tilespmem:$0x2910] =	vst v0;
	v0 =	vshrl.u32 v1, $0x10;
	v1 =	vld [tilespmem:$0xC0]  }
0x36: {  	[tilespmem:$0x2990] =	vst v0;
	v0 =	vand.u32 $0xFFFF, v2  }
0x37: {  	[tilespmem:$0x2920] =	vst v0;
	v0 =	vshrl.u32 v2, $0x10;
	v2 =	vld [tilespmem:$0xD0]  }
0x38: {  	[tilespmem:$0x29A0] =	vst v0;
	v0 =	vand.u32 $0xFFFF, v3  }
0x39: {  	[tilespmem:$0x2930] =	vst v0;
	v0 =	vshrl.u32 v3, $0x10;
	v3 =	vld [tilespmem:$0xE0]  }
0x3a: {  	[tilespmem:$0x29B0] =	vst v0;
	v0 =	vand.u32 $0xFFFF, v1  }
0x3b: {  	[tilespmem:$0x2940] =	vst v0;
	v0 =	vshrl.u32 v1, $0x10;
	v1 =	vld [tilespmem:$0xF0]  }
0x3c: {  	[tilespmem:$0x29C0] =	vst v0;
	v0 =	vand.u32 $0xFFFF, v2  }
0x3d: {  	[tilespmem:$0x2950] =	vst v0;
	v0 =	vshrl.u32 v2, $0x10  }
0x3e: {  	[tilespmem:$0x29D0] =	vst v0;
	v0 =	vand.u32 $0xFFFF, v3  }
0x3f: {  	[tilespmem:$0x2960] =	vst v0;
	v0 =	vshrl.u32 v3, $0x10  }
0x40: {  	[tilespmem:$0x29E0] =	vst v0;
	v0 =	vand.u32 $0xFFFF, v1  }
0x41: {  	[tilespmem:$0x2970] =	vst v0;
	v0 =	vshrl.u32 v1, $0x10  }
0x42: {  	[tilespmem:$0x29F0] =	vst v0  }
0x43: {  	[tilespmem:s16], [sflag:$0x2] =	stream.indirect.gather [hbm4b:s4+s12], $0x80, s15, s12, $0xb8;
	[tilespmem:$0x1E600] =	vst v63  }
0x44: {  	_ =	swait.ge [sflag:s17], $0x4000  }
0x45: {  	[sflag:s17] =	ssyncset.done $0x0  }
0x46: {  	[sflag:s17] =	ssyncadd.s32 $0xFFFFC000  }
0x47: {  	[spmem:s1] =	stream.indirect.scatter.add.f32 [tilespmem:s14], [sflag:$0x3], $0x80, s18, s12, $0xb8;
	[tilespmem:$0x1E600] =	vst v63  }
0x48: {  	_ =	swait.ge [sflag:s9], $0x4000  }
0x49: {  	[sflag:s9] =	ssyncset.done $0x0  }
0x4a: {  	s22 =	simm.s32 $0x1F0;
	[sflag:s9] =	ssyncadd.s32 $0xFFFFC000  }
0x4b: {  	v0 =	vld [tilespmem:s22+$0xFFFFFF10];
	_ =	sdelay $0x4  }
0x4c: {  	v1 =	vand.u32 $0xFFFF, v0  }
0x4d: {  	v0 =	vshrl.u32 v0, $0x10;
	[tilespmem:$0x2800] =	vst v1  }
0x4e: {  	[tilespmem:$0x2880] =	vst v0  }
0x4f: {  	v0 =	vld [tilespmem:s22+$0xFFFFFF20];
	_ =	sdelay $0x4  }
0x50: {  	v1 =	vand.u32 $0xFFFF, v0  }
0x51: {  	v0 =	vshrl.u32 v0, $0x10;
	[tilespmem:$0x2810] =	vst v1  }
0x52: {  	[tilespmem:$0x2890] =	vst v0  }
0x53: {  	v0 =	vld [tilespmem:s22+$0xFFFFFF30];
	_ =	sdelay $0x4  }
0x54: {  	v1 =	vand.u32 $0xFFFF, v0  }
0x55: {  	v0 =	vshrl.u32 v0, $0x10;
	[tilespmem:$0x2820] =	vst v1  }
0x56: {  	[tilespmem:$0x28A0] =	vst v0  }
0x57: {  	v0 =	vld [tilespmem:s22+$0xFFFFFF40];
	_ =	sdelay $0x4  }
0x58: {  	v1 =	vand.u32 $0xFFFF, v0  }
0x59: {  	v0 =	vshrl.u32 v0, $0x10;
	[tilespmem:$0x2830] =	vst v1  }
0x5a: {  	[tilespmem:$0x28B0] =	vst v0  }
0x5b: {  	v0 =	vld [tilespmem:s22+$0xFFFFFF50];
	_ =	sdelay $0x4  }
0x5c: {  	v1 =	vand.u32 $0xFFFF, v0  }
0x5d: {  	v0 =	vshrl.u32 v0, $0x10;
	[tilespmem:$0x2840] =	vst v1  }
0x5e: {  	[tilespmem:$0x28C0] =	vst v0  }
0x5f: {  	v0 =	vld [tilespmem:s22+$0xFFFFFF60];
	_ =	sdelay $0x4  }
0x60: {  	v1 =	vand.u32 $0xFFFF, v0  }
0x61: {  	v0 =	vshrl.u32 v0, $0x10;
	[tilespmem:$0x2850] =	vst v1  }
0x62: {  	[tilespmem:$0x28D0] =	vst v0  }
0x63: {  	v0 =	vld [tilespmem:s22+$0xFFFFFF70];
	_ =	sdelay $0x4  }
0x64: {  	v1 =	vand.u32 $0xFFFF, v0  }
0x65: {  	v0 =	vshrl.u32 v0, $0x10;
	[tilespmem:$0x2860] =	vst v1  }
0x66: {  	[tilespmem:$0x28E0] =	vst v0  }
0x67: {  	v0 =	vld [tilespmem:s22+$0xFFFFFF80];
	_ =	sdelay $0x4  }
0x68: {  	v1 =	vand.u32 $0xFFFF, v0  }
0x69: {  	v0 =	vshrl.u32 v0, $0x10;
	[tilespmem:$0x2870] =	vst v1  }
0x6a: {  	[tilespmem:$0x28F0] =	vst v0  }
0x6b: {  	[tilespmem:s14], [sflag:$0x1] =	stream.indirect.gather [hbm4b:s4+s12], $0x80, s13, s12, $0xb8;
	[tilespmem:$0x1E600] =	vst v63  }
0x6c: {  	_ =	swait.ge [sflag:s19], $0x4000  }
0x6d: {  	[sflag:s19] =	ssyncset.done $0x0  }
0x6e: {  	[sflag:s19] =	ssyncadd.s32 $0xFFFFC000  }
0x6f: {  	[spmem:s1] =	stream.indirect.scatter.add.f32 [tilespmem:s16], [sflag:$0x3], $0x80, s20, s12, $0xb8;
	[tilespmem:$0x1E600] =	vst v63  }
0x70: {  	_ =	swait.ge [sflag:s9], $0x4000  }
0x71: {  	[sflag:s9] =	ssyncset.done $0x0  }
0x72: {  	[sflag:s9] =	ssyncadd.s32 $0xFFFFC000  }
0x73: {  	v0 =	vld [tilespmem:s22+$0xFFFFFF90];
	_ =	sdelay $0x4  }
0x74: {  	v1 =	vand.u32 $0xFFFF, v0  }
0x75: {  	v0 =	vshrl.u32 v0, $0x10;
	[tilespmem:$0x2900] =	vst v1  }
0x76: {  	[tilespmem:$0x2980] =	vst v0  }
0x77: {  	v0 =	vld [tilespmem:s22+$0xFFFFFFA0];
	_ =	sdelay $0x4  }
0x78: {  	v1 =	vand.u32 $0xFFFF, v0  }
0x79: {  	v0 =	vshrl.u32 v0, $0x10;
	[tilespmem:$0x2910] =	vst v1  }
0x7a: {  	[tilespmem:$0x2990] =	vst v0  }
0x7b: {  	v0 =	vld [tilespmem:s22+$0xFFFFFFB0];
	_ =	sdelay $0x4  }
0x7c: {  	v1 =	vand.u32 $0xFFFF, v0  }
0x7d: {  	v0 =	vshrl.u32 v0, $0x10;
	[tilespmem:$0x2920] =	vst v1  }
0x7e: {  	[tilespmem:$0x29A0] =	vst v0  }
0x7f: {  	v0 =	vld [tilespmem:s22+$0xFFFFFFC0];
	_ =	sdelay $0x4  }
0x80: {  	v1 =	vand.u32 $0xFFFF, v0  }
0x81: {  	v0 =	vshrl.u32 v0, $0x10;
	[tilespmem:$0x2930] =	vst v1  }
0x82: {  	[tilespmem:$0x29B0] =	vst v0  }
0x83: {  	v0 =	vld [tilespmem:s22+$0xFFFFFFD0];
	_ =	sdelay $0x4  }
0x84: {  	v1 =	vand.u32 $0xFFFF, v0  }
0x85: {  	v0 =	vshrl.u32 v0, $0x10;
	[tilespmem:$0x2940] =	vst v1  }
0x86: {  	[tilespmem:$0x29C0] =	vst v0  }
0x87: {  	v0 =	vld [tilespmem:s22+$0xFFFFFFE0];
	_ =	sdelay $0x4  }
0x88: {  	v1 =	vand.u32 $0xFFFF, v0  }
0x89: {  	v0 =	vshrl.u32 v0, $0x10;
	[tilespmem:$0x2950] =	vst v1  }
0x8a: {  	[tilespmem:$0x29D0] =	vst v0  }
0x8b: {  	v0 =	vld [tilespmem:s22+$0xFFFFFFF0];
	_ =	sdelay $0x4  }
0x8c: {  	v1 =	vand.u32 $0xFFFF, v0  }
0x8d: {  	s23 =	simm.s32 $0xBC0;
	v0 =	vshrl.u32 v0, $0x10;
	[tilespmem:$0x2960] =	vst v1  }
.LBB2_2:
0x8e: {  	p0 =	sne.s32 s23, $0x9FC0;
	[tilespmem:$0x29E0] =	vst v0;
	s24 =	smov.u32 s23;
	s23 =	sadd.s32 $0x400, s23  }
0x8f: {  	v0 =	vld [tilespmem:s22+$0x0];
	_ =	sdelay $0x4  }
0x90: {  	v1 =	vand.u32 $0xFFFF, v0;
	v0 =	vshrl.u32 v0, $0x10  }
0x91: {  	[tilespmem:$0x2970] =	vst v1  }
0x92: {  	[tilespmem:$0x29F0] =	vst v0  }
0x93: {  	[tilespmem:s16], [sflag:$0x2] =	stream.indirect.gather [hbm4b:s4+s12], $0x80, s15, s12, $0xb8;
	[tilespmem:$0x1E600] =	vst v63  }
0x94: {  	_ =	swait.ge [sflag:s17], $0x4000  }
0x95: {  	[sflag:s17] =	ssyncset.done $0x0  }
0x96: {  	[sflag:s17] =	ssyncadd.s32 $0xFFFFC000  }
0x97: {  	[spmem:s1] =	stream.indirect.scatter.add.f32 [tilespmem:s14], [sflag:$0x3], $0x80, s18, s12, $0xb8;
	[tilespmem:$0x1E600] =	vst v63  }
0x98: {  	_ =	swait.ge [sflag:s9], $0x4000  }
0x99: {  	[sflag:s9] =	ssyncset.done $0x0  }
0x9a: {  	s22 =	sshra.s32 s24, $0x2;
	[sflag:s9] =	ssyncadd.s32 $0xFFFFC000  }
0x9b: {  	v0 =	vld [tilespmem:s22+$0xFFFFFF10];
	_ =	sdelay $0x4  }
0x9c: {  	v1 =	vand.u32 $0xFFFF, v0;
	v0 =	vshrl.u32 v0, $0x10  }
0x9d: {  	[tilespmem:$0x2800] =	vst v1  }
0x9e: {  	[tilespmem:$0x2880] =	vst v0  }
0x9f: {  	v0 =	vld [tilespmem:s22+$0xFFFFFF20];
	_ =	sdelay $0x4  }
0xa0: {  	v1 =	vand.u32 $0xFFFF, v0;
	v0 =	vshrl.u32 v0, $0x10  }
0xa1: {  	[tilespmem:$0x2810] =	vst v1  }
0xa2: {  	[tilespmem:$0x2890] =	vst v0  }
0xa3: {  	v0 =	vld [tilespmem:s22+$0xFFFFFF30];
	_ =	sdelay $0x4  }
0xa4: {  	v1 =	vand.u32 $0xFFFF, v0;
	v0 =	vshrl.u32 v0, $0x10  }
0xa5: {  	[tilespmem:$0x2820] =	vst v1  }
0xa6: {  	[tilespmem:$0x28A0] =	vst v0  }
0xa7: {  	v0 =	vld [tilespmem:s22+$0xFFFFFF40];
	_ =	sdelay $0x4  }
0xa8: {  	v1 =	vand.u32 $0xFFFF, v0;
	v0 =	vshrl.u32 v0, $0x10  }
0xa9: {  	[tilespmem:$0x2830] =	vst v1  }
0xaa: {  	[tilespmem:$0x28B0] =	vst v0  }
0xab: {  	v0 =	vld [tilespmem:s22+$0xFFFFFF50];
	_ =	sdelay $0x4  }
0xac: {  	v1 =	vand.u32 $0xFFFF, v0;
	v0 =	vshrl.u32 v0, $0x10  }
0xad: {  	[tilespmem:$0x2840] =	vst v1  }
0xae: {  	[tilespmem:$0x28C0] =	vst v0  }
0xaf: {  	v0 =	vld [tilespmem:s22+$0xFFFFFF60];
	_ =	sdelay $0x4  }
0xb0: {  	v1 =	vand.u32 $0xFFFF, v0;
	v0 =	vshrl.u32 v0, $0x10  }
0xb1: {  	[tilespmem:$0x2850] =	vst v1  }
0xb2: {  	[tilespmem:$0x28D0] =	vst v0  }
0xb3: {  	v0 =	vld [tilespmem:s22+$0xFFFFFF70];
	_ =	sdelay $0x4  }
0xb4: {  	v1 =	vand.u32 $0xFFFF, v0;
	v0 =	vshrl.u32 v0, $0x10  }
0xb5: {  	[tilespmem:$0x2860] =	vst v1  }
0xb6: {  	[tilespmem:$0x28E0] =	vst v0  }
0xb7: {  	v0 =	vld [tilespmem:s22+$0xFFFFFF80];
	_ =	sdelay $0x4  }
0xb8: {  	v1 =	vand.u32 $0xFFFF, v0;
	v0 =	vshrl.u32 v0, $0x10  }
0xb9: {  	[tilespmem:$0x2870] =	vst v1  }
0xba: {  	[tilespmem:$0x28F0] =	vst v0  }
0xbb: {  	[tilespmem:s14], [sflag:$0x1] =	stream.indirect.gather [hbm4b:s4+s12], $0x80, s13, s12, $0xb8;
	[tilespmem:$0x1E600] =	vst v63  }
0xbc: {  	_ =	swait.ge [sflag:s19], $0x4000  }
0xbd: {  	[sflag:s19] =	ssyncset.done $0x0  }
0xbe: {  	[sflag:s19] =	ssyncadd.s32 $0xFFFFC000  }
0xbf: {  	[spmem:s1] =	stream.indirect.scatter.add.f32 [tilespmem:s16], [sflag:$0x3], $0x80, s20, s12, $0xb8;
	[tilespmem:$0x1E600] =	vst v63  }
0xc0: {  	_ =	swait.ge [sflag:s9], $0x4000  }
0xc1: {  	[sflag:s9] =	ssyncset.done $0x0  }
0xc2: {  	[sflag:s9] =	ssyncadd.s32 $0xFFFFC000  }
0xc3: {  	v0 =	vld [tilespmem:s22+$0xFFFFFF90];
	_ =	sdelay $0x4  }
0xc4: {  	v1 =	vand.u32 $0xFFFF, v0;
	v0 =	vshrl.u32 v0, $0x10  }
0xc5: {  	[tilespmem:$0x2900] =	vst v1  }
0xc6: {  	[tilespmem:$0x2980] =	vst v0  }
0xc7: {  	v0 =	vld [tilespmem:s22+$0xFFFFFFA0];
	_ =	sdelay $0x4  }
0xc8: {  	v1 =	vand.u32 $0xFFFF, v0;
	v0 =	vshrl.u32 v0, $0x10  }
0xc9: {  	[tilespmem:$0x2910] =	vst v1  }
0xca: {  	[tilespmem:$0x2990] =	vst v0  }
0xcb: {  	v0 =	vld [tilespmem:s22+$0xFFFFFFB0];
	_ =	sdelay $0x4  }
0xcc: {  	v1 =	vand.u32 $0xFFFF, v0;
	v0 =	vshrl.u32 v0, $0x10  }
0xcd: {  	[tilespmem:$0x2920] =	vst v1  }
0xce: {  	[tilespmem:$0x29A0] =	vst v0  }
0xcf: {  	v0 =	vld [tilespmem:s22+$0xFFFFFFC0];
	_ =	sdelay $0x4  }
0xd0: {  	v1 =	vand.u32 $0xFFFF, v0;
	v0 =	vshrl.u32 v0, $0x10  }
0xd1: {  	[tilespmem:$0x2930] =	vst v1  }
0xd2: {  	[tilespmem:$0x29B0] =	vst v0  }
0xd3: {  	v0 =	vld [tilespmem:s22+$0xFFFFFFD0];
	_ =	sdelay $0x4  }
0xd4: {  	v1 =	vand.u32 $0xFFFF, v0;
	v0 =	vshrl.u32 v0, $0x10  }
0xd5: {  	[tilespmem:$0x2940] =	vst v1  }
0xd6: {  	[tilespmem:$0x29C0] =	vst v0  }
0xd7: {  	v0 =	vld [tilespmem:s22+$0xFFFFFFE0];
	_ =	sdelay $0x4  }
0xd8: {  	v1 =	vand.u32 $0xFFFF, v0;
	v0 =	vshrl.u32 v0, $0x10  }
0xd9: {  	[tilespmem:$0x2950] =	vst v1  }
0xda: {  	[tilespmem:$0x29D0] =	vst v0  }
0xdb: {  	v0 =	vld [tilespmem:s22+$0xFFFFFFF0];
	_ =	sdelay $0x1  }
.Ltmp0:
0xdc: {  	(pc) =	sbr.rel @p0 .LBB2_2-.Ltmp0, $3  }
0xdd: {  	_ =	sdelay $0x1  }
0xde: {  	v1 =	vand.u32 $0xFFFF, v0;
	v0 =	vshrl.u32 v0, $0x10  }
0xdf: {  	[tilespmem:$0x2960] =	vst v1  }
0xe0: {  	[tilespmem:$0x29E0] =	vst v0  }
0xe1: {  	v0 =	vld [tilespmem:s22+$0x0];
	_ =	sdelay $0x4  }
0xe2: {  	v1 =	vand.u32 $0xFFFF, v0  }
0xe3: {  	v0 =	vshrl.u32 v0, $0x10;
	[tilespmem:$0x2970] =	vst v1  }
0xe4: {  	[tilespmem:$0x29F0] =	vst v0  }
0xe5: {  	[tilespmem:s16], [sflag:$0x2] =	stream.indirect.gather [hbm4b:s4+s12], $0x80, s15, s12, $0xb8;
	[tilespmem:$0x1E600] =	vst v63  }
0xe6: {  	_ =	swait.ge [sflag:s17], $0x4000  }
0xe7: {  	[sflag:s17] =	ssyncset.done $0x0  }
0xe8: {  	[sflag:s17] =	ssyncadd.s32 $0xFFFFC000  }
0xe9: {  	[spmem:s1] =	stream.indirect.scatter.add.f32 [tilespmem:s14], [sflag:$0x3], $0x80, s18, s12, $0xb8;
	[tilespmem:$0x1E600] =	vst v63  }
0xea: {  	_ =	swait.ge [sflag:s9], $0x4000  }
0xeb: {  	[sflag:s9] =	ssyncset.done $0x0  }
0xec: {  	[sflag:s9] =	ssyncadd.s32 $0xFFFFC000  }
0xed: {  	_ =	swait.ge [sflag:s19], $0x4000  }
0xee: {  	[sflag:s19] =	ssyncset.done $0x0  }
0xef: {  	[sflag:s19] =	ssyncadd.s32 $0xFFFFC000  }
0xf0: {  	[spmem:s1] =	stream.indirect.scatter.add.f32 [tilespmem:s16], [sflag:$0x3], $0x80, s20, s12, $0xb8;
	[tilespmem:$0x1E600] =	vst v63  }
0xf1: {  	_ =	swait.ge [sflag:s9], $0x4000  }
0xf2: {  	s21 =	sadd.s32 $0x1, s21;
	[sflag:s9] =	ssyncset.done $0x0  }
0xf3: {  	p0 =	sne.s32 s21, s8;
	[sflag:s9] =	ssyncadd.s32 $0xFFFFC000  }
.Ltmp1:
0xf4: {  	[bflag:$0x0] =	sbarrier.arrive $0xFFFF;
	(pc) =	sbr.rel @p0 .LBB2_1-.Ltmp1, $4  }
0xf5: {  	[hbm:s7], [sflag:s10] =	dma.local [spmem:s11], $0x2780  }
0xf6: {  	_ =	swait.ge [sflag:s9], $0x2780  }
0xf7: {  	[sflag:s9] =	ssyncset.done $0x0  }
0xf8: {  	[sflag:s9] =	ssyncadd.s32 $0xFFFFD880  }
0xf9: {  	_ =	sfence.sel $0x180000  }
0xfa: {  	[bflag:$0x0] =	sbarrier.arrive $0xFFFF  }
0xfb: {  	p0 =	sne.s32 s2, $0x0;
	_ =	strace $0x9000004D  }
0xfc: {  	s0 =	sadd.s32 @!p0 $0x100000, s0;
	[bflag:$0x2] =	sbarrier.arrive $0xFFFF  }
0xfd: {  	[sflag:s0] =	ssyncadd.tile.s32 @!p0 $0x1;
	_ =	shalt  }
.Lfunc_end2:
_tile_overlayer_lowered:
.L_overlay_start_2:
0xfe: {  	(tag) =	ssettag $0x2  }
0xff: {  	s0 =	rddreg [dreg:$0x0];
	s2 =	stileid.u32  }
0x100: {  	s1 =	rddreg [dreg:$0x1];
	p0 =	sne.s32 s2, $0x0  }
0x101: {  	s3 =	rddreg [dreg:$0x2];
	[bflag:$0x3] =	sbarrier.arrive $0xFFFF;
	s2 =	simm.s32 @!p0 $0x1C03  }
0x102: {  	[timem:s3], [sflag:s2] =	dma.local @!p0 [hbm:s0], s1  }
0x103: {  	s0 =	simm.s32 @!p0 $0x3  }
0x104: {  	_ =	swait.ge @!p0 [sflag:s0], s1  }
0x105: {  	s1 =	ssub.s32 @!p0 $0x0, s1;
	[sflag:s0] =	ssyncset.done @!p0 $0x0  }
0x106: {  	[sflag:s0] =	ssyncadd.s32 @!p0 s1  }
0x107: {  	[bflag:$0x3] =	sbarrier.arrive $0xFFFF  }
0x108: {  	_ =	shalt  }

// kernel: kernel.22.cloned.1.call-start
scs
__scs_entry_jumppad:
0x0: {  	(pc) =	sbr.rel $0x88, $3  }
0x1: {  	(tag) =	ssettag $0x0;
	lr =	simm.s32 $0x1  }
0x2: {  	[smem:$0x3F8F] =	sst lr;
	_ =	strace $0xD0000000  }
0x3: {  	_ = 	snop  }
0x4: {  	_ = 	snop  }
0x5: {  	_ = 	snop  }
0x6: {  	_ = 	snop  }
0x7: {  	_ = 	snop  }
__scs_overlays_trampoline_lowered:
0x8: {  	[smem:$0x3F9E] =	sst s0  }
0x9: {  	[smem:$0x3F9F] =	sst s1  }
0xa: {  	[smem:$0x3FA0] =	sst s2  }
0xb: {  	[smem:$0x3FA1] =	sst s3  }
0xc: {  	[smem:$0x3FA2] =	sst s4  }
0xd: {  	[smem:$0x3FA3] =	sst s5  }
0xe: {  	[smem:$0x3FA4] =	sst s6  }
0xf: {  	[smem:$0x3FA5] =	sst s7  }
0x10: {  	[smem:$0x3FA6] =	sst s8  }
0x11: {  	[smem:$0x3FA7] =	sst s9;
	s0 =	simm.s32 @!p0 $0x0  }
0x12: {  	s1 =	sld [smem:$0x3F8D];
	s0 =	simm.s32 @p0 $0x1  }
0x13: {  	[smem:$0x3FA8] =	sst s0;
	s0 =	simm.s32 @!p1 $0x0  }
0x14: {  	s2 =	sld [smem:$0x3F8C];
	s0 =	simm.s32 @p1 $0x1  }
0x15: {  	[smem:$0x3FA9] =	sst s0;
	s0 =	simm.s32 @!p2 $0x0  }
0x16: {  	s3 =	sld [smem:$0x3FDB];
	s0 =	simm.s32 @p2 $0x1  }
0x17: {  	s4 =	simm.s32 $0x1BF5;
	[smem:$0x3FAB] =	sst s0  }
0x18: {  	s0 =	sld [smem:$0x3F8E];
	_ =	swait.ge [sflag:s4], $0x0  }
0x19: {  	s7 =	sld [smem:$0x3F8F]  }
0x1a: {  	s8 =	sadd.s32 $0xFFFFE003, lr  }
0x1b: {  	s9 =	sadd.s32 $0xFFFFFEF7, lr;
	s5 =	simm.s32 $0xFFFFFFFF;
	p2 =	slt.u32 s8, $0xFFFFF086  }
0x1c: {  	p1 =	slt.u32 s9, $0xF7A;
	s5 =	simm.s32 @!p2 $0x0  }
0x1d: {  	s5 =	simm.s32 @p1 $0x1;
	p0 =	seq.s32 s7, s2  }
0x1e: {  	s7 =	smul.u32 @!p0 $0xF7A, s2;
	p2 =	seq.s32 @!p0 s5, $0x0  }
0x1f: {  	s9 =	smul.u32 $0xF7A, s1;
	s8 =	simm.s32 @!p0 $0x1BF5;
	p2 =	por !p2, p0  }
0x20: {  	[sflag:s8] =	ssyncset.s32 @!p0 $0xFFFFF086;
	s6 =	sadd.s32 @!p0 s3, s7;
	s7 =	simm.s32 @!p0 $0x108  }
0x21: {  	s3 =	sadd.s32 s3, s9;
	s6 =	sadd.s32 @!p0 $0x88, s6;
	s7 =	simm.s32 @p2 $0x1082  }
0x22: {  	[simem:s7], [sflag:s8] =	dma.local @!p0 [hbm:s6], $0xF7A  }
0x23: {  	s9 =	sor.u32 $0xD0000000, s2;
	s6 =	simm.s32 $0x108;
	_ =	swait.ge @!p0 [sflag:s8], $0x0  }
0x24: {  	s3 =	sadd.s32 $0x88, s3;
	s6 =	simm.s32 @!p1 $0x1082;
	[sflag:s4] =	ssyncset.s32 $0xFFFFF086  }
0x25: {  	[simem:s6], [sflag:s4] =	dma.local [hbm:s3], $0xF7A  }
0x26: {  	[smem:$0x3F8F] =	sst s1;
	(tag) =	ssettag s2;
	_ =	strace s9  }
0x27: {  	s1 =	sld [smem:$0x3F9F]  }
0x28: {  	s2 =	sld [smem:$0x3FA0]  }
0x29: {  	s4 =	sld [smem:$0x3FA2]  }
0x2a: {  	p0 =	seq.s32 s5, $0x0;
	s5 =	sld [smem:$0x3FA3]  }
0x2b: {  	s6 =	sld [smem:$0x3FA4]  }
0x2c: {  	s7 =	sld [smem:$0x3FA5]  }
0x2d: {  	s3 =	simm.s32 $0x108;
	s8 =	sld [smem:$0x3FA6]  }
0x2e: {  	s3 =	simm.s32 @!p0 $0x1082;
	s9 =	sld [smem:$0x3FA7]  }
0x2f: {  	lr =	sadd.s32 s0, s3;
	s0 =	sld [smem:$0x3F9E]  }
0x30: {  	s3 =	sld [smem:$0x3FA1]  }
0x31: {  	[smem:$0x3FAA] =	sst s10  }
0x32: {  	s10 =	sld [smem:$0x3FA8];
	_ =	sdelay $0x3  }
0x33: {  	p0 =	seq.s32 s10, $0x1;
	s10 =	sld [smem:$0x3FAA];
	_ =	sdelay $0x3  }
0x34: {  	[smem:$0x3FAA] =	sst s10  }
0x35: {  	s10 =	sld [smem:$0x3FA9];
	_ =	sdelay $0x3  }
0x36: {  	p1 =	seq.s32 s10, $0x1;
	s10 =	sld [smem:$0x3FAA];
	_ =	sdelay $0x3  }
0x37: {  	[smem:$0x3FAA] =	sst s10  }
0x38: {  	s10 =	sld [smem:$0x3FAB]  }
0x39: {  	_ = 	snop;
	(pc) =	sbr.ind lr, $3  }
0x3a: {  	_ = 	snop  }
0x3b: {  	_ = 	snop  }
0x3c: {  	p2 =	seq.s32 s10, $0x1;
	s10 =	sld [smem:$0x3FAA]  }
0x3d: {  	_ =	shalt  }
0x3e: {  	_ =	shalt  }
0x3f: {  	_ =	shalt  }
0x40: {  	_ =	shalt  }
0x41: {  	_ =	shalt  }
0x42: {  	_ =	shalt  }
0x43: {  	_ =	shalt  }
0x44: {  	_ =	shalt  }
0x45: {  	_ =	shalt  }
0x46: {  	_ =	shalt  }
0x47: {  	_ =	shalt  }
0x48: {  	_ =	shalt  }
0x49: {  	_ =	shalt  }
0x4a: {  	_ =	shalt  }
0x4b: {  	_ =	shalt  }
0x4c: {  	_ =	shalt  }
0x4d: {  	_ =	shalt  }
0x4e: {  	_ =	shalt  }
0x4f: {  	_ =	shalt  }
0x50: {  	_ =	shalt  }
0x51: {  	_ =	shalt  }
0x52: {  	_ =	shalt  }
0x53: {  	_ =	shalt  }
0x54: {  	_ =	shalt  }
0x55: {  	_ =	shalt  }
0x56: {  	_ =	shalt  }
0x57: {  	_ =	shalt  }
0x58: {  	_ =	shalt  }
0x59: {  	_ =	shalt  }
0x5a: {  	_ =	shalt  }
0x5b: {  	_ =	shalt  }
0x5c: {  	_ =	shalt  }
0x5d: {  	_ =	shalt  }
0x5e: {  	_ =	shalt  }
0x5f: {  	_ =	shalt  }
0x60: {  	_ =	shalt  }
0x61: {  	_ =	shalt  }
0x62: {  	_ =	shalt  }
0x63: {  	_ =	shalt  }
0x64: {  	_ =	shalt  }
0x65: {  	_ =	shalt  }
0x66: {  	_ =	shalt  }
0x67: {  	_ =	shalt  }
0x68: {  	_ =	shalt  }
0x69: {  	_ =	shalt  }
0x6a: {  	_ =	shalt  }
0x6b: {  	_ =	shalt  }
0x6c: {  	_ =	shalt  }
0x6d: {  	_ =	shalt  }
0x6e: {  	_ =	shalt  }
0x6f: {  	_ =	shalt  }
0x70: {  	_ =	shalt  }
0x71: {  	_ =	shalt  }
0x72: {  	_ =	shalt  }
0x73: {  	_ =	shalt  }
0x74: {  	_ =	shalt  }
0x75: {  	_ =	shalt  }
0x76: {  	_ =	shalt  }
0x77: {  	_ =	shalt  }
0x78: {  	_ =	shalt  }
0x79: {  	_ =	shalt  }
0x7a: {  	_ =	shalt  }
0x7b: {  	_ =	shalt  }
0x7c: {  	_ =	shalt  }
0x7d: {  	_ =	shalt  }
0x7e: {  	_ =	shalt  }
0x7f: {  	_ =	shalt  }
0x80: {  	_ =	shalt  }
0x81: {  	_ =	shalt  }
0x82: {  	_ =	shalt  }
0x83: {  	_ =	shalt  }
0x84: {  	_ =	shalt  }
0x85: {  	_ =	shalt  }
0x86: {  	_ =	shalt  }
0x87: {  	_ =	shalt  }
.Lfunc_end0:
.L_simem_size_0:
called_computation.3_lowered:
.L_overlay_start_0:
0x88: {  	s2 =	sld [smem:$0x3FD9]  }
0x89: {  	s3 =	sld [smem:$0x3FFE];
	_ =	sdelay $0x1  }
0x8a: {  	s1 =	srdreg.scid  }
0x8b: {  	s0 =	sand.u32 $0x1, s1  }
0x8c: {  	s14 =	sshll.u32 s0, $0xA;
	s2 =	sadd.s32 s3, s2  }
0x8d: {  	s2 =	sadd.s32 s2, s14  }
0x8e: {  	[smem:$0x3FB6] =	sst s2  }
0x8f: {  	_ = 	snop  }
0x90: {  	s2 =	sld [smem:$0x3FD0];
	_ =	sdelay $0x2  }
0x91: {  	s15 =	simm.s32 $0xA;
	s4 =	simm.s32 $0x10  }
0x92: {  	[smem:s4], [sflag:s15] =	dma.local [hbm:s2], $0x1  }
0x93: {  	_ =	swait.eq [sflag:s15], $0x1  }
0x94: {  	[sflag:s15] =	ssyncset.done $0x0  }
0x95: {  	[sflag:s15] =	ssyncadd.s32 $0xFFFFFFFF  }
0x96: {  	s16 =	sld [smem:$0x12];
	(tm) =	ssettm $0x1  }
0x97: {  	s17 =	sld [smem:$0x3FFB];
	_ =	sdelay $0x3  }
0x98: {  	_ =	strace s17  }
0x99: {  	s3 =	sld [smem:$0x3FFC];
	_ =	sdelay $0x3  }
0x9a: {  	_ =	strace s3  }
0x9b: {  	s3 =	sld [smem:$0x3FFD];
	_ =	sdelay $0x3  }
0x9c: {  	_ =	strace s3  }
0x9d: {  	_ =	strace $0x8FFFFFFF  }
0x9e: {  	s18 =	sld [smem:$0x3FDB];
	_ =	sdelay $0x1  }
0x9f: {  	s19 =	simm.s32 $_scs_section_size  }
0xa0: {  	s5 =	simm.s32 $_size__tile_overlayer_lowered;
	s6 =	simm.s32 $_tile_overlayer_lowered  }
0xa1: {  	s22 =	simm.s32 $0x1BFF;
	s21 =	sshll.u32 s6, $0x1;
	s3 =	sadd.s32 s19, s18  }
0xa2: {  	s7 =	simm.s32 $0x0;
	s20 =	sshll.u32 s5, $0x1;
	s5 =	sadd.s32 s21, s3  }
0xa3: {  	[timem:s7], [sflag:s22] =	dma.local [hbm:s5], s20  }
0xa4: {  	_ =	swait.ge [sflag:s22], s20  }
0xa5: {  	s4 =	ssub.s32 $0x0, s20;
	[sflag:s22] =	ssyncset.done $0x0  }
0xa6: {  	[sflag:s22] =	ssyncadd.s32 s4;
	_ =	sdelay $0x1  }
0xa7: {  	s23 =	simm.s32 $0x1B8B  }
0xa8: {  	_ =	swait.ge [sflag:s23], $0x1  }
0xa9: {  	[sflag:s23] =	ssyncset.done $0x0  }
0xaa: {  	s25 =	simm.s32 $0x1B8E;
	s24 =	sld [smem:$0x3FFE];
	[sflag:s23] =	ssyncadd.s32 $0xFFFFFFFF  }
0xab: {  	s26 =	simm.s32 $execute0_lowered;
	[smem:$0x3FD2] =	sst s25  }
0xac: {  	s5 =	sshll.u32 s26, $0x1;
	_ =	strace $0x8000004F;
	[dreg:$0x1] =	wrdreg $0xFFFFFFFF  }
0xad: {  	s28 =	simm.s32 $_size_execute0_lowered;
	s3 =	sadd.s32 s3, s5;
	[dreg:$0x0] =	wrdreg $0x0  }
0xae: {  	s5 =	sshll.u32 s28, $0x1;
	[dreg:$0x2] =	wrdreg s3  }
0xaf: {  	[dreg:$0x3] =	wrdreg s5  }
0xb0: {  	[dreg:$0x4] =	wrdreg $0xC0  }
0xb1: {  	_ =	task [dreg:s7], $0x5FFFF  }
0xb2: {  	[dreg:$0x1] =	wrdreg $0xFFFFFFFF  }
0xb3: {  	[dreg:$0x0] =	wrdreg $0x60  }
0xb4: {  	[dreg:$0x2] =	wrdreg s16  }
0xb5: {  	[dreg:$0x3] =	wrdreg s24  }
0xb6: {  	[dreg:$0x4] =	wrdreg $0xAA000  }
0xb7: {  	[dreg:$0x5] =	wrdreg $0x9  }
0xb8: {  	_ =	task.clear_ibuf [dreg:s7], $0x6FFFF;
	_ =	strace $0x9000004F  }
0xb9: {  	s29 =	simm.s32 $0x9;
	_ =	strace $0x80000051  }
0xba: {  	_ =	swait.ge [sflag:s29], $0x1  }
0xbb: {  	[sflag:s29] =	ssyncadd.s32 $0xFFFFFFFF  }
0xbc: {  	_ =	strace $0x90000051  }
0xbd: {  	_ =	sfence  }
0xbe: {  	s30 =	sld [smem:$0x0];
	_ =	sdelay $0x2  }
0xbf: {  	s31 =	sshll.u32 s1, $0xD;
	s1 =	sshrl.u32 s1, $0x2  }
0xc0: {  	s3 =	sand.u32 $0x4000, s31;
	s1 =	sadd.s32 s1, s30  }
0xc1: {  	s0 =	sor.u32 s3, s0;
	s1 =	sshll.u32 s1, $0x11  }
0xc2: {  	s0 =	sor.u32 s1, s0  }
0xc3: {  	s0 =	sadd.s32 $0x8F2B, s0  }
0xc4: {  	[sflag:s0] =	ssyncadd.remote.s32 $0x1  }
0xc5: {  	_ =	sfence.sel $0xFFFF  }
0xc6: {  	[dreg:$0x0] =	wrdreg $0xFFFFFFFF;
	(pc) =	sbr.abs _section_cstart, $3  }
0xc7: {  	[dreg:$0x1] =	wrdreg $0xFFFFFFFF  }
0xc8: {  	_ =	task.clear_ibuf [dreg:s7], $0x2FFFF;
	_ =	strace $0x9FFFFFFF  }
0xc9: {  	(tm) =	ssettm $0x7FFFFFFF  }
tec
execute0_lowered:
.L_overlay_start_1:
0x0: {  	(tag) =	ssettag $0x1  }
0x1: {  	s6 =	rddreg [dreg:$0x0]  }
0x2: {  	s7 =	rddreg [dreg:$0x1]  }
0x3: {  	s1 =	rddreg [dreg:$0x2];
	s2 =	srdreg.scid  }
0x4: {  	s0 =	rddreg [dreg:$0x3];
	s3 =	simm.s32 $0x0;
	s13 =	simm.s32 $0x2800  }
0x5: {  	s14 =	simm.s32 $0x2A00;
	s15 =	simm.s32 $0x2900;
	s16 =	simm.s32 $0x6A00  }
0x6: {  	s17 =	simm.s32 $0x1;
	s18 =	simm.s32 $0x2880;
	s19 =	simm.s32 $0x2  }
0x7: {  	s20 =	simm.s32 $0x2980;
	s8 =	sand.u32 $0x1, s2;
	s2 =	stileid.u32  }
0x8: {  	s21 =	simm.s32 $0x0;
	[smem:$0x7FF] =	sst s3;
	s9 =	smul.u32 $0x13C000, s8  }
0x9: {  	s4 =	sadd.s32 $0x3200, s7;
	s5 =	sadd.s32 $0x2AA00, s7;
	s10 =	smul.u32 $0x13C00, s2  }
0xa: {  	_ =	strace $0x80000050;
	s29 =	sshll.u32 s8, $0x4;
	s8 =	ssub.s32 $0x2, s8  }
0xb: {  	s11 =	smul.u32 $0x4F000, s2;
	s31 =	sshll.u32 s2, $0x6;
	s12 =	sshrl.u32 s8, $0x1  }
0xc: {  	s9 =	sadd.s32 s10, s9;
	s10 =	sor.u32 s2, s29;
	s8 =	ssub.s32 s8, s12  }
0xd: {  	s30 =	sshrl.u32 s11, $0x2;
	s12 =	simm.s32 $0x80;
	s9 =	sshrl.u32 s9, $0x3  }
0xe: {  	s10 =	smul.u32 $0x500, s10;
	s11 =	sadd.s32 s30, s1;
	s8 =	smax.u32 s8, $0x1  }
0xf: {  	s7 =	sadd.s32 s9, s7;
	s9 =	simm.s32 $0x3;
	s11 =	sshrl.u32 s11, $0x3  }
0x10: {  	s6 =	sadd.s32 s6, s10;
	s7 =	sadd.s32 $0x2D200, s7;
	s10 =	sor.u32 $0x1C03, s31  }
.LBB2_1:
0x11: {  	[tilespmem:s3], [sflag:$0x3] =	stream.linear.gather [hbm4b:s6+s3], $0x2800, $0x38;
	[tilespmem:$0x1E600] =	vst v63  }
0x12: {  	_ =	swait.ge [sflag:s9], $0x2800  }
0x13: {  	[sflag:s9] =	ssyncset.done $0x0  }
0x14: {  	[sflag:s9] =	ssyncadd.s32 $0xFFFFD800  }
0x15: {  	[spmem:s11], [sflag:s10] =	dma.local [hbm:s5], $0x2780  }
0x16: {  	_ =	swait.ge [sflag:s9], $0x2780  }
0x17: {  	[sflag:s9] =	ssyncset.done $0x0  }
0x18: {  	[sflag:s9] =	ssyncadd.s32 $0xFFFFD880  }
0x19: {  	[bflag:$0x0] =	sbarrier.arrive $0xFFFF  }
0x1a: {  	v0 =	vld [tilespmem:$0x0];
	_ =	sdelay $0x1  }
0x1b: {  	v1 =	vld [tilespmem:$0x10];
	_ =	sdelay $0x1  }
0x1c: {  	v2 =	vld [tilespmem:$0x20]  }
0x1d: {  	v3 =	vand.u32 $0xFFFF, v0  }
0x1e: {  	v0 =	vshrl.u32 v0, $0x10;
	[tilespmem:$0x2800] =	vst v3;
	v3 =	vld [tilespmem:$0x30]  }
0x1f: {  	[tilespmem:$0x2880] =	vst v0;
	v0 =	vand.u32 $0xFFFF, v1  }
0x20: {  	[tilespmem:$0x2810] =	vst v0;
	v0 =	vshrl.u32 v1, $0x10;
	v1 =	vld [tilespmem:$0x40]  }
0x21: {  	[tilespmem:$0x2890] =	vst v0;
	v0 =	vand.u32 $0xFFFF, v2  }
0x22: {  	[tilespmem:$0x2820] =	vst v0;
	v0 =	vshrl.u32 v2, $0x10;
	v2 =	vld [tilespmem:$0x50]  }
0x23: {  	[tilespmem:$0x28A0] =	vst v0;
	v0 =	vand.u32 $0xFFFF, v3  }
0x24: {  	[tilespmem:$0x2830] =	vst v0;
	v0 =	vshrl.u32 v3, $0x10;
	v3 =	vld [tilespmem:$0x60]  }
0x25: {  	[tilespmem:$0x28B0] =	vst v0;
	v0 =	vand.u32 $0xFFFF, v1  }
0x26: {  	[tilespmem:$0x2840] =	vst v0;
	v0 =	vshrl.u32 v1, $0x10;
	v1 =	vld [tilespmem:$0x70]  }
0x27: {  	[tilespmem:$0x28C0] =	vst v0;
	v0 =	vand.u32 $0xFFFF, v2  }
0x28: {  	[tilespmem:$0x2850] =	vst v0;
	v0 =	vshrl.u32 v2, $0x10  }
0x29: {  	[tilespmem:$0x28D0] =	vst v0;
	v0 =	vand.u32 $0xFFFF, v3  }
0x2a: {  	[tilespmem:$0x2860] =	vst v0;
	v0 =	vshrl.u32 v3, $0x10  }
0x2b: {  	[tilespmem:$0x28E0] =	vst v0;
	v0 =	vand.u32 $0xFFFF, v1  }
0x2c: {  	[tilespmem:$0x2870] =	vst v0;
	v0 =	vshrl.u32 v1, $0x10  }
0x2d: {  	[tilespmem:$0x28F0] =	vst v0  }
0x2e: {  	[tilespmem:s14], [sflag:$0x1] =	stream.indirect.gather [hbm4b:s4+s12], $0x80, s13, s12, $0xb8;
	[tilespmem:$0x1E600] =	vst v63  }
0x2f: {  	v0 =	vld [tilespmem:$0x80];
	_ =	sdelay $0x1  }
0x30: {  	v1 =	vld [tilespmem:$0x90];
	_ =	sdelay $0x1  }
0x31: {  	v2 =	vld [tilespmem:$0xA0]  }
0x32: {  	v3 =	vand.u32 $0xFFFF, v0  }
0x33: {  	v0 =	vshrl.u32 v0, $0x10;
	[tilespmem:$0x2900] =	vst v3;
	v3 =	vld [tilespmem:$0xB0]  }
0x34: {  	[tilespmem:$0x2980] =	vst v0;
	v0 =	vand.u32 $0xFFFF, v1  }
0x35: {  	[tilespmem:$0x2910] =	vst v0;
	v0 =	vshrl.u32 v1, $0x10;
	v1 =	vld [tilespmem:$0xC0]  }
0x36: {  	[tilespmem:$0x2990] =	vst v0;
	v0 =	vand.u32 $0xFFFF, v2  }
0x37: {  	[tilespmem:$0x2920] =	vst v0;
	v0 =	vshrl.u32 v2, $0x10;
	v2 =	vld [tilespmem:$0xD0]  }
0x38: {  	[tilespmem:$0x29A0] =	vst v0;
	v0 =	vand.u32 $0xFFFF, v3  }
0x39: {  	[tilespmem:$0x2930] =	vst v0;
	v0 =	vshrl.u32 v3, $0x10;
	v3 =	vld [tilespmem:$0xE0]  }
0x3a: {  	[tilespmem:$0x29B0] =	vst v0;
	v0 =	vand.u32 $0xFFFF, v1  }
0x3b: {  	[tilespmem:$0x2940] =	vst v0;
	v0 =	vshrl.u32 v1, $0x10;
	v1 =	vld [tilespmem:$0xF0]  }
0x3c: {  	[tilespmem:$0x29C0] =	vst v0;
	v0 =	vand.u32 $0xFFFF, v2  }
0x3d: {  	[tilespmem:$0x2950] =	vst v0;
	v0 =	vshrl.u32 v2, $0x10  }
0x3e: {  	[tilespmem:$0x29D0] =	vst v0;
	v0 =	vand.u32 $0xFFFF, v3  }
0x3f: {  	[tilespmem:$0x2960] =	vst v0;
	v0 =	vshrl.u32 v3, $0x10  }
0x40: {  	[tilespmem:$0x29E0] =	vst v0;
	v0 =	vand.u32 $0xFFFF, v1  }
0x41: {  	[tilespmem:$0x2970] =	vst v0;
	v0 =	vshrl.u32 v1, $0x10  }
0x42: {  	[tilespmem:$0x29F0] =	vst v0  }
0x43: {  	[tilespmem:s16], [sflag:$0x2] =	stream.indirect.gather [hbm4b:s4+s12], $0x80, s15, s12, $0xb8;
	[tilespmem:$0x1E600] =	vst v63  }
0x44: {  	_ =	swait.ge [sflag:s17], $0x4000  }
0x45: {  	[sflag:s17] =	ssyncset.done $0x0  }
0x46: {  	[sflag:s17] =	ssyncadd.s32 $0xFFFFC000  }
0x47: {  	[spmem:s1] =	stream.indirect.scatter.add.f32 [tilespmem:s14], [sflag:$0x3], $0x80, s18, s12, $0xb8;
	[tilespmem:$0x1E600] =	vst v63  }
0x48: {  	_ =	swait.ge [sflag:s9], $0x4000  }
0x49: {  	[sflag:s9] =	ssyncset.done $0x0  }
0x4a: {  	s22 =	simm.s32 $0x1F0;
	[sflag:s9] =	ssyncadd.s32 $0xFFFFC000  }
0x4b: {  	v0 =	vld [tilespmem:s22+$0xFFFFFF10];
	_ =	sdelay $0x4  }
0x4c: {  	v1 =	vand.u32 $0xFFFF, v0  }
0x4d: {  	v0 =	vshrl.u32 v0, $0x10;
	[tilespmem:$0x2800] =	vst v1  }
0x4e: {  	[tilespmem:$0x2880] =	vst v0  }
0x4f: {  	v0 =	vld [tilespmem:s22+$0xFFFFFF20];
	_ =	sdelay $0x4  }
0x50: {  	v1 =	vand.u32 $0xFFFF, v0  }
0x51: {  	v0 =	vshrl.u32 v0, $0x10;
	[tilespmem:$0x2810] =	vst v1  }
0x52: {  	[tilespmem:$0x2890] =	vst v0  }
0x53: {  	v0 =	vld [tilespmem:s22+$0xFFFFFF30];
	_ =	sdelay $0x4  }
0x54: {  	v1 =	vand.u32 $0xFFFF, v0  }
0x55: {  	v0 =	vshrl.u32 v0, $0x10;
	[tilespmem:$0x2820] =	vst v1  }
0x56: {  	[tilespmem:$0x28A0] =	vst v0  }
0x57: {  	v0 =	vld [tilespmem:s22+$0xFFFFFF40];
	_ =	sdelay $0x4  }
0x58: {  	v1 =	vand.u32 $0xFFFF, v0  }
0x59: {  	v0 =	vshrl.u32 v0, $0x10;
	[tilespmem:$0x2830] =	vst v1  }
0x5a: {  	[tilespmem:$0x28B0] =	vst v0  }
0x5b: {  	v0 =	vld [tilespmem:s22+$0xFFFFFF50];
	_ =	sdelay $0x4  }
0x5c: {  	v1 =	vand.u32 $0xFFFF, v0  }
0x5d: {  	v0 =	vshrl.u32 v0, $0x10;
	[tilespmem:$0x2840] =	vst v1  }
0x5e: {  	[tilespmem:$0x28C0] =	vst v0  }
0x5f: {  	v0 =	vld [tilespmem:s22+$0xFFFFFF60];
	_ =	sdelay $0x4  }
0x60: {  	v1 =	vand.u32 $0xFFFF, v0  }
0x61: {  	v0 =	vshrl.u32 v0, $0x10;
	[tilespmem:$0x2850] =	vst v1  }
0x62: {  	[tilespmem:$0x28D0] =	vst v0  }
0x63: {  	v0 =	vld [tilespmem:s22+$0xFFFFFF70];
	_ =	sdelay $0x4  }
0x64: {  	v1 =	vand.u32 $0xFFFF, v0  }
0x65: {  	v0 =	vshrl.u32 v0, $0x10;
	[tilespmem:$0x2860] =	vst v1  }
0x66: {  	[tilespmem:$0x28E0] =	vst v0  }
0x67: {  	v0 =	vld [tilespmem:s22+$0xFFFFFF80];
	_ =	sdelay $0x4  }
0x68: {  	v1 =	vand.u32 $0xFFFF, v0  }
0x69: {  	v0 =	vshrl.u32 v0, $0x10;
	[tilespmem:$0x2870] =	vst v1  }
0x6a: {  	[tilespmem:$0x28F0] =	vst v0  }
0x6b: {  	[tilespmem:s14], [sflag:$0x1] =	stream.indirect.gather [hbm4b:s4+s12], $0x80, s13, s12, $0xb8;
	[tilespmem:$0x1E600] =	vst v63  }
0x6c: {  	_ =	swait.ge [sflag:s19], $0x4000  }
0x6d: {  	[sflag:s19] =	ssyncset.done $0x0  }
0x6e: {  	[sflag:s19] =	ssyncadd.s32 $0xFFFFC000  }
0x6f: {  	[spmem:s1] =	stream.indirect.scatter.add.f32 [tilespmem:s16], [sflag:$0x3], $0x80, s20, s12, $0xb8;
	[tilespmem:$0x1E600] =	vst v63  }
0x70: {  	_ =	swait.ge [sflag:s9], $0x4000  }
0x71: {  	[sflag:s9] =	ssyncset.done $0x0  }
0x72: {  	[sflag:s9] =	ssyncadd.s32 $0xFFFFC000  }
0x73: {  	v0 =	vld [tilespmem:s22+$0xFFFFFF90];
	_ =	sdelay $0x4  }
0x74: {  	v1 =	vand.u32 $0xFFFF, v0  }
0x75: {  	v0 =	vshrl.u32 v0, $0x10;
	[tilespmem:$0x2900] =	vst v1  }
0x76: {  	[tilespmem:$0x2980] =	vst v0  }
0x77: {  	v0 =	vld [tilespmem:s22+$0xFFFFFFA0];
	_ =	sdelay $0x4  }
0x78: {  	v1 =	vand.u32 $0xFFFF, v0  }
0x79: {  	v0 =	vshrl.u32 v0, $0x10;
	[tilespmem:$0x2910] =	vst v1  }
0x7a: {  	[tilespmem:$0x2990] =	vst v0  }
0x7b: {  	v0 =	vld [tilespmem:s22+$0xFFFFFFB0];
	_ =	sdelay $0x4  }
0x7c: {  	v1 =	vand.u32 $0xFFFF, v0  }
0x7d: {  	v0 =	vshrl.u32 v0, $0x10;
	[tilespmem:$0x2920] =	vst v1  }
0x7e: {  	[tilespmem:$0x29A0] =	vst v0  }
0x7f: {  	v0 =	vld [tilespmem:s22+$0xFFFFFFC0];
	_ =	sdelay $0x4  }
0x80: {  	v1 =	vand.u32 $0xFFFF, v0  }
0x81: {  	v0 =	vshrl.u32 v0, $0x10;
	[tilespmem:$0x2930] =	vst v1  }
0x82: {  	[tilespmem:$0x29B0] =	vst v0  }
0x83: {  	v0 =	vld [tilespmem:s22+$0xFFFFFFD0];
	_ =	sdelay $0x4  }
0x84: {  	v1 =	vand.u32 $0xFFFF, v0  }
0x85: {  	v0 =	vshrl.u32 v0, $0x10;
	[tilespmem:$0x2940] =	vst v1  }
0x86: {  	[tilespmem:$0x29C0] =	vst v0  }
0x87: {  	v0 =	vld [tilespmem:s22+$0xFFFFFFE0];
	_ =	sdelay $0x4  }
0x88: {  	v1 =	vand.u32 $0xFFFF, v0  }
0x89: {  	v0 =	vshrl.u32 v0, $0x10;
	[tilespmem:$0x2950] =	vst v1  }
0x8a: {  	[tilespmem:$0x29D0] =	vst v0  }
0x8b: {  	v0 =	vld [tilespmem:s22+$0xFFFFFFF0];
	_ =	sdelay $0x4  }
0x8c: {  	v1 =	vand.u32 $0xFFFF, v0  }
0x8d: {  	s23 =	simm.s32 $0xBC0;
	v0 =	vshrl.u32 v0, $0x10;
	[tilespmem:$0x2960] =	vst v1  }
.LBB2_2:
0x8e: {  	p0 =	sne.s32 s23, $0x9FC0;
	[tilespmem:$0x29E0] =	vst v0;
	s24 =	smov.u32 s23;
	s23 =	sadd.s32 $0x400, s23  }
0x8f: {  	v0 =	vld [tilespmem:s22+$0x0];
	_ =	sdelay $0x4  }
0x90: {  	v1 =	vand.u32 $0xFFFF, v0;
	v0 =	vshrl.u32 v0, $0x10  }
0x91: {  	[tilespmem:$0x2970] =	vst v1  }
0x92: {  	[tilespmem:$0x29F0] =	vst v0  }
0x93: {  	[tilespmem:s16], [sflag:$0x2] =	stream.indirect.gather [hbm4b:s4+s12], $0x80, s15, s12, $0xb8;
	[tilespmem:$0x1E600] =	vst v63  }
0x94: {  	_ =	swait.ge [sflag:s17], $0x4000  }
0x95: {  	[sflag:s17] =	ssyncset.done $0x0  }
0x96: {  	[sflag:s17] =	ssyncadd.s32 $0xFFFFC000  }
0x97: {  	[spmem:s1] =	stream.indirect.scatter.add.f32 [tilespmem:s14], [sflag:$0x3], $0x80, s18, s12, $0xb8;
	[tilespmem:$0x1E600] =	vst v63  }
0x98: {  	_ =	swait.ge [sflag:s9], $0x4000  }
0x99: {  	[sflag:s9] =	ssyncset.done $0x0  }
0x9a: {  	s22 =	sshra.s32 s24, $0x2;
	[sflag:s9] =	ssyncadd.s32 $0xFFFFC000  }
0x9b: {  	v0 =	vld [tilespmem:s22+$0xFFFFFF10];
	_ =	sdelay $0x4  }
0x9c: {  	v1 =	vand.u32 $0xFFFF, v0;
	v0 =	vshrl.u32 v0, $0x10  }
0x9d: {  	[tilespmem:$0x2800] =	vst v1  }
0x9e: {  	[tilespmem:$0x2880] =	vst v0  }
0x9f: {  	v0 =	vld [tilespmem:s22+$0xFFFFFF20];
	_ =	sdelay $0x4  }
0xa0: {  	v1 =	vand.u32 $0xFFFF, v0;
	v0 =	vshrl.u32 v0, $0x10  }
0xa1: {  	[tilespmem:$0x2810] =	vst v1  }
0xa2: {  	[tilespmem:$0x2890] =	vst v0  }
0xa3: {  	v0 =	vld [tilespmem:s22+$0xFFFFFF30];
	_ =	sdelay $0x4  }
0xa4: {  	v1 =	vand.u32 $0xFFFF, v0;
	v0 =	vshrl.u32 v0, $0x10  }
0xa5: {  	[tilespmem:$0x2820] =	vst v1  }
0xa6: {  	[tilespmem:$0x28A0] =	vst v0  }
0xa7: {  	v0 =	vld [tilespmem:s22+$0xFFFFFF40];
	_ =	sdelay $0x4  }
0xa8: {  	v1 =	vand.u32 $0xFFFF, v0;
	v0 =	vshrl.u32 v0, $0x10  }
0xa9: {  	[tilespmem:$0x2830] =	vst v1  }
0xaa: {  	[tilespmem:$0x28B0] =	vst v0  }
0xab: {  	v0 =	vld [tilespmem:s22+$0xFFFFFF50];
	_ =	sdelay $0x4  }
0xac: {  	v1 =	vand.u32 $0xFFFF, v0;
	v0 =	vshrl.u32 v0, $0x10  }
0xad: {  	[tilespmem:$0x2840] =	vst v1  }
0xae: {  	[tilespmem:$0x28C0] =	vst v0  }
0xaf: {  	v0 =	vld [tilespmem:s22+$0xFFFFFF60];
	_ =	sdelay $0x4  }
0xb0: {  	v1 =	vand.u32 $0xFFFF, v0;
	v0 =	vshrl.u32 v0, $0x10  }
0xb1: {  	[tilespmem:$0x2850] =	vst v1  }
0xb2: {  	[tilespmem:$0x28D0] =	vst v0  }
0xb3: {  	v0 =	vld [tilespmem:s22+$0xFFFFFF70];
	_ =	sdelay $0x4  }
0xb4: {  	v1 =	vand.u32 $0xFFFF, v0;
	v0 =	vshrl.u32 v0, $0x10  }
0xb5: {  	[tilespmem:$0x2860] =	vst v1  }
0xb6: {  	[tilespmem:$0x28E0] =	vst v0  }
0xb7: {  	v0 =	vld [tilespmem:s22+$0xFFFFFF80];
	_ =	sdelay $0x4  }
0xb8: {  	v1 =	vand.u32 $0xFFFF, v0;
	v0 =	vshrl.u32 v0, $0x10  }
0xb9: {  	[tilespmem:$0x2870] =	vst v1  }
0xba: {  	[tilespmem:$0x28F0] =	vst v0  }
0xbb: {  	[tilespmem:s14], [sflag:$0x1] =	stream.indirect.gather [hbm4b:s4+s12], $0x80, s13, s12, $0xb8;
	[tilespmem:$0x1E600] =	vst v63  }
0xbc: {  	_ =	swait.ge [sflag:s19], $0x4000  }
0xbd: {  	[sflag:s19] =	ssyncset.done $0x0  }
0xbe: {  	[sflag:s19] =	ssyncadd.s32 $0xFFFFC000  }
0xbf: {  	[spmem:s1] =	stream.indirect.scatter.add.f32 [tilespmem:s16], [sflag:$0x3], $0x80, s20, s12, $0xb8;
	[tilespmem:$0x1E600] =	vst v63  }
0xc0: {  	_ =	swait.ge [sflag:s9], $0x4000  }
0xc1: {  	[sflag:s9] =	ssyncset.done $0x0  }
0xc2: {  	[sflag:s9] =	ssyncadd.s32 $0xFFFFC000  }
0xc3: {  	v0 =	vld [tilespmem:s22+$0xFFFFFF90];
	_ =	sdelay $0x4  }
0xc4: {  	v1 =	vand.u32 $0xFFFF, v0;
	v0 =	vshrl.u32 v0, $0x10  }
0xc5: {  	[tilespmem:$0x2900] =	vst v1  }
0xc6: {  	[tilespmem:$0x2980] =	vst v0  }
0xc7: {  	v0 =	vld [tilespmem:s22+$0xFFFFFFA0];
	_ =	sdelay $0x4  }
0xc8: {  	v1 =	vand.u32 $0xFFFF, v0;
	v0 =	vshrl.u32 v0, $0x10  }
0xc9: {  	[tilespmem:$0x2910] =	vst v1  }
0xca: {  	[tilespmem:$0x2990] =	vst v0  }
0xcb: {  	v0 =	vld [tilespmem:s22+$0xFFFFFFB0];
	_ =	sdelay $0x4  }
0xcc: {  	v1 =	vand.u32 $0xFFFF, v0;
	v0 =	vshrl.u32 v0, $0x10  }
0xcd: {  	[tilespmem:$0x2920] =	vst v1  }
0xce: {  	[tilespmem:$0x29A0] =	vst v0  }
0xcf: {  	v0 =	vld [tilespmem:s22+$0xFFFFFFC0];
	_ =	sdelay $0x4  }
0xd0: {  	v1 =	vand.u32 $0xFFFF, v0;
	v0 =	vshrl.u32 v0, $0x10  }
0xd1: {  	[tilespmem:$0x2930] =	vst v1  }
0xd2: {  	[tilespmem:$0x29B0] =	vst v0  }
0xd3: {  	v0 =	vld [tilespmem:s22+$0xFFFFFFD0];
	_ =	sdelay $0x4  }
0xd4: {  	v1 =	vand.u32 $0xFFFF, v0;
	v0 =	vshrl.u32 v0, $0x10  }
0xd5: {  	[tilespmem:$0x2940] =	vst v1  }
0xd6: {  	[tilespmem:$0x29C0] =	vst v0  }
0xd7: {  	v0 =	vld [tilespmem:s22+$0xFFFFFFE0];
	_ =	sdelay $0x4  }
0xd8: {  	v1 =	vand.u32 $0xFFFF, v0;
	v0 =	vshrl.u32 v0, $0x10  }
0xd9: {  	[tilespmem:$0x2950] =	vst v1  }
0xda: {  	[tilespmem:$0x29D0] =	vst v0  }
0xdb: {  	v0 =	vld [tilespmem:s22+$0xFFFFFFF0];
	_ =	sdelay $0x1  }
.Ltmp0:
0xdc: {  	(pc) =	sbr.rel @p0 .LBB2_2-.Ltmp0, $3  }
0xdd: {  	_ =	sdelay $0x1  }
0xde: {  	v1 =	vand.u32 $0xFFFF, v0;
	v0 =	vshrl.u32 v0, $0x10  }
0xdf: {  	[tilespmem:$0x2960] =	vst v1  }
0xe0: {  	[tilespmem:$0x29E0] =	vst v0  }
0xe1: {  	v0 =	vld [tilespmem:s22+$0x0];
	_ =	sdelay $0x4  }
0xe2: {  	v1 =	vand.u32 $0xFFFF, v0  }
0xe3: {  	v0 =	vshrl.u32 v0, $0x10;
	[tilespmem:$0x2970] =	vst v1  }
0xe4: {  	[tilespmem:$0x29F0] =	vst v0  }
0xe5: {  	[tilespmem:s16], [sflag:$0x2] =	stream.indirect.gather [hbm4b:s4+s12], $0x80, s15, s12, $0xb8;
	[tilespmem:$0x1E600] =	vst v63  }
0xe6: {  	_ =	swait.ge [sflag:s17], $0x4000  }
0xe7: {  	[sflag:s17] =	ssyncset.done $0x0  }
0xe8: {  	[sflag:s17] =	ssyncadd.s32 $0xFFFFC000  }
0xe9: {  	[spmem:s1] =	stream.indirect.scatter.add.f32 [tilespmem:s14], [sflag:$0x3], $0x80, s18, s12, $0xb8;
	[tilespmem:$0x1E600] =	vst v63  }
0xea: {  	_ =	swait.ge [sflag:s9], $0x4000  }
0xeb: {  	[sflag:s9] =	ssyncset.done $0x0  }
0xec: {  	[sflag:s9] =	ssyncadd.s32 $0xFFFFC000  }
0xed: {  	_ =	swait.ge [sflag:s19], $0x4000  }
0xee: {  	[sflag:s19] =	ssyncset.done $0x0  }
0xef: {  	[sflag:s19] =	ssyncadd.s32 $0xFFFFC000  }
0xf0: {  	[spmem:s1] =	stream.indirect.scatter.add.f32 [tilespmem:s16], [sflag:$0x3], $0x80, s20, s12, $0xb8;
	[tilespmem:$0x1E600] =	vst v63  }
0xf1: {  	_ =	swait.ge [sflag:s9], $0x4000  }
0xf2: {  	s21 =	sadd.s32 $0x1, s21;
	[sflag:s9] =	ssyncset.done $0x0  }
0xf3: {  	p0 =	sne.s32 s21, s8;
	[sflag:s9] =	ssyncadd.s32 $0xFFFFC000  }
.Ltmp1:
0xf4: {  	[bflag:$0x0] =	sbarrier.arrive $0xFFFF;
	(pc) =	sbr.rel @p0 .LBB2_1-.Ltmp1, $4  }
0xf5: {  	[hbm:s7], [sflag:s10] =	dma.local [spmem:s11], $0x2780  }
0xf6: {  	_ =	swait.ge [sflag:s9], $0x2780  }
0xf7: {  	[sflag:s9] =	ssyncset.done $0x0  }
0xf8: {  	[sflag:s9] =	ssyncadd.s32 $0xFFFFD880  }
0xf9: {  	_ =	sfence.sel $0x180000  }
0xfa: {  	[bflag:$0x0] =	sbarrier.arrive $0xFFFF  }
0xfb: {  	p0 =	sne.s32 s2, $0x0;
	_ =	strace $0x90000050  }
0xfc: {  	s0 =	sadd.s32 @!p0 $0x100000, s0;
	[bflag:$0x2] =	sbarrier.arrive $0xFFFF  }
0xfd: {  	[sflag:s0] =	ssyncadd.tile.s32 @!p0 $0x1;
	_ =	shalt  }
.Lfunc_end2:
_tile_overlayer_lowered:
.L_overlay_start_2:
0xfe: {  	(tag) =	ssettag $0x2  }
0xff: {  	s0 =	rddreg [dreg:$0x0];
	s2 =	stileid.u32  }
0x100: {  	s1 =	rddreg [dreg:$0x1];
	p0 =	sne.s32 s2, $0x0  }
0x101: {  	s3 =	rddreg [dreg:$0x2];
	[bflag:$0x3] =	sbarrier.arrive $0xFFFF;
	s2 =	simm.s32 @!p0 $0x1C03  }
0x102: {  	[timem:s3], [sflag:s2] =	dma.local @!p0 [hbm:s0], s1  }
0x103: {  	s0 =	simm.s32 @!p0 $0x3  }
0x104: {  	_ =	swait.ge @!p0 [sflag:s0], s1  }
0x105: {  	s1 =	ssub.s32 @!p0 $0x0, s1;
	[sflag:s0] =	ssyncset.done @!p0 $0x0  }
0x106: {  	[sflag:s0] =	ssyncadd.s32 @!p0 s1  }
0x107: {  	[bflag:$0x3] =	sbarrier.arrive $0xFFFF  }
0x108: {  	_ =	shalt  }

</sc_bundles>
